<compile_context>
chip_gen: v7x
topology: tpu7x:2x2x1
jax: 0.10.2.dev20260603
libtpu: 0.0.44.dev20260713+nightly
codegen_flags: <defaults>
</compile_context>

<pallas_src>
import functools

import jax
import jax.numpy as jnp
from jax import lax
from jax.experimental import pallas as pl
from jax.experimental.pallas import tpu as pltpu
from jax.experimental.pallas import tpu_sc as plsc

N = 10000
E = 160000
NC = 2
NS = 16
LANES = 128
NP = 10240
EP = 163840
EROWSP = EP // LANES
RPTP = NP // NS
DROWS = EROWSP // (NC * NS)
AROWS = EROWSP // NS
BLK = 512
GRID = NP // BLK


def _mesh():
    return plsc.VectorSubcoreMesh(
        core_axis_name="c", subcore_axis_name="s",
        num_cores=NC, num_subcores=NS)


_SC_PARAMS = pltpu.CompilerParams(use_tc_tiling_on_sc=False,
                                  skip_device_barrier=True)


def _al(x):
    return pl.multiple_of(x, 8)



def _sc_degree(dst2d, ones, zeros):

    @functools.partial(
        pl.kernel,
        out_type=jax.ShapeDtypeStruct((2 * NP, 16), jnp.float32),
        mesh=_mesh(),
        compiler_params=_SC_PARAMS,
        scratch_types=[
            pltpu.VMEM((DROWS, LANES), jnp.int32),
            pltpu.VMEM((LANES, 16), jnp.float32),
            pltpu.VMEM_SHARED((NP, 16), jnp.float32),
        ],
    )
    def k(dst_hbm, ones_hbm, zeros_hbm, out_hbm, idx_v, ones_v, acc):
        cid = lax.axis_index("c")
        sid = lax.axis_index("s")
        w = sid * NC + cid
        pltpu.sync_copy(ones_hbm, ones_v)
        pltpu.sync_copy(dst_hbm.at[pl.ds(_al(w * DROWS), DROWS)], idx_v)
        pltpu.sync_copy(zeros_hbm, acc.at[pl.ds(_al(sid * RPTP), RPTP)])
        plsc.subcore_barrier()

        def body(j, c):
            pltpu.sync_copy(ones_v, acc.at[idx_v.at[j]], add=True)
            return c

        lax.fori_loop(0, DROWS, body, 0)
        plsc.subcore_barrier()
        pltpu.sync_copy(acc.at[pl.ds(_al(sid * RPTP), RPTP)],
                        out_hbm.at[pl.ds(_al(cid * NP + sid * RPTP), RPTP)])

    return k(dst2d, ones, zeros)


def _sc_agg(u1, u2, e2d, wc):

    @functools.partial(
        pl.kernel,
        out_type=(jax.ShapeDtypeStruct((NP, wc), jnp.float32),
                  jax.ShapeDtypeStruct((NP, wc), jnp.float32)),
        mesh=_mesh(),
        compiler_params=_SC_PARAMS,
        scratch_types=[
            pltpu.VMEM((8, 2, LANES), jnp.int32),
            pltpu.VMEM((LANES, wc), jnp.float32),
            pltpu.VMEM((LANES, wc), jnp.float32),
            pltpu.VMEM_SHARED((NP, wc), jnp.float32),
            pltpu.SemaphoreType.DMA,
            pltpu.SemaphoreType.DMA,
        ],
    )
    def k(u1_hbm, u2_hbm, edges, out1, out2, exv, rv0, rv1, acc, sg0, sg1):
        cid = lax.axis_index("c")
        sid = lax.axis_index("s")
        sl = pl.ds(_al(sid * RPTP), RPTP)

        @pl.when(cid == 0)
        def _():
            pltpu.sync_copy(u1_hbm.at[sl], acc.at[sl])

        @pl.when(cid == 1)
        def _():
            pltpu.sync_copy(u2_hbm.at[sl], acc.at[sl])

        plsc.subcore_barrier()
        r0 = sid * AROWS

        def gstart(jj, rv, sg):
            @pl.when(cid == 0)
            def _():
                pltpu.async_copy(u1_hbm.at[exv.at[jj, 0]], rv, sg)

            @pl.when(cid == 1)
            def _():
                pltpu.async_copy(u2_hbm.at[exv.at[jj, 0]], rv, sg)

        def gwait(jj, rv, sg):
            pltpu.make_async_copy(u1_hbm.at[exv.at[jj, 0]], rv, sg).wait()

        def group(g, c):
            pltpu.sync_copy(edges.at[pl.ds(_al(r0 + g * 8), 8)], exv)
            gstart(0, rv0, sg0)

            def pair(k2, c2):
                j0 = 2 * k2
                j1 = j0 + 1
                gstart(j1, rv1, sg1)
                gwait(j0, rv0, sg0)
                pltpu.sync_copy(rv0, acc.at[exv.at[j0, 1]], add=True)

                @pl.when(j0 + 2 < 8)
                def _():
                    gstart(j0 + 2, rv0, sg0)

                gwait(j1, rv1, sg1)
                pltpu.sync_copy(rv1, acc.at[exv.at[j1, 1]], add=True)
                return c2

            lax.fori_loop(0, 4, pair, 0)
            return c

        lax.fori_loop(0, AROWS // 8, group, 0)
        plsc.subcore_barrier()

        @pl.when(cid == 0)
        def _():
            pltpu.sync_copy(acc.at[sl], out1.at[sl])

        @pl.when(cid == 1)
        def _():
            pltpu.sync_copy(acc.at[sl], out2.at[sl])

    return k(u1, u2, e2d)


def _sc_agg2(u1, u2, s2d, d2d, wc):
    W2 = 4 * LANES
    SLABS = AROWS // 4

    @functools.partial(
        pl.kernel,
        out_type=(jax.ShapeDtypeStruct((NP, wc), jnp.float32),
                  jax.ShapeDtypeStruct((NP, wc), jnp.float32)),
        mesh=_mesh(),
        compiler_params=_SC_PARAMS,
        scratch_types=[
            pltpu.VMEM((SLABS, W2), jnp.int32),
            pltpu.VMEM((SLABS, W2), jnp.int32),
            pltpu.VMEM((W2, wc), jnp.float32),
            pltpu.VMEM((W2, wc), jnp.float32),
            pltpu.VMEM_SHARED((NP, wc), jnp.float32),
            pltpu.SemaphoreType.DMA,
            pltpu.SemaphoreType.DMA,
            pltpu.SemaphoreType.DMA,
            pltpu.SemaphoreType.DMA,
        ],
    )
    def k(u1_hbm, u2_hbm, s2d_h, d2d_h, out1, out2, sidx, didx, rv0, rv1,
          acc, sg0, sg1, ss0, ss1):
        cid = lax.axis_index("c")
        sid = lax.axis_index("s")
        sl = pl.ds(_al(sid * RPTP), RPTP)

        @pl.when(cid == 0)
        def _():
            pltpu.sync_copy(u1_hbm.at[sl], acc.at[sl])

        @pl.when(cid == 1)
        def _():
            pltpu.sync_copy(u2_hbm.at[sl], acc.at[sl])

        r0 = _al(sid * SLABS)
        pltpu.sync_copy(s2d_h.at[pl.ds(r0, SLABS)], sidx)
        pltpu.sync_copy(d2d_h.at[pl.ds(r0, SLABS)], didx)
        plsc.subcore_barrier()

        def gstart(j, rv, sg):
            @pl.when(cid == 0)
            def _():
                pltpu.async_copy(u1_hbm.at[sidx.at[j]], rv, sg)

            @pl.when(cid == 1)
            def _():
                pltpu.async_copy(u2_hbm.at[sidx.at[j]], rv, sg)

        def gwait(j, rv, sg):
            pltpu.make_async_copy(u1_hbm.at[sidx.at[j]], rv, sg).wait()

        def sstart(j, rv, ss):
            pltpu.async_copy(rv, acc.at[didx.at[j]], ss, add=True)

        def swait(j, rv, ss):
            pltpu.make_async_copy(rv, acc.at[didx.at[j]], ss).wait()

        gstart(0, rv0, sg0)
        gstart(1, rv1, sg1)

        def pair(k2, c):
            j0 = 2 * k2
            j1 = j0 + 1
            gwait(j0, rv0, sg0)
            sstart(j0, rv0, ss0)
            gwait(j1, rv1, sg1)
            sstart(j1, rv1, ss1)

            @pl.when(j0 + 2 < SLABS)
            def _():
                swait(j0, rv0, ss0)
                gstart(j0 + 2, rv0, sg0)
                swait(j1, rv1, ss1)
                gstart(j1 + 2, rv1, sg1)

            return c

        lax.fori_loop(0, SLABS // 2, pair, 0)
        swait(SLABS - 2, rv0, ss0)
        swait(SLABS - 1, rv1, ss1)
        plsc.subcore_barrier()

        @pl.when(cid == 0)
        def _():
            pltpu.sync_copy(acc.at[sl], out1.at[sl])

        @pl.when(cid == 1)
        def _():
            pltpu.sync_copy(acc.at[sl], out2.at[sl])

    return k(u1, u2, s2d, d2d)


def _sc_gather_edges(z, src2d, dst2d):

    @functools.partial(
        pl.kernel,
        out_type=(jax.ShapeDtypeStruct((EP, 32), jnp.float32),
                  jax.ShapeDtypeStruct((EP, 32), jnp.float32)),
        mesh=_mesh(),
        compiler_params=_SC_PARAMS,
        scratch_types=[
            pltpu.VMEM((DROWS // 4, 4 * LANES), jnp.int32),
            pltpu.VMEM((DROWS // 4, 4 * LANES), jnp.int32),
            pltpu.VMEM((4 * LANES, 32), jnp.float32),
            pltpu.VMEM((4 * LANES, 32), jnp.float32),
            pltpu.VMEM((4 * LANES, 32), jnp.float32),
            pltpu.VMEM((4 * LANES, 32), jnp.float32),
            pltpu.SemaphoreType.DMA,
            pltpu.SemaphoreType.DMA,
            pltpu.SemaphoreType.DMA,
            pltpu.SemaphoreType.DMA,
        ],
    )
    def k(z_hbm, s2d, d2d, zs_out, zd_out, sidx, didx,
          zs0, zd0, zs1, zd1, sa0, sb0, sa1, sb1):
        R = 4
        SLABS = DROWS // R
        cid = lax.axis_index("c")
        sid = lax.axis_index("s")
        w = sid * NC + cid
        r0 = _al(w * SLABS)
        pltpu.sync_copy(s2d.at[pl.ds(r0, SLABS)], sidx)
        pltpu.sync_copy(d2d.at[pl.ds(r0, SLABS)], didx)

        def gstart(j, zsb, zdb, sa, sb):
            pltpu.async_copy(z_hbm.at[sidx.at[j]], zsb, sa)
            pltpu.async_copy(z_hbm.at[didx.at[j]], zdb, sb)

        def drain(j, zsb, zdb, sa, sb):
            pltpu.make_async_copy(z_hbm.at[sidx.at[j]], zsb, sa).wait()
            pltpu.make_async_copy(z_hbm.at[didx.at[j]], zdb, sb).wait()
            esl = pl.ds(_al((r0 + j) * R * LANES), R * LANES)
            pltpu.sync_copy(zsb, zs_out.at[esl])
            pltpu.sync_copy(zdb, zd_out.at[esl])

        gstart(0, zs0, zd0, sa0, sb0)

        def pair(k2, c):
            j0 = 2 * k2
            j1 = j0 + 1
            gstart(j1, zs1, zd1, sa1, sb1)
            drain(j0, zs0, zd0, sa0, sb0)

            @pl.when(j0 + 2 < SLABS)
            def _():
                gstart(j0 + 2, zs0, zd0, sa0, sb0)

            drain(j1, zs1, zd1, sa1, sb1)
            return c

        lax.fori_loop(0, SLABS // 2, pair, 0)

    return k(z, src2d, dst2d)



def _rows(i):
    return (i, 0)


def _const(i):
    return (0, 0)


def _tc_front(parts3, x1, x2, w11, w21):
    def body(p0_r, p1_r, x1_r, w1_r, x2_r, w2_r, u1_r, u2_r, dinv_r):
        deg = p0_r[0, :, 0:1] + p1_r[0, :, 0:1] + 1.0
        dinv = jnp.where(deg > 0, 1.0 / jnp.sqrt(deg), 0.0)
        dinv_r[...] = dinv
        u1_r[...] = jnp.dot(x1_r[...], w1_r[...],
                            preferred_element_type=jnp.float32) * dinv
        u2_r[...] = jnp.dot(x2_r[...], w2_r[...],
                            preferred_element_type=jnp.float32) * dinv

    d = x1.shape[1]
    h = w11.shape[1]
    return pl.pallas_call(
        body,
        grid=(GRID,),
        in_specs=[pl.BlockSpec((1, BLK, 16), lambda i: (0, i, 0)),
                  pl.BlockSpec((1, BLK, 16), lambda i: (1, i, 0)),
                  pl.BlockSpec((BLK, d), _rows), pl.BlockSpec((d, h), _const),
                  pl.BlockSpec((BLK, d), _rows), pl.BlockSpec((d, h), _const)],
        out_specs=[pl.BlockSpec((BLK, h), _rows), pl.BlockSpec((BLK, h), _rows),
                   pl.BlockSpec((BLK, 1), _rows)],
        out_shape=[jax.ShapeDtypeStruct((NP, h), jnp.float32),
                   jax.ShapeDtypeStruct((NP, h), jnp.float32),
                   jax.ShapeDtypeStruct((NP, 1), jnp.float32)],
    )(parts3, parts3, x1, w11, x2, w21)


def _tc_mid(a1, a2, dinv, b11, b21, w12, w22):
    def body(a1_r, a2_r, di_r, b1_r, b2_r, w1_r, w2_r, v1_r, v2_r):
        di = di_r[...]
        g1 = jnp.maximum(a1_r[...] * di + b1_r[...], 0.0)
        g2 = jnp.maximum(a2_r[...] * di + b2_r[...], 0.0)
        v1_r[...] = jnp.dot(g1, w1_r[...],
                            preferred_element_type=jnp.float32) * di
        v2_r[...] = jnp.dot(g2, w2_r[...],
                            preferred_element_type=jnp.float32) * di

    h1 = a1.shape[1]
    h2 = w12.shape[1]
    return pl.pallas_call(
        body,
        grid=(GRID,),
        in_specs=[pl.BlockSpec((BLK, h1), _rows), pl.BlockSpec((BLK, h1), _rows),
                  pl.BlockSpec((BLK, 1), _rows),
                  pl.BlockSpec((1, h1), _const), pl.BlockSpec((1, h1), _const),
                  pl.BlockSpec((h1, h2), _const), pl.BlockSpec((h1, h2), _const)],
        out_specs=[pl.BlockSpec((BLK, h2), _rows), pl.BlockSpec((BLK, h2), _rows)],
        out_shape=[jax.ShapeDtypeStruct((NP, h2), jnp.float32)] * 2,
    )(a1, a2, dinv, b11, b21, w12, w22)


def _tc_latent(c1, c2, dinv, eps, p):
    def body(c1_r, c2_r, di_r, eps_r, b12_r, b22_r, fw_r, fb_r,
             muw_r, mub_r, lvw_r, lvb_r, z_r, mu_r, lv_r):
        di = di_r[...]
        h1 = jnp.maximum(c1_r[...] * di + b12_r[...], 0.0)
        h2 = jnp.maximum(c2_r[...] * di + b22_r[...], 0.0)
        hcat = jnp.concatenate([h1, h2], axis=1)
        h = jnp.maximum(jnp.dot(hcat, fw_r[...],
                                preferred_element_type=jnp.float32)
                        + fb_r[...], 0.0)
        mu = jnp.dot(h, muw_r[...], preferred_element_type=jnp.float32) \
            + mub_r[...]
        lv = jnp.dot(h, lvw_r[...], preferred_element_type=jnp.float32) \
            + lvb_r[...]
        z_r[...] = mu + eps_r[...] * jnp.exp(0.5 * lv)
        mu_r[...] = mu
        lv_r[...] = lv

    h2 = c1.shape[1]
    fin = 2 * h2
    fus = p['fuse_w'].shape[1]
    zd = p['mu_w'].shape[1]

    def cs(shape):
        return pl.BlockSpec(shape, _const)

    return pl.pallas_call(
        body,
        grid=(GRID,),
        in_specs=[pl.BlockSpec((BLK, h2), _rows), pl.BlockSpec((BLK, h2), _rows),
                  pl.BlockSpec((BLK, 1), _rows), pl.BlockSpec((BLK, zd), _rows),
                  cs((1, h2)), cs((1, h2)),
                  cs((fin, fus)), cs((1, fus)),
                  cs((fus, zd)), cs((1, zd)),
                  cs((fus, zd)), cs((1, zd))],
        out_specs=[pl.BlockSpec((BLK, zd), _rows), pl.BlockSpec((BLK, zd), _rows),
                   pl.BlockSpec((BLK, zd), _rows)],
        out_shape=[jax.ShapeDtypeStruct((NP, zd), jnp.float32)] * 3,
    )(c1, c2, dinv, eps,
      p['gcn1_b2'].reshape(1, h2), p['gcn2_b2'].reshape(1, h2),
      p['fuse_w'], p['fuse_b'].reshape(1, fus),
      p['mu_w'], p['mu_b'].reshape(1, zd),
      p['logvar_w'], p['logvar_b'].reshape(1, zd))


def _tc_decode(z, p):
    def body(z_r, r1w1_r, r1b1_r, r1w2_r, r1b2_r,
             r2w1_r, r2b1_r, r2w2_r, r2b2_r,
             rsw1_r, rsb1_r, rsw2_r, rsb2_r, x1_r, x2_r, xs_r):
        z_b = z_r[...]
        t1 = jnp.maximum(jnp.dot(z_b, r1w1_r[...],
                                 preferred_element_type=jnp.float32)
                         + r1b1_r[...], 0.0)
        x1_r[...] = jnp.dot(t1, r1w2_r[...],
                            preferred_element_type=jnp.float32) + r1b2_r[...]
        t2 = jnp.maximum(jnp.dot(z_b, r2w1_r[...],
                                 preferred_element_type=jnp.float32)
                         + r2b1_r[...], 0.0)
        x2_r[...] = jnp.dot(t2, r2w2_r[...],
                            preferred_element_type=jnp.float32) + r2b2_r[...]
        ts = jnp.maximum(jnp.dot(z_b, rsw1_r[...],
                                 preferred_element_type=jnp.float32)
                         + rsb1_r[...], 0.0)
        xs_r[...] = jnp.dot(ts, rsw2_r[...],
                            preferred_element_type=jnp.float32) + rsb2_r[...]

    fus = p['fuse_w'].shape[1]
    zd = p['mu_w'].shape[1]
    r1 = p['rec1_w2'].shape[1]
    r2 = p['rec2_w2'].shape[1]
    rs = p['recs_w2'].shape[1]

    def cs(shape):
        return pl.BlockSpec(shape, _const)

    return pl.pallas_call(
        body,
        grid=(GRID,),
        in_specs=[pl.BlockSpec((BLK, zd), _rows),
                  cs((zd, fus)), cs((1, fus)), cs((fus, r1)), cs((1, r1)),
                  cs((zd, fus)), cs((1, fus)), cs((fus, r2)), cs((1, r2)),
                  cs((zd, fus)), cs((1, fus)), cs((fus, rs)), cs((1, rs))],
        out_specs=[pl.BlockSpec((BLK, r1), _rows), pl.BlockSpec((BLK, r2), _rows),
                   pl.BlockSpec((BLK, rs), _rows)],
        out_shape=[jax.ShapeDtypeStruct((NP, r1), jnp.float32),
                   jax.ShapeDtypeStruct((NP, r2), jnp.float32),
                   jax.ShapeDtypeStruct((NP, rs), jnp.float32)],
    )(z, p['rec1_w1'], p['rec1_b1'].reshape(1, fus),
      p['rec1_w2'], p['rec1_b2'].reshape(1, r1),
      p['rec2_w1'], p['rec2_b1'].reshape(1, fus),
      p['rec2_w2'], p['rec2_b2'].reshape(1, r2),
      p['recs_w1'], p['recs_b1'].reshape(1, fus),
      p['recs_w2'], p['recs_b2'].reshape(1, rs))


def _tc_edge_dot(zs, zd):
    rb = 16
    egrid = EROWSP // rb

    def body(zs_r, zd_r, o_r):
        s = jnp.sum(zs_r[...] * zd_r[...], axis=2)
        o_r[...] = jax.nn.sigmoid(s)

    k = zs.shape[1]
    zs3 = zs.reshape(EROWSP, LANES, k)
    zd3 = zd.reshape(EROWSP, LANES, k)
    return pl.pallas_call(
        body,
        grid=(egrid,),
        in_specs=[pl.BlockSpec((rb, LANES, k), lambda i: (i, 0, 0)),
                  pl.BlockSpec((rb, LANES, k), lambda i: (i, 0, 0))],
        out_specs=pl.BlockSpec((rb, LANES), _rows),
        out_shape=jax.ShapeDtypeStruct((EROWSP, LANES), jnp.float32),
    )(zs3, zd3)



def kernel(x_omics1, x_omics2, edge_index, params):
    p = params
    src = edge_index[0].astype(jnp.int32)
    dst = edge_index[1].astype(jnp.int32)
    pad = EP - E
    src2d = jnp.concatenate([src, jnp.zeros((pad,), jnp.int32)])
    src2d = src2d.reshape(EROWSP, LANES)
    dst2d = jnp.concatenate([dst, jnp.full((pad,), N, jnp.int32)])
    dst2d = dst2d.reshape(EROWSP, LANES)
    ones = jnp.ones((LANES, 16), jnp.float32)
    zeros = jnp.zeros((RPTP, 16), jnp.float32)
    e2d = jnp.stack([src2d, dst2d], axis=1)
    s512 = src2d.reshape(EROWSP // 4, 4 * LANES)
    d512 = dst2d.reshape(EROWSP // 4, 4 * LANES)
    eps = jax.random.normal(jax.random.key(42), (N, 32), jnp.float32)

    parts = _sc_degree(dst2d, ones, zeros)
    u1, u2, dinv = _tc_front(parts.reshape(2, NP, 16), x_omics1, x_omics2,
                             p['gcn1_w1'], p['gcn2_w1'])
    a1, a2 = _sc_agg(u1, u2, e2d, u1.shape[1])
    v1, v2 = _tc_mid(a1, a2, dinv, p['gcn1_b1'].reshape(1, -1),
                     p['gcn2_b1'].reshape(1, -1), p['gcn1_w2'], p['gcn2_w2'])
    c1, c2 = _sc_agg2(v1, v2, s512, d512, v1.shape[1])
    z, mu, logvar = _tc_latent(c1, c2, dinv, eps, p)
    zs, zd = _sc_gather_edges(z, s512, d512)
    xh1, xh2, xhs = _tc_decode(z, p)
    adj = _tc_edge_dot(zs, zd).reshape(EP)[:E]
    return (z[:N], mu[:N], logvar[:N], xh1[:N], xh2[:N], xhs[:N], adj)

# --- scband reference (transcript-rebuilt; emitter-appended) ---
"""Pipeline reference for scband-model-30915174596992 (READ-ONLY COPY).

The authoritative reference and input builder live on the scoring server;
editing this copy changes nothing except your own understanding.
"""

import jax, jax.numpy as jnp
import numpy as np

N = 10000
E = 160000
D1 = 512
D2 = 512
H1 = 128
H2 = 64
FUSION = 128
ZDIM = 32
R1 = 512
R2 = 512
RS = 2


def _glorot(key, shape):
    lim = (6.0 / (shape[0] + shape[1])) ** 0.5
    return jax.random.uniform(key, shape, jnp.float32, -lim, lim)


def setup_inputs(seed: int = 0) -> dict:
    key = jax.random.key(seed)
    ks = jax.random.split(key, 32)
    x_omics1 = jax.random.normal(ks[0], (N, D1), jnp.float32)
    x_omics2 = jax.random.normal(ks[1], (N, D2), jnp.float32)
    edge_index = jax.random.randint(ks[2], (2, E), 0, N)
    params = {
        'gcn1_w1': _glorot(ks[3], (D1, H1)), 'gcn1_b1': jnp.zeros((H1,), jnp.float32),
        'gcn1_w2': _glorot(ks[4], (H1, H2)), 'gcn1_b2': jnp.zeros((H2,), jnp.float32),
        'gcn2_w1': _glorot(ks[5], (D2, H1)), 'gcn2_b1': jnp.zeros((H1,), jnp.float32),
        'gcn2_w2': _glorot(ks[6], (H1, H2)), 'gcn2_b2': jnp.zeros((H2,), jnp.float32),
        'fuse_w': _glorot(ks[7], (2 * H2, FUSION)), 'fuse_b': jnp.zeros((FUSION,), jnp.float32),
        'mu_w': _glorot(ks[8], (FUSION, ZDIM)), 'mu_b': jnp.zeros((ZDIM,), jnp.float32),
        'logvar_w': _glorot(ks[9], (FUSION, ZDIM)), 'logvar_b': jnp.zeros((ZDIM,), jnp.float32),
        'rec1_w1': _glorot(ks[10], (ZDIM, FUSION)), 'rec1_b1': jnp.zeros((FUSION,), jnp.float32),
        'rec1_w2': _glorot(ks[11], (FUSION, R1)), 'rec1_b2': jnp.zeros((R1,), jnp.float32),
        'rec2_w1': _glorot(ks[12], (ZDIM, FUSION)), 'rec2_b1': jnp.zeros((FUSION,), jnp.float32),
        'rec2_w2': _glorot(ks[13], (FUSION, R2)), 'rec2_b2': jnp.zeros((R2,), jnp.float32),
        'recs_w1': _glorot(ks[14], (ZDIM, FUSION)), 'recs_b1': jnp.zeros((FUSION,), jnp.float32),
        'recs_w2': _glorot(ks[15], (FUSION, RS)), 'recs_b2': jnp.zeros((RS,), jnp.float32),
    }
    return {'x_omics1': x_omics1, 'x_omics2': x_omics2, 'edge_index': edge_index, 'params': params}


def _gcn(x, w, b, src, dst, n):
    # PyG GCNConv: x' = D^{-1/2}(A+I)D^{-1/2} (x W) + b
    x = x @ w
    loop = jnp.arange(n)
    s = jnp.concatenate([src, loop])
    d = jnp.concatenate([dst, loop])
    deg = jax.ops.segment_sum(jnp.ones(s.shape[0], x.dtype), d, num_segments=n)
    dinv = jnp.where(deg > 0, 1.0 / jnp.sqrt(deg), 0.0)
    norm = dinv[s] * dinv[d]
    out = jax.ops.segment_sum(x[s] * norm[:, None], d, num_segments=n)
    return out + b


def _forward(x1, x2, p, src, dst):
    h1 = jax.nn.relu(_gcn(x1, p['gcn1_w1'], p['gcn1_b1'], src, dst, N))
    h1 = jax.nn.relu(_gcn(h1, p['gcn1_w2'], p['gcn1_b2'], src, dst, N))
    h2 = jax.nn.relu(_gcn(x2, p['gcn2_w1'], p['gcn2_b1'], src, dst, N))
    h2 = jax.nn.relu(_gcn(h2, p['gcn2_w2'], p['gcn2_b2'], src, dst, N))
    h = jnp.concatenate([h1, h2], axis=-1)
    h = jax.nn.relu(h @ p['fuse_w'] + p['fuse_b'])
    mu = h @ p['mu_w'] + p['mu_b']
    logvar = h @ p['logvar_w'] + p['logvar_b']
    std = jnp.exp(0.5 * logvar)
    eps = jax.random.normal(jax.random.key(42), mu.shape, mu.dtype)
    z = mu + eps * std
    xhat1 = jax.nn.relu(z @ p['rec1_w1'] + p['rec1_b1']) @ p['rec1_w2'] + p['rec1_b2']
    xhat2 = jax.nn.relu(z @ p['rec2_w1'] + p['rec2_b1']) @ p['rec2_w2'] + p['rec2_b2']
    xhat_s = jax.nn.relu(z @ p['recs_w1'] + p['recs_b1']) @ p['recs_w2'] + p['recs_b2']
    adj_pred = jax.nn.sigmoid(jnp.sum(z[src] * z[dst], axis=-1))
    return (z, mu, logvar, xhat1, xhat2, xhat_s, adj_pred)


def reference(x_omics1, x_omics2, edge_index, params):
    src = edge_index[0]
    dst = edge_index[1]
    return _forward(x_omics1, x_omics2, params, src, dst)

if __name__ == "__main__":
    import jax
    _d = setup_inputs()
    print(jax.jit(kernel)(*tuple(_d.values())))

</pallas_src>

<mosaic_0001>
#map = affine_map<(d0, d1) -> (0, 0)>
module attributes {stable_mosaic.version = 14 : i64} {
  func.func @k(%arg0: i32, %arg1: i32, %arg2: memref<10240x32xf32, #tpu.memory_space<hbm>>, %arg3: memref<320x512xi32, #tpu.memory_space<hbm>>, %arg4: memref<320x512xi32, #tpu.memory_space<hbm>>, %arg5: memref<163840x32xf32, #tpu.memory_space<hbm>>, %arg6: memref<163840x32xf32, #tpu.memory_space<hbm>>, %arg7: memref<10x512xi32, #tpu.memory_space<vmem>>, %arg8: memref<10x512xi32, #tpu.memory_space<vmem>>, %arg9: memref<512x32xf32, #tpu.memory_space<vmem>>, %arg10: memref<512x32xf32, #tpu.memory_space<vmem>>, %arg11: memref<512x32xf32, #tpu.memory_space<vmem>>, %arg12: memref<512x32xf32, #tpu.memory_space<vmem>>, %arg13: memref<!tpu.dma_semaphore, #tpu.memory_space<semaphore_mem>>, %arg14: memref<!tpu.dma_semaphore, #tpu.memory_space<semaphore_mem>>, %arg15: memref<!tpu.dma_semaphore, #tpu.memory_space<semaphore_mem>>, %arg16: memref<!tpu.dma_semaphore, #tpu.memory_space<semaphore_mem>>) attributes {dimension_semantics = [#tpu.dimension_semantics<core_parallel>, #tpu.dimension_semantics<subcore_parallel>], iteration_bounds = array<i64: 2, 16>, scalar_prefetch = 0 : i64, scratch_operands = 10 : i64, tpu.core_type = #tpu.core_type<sc_vector_subcore>, window_params = [{transform_indices = #map}, {transform_indices = #map}, {transform_indices = #map}, {transform_indices = #map}, {transform_indices = #map}]} {
    %mul3A = arith.constant 2 : i32
    %mul3A_0 = arith.muli %arg1, %mul3A : i32
    %add3A = arith.addi %mul3A_0, %arg0 : i32
    %mul3A_1 = arith.constant 10 : i32
    %mul3A_2 = arith.muli %add3A, %mul3A_1 : i32
    %multiple_of3A = tpu.assume_multiple %mul3A_2, 8 : i32
    "tpu.region"() ({
      %run_scoped3A = tpu.sem_alloc : memref<!tpu.dma_semaphore, #tpu.memory_space<semaphore_mem>>
      %dma_start3A_21 = arith.constant 0 : i32
      %dma_start3A_22 = tpu.memref_slice %arg3[%multiple_of3A, %dma_start3A_21] : memref<320x512xi32, #tpu.memory_space<hbm>> -> memref<10x512xi32, #tpu.memory_space<hbm>>
      %dma_start3A_23 = arith.constant 0 : i32
      %dma_start3A_24 = tpu.memref_slice %arg3[%multiple_of3A, %dma_start3A_23] : memref<320x512xi32, #tpu.memory_space<hbm>> -> memref<10x512xi32, #tpu.memory_space<hbm>>
      tpu.enqueue_dma source(%dma_start3A_24 : memref<10x512xi32, #tpu.memory_space<hbm>>) target(%arg7 : memref<10x512xi32, #tpu.memory_space<vmem>>) target_semaphore(%run_scoped3A : memref<!tpu.dma_semaphore, #tpu.memory_space<semaphore_mem>>)
      %dma_wait3A = arith.constant 0 : i32
      %dma_wait3A_25 = tpu.memref_slice %arg3[%multiple_of3A, %dma_wait3A] : memref<320x512xi32, #tpu.memory_space<hbm>> -> memref<10x512xi32, #tpu.memory_space<hbm>>
      %dma_wait3A_26 = arith.constant 0 : i32
      %dma_wait3A_27 = tpu.memref_slice %arg3[%multiple_of3A, %dma_wait3A_26] : memref<320x512xi32, #tpu.memory_space<hbm>> -> memref<10x512xi32, #tpu.memory_space<hbm>>
      tpu.wait_dma2 semaphore(%run_scoped3A : memref<!tpu.dma_semaphore, #tpu.memory_space<semaphore_mem>>) src(%dma_wait3A_27 : memref<10x512xi32, #tpu.memory_space<hbm>>) dst(%arg7 : memref<10x512xi32, #tpu.memory_space<vmem>>)
      tpu.yield
    }) : () -> ()
    "tpu.region"() ({
      %run_scoped3A = tpu.sem_alloc : memref<!tpu.dma_semaphore, #tpu.memory_space<semaphore_mem>>
      %dma_start3A_21 = arith.constant 0 : i32
      %dma_start3A_22 = tpu.memref_slice %arg4[%multiple_of3A, %dma_start3A_21] : memref<320x512xi32, #tpu.memory_space<hbm>> -> memref<10x512xi32, #tpu.memory_space<hbm>>
      %dma_start3A_23 = arith.constant 0 : i32
      %dma_start3A_24 = tpu.memref_slice %arg4[%multiple_of3A, %dma_start3A_23] : memref<320x512xi32, #tpu.memory_space<hbm>> -> memref<10x512xi32, #tpu.memory_space<hbm>>
      tpu.enqueue_dma source(%dma_start3A_24 : memref<10x512xi32, #tpu.memory_space<hbm>>) target(%arg8 : memref<10x512xi32, #tpu.memory_space<vmem>>) target_semaphore(%run_scoped3A : memref<!tpu.dma_semaphore, #tpu.memory_space<semaphore_mem>>)
      %dma_wait3A = arith.constant 0 : i32
      %dma_wait3A_25 = tpu.memref_slice %arg4[%multiple_of3A, %dma_wait3A] : memref<320x512xi32, #tpu.memory_space<hbm>> -> memref<10x512xi32, #tpu.memory_space<hbm>>
      %dma_wait3A_26 = arith.constant 0 : i32
      %dma_wait3A_27 = tpu.memref_slice %arg4[%multiple_of3A, %dma_wait3A_26] : memref<320x512xi32, #tpu.memory_space<hbm>> -> memref<10x512xi32, #tpu.memory_space<hbm>>
      tpu.wait_dma2 semaphore(%run_scoped3A : memref<!tpu.dma_semaphore, #tpu.memory_space<semaphore_mem>>) src(%dma_wait3A_27 : memref<10x512xi32, #tpu.memory_space<hbm>>) dst(%arg8 : memref<10x512xi32, #tpu.memory_space<vmem>>)
      tpu.yield
    }) : () -> ()
    %dma_start3A = arith.constant 0 : i32
    %dma_start3A_3 = arith.constant 0 : i32
    %dma_start3A_4 = tpu.memref_slice %arg7[%dma_start3A, %dma_start3A_3] : memref<10x512xi32, #tpu.memory_space<vmem>> -> memref<1x512xi32, #tpu.memory_space<vmem>>
    %dma_start3A_5 = tpu.memref_squeeze %dma_start3A_4 : memref<1x512xi32, #tpu.memory_space<vmem>> -> memref<512xi32, #tpu.memory_space<vmem>>
    %dma_start3A_6 = arith.constant 0 : i32
    %dma_start3A_7 = arith.constant 0 : i32
    %dma_start3A_8 = tpu.memref_slice %arg2[%dma_start3A_6, %dma_start3A_7] : memref<10240x32xf32, #tpu.memory_space<hbm>> -> memref<10240x32xf32, #tpu.memory_space<hbm>>
    tpu.enqueue_indirect_dma source(%dma_start3A_8 : memref<10240x32xf32, #tpu.memory_space<hbm>>) target(%arg9 : memref<512x32xf32, #tpu.memory_space<vmem>>) offsets(%dma_start3A_5 : memref<512xi32, #tpu.memory_space<vmem>>) semaphore(%arg13 : memref<!tpu.dma_semaphore, #tpu.memory_space<semaphore_mem>>)
    %dma_start3A_9 = arith.constant 0 : i32
    %dma_start3A_10 = arith.constant 0 : i32
    %dma_start3A_11 = tpu.memref_slice %arg8[%dma_start3A_9, %dma_start3A_10] : memref<10x512xi32, #tpu.memory_space<vmem>> -> memref<1x512xi32, #tpu.memory_space<vmem>>
    %dma_start3A_12 = tpu.memref_squeeze %dma_start3A_11 : memref<1x512xi32, #tpu.memory_space<vmem>> -> memref<512xi32, #tpu.memory_space<vmem>>
    %dma_start3A_13 = arith.constant 0 : i32
    %dma_start3A_14 = arith.constant 0 : i32
    %dma_start3A_15 = tpu.memref_slice %arg2[%dma_start3A_13, %dma_start3A_14] : memref<10240x32xf32, #tpu.memory_space<hbm>> -> memref<10240x32xf32, #tpu.memory_space<hbm>>
    tpu.enqueue_indirect_dma source(%dma_start3A_15 : memref<10240x32xf32, #tpu.memory_space<hbm>>) target(%arg10 : memref<512x32xf32, #tpu.memory_space<vmem>>) offsets(%dma_start3A_12 : memref<512xi32, #tpu.memory_space<vmem>>) semaphore(%arg14 : memref<!tpu.dma_semaphore, #tpu.memory_space<semaphore_mem>>)
    %scan3A = arith.constant 0 : i32
    %scan3A_16 = arith.constant 0 : i32
    %scan3A_17 = arith.constant 5 : i32
    %scan3A_18 = arith.addi %scan3A_16, %scan3A_17 : i32
    %scan3A_19 = arith.constant 1 : i32
    scf.for %scan3A_21 = %scan3A_16 to %scan3A_18 step %scan3A_19  : i32 {
      %mul3A_22 = arith.constant 2 : i32
      %mul3A_23 = arith.muli %mul3A_22, %scan3A_21 : i32
      %add3A_24 = arith.constant 1 : i32
      %add3A_25 = arith.addi %mul3A_23, %add3A_24 : i32
      %dma_start3A_26 = arith.constant 0 : i32
      %dma_start3A_27 = tpu.memref_slice %arg7[%add3A_25, %dma_start3A_26] : memref<10x512xi32, #tpu.memory_space<vmem>> -> memref<1x512xi32, #tpu.memory_space<vmem>>
      %dma_start3A_28 = tpu.memref_squeeze %dma_start3A_27 : memref<1x512xi32, #tpu.memory_space<vmem>> -> memref<512xi32, #tpu.memory_space<vmem>>
      %dma_start3A_29 = arith.constant 0 : i32
      %dma_start3A_30 = arith.constant 0 : i32
      %dma_start3A_31 = tpu.memref_slice %arg2[%dma_start3A_29, %dma_start3A_30] : memref<10240x32xf32, #tpu.memory_space<hbm>> -> memref<10240x32xf32, #tpu.memory_space<hbm>>
      tpu.enqueue_indirect_dma source(%dma_start3A_31 : memref<10240x32xf32, #tpu.memory_space<hbm>>) target(%arg11 : memref<512x32xf32, #tpu.memory_space<vmem>>) offsets(%dma_start3A_28 : memref<512xi32, #tpu.memory_space<vmem>>) semaphore(%arg15 : memref<!tpu.dma_semaphore, #tpu.memory_space<semaphore_mem>>)
      %dma_start3A_32 = arith.constant 0 : i32
      %dma_start3A_33 = tpu.memref_slice %arg8[%add3A_25, %dma_start3A_32] : memref<10x512xi32, #tpu.memory_space<vmem>> -> memref<1x512xi32, #tpu.memory_space<vmem>>
      %dma_start3A_34 = tpu.memref_squeeze %dma_start3A_33 : memref<1x512xi32, #tpu.memory_space<vmem>> -> memref<512xi32, #tpu.memory_space<vmem>>
      %dma_start3A_35 = arith.constant 0 : i32
      %dma_start3A_36 = arith.constant 0 : i32
      %dma_start3A_37 = tpu.memref_slice %arg2[%dma_start3A_35, %dma_start3A_36] : memref<10240x32xf32, #tpu.memory_space<hbm>> -> memref<10240x32xf32, #tpu.memory_space<hbm>>
      tpu.enqueue_indirect_dma source(%dma_start3A_37 : memref<10240x32xf32, #tpu.memory_space<hbm>>) target(%arg12 : memref<512x32xf32, #tpu.memory_space<vmem>>) offsets(%dma_start3A_34 : memref<512xi32, #tpu.memory_space<vmem>>) semaphore(%arg16 : memref<!tpu.dma_semaphore, #tpu.memory_space<semaphore_mem>>)
      %dma_wait3A = arith.constant 0 : i32
      %dma_wait3A_38 = tpu.memref_slice %arg7[%mul3A_23, %dma_wait3A] : memref<10x512xi32, #tpu.memory_space<vmem>> -> memref<1x512xi32, #tpu.memory_space<vmem>>
      %dma_wait3A_39 = tpu.memref_squeeze %dma_wait3A_38 : memref<1x512xi32, #tpu.memory_space<vmem>> -> memref<512xi32, #tpu.memory_space<vmem>>
      %dma_wait3A_40 = arith.constant 0 : i32
      %dma_wait3A_41 = arith.constant 0 : i32
      %dma_wait3A_42 = tpu.memref_slice %arg2[%dma_wait3A_40, %dma_wait3A_41] : memref<10240x32xf32, #tpu.memory_space<hbm>> -> memref<10240x32xf32, #tpu.memory_space<hbm>>
      tpu.wait_indirect_dma semaphore(%arg13 : memref<!tpu.dma_semaphore, #tpu.memory_space<semaphore_mem>>) src(%dma_wait3A_42 : memref<10240x32xf32, #tpu.memory_space<hbm>>) dst(%arg9 : memref<512x32xf32, #tpu.memory_space<vmem>>)
      %dma_wait3A_43 = arith.constant 0 : i32
      %dma_wait3A_44 = tpu.memref_slice %arg8[%mul3A_23, %dma_wait3A_43] : memref<10x512xi32, #tpu.memory_space<vmem>> -> memref<1x512xi32, #tpu.memory_space<vmem>>
      %dma_wait3A_45 = tpu.memref_squeeze %dma_wait3A_44 : memref<1x512xi32, #tpu.memory_space<vmem>> -> memref<512xi32, #tpu.memory_space<vmem>>
      %dma_wait3A_46 = arith.constant 0 : i32
      %dma_wait3A_47 = arith.constant 0 : i32
      %dma_wait3A_48 = tpu.memref_slice %arg2[%dma_wait3A_46, %dma_wait3A_47] : memref<10240x32xf32, #tpu.memory_space<hbm>> -> memref<10240x32xf32, #tpu.memory_space<hbm>>
      tpu.wait_indirect_dma semaphore(%arg14 : memref<!tpu.dma_semaphore, #tpu.memory_space<semaphore_mem>>) src(%dma_wait3A_48 : memref<10240x32xf32, #tpu.memory_space<hbm>>) dst(%arg10 : memref<512x32xf32, #tpu.memory_space<vmem>>)
      %add3A_49 = arith.addi %multiple_of3A, %mul3A_23 : i32
      %mul3A_50 = arith.constant 4 : i32
      %mul3A_51 = arith.muli %add3A_49, %mul3A_50 : i32
      %mul3A_52 = arith.constant 128 : i32
      %mul3A_53 = arith.muli %mul3A_51, %mul3A_52 : i32
      %multiple_of3A_54 = tpu.assume_multiple %mul3A_53, 8 : i32
      "tpu.region"() ({
        %run_scoped3A = tpu.sem_alloc : memref<!tpu.dma_semaphore, #tpu.memory_space<semaphore_mem>>
        %dma_start3A_77 = arith.constant 0 : i32
        %dma_start3A_78 = tpu.memref_slice %arg5[%multiple_of3A_54, %dma_start3A_77] : memref<163840x32xf32, #tpu.memory_space<hbm>> -> memref<512x32xf32, #tpu.memory_space<hbm>>
        %dma_start3A_79 = arith.constant 0 : i32
        %dma_start3A_80 = tpu.memref_slice %arg5[%multiple_of3A_54, %dma_start3A_79] : memref<163840x32xf32, #tpu.memory_space<hbm>> -> memref<512x32xf32, #tpu.memory_space<hbm>>
        tpu.enqueue_dma source(%arg9 : memref<512x32xf32, #tpu.memory_space<vmem>>) target(%dma_start3A_80 : memref<512x32xf32, #tpu.memory_space<hbm>>) target_semaphore(%run_scoped3A : memref<!tpu.dma_semaphore, #tpu.memory_space<semaphore_mem>>)
        %dma_wait3A_81 = arith.constant 0 : i32
        %dma_wait3A_82 = tpu.memref_slice %arg5[%multiple_of3A_54, %dma_wait3A_81] : memref<163840x32xf32, #tpu.memory_space<hbm>> -> memref<512x32xf32, #tpu.memory_space<hbm>>
        %dma_wait3A_83 = arith.constant 0 : i32
        %dma_wait3A_84 = tpu.memref_slice %arg5[%multiple_of3A_54, %dma_wait3A_83] : memref<163840x32xf32, #tpu.memory_space<hbm>> -> memref<512x32xf32, #tpu.memory_space<hbm>>
        tpu.wait_dma2 semaphore(%run_scoped3A : memref<!tpu.dma_semaphore, #tpu.memory_space<semaphore_mem>>) src(%arg9 : memref<512x32xf32, #tpu.memory_space<vmem>>) dst(%dma_wait3A_84 : memref<512x32xf32, #tpu.memory_space<hbm>>)
        tpu.yield
      }) : () -> ()
      "tpu.region"() ({
        %run_scoped3A = tpu.sem_alloc : memref<!tpu.dma_semaphore, #tpu.memory_space<semaphore_mem>>
        %dma_start3A_77 = arith.constant 0 : i32
        %dma_start3A_78 = tpu.memref_slice %arg6[%multiple_of3A_54, %dma_start3A_77] : memref<163840x32xf32, #tpu.memory_space<hbm>> -> memref<512x32xf32, #tpu.memory_space<hbm>>
        %dma_start3A_79 = arith.constant 0 : i32
        %dma_start3A_80 = tpu.memref_slice %arg6[%multiple_of3A_54, %dma_start3A_79] : memref<163840x32xf32, #tpu.memory_space<hbm>> -> memref<512x32xf32, #tpu.memory_space<hbm>>
        tpu.enqueue_dma source(%arg10 : memref<512x32xf32, #tpu.memory_space<vmem>>) target(%dma_start3A_80 : memref<512x32xf32, #tpu.memory_space<hbm>>) target_semaphore(%run_scoped3A : memref<!tpu.dma_semaphore, #tpu.memory_space<semaphore_mem>>)
        %dma_wait3A_81 = arith.constant 0 : i32
        %dma_wait3A_82 = tpu.memref_slice %arg6[%multiple_of3A_54, %dma_wait3A_81] : memref<163840x32xf32, #tpu.memory_space<hbm>> -> memref<512x32xf32, #tpu.memory_space<hbm>>
        %dma_wait3A_83 = arith.constant 0 : i32
        %dma_wait3A_84 = tpu.memref_slice %arg6[%multiple_of3A_54, %dma_wait3A_83] : memref<163840x32xf32, #tpu.memory_space<hbm>> -> memref<512x32xf32, #tpu.memory_space<hbm>>
        tpu.wait_dma2 semaphore(%run_scoped3A : memref<!tpu.dma_semaphore, #tpu.memory_space<semaphore_mem>>) src(%arg10 : memref<512x32xf32, #tpu.memory_space<vmem>>) dst(%dma_wait3A_84 : memref<512x32xf32, #tpu.memory_space<hbm>>)
        tpu.yield
      }) : () -> ()
      %add3A_55 = arith.constant 2 : i32
      %add3A_56 = arith.addi %mul3A_23, %add3A_55 : i32
      %lt3A = arith.constant 10 : i32
      %lt3A_57 = arith.cmpi slt, %add3A_56, %lt3A : i32
      %convert_element_type3A = arith.extui %lt3A_57 : i1 to i32
      %cond3A = arith.constant 0 : i32
      %cond3A_58 = arith.cmpi ne, %convert_element_type3A, %cond3A : i32
      scf.if %cond3A_58 {
        %add3A_77 = arith.constant 2 : i32
        %add3A_78 = arith.addi %mul3A_23, %add3A_77 : i32
        %dma_start3A_79 = arith.constant 0 : i32
        %dma_start3A_80 = tpu.memref_slice %arg7[%add3A_78, %dma_start3A_79] : memref<10x512xi32, #tpu.memory_space<vmem>> -> memref<1x512xi32, #tpu.memory_space<vmem>>
        %dma_start3A_81 = tpu.memref_squeeze %dma_start3A_80 : memref<1x512xi32, #tpu.memory_space<vmem>> -> memref<512xi32, #tpu.memory_space<vmem>>
        %dma_start3A_82 = arith.constant 0 : i32
        %dma_start3A_83 = arith.constant 0 : i32
        %dma_start3A_84 = tpu.memref_slice %arg2[%dma_start3A_82, %dma_start3A_83] : memref<10240x32xf32, #tpu.memory_space<hbm>> -> memref<10240x32xf32, #tpu.memory_space<hbm>>
        tpu.enqueue_indirect_dma source(%dma_start3A_84 : memref<10240x32xf32, #tpu.memory_space<hbm>>) target(%arg9 : memref<512x32xf32, #tpu.memory_space<vmem>>) offsets(%dma_start3A_81 : memref<512xi32, #tpu.memory_space<vmem>>) semaphore(%arg13 : memref<!tpu.dma_semaphore, #tpu.memory_space<semaphore_mem>>)
        %dma_start3A_85 = arith.constant 0 : i32
        %dma_start3A_86 = tpu.memref_slice %arg8[%add3A_78, %dma_start3A_85] : memref<10x512xi32, #tpu.memory_space<vmem>> -> memref<1x512xi32, #tpu.memory_space<vmem>>
        %dma_start3A_87 = tpu.memref_squeeze %dma_start3A_86 : memref<1x512xi32, #tpu.memory_space<vmem>> -> memref<512xi32, #tpu.memory_space<vmem>>
        %dma_start3A_88 = arith.constant 0 : i32
        %dma_start3A_89 = arith.constant 0 : i32
        %dma_start3A_90 = tpu.memref_slice %arg2[%dma_start3A_88, %dma_start3A_89] : memref<10240x32xf32, #tpu.memory_space<hbm>> -> memref<10240x32xf32, #tpu.memory_space<hbm>>
        tpu.enqueue_indirect_dma source(%dma_start3A_90 : memref<10240x32xf32, #tpu.memory_space<hbm>>) target(%arg10 : memref<512x32xf32, #tpu.memory_space<vmem>>) offsets(%dma_start3A_87 : memref<512xi32, #tpu.memory_space<vmem>>) semaphore(%arg14 : memref<!tpu.dma_semaphore, #tpu.memory_space<semaphore_mem>>)
      } else {
      }
      %dma_wait3A_59 = arith.constant 0 : i32
      %dma_wait3A_60 = tpu.memref_slice %arg7[%add3A_25, %dma_wait3A_59] : memref<10x512xi32, #tpu.memory_space<vmem>> -> memref<1x512xi32, #tpu.memory_space<vmem>>
      %dma_wait3A_61 = tpu.memref_squeeze %dma_wait3A_60 : memref<1x512xi32, #tpu.memory_space<vmem>> -> memref<512xi32, #tpu.memory_space<vmem>>
      %dma_wait3A_62 = arith.constant 0 : i32
      %dma_wait3A_63 = arith.constant 0 : i32
      %dma_wait3A_64 = tpu.memref_slice %arg2[%dma_wait3A_62, %dma_wait3A_63] : memref<10240x32xf32, #tpu.memory_space<hbm>> -> memref<10240x32xf32, #tpu.memory_space<hbm>>
      tpu.wait_indirect_dma semaphore(%arg15 : memref<!tpu.dma_semaphore, #tpu.memory_space<semaphore_mem>>) src(%dma_wait3A_64 : memref<10240x32xf32, #tpu.memory_space<hbm>>) dst(%arg11 : memref<512x32xf32, #tpu.memory_space<vmem>>)
      %dma_wait3A_65 = arith.constant 0 : i32
      %dma_wait3A_66 = tpu.memref_slice %arg8[%add3A_25, %dma_wait3A_65] : memref<10x512xi32, #tpu.memory_space<vmem>> -> memref<1x512xi32, #tpu.memory_space<vmem>>
      %dma_wait3A_67 = tpu.memref_squeeze %dma_wait3A_66 : memref<1x512xi32, #tpu.memory_space<vmem>> -> memref<512xi32, #tpu.memory_space<vmem>>
      %dma_wait3A_68 = arith.constant 0 : i32
      %dma_wait3A_69 = arith.constant 0 : i32
      %dma_wait3A_70 = tpu.memref_slice %arg2[%dma_wait3A_68, %dma_wait3A_69] : memref<10240x32xf32, #tpu.memory_space<hbm>> -> memref<10240x32xf32, #tpu.memory_space<hbm>>
      tpu.wait_indirect_dma semaphore(%arg16 : memref<!tpu.dma_semaphore, #tpu.memory_space<semaphore_mem>>) src(%dma_wait3A_70 : memref<10240x32xf32, #tpu.memory_space<hbm>>) dst(%arg12 : memref<512x32xf32, #tpu.memory_space<vmem>>)
      %add3A_71 = arith.addi %multiple_of3A, %add3A_25 : i32
      %mul3A_72 = arith.constant 4 : i32
      %mul3A_73 = arith.muli %add3A_71, %mul3A_72 : i32
      %mul3A_74 = arith.constant 128 : i32
      %mul3A_75 = arith.muli %mul3A_73, %mul3A_74 : i32
      %multiple_of3A_76 = tpu.assume_multiple %mul3A_75, 8 : i32
      "tpu.region"() ({
        %run_scoped3A = tpu.sem_alloc : memref<!tpu.dma_semaphore, #tpu.memory_space<semaphore_mem>>
        %dma_start3A_77 = arith.constant 0 : i32
        %dma_start3A_78 = tpu.memref_slice %arg5[%multiple_of3A_76, %dma_start3A_77] : memref<163840x32xf32, #tpu.memory_space<hbm>> -> memref<512x32xf32, #tpu.memory_space<hbm>>
        %dma_start3A_79 = arith.constant 0 : i32
        %dma_start3A_80 = tpu.memref_slice %arg5[%multiple_of3A_76, %dma_start3A_79] : memref<163840x32xf32, #tpu.memory_space<hbm>> -> memref<512x32xf32, #tpu.memory_space<hbm>>
        tpu.enqueue_dma source(%arg11 : memref<512x32xf32, #tpu.memory_space<vmem>>) target(%dma_start3A_80 : memref<512x32xf32, #tpu.memory_space<hbm>>) target_semaphore(%run_scoped3A : memref<!tpu.dma_semaphore, #tpu.memory_space<semaphore_mem>>)
        %dma_wait3A_81 = arith.constant 0 : i32
        %dma_wait3A_82 = tpu.memref_slice %arg5[%multiple_of3A_76, %dma_wait3A_81] : memref<163840x32xf32, #tpu.memory_space<hbm>> -> memref<512x32xf32, #tpu.memory_space<hbm>>
        %dma_wait3A_83 = arith.constant 0 : i32
        %dma_wait3A_84 = tpu.memref_slice %arg5[%multiple_of3A_76, %dma_wait3A_83] : memref<163840x32xf32, #tpu.memory_space<hbm>> -> memref<512x32xf32, #tpu.memory_space<hbm>>
        tpu.wait_dma2 semaphore(%run_scoped3A : memref<!tpu.dma_semaphore, #tpu.memory_space<semaphore_mem>>) src(%arg11 : memref<512x32xf32, #tpu.memory_space<vmem>>) dst(%dma_wait3A_84 : memref<512x32xf32, #tpu.memory_space<hbm>>)
        tpu.yield
      }) : () -> ()
      "tpu.region"() ({
        %run_scoped3A = tpu.sem_alloc : memref<!tpu.dma_semaphore, #tpu.memory_space<semaphore_mem>>
        %dma_start3A_77 = arith.constant 0 : i32
        %dma_start3A_78 = tpu.memref_slice %arg6[%multiple_of3A_76, %dma_start3A_77] : memref<163840x32xf32, #tpu.memory_space<hbm>> -> memref<512x32xf32, #tpu.memory_space<hbm>>
        %dma_start3A_79 = arith.constant 0 : i32
        %dma_start3A_80 = tpu.memref_slice %arg6[%multiple_of3A_76, %dma_start3A_79] : memref<163840x32xf32, #tpu.memory_space<hbm>> -> memref<512x32xf32, #tpu.memory_space<hbm>>
        tpu.enqueue_dma source(%arg12 : memref<512x32xf32, #tpu.memory_space<vmem>>) target(%dma_start3A_80 : memref<512x32xf32, #tpu.memory_space<hbm>>) target_semaphore(%run_scoped3A : memref<!tpu.dma_semaphore, #tpu.memory_space<semaphore_mem>>)
        %dma_wait3A_81 = arith.constant 0 : i32
        %dma_wait3A_82 = tpu.memref_slice %arg6[%multiple_of3A_76, %dma_wait3A_81] : memref<163840x32xf32, #tpu.memory_space<hbm>> -> memref<512x32xf32, #tpu.memory_space<hbm>>
        %dma_wait3A_83 = arith.constant 0 : i32
        %dma_wait3A_84 = tpu.memref_slice %arg6[%multiple_of3A_76, %dma_wait3A_83] : memref<163840x32xf32, #tpu.memory_space<hbm>> -> memref<512x32xf32, #tpu.memory_space<hbm>>
        tpu.wait_dma2 semaphore(%run_scoped3A : memref<!tpu.dma_semaphore, #tpu.memory_space<semaphore_mem>>) src(%arg12 : memref<512x32xf32, #tpu.memory_space<vmem>>) dst(%dma_wait3A_84 : memref<512x32xf32, #tpu.memory_space<hbm>>)
        tpu.yield
      }) : () -> ()
    }
    %scan3A_20 = arith.constant 5 : i32
    return
  }
}

#map = affine_map<(d0, d1) -> (0, 0)>
module attributes {stable_mosaic.version = 14 : i64} {
  func.func @k(%arg0: i32, %arg1: i32, %arg2: memref<1280x128xi32, #tpu.memory_space<hbm>>, %arg3: memref<128x16xf32, #tpu.memory_space<hbm>>, %arg4: memref<640x16xf32, #tpu.memory_space<hbm>>, %arg5: memref<20480x16xf32, #tpu.memory_space<hbm>>, %arg6: memref<40x128xi32, #tpu.memory_space<vmem>>, %arg7: memref<128x16xf32, #tpu.memory_space<vmem>>, %arg8: memref<10240x16xf32, #tpu.memory_space<vmem_shared>>) attributes {dimension_semantics = [#tpu.dimension_semantics<core_parallel>, #tpu.dimension_semantics<subcore_parallel>], iteration_bounds = array<i64: 2, 16>, scalar_prefetch = 0 : i64, scratch_operands = 3 : i64, tpu.core_type = #tpu.core_type<sc_vector_subcore>, window_params = [{transform_indices = #map}, {transform_indices = #map}, {transform_indices = #map}, {transform_indices = #map}]} {
    %mul3A = arith.constant 2 : i32
    %mul3A_0 = arith.muli %arg1, %mul3A : i32
    %add3A = arith.addi %mul3A_0, %arg0 : i32
    "tpu.region"() ({
      %run_scoped3A = tpu.sem_alloc : memref<!tpu.dma_semaphore, #tpu.memory_space<semaphore_mem>>
      tpu.enqueue_dma source(%arg3 : memref<128x16xf32, #tpu.memory_space<hbm>>) target(%arg7 : memref<128x16xf32, #tpu.memory_space<vmem>>) target_semaphore(%run_scoped3A : memref<!tpu.dma_semaphore, #tpu.memory_space<semaphore_mem>>)
      tpu.wait_dma2 semaphore(%run_scoped3A : memref<!tpu.dma_semaphore, #tpu.memory_space<semaphore_mem>>) src(%arg3 : memref<128x16xf32, #tpu.memory_space<hbm>>) dst(%arg7 : memref<128x16xf32, #tpu.memory_space<vmem>>)
      tpu.yield
    }) : () -> ()
    %mul3A_1 = arith.constant 40 : i32
    %mul3A_2 = arith.muli %add3A, %mul3A_1 : i32
    %multiple_of3A = tpu.assume_multiple %mul3A_2, 8 : i32
    "tpu.region"() ({
      %run_scoped3A = tpu.sem_alloc : memref<!tpu.dma_semaphore, #tpu.memory_space<semaphore_mem>>
      %dma_start3A = arith.constant 0 : i32
      %dma_start3A_21 = tpu.memref_slice %arg2[%multiple_of3A, %dma_start3A] : memref<1280x128xi32, #tpu.memory_space<hbm>> -> memref<40x128xi32, #tpu.memory_space<hbm>>
      %dma_start3A_22 = arith.constant 0 : i32
      %dma_start3A_23 = tpu.memref_slice %arg2[%multiple_of3A, %dma_start3A_22] : memref<1280x128xi32, #tpu.memory_space<hbm>> -> memref<40x128xi32, #tpu.memory_space<hbm>>
      tpu.enqueue_dma source(%dma_start3A_23 : memref<40x128xi32, #tpu.memory_space<hbm>>) target(%arg6 : memref<40x128xi32, #tpu.memory_space<vmem>>) target_semaphore(%run_scoped3A : memref<!tpu.dma_semaphore, #tpu.memory_space<semaphore_mem>>)
      %dma_wait3A = arith.constant 0 : i32
      %dma_wait3A_24 = tpu.memref_slice %arg2[%multiple_of3A, %dma_wait3A] : memref<1280x128xi32, #tpu.memory_space<hbm>> -> memref<40x128xi32, #tpu.memory_space<hbm>>
      %dma_wait3A_25 = arith.constant 0 : i32
      %dma_wait3A_26 = tpu.memref_slice %arg2[%multiple_of3A, %dma_wait3A_25] : memref<1280x128xi32, #tpu.memory_space<hbm>> -> memref<40x128xi32, #tpu.memory_space<hbm>>
      tpu.wait_dma2 semaphore(%run_scoped3A : memref<!tpu.dma_semaphore, #tpu.memory_space<semaphore_mem>>) src(%dma_wait3A_26 : memref<40x128xi32, #tpu.memory_space<hbm>>) dst(%arg6 : memref<40x128xi32, #tpu.memory_space<vmem>>)
      tpu.yield
    }) : () -> ()
    %mul3A_3 = arith.constant 640 : i32
    %mul3A_4 = arith.muli %arg1, %mul3A_3 : i32
    %multiple_of3A_5 = tpu.assume_multiple %mul3A_4, 8 : i32
    "tpu.region"() ({
      %run_scoped3A = tpu.sem_alloc : memref<!tpu.dma_semaphore, #tpu.memory_space<semaphore_mem>>
      %dma_start3A = arith.constant 0 : i32
      %dma_start3A_21 = tpu.memref_slice %arg8[%multiple_of3A_5, %dma_start3A] : memref<10240x16xf32, #tpu.memory_space<vmem_shared>> -> memref<640x16xf32, #tpu.memory_space<vmem_shared>>
      tpu.enqueue_dma source(%arg4 : memref<640x16xf32, #tpu.memory_space<hbm>>) target(%dma_start3A_21 : memref<640x16xf32, #tpu.memory_space<vmem_shared>>) target_semaphore(%run_scoped3A : memref<!tpu.dma_semaphore, #tpu.memory_space<semaphore_mem>>)
      %dma_wait3A = arith.constant 0 : i32
      %dma_wait3A_22 = tpu.memref_slice %arg8[%multiple_of3A_5, %dma_wait3A] : memref<10240x16xf32, #tpu.memory_space<vmem_shared>> -> memref<640x16xf32, #tpu.memory_space<vmem_shared>>
      tpu.wait_dma2 semaphore(%run_scoped3A : memref<!tpu.dma_semaphore, #tpu.memory_space<semaphore_mem>>) src(%arg4 : memref<640x16xf32, #tpu.memory_space<hbm>>) dst(%dma_wait3A_22 : memref<640x16xf32, #tpu.memory_space<vmem_shared>>)
      tpu.yield
    }) : () -> ()
    %barrier3A = arith.constant 0 : index
    tpu.barrier barrier_id(%barrier3A)
    %scan3A = arith.constant 0 : i32
    %scan3A_6 = arith.constant 0 : i32
    %scan3A_7 = arith.constant 40 : i32
    %scan3A_8 = arith.addi %scan3A_6, %scan3A_7 : i32
    %scan3A_9 = arith.constant 1 : i32
    scf.for %scan3A_21 = %scan3A_6 to %scan3A_8 step %scan3A_9  : i32 {
      "tpu.region"() ({
        %run_scoped3A = tpu.sem_alloc : memref<!tpu.dma_semaphore, #tpu.memory_space<semaphore_mem>>
        %dma_start3A = arith.constant 0 : i32
        %dma_start3A_22 = tpu.memref_slice %arg6[%scan3A_21, %dma_start3A] : memref<40x128xi32, #tpu.memory_space<vmem>> -> memref<1x128xi32, #tpu.memory_space<vmem>>
        %dma_start3A_23 = tpu.memref_squeeze %dma_start3A_22 : memref<1x128xi32, #tpu.memory_space<vmem>> -> memref<128xi32, #tpu.memory_space<vmem>>
        %dma_start3A_24 = arith.constant 0 : i32
        %dma_start3A_25 = arith.constant 0 : i32
        %dma_start3A_26 = tpu.memref_slice %arg8[%dma_start3A_24, %dma_start3A_25] : memref<10240x16xf32, #tpu.memory_space<vmem_shared>> -> memref<10240x16xf32, #tpu.memory_space<vmem_shared>>
        tpu.enqueue_indirect_dma source(%arg7 : memref<128x16xf32, #tpu.memory_space<vmem>>) target(%dma_start3A_26 : memref<10240x16xf32, #tpu.memory_space<vmem_shared>>) offsets(%dma_start3A_23 : memref<128xi32, #tpu.memory_space<vmem>>) semaphore(%run_scoped3A : memref<!tpu.dma_semaphore, #tpu.memory_space<semaphore_mem>>) {add = true}
        %dma_wait3A = arith.constant 0 : i32
        %dma_wait3A_27 = tpu.memref_slice %arg6[%scan3A_21, %dma_wait3A] : memref<40x128xi32, #tpu.memory_space<vmem>> -> memref<1x128xi32, #tpu.memory_space<vmem>>
        %dma_wait3A_28 = tpu.memref_squeeze %dma_wait3A_27 : memref<1x128xi32, #tpu.memory_space<vmem>> -> memref<128xi32, #tpu.memory_space<vmem>>
        %dma_wait3A_29 = arith.constant 0 : i32
        %dma_wait3A_30 = arith.constant 0 : i32
        %dma_wait3A_31 = tpu.memref_slice %arg8[%dma_wait3A_29, %dma_wait3A_30] : memref<10240x16xf32, #tpu.memory_space<vmem_shared>> -> memref<10240x16xf32, #tpu.memory_space<vmem_shared>>
        tpu.wait_indirect_dma semaphore(%run_scoped3A : memref<!tpu.dma_semaphore, #tpu.memory_space<semaphore_mem>>) src(%arg7 : memref<128x16xf32, #tpu.memory_space<vmem>>) dst(%dma_wait3A_31 : memref<10240x16xf32, #tpu.memory_space<vmem_shared>>)
        tpu.yield
      }) : () -> ()
    }
    %scan3A_10 = arith.constant 40 : i32
    %barrier3A_11 = arith.constant 0 : index
    tpu.barrier barrier_id(%barrier3A_11)
    %mul3A_12 = arith.constant 640 : i32
    %mul3A_13 = arith.muli %arg1, %mul3A_12 : i32
    %multiple_of3A_14 = tpu.assume_multiple %mul3A_13, 8 : i32
    %mul3A_15 = arith.constant 10240 : i32
    %mul3A_16 = arith.muli %arg0, %mul3A_15 : i32
    %mul3A_17 = arith.constant 640 : i32
    %mul3A_18 = arith.muli %arg1, %mul3A_17 : i32
    %add3A_19 = arith.addi %mul3A_16, %mul3A_18 : i32
    %multiple_of3A_20 = tpu.assume_multiple %add3A_19, 8 : i32
    "tpu.region"() ({
      %run_scoped3A = tpu.sem_alloc : memref<!tpu.dma_semaphore, #tpu.memory_space<semaphore_mem>>
      %dma_start3A = arith.constant 0 : i32
      %dma_start3A_21 = tpu.memref_slice %arg5[%multiple_of3A_20, %dma_start3A] : memref<20480x16xf32, #tpu.memory_space<hbm>> -> memref<640x16xf32, #tpu.memory_space<hbm>>
      %dma_start3A_22 = arith.constant 0 : i32
      %dma_start3A_23 = tpu.memref_slice %arg8[%multiple_of3A_14, %dma_start3A_22] : memref<10240x16xf32, #tpu.memory_space<vmem_shared>> -> memref<640x16xf32, #tpu.memory_space<vmem_shared>>
      tpu.enqueue_dma source(%dma_start3A_23 : memref<640x16xf32, #tpu.memory_space<vmem_shared>>) target(%dma_start3A_21 : memref<640x16xf32, #tpu.memory_space<hbm>>) target_semaphore(%run_scoped3A : memref<!tpu.dma_semaphore, #tpu.memory_space<semaphore_mem>>)
      %dma_wait3A = arith.constant 0 : i32
      %dma_wait3A_24 = tpu.memref_slice %arg5[%multiple_of3A_20, %dma_wait3A] : memref<20480x16xf32, #tpu.memory_space<hbm>> -> memref<640x16xf32, #tpu.memory_space<hbm>>
      %dma_wait3A_25 = arith.constant 0 : i32
      %dma_wait3A_26 = tpu.memref_slice %arg8[%multiple_of3A_14, %dma_wait3A_25] : memref<10240x16xf32, #tpu.memory_space<vmem_shared>> -> memref<640x16xf32, #tpu.memory_space<vmem_shared>>
      tpu.wait_dma2 semaphore(%run_scoped3A : memref<!tpu.dma_semaphore, #tpu.memory_space<semaphore_mem>>) src(%dma_wait3A_26 : memref<640x16xf32, #tpu.memory_space<vmem_shared>>) dst(%dma_wait3A_24 : memref<640x16xf32, #tpu.memory_space<hbm>>)
      tpu.yield
    }) : () -> ()
    return
  }
}

#map = affine_map<(d0, d1) -> (0, 0)>
#map1 = affine_map<(d0, d1) -> (0, 0, 0)>
module attributes {stable_mosaic.version = 14 : i64} {
  func.func @k(%arg0: i32, %arg1: i32, %arg2: memref<10240x128xf32, #tpu.memory_space<hbm>>, %arg3: memref<10240x128xf32, #tpu.memory_space<hbm>>, %arg4: memref<1280x2x128xi32, #tpu.memory_space<hbm>>, %arg5: memref<10240x128xf32, #tpu.memory_space<hbm>>, %arg6: memref<10240x128xf32, #tpu.memory_space<hbm>>, %arg7: memref<8x2x128xi32, #tpu.memory_space<vmem>>, %arg8: memref<128x128xf32, #tpu.memory_space<vmem>>, %arg9: memref<128x128xf32, #tpu.memory_space<vmem>>, %arg10: memref<10240x128xf32, #tpu.memory_space<vmem_shared>>, %arg11: memref<!tpu.dma_semaphore, #tpu.memory_space<semaphore_mem>>, %arg12: memref<!tpu.dma_semaphore, #tpu.memory_space<semaphore_mem>>) attributes {dimension_semantics = [#tpu.dimension_semantics<core_parallel>, #tpu.dimension_semantics<subcore_parallel>], iteration_bounds = array<i64: 2, 16>, scalar_prefetch = 0 : i64, scratch_operands = 6 : i64, tpu.core_type = #tpu.core_type<sc_vector_subcore>, window_params = [{transform_indices = #map}, {transform_indices = #map}, {transform_indices = #map1}, {transform_indices = #map}, {transform_indices = #map}]} {
    %mul3A = arith.constant 640 : i32
    %mul3A_0 = arith.muli %arg1, %mul3A : i32
    %multiple_of3A = tpu.assume_multiple %mul3A_0, 8 : i32
    %eq3A = arith.constant 0 : i32
    %eq3A_1 = arith.cmpi eq, %arg0, %eq3A : i32
    %convert_element_type3A = arith.extui %eq3A_1 : i1 to i32
    %cond3A = arith.constant 0 : i32
    %cond3A_2 = arith.cmpi ne, %convert_element_type3A, %cond3A : i32
    scf.if %cond3A_2 {
      "tpu.region"() ({
        %run_scoped3A = tpu.sem_alloc : memref<!tpu.dma_semaphore, #tpu.memory_space<semaphore_mem>>
        %dma_start3A = arith.constant 0 : i32
        %dma_start3A_26 = tpu.memref_slice %arg10[%multiple_of3A, %dma_start3A] : memref<10240x128xf32, #tpu.memory_space<vmem_shared>> -> memref<640x128xf32, #tpu.memory_space<vmem_shared>>
        %dma_start3A_27 = arith.constant 0 : i32
        %dma_start3A_28 = tpu.memref_slice %arg2[%multiple_of3A, %dma_start3A_27] : memref<10240x128xf32, #tpu.memory_space<hbm>> -> memref<640x128xf32, #tpu.memory_space<hbm>>
        tpu.enqueue_dma source(%dma_start3A_28 : memref<640x128xf32, #tpu.memory_space<hbm>>) target(%dma_start3A_26 : memref<640x128xf32, #tpu.memory_space<vmem_shared>>) target_semaphore(%run_scoped3A : memref<!tpu.dma_semaphore, #tpu.memory_space<semaphore_mem>>)
        %dma_wait3A = arith.constant 0 : i32
        %dma_wait3A_29 = tpu.memref_slice %arg10[%multiple_of3A, %dma_wait3A] : memref<10240x128xf32, #tpu.memory_space<vmem_shared>> -> memref<640x128xf32, #tpu.memory_space<vmem_shared>>
        %dma_wait3A_30 = arith.constant 0 : i32
        %dma_wait3A_31 = tpu.memref_slice %arg2[%multiple_of3A, %dma_wait3A_30] : memref<10240x128xf32, #tpu.memory_space<hbm>> -> memref<640x128xf32, #tpu.memory_space<hbm>>
        tpu.wait_dma2 semaphore(%run_scoped3A : memref<!tpu.dma_semaphore, #tpu.memory_space<semaphore_mem>>) src(%dma_wait3A_31 : memref<640x128xf32, #tpu.memory_space<hbm>>) dst(%dma_wait3A_29 : memref<640x128xf32, #tpu.memory_space<vmem_shared>>)
        tpu.yield
      }) : () -> ()
    } else {
    }
    %eq3A_3 = arith.constant 1 : i32
    %eq3A_4 = arith.cmpi eq, %arg0, %eq3A_3 : i32
    %convert_element_type3A_5 = arith.extui %eq3A_4 : i1 to i32
    %cond3A_6 = arith.constant 0 : i32
    %cond3A_7 = arith.cmpi ne, %convert_element_type3A_5, %cond3A_6 : i32
    scf.if %cond3A_7 {
      "tpu.region"() ({
        %run_scoped3A = tpu.sem_alloc : memref<!tpu.dma_semaphore, #tpu.memory_space<semaphore_mem>>
        %dma_start3A = arith.constant 0 : i32
        %dma_start3A_26 = tpu.memref_slice %arg10[%multiple_of3A, %dma_start3A] : memref<10240x128xf32, #tpu.memory_space<vmem_shared>> -> memref<640x128xf32, #tpu.memory_space<vmem_shared>>
        %dma_start3A_27 = arith.constant 0 : i32
        %dma_start3A_28 = tpu.memref_slice %arg3[%multiple_of3A, %dma_start3A_27] : memref<10240x128xf32, #tpu.memory_space<hbm>> -> memref<640x128xf32, #tpu.memory_space<hbm>>
        tpu.enqueue_dma source(%dma_start3A_28 : memref<640x128xf32, #tpu.memory_space<hbm>>) target(%dma_start3A_26 : memref<640x128xf32, #tpu.memory_space<vmem_shared>>) target_semaphore(%run_scoped3A : memref<!tpu.dma_semaphore, #tpu.memory_space<semaphore_mem>>)
        %dma_wait3A = arith.constant 0 : i32
        %dma_wait3A_29 = tpu.memref_slice %arg10[%multiple_of3A, %dma_wait3A] : memref<10240x128xf32, #tpu.memory_space<vmem_shared>> -> memref<640x128xf32, #tpu.memory_space<vmem_shared>>
        %dma_wait3A_30 = arith.constant 0 : i32
        %dma_wait3A_31 = tpu.memref_slice %arg3[%multiple_of3A, %dma_wait3A_30] : memref<10240x128xf32, #tpu.memory_space<hbm>> -> memref<640x128xf32, #tpu.memory_space<hbm>>
        tpu.wait_dma2 semaphore(%run_scoped3A : memref<!tpu.dma_semaphore, #tpu.memory_space<semaphore_mem>>) src(%dma_wait3A_31 : memref<640x128xf32, #tpu.memory_space<hbm>>) dst(%dma_wait3A_29 : memref<640x128xf32, #tpu.memory_space<vmem_shared>>)
        tpu.yield
      }) : () -> ()
    } else {
    }
    %barrier3A = arith.constant 0 : index
    tpu.barrier barrier_id(%barrier3A)
    %mul3A_8 = arith.constant 80 : i32
    %mul3A_9 = arith.muli %arg1, %mul3A_8 : i32
    %scan3A = arith.constant 0 : i32
    %scan3A_10 = arith.constant 0 : i32
    %scan3A_11 = arith.constant 10 : i32
    %scan3A_12 = arith.addi %scan3A_10, %scan3A_11 : i32
    %scan3A_13 = arith.constant 1 : i32
    scf.for %scan3A_26 = %scan3A_10 to %scan3A_12 step %scan3A_13  : i32 {
      %mul3A_27 = arith.constant 8 : i32
      %mul3A_28 = arith.muli %scan3A_26, %mul3A_27 : i32
      %add3A = arith.addi %mul3A_9, %mul3A_28 : i32
      %multiple_of3A_29 = tpu.assume_multiple %add3A, 8 : i32
      "tpu.region"() ({
        %run_scoped3A = tpu.sem_alloc : memref<!tpu.dma_semaphore, #tpu.memory_space<semaphore_mem>>
        %dma_start3A = arith.constant 0 : i32
        %dma_start3A_46 = arith.constant 0 : i32
        %dma_start3A_47 = tpu.memref_slice %arg4[%multiple_of3A_29, %dma_start3A, %dma_start3A_46] : memref<1280x2x128xi32, #tpu.memory_space<hbm>> -> memref<8x2x128xi32, #tpu.memory_space<hbm>>
        %dma_start3A_48 = arith.constant 0 : i32
        %dma_start3A_49 = arith.constant 0 : i32
        %dma_start3A_50 = tpu.memref_slice %arg4[%multiple_of3A_29, %dma_start3A_48, %dma_start3A_49] : memref<1280x2x128xi32, #tpu.memory_space<hbm>> -> memref<8x2x128xi32, #tpu.memory_space<hbm>>
        tpu.enqueue_dma source(%dma_start3A_50 : memref<8x2x128xi32, #tpu.memory_space<hbm>>) target(%arg7 : memref<8x2x128xi32, #tpu.memory_space<vmem>>) target_semaphore(%run_scoped3A : memref<!tpu.dma_semaphore, #tpu.memory_space<semaphore_mem>>)
        %dma_wait3A = arith.constant 0 : i32
        %dma_wait3A_51 = arith.constant 0 : i32
        %dma_wait3A_52 = tpu.memref_slice %arg4[%multiple_of3A_29, %dma_wait3A, %dma_wait3A_51] : memref<1280x2x128xi32, #tpu.memory_space<hbm>> -> memref<8x2x128xi32, #tpu.memory_space<hbm>>
        %dma_wait3A_53 = arith.constant 0 : i32
        %dma_wait3A_54 = arith.constant 0 : i32
        %dma_wait3A_55 = tpu.memref_slice %arg4[%multiple_of3A_29, %dma_wait3A_53, %dma_wait3A_54] : memref<1280x2x128xi32, #tpu.memory_space<hbm>> -> memref<8x2x128xi32, #tpu.memory_space<hbm>>
        tpu.wait_dma2 semaphore(%run_scoped3A : memref<!tpu.dma_semaphore, #tpu.memory_space<semaphore_mem>>) src(%dma_wait3A_55 : memref<8x2x128xi32, #tpu.memory_space<hbm>>) dst(%arg7 : memref<8x2x128xi32, #tpu.memory_space<vmem>>)
        tpu.yield
      }) : () -> ()
      %eq3A_30 = arith.constant 0 : i32
      %eq3A_31 = arith.cmpi eq, %arg0, %eq3A_30 : i32
      %convert_element_type3A_32 = arith.extui %eq3A_31 : i1 to i32
      %cond3A_33 = arith.constant 0 : i32
      %cond3A_34 = arith.cmpi ne, %convert_element_type3A_32, %cond3A_33 : i32
      scf.if %cond3A_34 {
        %dma_start3A = arith.constant 0 : i32
        %dma_start3A_46 = arith.constant 0 : i32
        %dma_start3A_47 = arith.constant 0 : i32
        %dma_start3A_48 = tpu.memref_slice %arg7[%dma_start3A, %dma_start3A_46, %dma_start3A_47] : memref<8x2x128xi32, #tpu.memory_space<vmem>> -> memref<1x1x128xi32, #tpu.memory_space<vmem>>
        %dma_start3A_49 = tpu.memref_squeeze %dma_start3A_48 : memref<1x1x128xi32, #tpu.memory_space<vmem>> -> memref<128xi32, #tpu.memory_space<vmem>>
        %dma_start3A_50 = arith.constant 0 : i32
        %dma_start3A_51 = arith.constant 0 : i32
        %dma_start3A_52 = tpu.memref_slice %arg2[%dma_start3A_50, %dma_start3A_51] : memref<10240x128xf32, #tpu.memory_space<hbm>> -> memref<10240x128xf32, #tpu.memory_space<hbm>>
        tpu.enqueue_indirect_dma source(%dma_start3A_52 : memref<10240x128xf32, #tpu.memory_space<hbm>>) target(%arg8 : memref<128x128xf32, #tpu.memory_space<vmem>>) offsets(%dma_start3A_49 : memref<128xi32, #tpu.memory_space<vmem>>) semaphore(%arg11 : memref<!tpu.dma_semaphore, #tpu.memory_space<semaphore_mem>>)
      } else {
      }
      %eq3A_35 = arith.constant 1 : i32
      %eq3A_36 = arith.cmpi eq, %arg0, %eq3A_35 : i32
      %convert_element_type3A_37 = arith.extui %eq3A_36 : i1 to i32
      %cond3A_38 = arith.constant 0 : i32
      %cond3A_39 = arith.cmpi ne, %convert_element_type3A_37, %cond3A_38 : i32
      scf.if %cond3A_39 {
        %dma_start3A = arith.constant 0 : i32
        %dma_start3A_46 = arith.constant 0 : i32
        %dma_start3A_47 = arith.constant 0 : i32
        %dma_start3A_48 = tpu.memref_slice %arg7[%dma_start3A, %dma_start3A_46, %dma_start3A_47] : memref<8x2x128xi32, #tpu.memory_space<vmem>> -> memref<1x1x128xi32, #tpu.memory_space<vmem>>
        %dma_start3A_49 = tpu.memref_squeeze %dma_start3A_48 : memref<1x1x128xi32, #tpu.memory_space<vmem>> -> memref<128xi32, #tpu.memory_space<vmem>>
        %dma_start3A_50 = arith.constant 0 : i32
        %dma_start3A_51 = arith.constant 0 : i32
        %dma_start3A_52 = tpu.memref_slice %arg3[%dma_start3A_50, %dma_start3A_51] : memref<10240x128xf32, #tpu.memory_space<hbm>> -> memref<10240x128xf32, #tpu.memory_space<hbm>>
        tpu.enqueue_indirect_dma source(%dma_start3A_52 : memref<10240x128xf32, #tpu.memory_space<hbm>>) target(%arg8 : memref<128x128xf32, #tpu.memory_space<vmem>>) offsets(%dma_start3A_49 : memref<128xi32, #tpu.memory_space<vmem>>) semaphore(%arg11 : memref<!tpu.dma_semaphore, #tpu.memory_space<semaphore_mem>>)
      } else {
      }
      %scan3A_40 = arith.constant 0 : i32
      %scan3A_41 = arith.constant 0 : i32
      %scan3A_42 = arith.constant 4 : i32
      %scan3A_43 = arith.addi %scan3A_41, %scan3A_42 : i32
      %scan3A_44 = arith.constant 1 : i32
      scf.for %scan3A_46 = %scan3A_41 to %scan3A_43 step %scan3A_44  : i32 {
        %mul3A_47 = arith.constant 2 : i32
        %mul3A_48 = arith.muli %mul3A_47, %scan3A_46 : i32
        %add3A_49 = arith.constant 1 : i32
        %add3A_50 = arith.addi %mul3A_48, %add3A_49 : i32
        %eq3A_51 = arith.constant 0 : i32
        %eq3A_52 = arith.cmpi eq, %arg0, %eq3A_51 : i32
        %convert_element_type3A_53 = arith.extui %eq3A_52 : i1 to i32
        %cond3A_54 = arith.constant 0 : i32
        %cond3A_55 = arith.cmpi ne, %convert_element_type3A_53, %cond3A_54 : i32
        scf.if %cond3A_55 {
          %dma_start3A = arith.constant 0 : i32
          %dma_start3A_81 = arith.constant 0 : i32
          %dma_start3A_82 = tpu.memref_slice %arg7[%add3A_50, %dma_start3A, %dma_start3A_81] : memref<8x2x128xi32, #tpu.memory_space<vmem>> -> memref<1x1x128xi32, #tpu.memory_space<vmem>>
          %dma_start3A_83 = tpu.memref_squeeze %dma_start3A_82 : memref<1x1x128xi32, #tpu.memory_space<vmem>> -> memref<128xi32, #tpu.memory_space<vmem>>
          %dma_start3A_84 = arith.constant 0 : i32
          %dma_start3A_85 = arith.constant 0 : i32
          %dma_start3A_86 = tpu.memref_slice %arg2[%dma_start3A_84, %dma_start3A_85] : memref<10240x128xf32, #tpu.memory_space<hbm>> -> memref<10240x128xf32, #tpu.memory_space<hbm>>
          tpu.enqueue_indirect_dma source(%dma_start3A_86 : memref<10240x128xf32, #tpu.memory_space<hbm>>) target(%arg9 : memref<128x128xf32, #tpu.memory_space<vmem>>) offsets(%dma_start3A_83 : memref<128xi32, #tpu.memory_space<vmem>>) semaphore(%arg12 : memref<!tpu.dma_semaphore, #tpu.memory_space<semaphore_mem>>)
        } else {
        }
        %eq3A_56 = arith.constant 1 : i32
        %eq3A_57 = arith.cmpi eq, %arg0, %eq3A_56 : i32
        %convert_element_type3A_58 = arith.extui %eq3A_57 : i1 to i32
        %cond3A_59 = arith.constant 0 : i32
        %cond3A_60 = arith.cmpi ne, %convert_element_type3A_58, %cond3A_59 : i32
        scf.if %cond3A_60 {
          %dma_start3A = arith.constant 0 : i32
          %dma_start3A_81 = arith.constant 0 : i32
          %dma_start3A_82 = tpu.memref_slice %arg7[%add3A_50, %dma_start3A, %dma_start3A_81] : memref<8x2x128xi32, #tpu.memory_space<vmem>> -> memref<1x1x128xi32, #tpu.memory_space<vmem>>
          %dma_start3A_83 = tpu.memref_squeeze %dma_start3A_82 : memref<1x1x128xi32, #tpu.memory_space<vmem>> -> memref<128xi32, #tpu.memory_space<vmem>>
          %dma_start3A_84 = arith.constant 0 : i32
          %dma_start3A_85 = arith.constant 0 : i32
          %dma_start3A_86 = tpu.memref_slice %arg3[%dma_start3A_84, %dma_start3A_85] : memref<10240x128xf32, #tpu.memory_space<hbm>> -> memref<10240x128xf32, #tpu.memory_space<hbm>>
          tpu.enqueue_indirect_dma source(%dma_start3A_86 : memref<10240x128xf32, #tpu.memory_space<hbm>>) target(%arg9 : memref<128x128xf32, #tpu.memory_space<vmem>>) offsets(%dma_start3A_83 : memref<128xi32, #tpu.memory_space<vmem>>) semaphore(%arg12 : memref<!tpu.dma_semaphore, #tpu.memory_space<semaphore_mem>>)
        } else {
        }
        %dma_wait3A = arith.constant 0 : i32
        %dma_wait3A_61 = arith.constant 0 : i32
        %dma_wait3A_62 = tpu.memref_slice %arg7[%mul3A_48, %dma_wait3A, %dma_wait3A_61] : memref<8x2x128xi32, #tpu.memory_space<vmem>> -> memref<1x1x128xi32, #tpu.memory_space<vmem>>
        %dma_wait3A_63 = tpu.memref_squeeze %dma_wait3A_62 : memref<1x1x128xi32, #tpu.memory_space<vmem>> -> memref<128xi32, #tpu.memory_space<vmem>>
        %dma_wait3A_64 = arith.constant 0 : i32
        %dma_wait3A_65 = arith.constant 0 : i32
        %dma_wait3A_66 = tpu.memref_slice %arg2[%dma_wait3A_64, %dma_wait3A_65] : memref<10240x128xf32, #tpu.memory_space<hbm>> -> memref<10240x128xf32, #tpu.memory_space<hbm>>
        tpu.wait_indirect_dma semaphore(%arg11 : memref<!tpu.dma_semaphore, #tpu.memory_space<semaphore_mem>>) src(%dma_wait3A_66 : memref<10240x128xf32, #tpu.memory_space<hbm>>) dst(%arg8 : memref<128x128xf32, #tpu.memory_space<vmem>>)
        %run_scoped3A = arith.constant 1 : i32
        "tpu.region"() ({
          %run_scoped3A_81 = tpu.sem_alloc : memref<!tpu.dma_semaphore, #tpu.memory_space<semaphore_mem>>
          %dma_start3A = arith.constant 0 : i32
          %dma_start3A_82 = tpu.memref_slice %arg7[%mul3A_48, %run_scoped3A, %dma_start3A] : memref<8x2x128xi32, #tpu.memory_space<vmem>> -> memref<1x1x128xi32, #tpu.memory_space<vmem>>
          %dma_start3A_83 = tpu.memref_squeeze %dma_start3A_82 : memref<1x1x128xi32, #tpu.memory_space<vmem>> -> memref<128xi32, #tpu.memory_space<vmem>>
          %dma_start3A_84 = arith.constant 0 : i32
          %dma_start3A_85 = arith.constant 0 : i32
          %dma_start3A_86 = tpu.memref_slice %arg10[%dma_start3A_84, %dma_start3A_85] : memref<10240x128xf32, #tpu.memory_space<vmem_shared>> -> memref<10240x128xf32, #tpu.memory_space<vmem_shared>>
          tpu.enqueue_indirect_dma source(%arg8 : memref<128x128xf32, #tpu.memory_space<vmem>>) target(%dma_start3A_86 : memref<10240x128xf32, #tpu.memory_space<vmem_shared>>) offsets(%dma_start3A_83 : memref<128xi32, #tpu.memory_space<vmem>>) semaphore(%run_scoped3A_81 : memref<!tpu.dma_semaphore, #tpu.memory_space<semaphore_mem>>) {add = true}
          %dma_wait3A_87 = arith.constant 0 : i32
          %dma_wait3A_88 = tpu.memref_slice %arg7[%mul3A_48, %run_scoped3A, %dma_wait3A_87] : memref<8x2x128xi32, #tpu.memory_space<vmem>> -> memref<1x1x128xi32, #tpu.memory_space<vmem>>
          %dma_wait3A_89 = tpu.memref_squeeze %dma_wait3A_88 : memref<1x1x128xi32, #tpu.memory_space<vmem>> -> memref<128xi32, #tpu.memory_space<vmem>>
          %dma_wait3A_90 = arith.constant 0 : i32
          %dma_wait3A_91 = arith.constant 0 : i32
          %dma_wait3A_92 = tpu.memref_slice %arg10[%dma_wait3A_90, %dma_wait3A_91] : memref<10240x128xf32, #tpu.memory_space<vmem_shared>> -> memref<10240x128xf32, #tpu.memory_space<vmem_shared>>
          tpu.wait_indirect_dma semaphore(%run_scoped3A_81 : memref<!tpu.dma_semaphore, #tpu.memory_space<semaphore_mem>>) src(%arg8 : memref<128x128xf32, #tpu.memory_space<vmem>>) dst(%dma_wait3A_92 : memref<10240x128xf32, #tpu.memory_space<vmem_shared>>)
          tpu.yield
        }) : () -> ()
        %add3A_67 = arith.constant 2 : i32
        %add3A_68 = arith.addi %mul3A_48, %add3A_67 : i32
        %lt3A = arith.constant 8 : i32
        %lt3A_69 = arith.cmpi slt, %add3A_68, %lt3A : i32
        %convert_element_type3A_70 = arith.extui %lt3A_69 : i1 to i32
        %cond3A_71 = arith.constant 0 : i32
        %cond3A_72 = arith.cmpi ne, %convert_element_type3A_70, %cond3A_71 : i32
        scf.if %cond3A_72 {
          %add3A_81 = arith.constant 2 : i32
          %add3A_82 = arith.addi %mul3A_48, %add3A_81 : i32
          %eq3A_83 = arith.constant 0 : i32
          %eq3A_84 = arith.cmpi eq, %arg0, %eq3A_83 : i32
          %convert_element_type3A_85 = arith.extui %eq3A_84 : i1 to i32
          %cond3A_86 = arith.constant 0 : i32
          %cond3A_87 = arith.cmpi ne, %convert_element_type3A_85, %cond3A_86 : i32
          scf.if %cond3A_87 {
            %dma_start3A = arith.constant 0 : i32
            %dma_start3A_93 = arith.constant 0 : i32
            %dma_start3A_94 = tpu.memref_slice %arg7[%add3A_82, %dma_start3A, %dma_start3A_93] : memref<8x2x128xi32, #tpu.memory_space<vmem>> -> memref<1x1x128xi32, #tpu.memory_space<vmem>>
            %dma_start3A_95 = tpu.memref_squeeze %dma_start3A_94 : memref<1x1x128xi32, #tpu.memory_space<vmem>> -> memref<128xi32, #tpu.memory_space<vmem>>
            %dma_start3A_96 = arith.constant 0 : i32
            %dma_start3A_97 = arith.constant 0 : i32
            %dma_start3A_98 = tpu.memref_slice %arg2[%dma_start3A_96, %dma_start3A_97] : memref<10240x128xf32, #tpu.memory_space<hbm>> -> memref<10240x128xf32, #tpu.memory_space<hbm>>
            tpu.enqueue_indirect_dma source(%dma_start3A_98 : memref<10240x128xf32, #tpu.memory_space<hbm>>) target(%arg8 : memref<128x128xf32, #tpu.memory_space<vmem>>) offsets(%dma_start3A_95 : memref<128xi32, #tpu.memory_space<vmem>>) semaphore(%arg11 : memref<!tpu.dma_semaphore, #tpu.memory_space<semaphore_mem>>)
          } else {
          }
          %eq3A_88 = arith.constant 1 : i32
          %eq3A_89 = arith.cmpi eq, %arg0, %eq3A_88 : i32
          %convert_element_type3A_90 = arith.extui %eq3A_89 : i1 to i32
          %cond3A_91 = arith.constant 0 : i32
          %cond3A_92 = arith.cmpi ne, %convert_element_type3A_90, %cond3A_91 : i32
          scf.if %cond3A_92 {
            %dma_start3A = arith.constant 0 : i32
            %dma_start3A_93 = arith.constant 0 : i32
            %dma_start3A_94 = tpu.memref_slice %arg7[%add3A_82, %dma_start3A, %dma_start3A_93] : memref<8x2x128xi32, #tpu.memory_space<vmem>> -> memref<1x1x128xi32, #tpu.memory_space<vmem>>
            %dma_start3A_95 = tpu.memref_squeeze %dma_start3A_94 : memref<1x1x128xi32, #tpu.memory_space<vmem>> -> memref<128xi32, #tpu.memory_space<vmem>>
            %dma_start3A_96 = arith.constant 0 : i32
            %dma_start3A_97 = arith.constant 0 : i32
            %dma_start3A_98 = tpu.memref_slice %arg3[%dma_start3A_96, %dma_start3A_97] : memref<10240x128xf32, #tpu.memory_space<hbm>> -> memref<10240x128xf32, #tpu.memory_space<hbm>>
            tpu.enqueue_indirect_dma source(%dma_start3A_98 : memref<10240x128xf32, #tpu.memory_space<hbm>>) target(%arg8 : memref<128x128xf32, #tpu.memory_space<vmem>>) offsets(%dma_start3A_95 : memref<128xi32, #tpu.memory_space<vmem>>) semaphore(%arg11 : memref<!tpu.dma_semaphore, #tpu.memory_space<semaphore_mem>>)
          } else {
          }
        } else {
        }
        %dma_wait3A_73 = arith.constant 0 : i32
        %dma_wait3A_74 = arith.constant 0 : i32
        %dma_wait3A_75 = tpu.memref_slice %arg7[%add3A_50, %dma_wait3A_73, %dma_wait3A_74] : memref<8x2x128xi32, #tpu.memory_space<vmem>> -> memref<1x1x128xi32, #tpu.memory_space<vmem>>
        %dma_wait3A_76 = tpu.memref_squeeze %dma_wait3A_75 : memref<1x1x128xi32, #tpu.memory_space<vmem>> -> memref<128xi32, #tpu.memory_space<vmem>>
        %dma_wait3A_77 = arith.constant 0 : i32
        %dma_wait3A_78 = arith.constant 0 : i32
        %dma_wait3A_79 = tpu.memref_slice %arg2[%dma_wait3A_77, %dma_wait3A_78] : memref<10240x128xf32, #tpu.memory_space<hbm>> -> memref<10240x128xf32, #tpu.memory_space<hbm>>
        tpu.wait_indirect_dma semaphore(%arg12 : memref<!tpu.dma_semaphore, #tpu.memory_space<semaphore_mem>>) src(%dma_wait3A_79 : memref<10240x128xf32, #tpu.memory_space<hbm>>) dst(%arg9 : memref<128x128xf32, #tpu.memory_space<vmem>>)
        %run_scoped3A_80 = arith.constant 1 : i32
        "tpu.region"() ({
          %run_scoped3A_81 = tpu.sem_alloc : memref<!tpu.dma_semaphore, #tpu.memory_space<semaphore_mem>>
          %dma_start3A = arith.constant 0 : i32
          %dma_start3A_82 = tpu.memref_slice %arg7[%add3A_50, %run_scoped3A_80, %dma_start3A] : memref<8x2x128xi32, #tpu.memory_space<vmem>> -> memref<1x1x128xi32, #tpu.memory_space<vmem>>
          %dma_start3A_83 = tpu.memref_squeeze %dma_start3A_82 : memref<1x1x128xi32, #tpu.memory_space<vmem>> -> memref<128xi32, #tpu.memory_space<vmem>>
          %dma_start3A_84 = arith.constant 0 : i32
          %dma_start3A_85 = arith.constant 0 : i32
          %dma_start3A_86 = tpu.memref_slice %arg10[%dma_start3A_84, %dma_start3A_85] : memref<10240x128xf32, #tpu.memory_space<vmem_shared>> -> memref<10240x128xf32, #tpu.memory_space<vmem_shared>>
          tpu.enqueue_indirect_dma source(%arg9 : memref<128x128xf32, #tpu.memory_space<vmem>>) target(%dma_start3A_86 : memref<10240x128xf32, #tpu.memory_space<vmem_shared>>) offsets(%dma_start3A_83 : memref<128xi32, #tpu.memory_space<vmem>>) semaphore(%run_scoped3A_81 : memref<!tpu.dma_semaphore, #tpu.memory_space<semaphore_mem>>) {add = true}
          %dma_wait3A_87 = arith.constant 0 : i32
          %dma_wait3A_88 = tpu.memref_slice %arg7[%add3A_50, %run_scoped3A_80, %dma_wait3A_87] : memref<8x2x128xi32, #tpu.memory_space<vmem>> -> memref<1x1x128xi32, #tpu.memory_space<vmem>>
          %dma_wait3A_89 = tpu.memref_squeeze %dma_wait3A_88 : memref<1x1x128xi32, #tpu.memory_space<vmem>> -> memref<128xi32, #tpu.memory_space<vmem>>
          %dma_wait3A_90 = arith.constant 0 : i32
          %dma_wait3A_91 = arith.constant 0 : i32
          %dma_wait3A_92 = tpu.memref_slice %arg10[%dma_wait3A_90, %dma_wait3A_91] : memref<10240x128xf32, #tpu.memory_space<vmem_shared>> -> memref<10240x128xf32, #tpu.memory_space<vmem_shared>>
          tpu.wait_indirect_dma semaphore(%run_scoped3A_81 : memref<!tpu.dma_semaphore, #tpu.memory_space<semaphore_mem>>) src(%arg9 : memref<128x128xf32, #tpu.memory_space<vmem>>) dst(%dma_wait3A_92 : memref<10240x128xf32, #tpu.memory_space<vmem_shared>>)
          tpu.yield
        }) : () -> ()
      }
      %scan3A_45 = arith.constant 4 : i32
    }
    %scan3A_14 = arith.constant 10 : i32
    %barrier3A_15 = arith.constant 0 : index
    tpu.barrier barrier_id(%barrier3A_15)
    %eq3A_16 = arith.constant 0 : i32
    %eq3A_17 = arith.cmpi eq, %arg0, %eq3A_16 : i32
    %convert_element_type3A_18 = arith.extui %eq3A_17 : i1 to i32
    %cond3A_19 = arith.constant 0 : i32
    %cond3A_20 = arith.cmpi ne, %convert_element_type3A_18, %cond3A_19 : i32
    scf.if %cond3A_20 {
      "tpu.region"() ({
        %run_scoped3A = tpu.sem_alloc : memref<!tpu.dma_semaphore, #tpu.memory_space<semaphore_mem>>
        %dma_start3A = arith.constant 0 : i32
        %dma_start3A_26 = tpu.memref_slice %arg5[%multiple_of3A, %dma_start3A] : memref<10240x128xf32, #tpu.memory_space<hbm>> -> memref<640x128xf32, #tpu.memory_space<hbm>>
        %dma_start3A_27 = arith.constant 0 : i32
        %dma_start3A_28 = tpu.memref_slice %arg10[%multiple_of3A, %dma_start3A_27] : memref<10240x128xf32, #tpu.memory_space<vmem_shared>> -> memref<640x128xf32, #tpu.memory_space<vmem_shared>>
        tpu.enqueue_dma source(%dma_start3A_28 : memref<640x128xf32, #tpu.memory_space<vmem_shared>>) target(%dma_start3A_26 : memref<640x128xf32, #tpu.memory_space<hbm>>) target_semaphore(%run_scoped3A : memref<!tpu.dma_semaphore, #tpu.memory_space<semaphore_mem>>)
        %dma_wait3A = arith.constant 0 : i32
        %dma_wait3A_29 = tpu.memref_slice %arg5[%multiple_of3A, %dma_wait3A] : memref<10240x128xf32, #tpu.memory_space<hbm>> -> memref<640x128xf32, #tpu.memory_space<hbm>>
        %dma_wait3A_30 = arith.constant 0 : i32
        %dma_wait3A_31 = tpu.memref_slice %arg10[%multiple_of3A, %dma_wait3A_30] : memref<10240x128xf32, #tpu.memory_space<vmem_shared>> -> memref<640x128xf32, #tpu.memory_space<vmem_shared>>
        tpu.wait_dma2 semaphore(%run_scoped3A : memref<!tpu.dma_semaphore, #tpu.memory_space<semaphore_mem>>) src(%dma_wait3A_31 : memref<640x128xf32, #tpu.memory_space<vmem_shared>>) dst(%dma_wait3A_29 : memref<640x128xf32, #tpu.memory_space<hbm>>)
        tpu.yield
      }) : () -> ()
    } else {
    }
    %eq3A_21 = arith.constant 1 : i32
    %eq3A_22 = arith.cmpi eq, %arg0, %eq3A_21 : i32
    %convert_element_type3A_23 = arith.extui %eq3A_22 : i1 to i32
    %cond3A_24 = arith.constant 0 : i32
    %cond3A_25 = arith.cmpi ne, %convert_element_type3A_23, %cond3A_24 : i32
    scf.if %cond3A_25 {
      "tpu.region"() ({
        %run_scoped3A = tpu.sem_alloc : memref<!tpu.dma_semaphore, #tpu.memory_space<semaphore_mem>>
        %dma_start3A = arith.constant 0 : i32
        %dma_start3A_26 = tpu.memref_slice %arg6[%multiple_of3A, %dma_start3A] : memref<10240x128xf32, #tpu.memory_space<hbm>> -> memref<640x128xf32, #tpu.memory_space<hbm>>
        %dma_start3A_27 = arith.constant 0 : i32
        %dma_start3A_28 = tpu.memref_slice %arg10[%multiple_of3A, %dma_start3A_27] : memref<10240x128xf32, #tpu.memory_space<vmem_shared>> -> memref<640x128xf32, #tpu.memory_space<vmem_shared>>
        tpu.enqueue_dma source(%dma_start3A_28 : memref<640x128xf32, #tpu.memory_space<vmem_shared>>) target(%dma_start3A_26 : memref<640x128xf32, #tpu.memory_space<hbm>>) target_semaphore(%run_scoped3A : memref<!tpu.dma_semaphore, #tpu.memory_space<semaphore_mem>>)
        %dma_wait3A = arith.constant 0 : i32
        %dma_wait3A_29 = tpu.memref_slice %arg6[%multiple_of3A, %dma_wait3A] : memref<10240x128xf32, #tpu.memory_space<hbm>> -> memref<640x128xf32, #tpu.memory_space<hbm>>
        %dma_wait3A_30 = arith.constant 0 : i32
        %dma_wait3A_31 = tpu.memref_slice %arg10[%multiple_of3A, %dma_wait3A_30] : memref<10240x128xf32, #tpu.memory_space<vmem_shared>> -> memref<640x128xf32, #tpu.memory_space<vmem_shared>>
        tpu.wait_dma2 semaphore(%run_scoped3A : memref<!tpu.dma_semaphore, #tpu.memory_space<semaphore_mem>>) src(%dma_wait3A_31 : memref<640x128xf32, #tpu.memory_space<vmem_shared>>) dst(%dma_wait3A_29 : memref<640x128xf32, #tpu.memory_space<hbm>>)
        tpu.yield
      }) : () -> ()
    } else {
    }
    return
  }
}

#map = affine_map<(d0, d1) -> (0, 0)>
module attributes {stable_mosaic.version = 14 : i64} {
  func.func @k(%arg0: i32, %arg1: i32, %arg2: memref<10240x64xf32, #tpu.memory_space<hbm>>, %arg3: memref<10240x64xf32, #tpu.memory_space<hbm>>, %arg4: memref<320x512xi32, #tpu.memory_space<hbm>>, %arg5: memref<320x512xi32, #tpu.memory_space<hbm>>, %arg6: memref<10240x64xf32, #tpu.memory_space<hbm>>, %arg7: memref<10240x64xf32, #tpu.memory_space<hbm>>, %arg8: memref<20x512xi32, #tpu.memory_space<vmem>>, %arg9: memref<20x512xi32, #tpu.memory_space<vmem>>, %arg10: memref<512x64xf32, #tpu.memory_space<vmem>>, %arg11: memref<512x64xf32, #tpu.memory_space<vmem>>, %arg12: memref<10240x64xf32, #tpu.memory_space<vmem_shared>>, %arg13: memref<!tpu.dma_semaphore, #tpu.memory_space<semaphore_mem>>, %arg14: memref<!tpu.dma_semaphore, #tpu.memory_space<semaphore_mem>>, %arg15: memref<!tpu.dma_semaphore, #tpu.memory_space<semaphore_mem>>, %arg16: memref<!tpu.dma_semaphore, #tpu.memory_space<semaphore_mem>>) attributes {dimension_semantics = [#tpu.dimension_semantics<core_parallel>, #tpu.dimension_semantics<subcore_parallel>], iteration_bounds = array<i64: 2, 16>, scalar_prefetch = 0 : i64, scratch_operands = 9 : i64, tpu.core_type = #tpu.core_type<sc_vector_subcore>, window_params = [{transform_indices = #map}, {transform_indices = #map}, {transform_indices = #map}, {transform_indices = #map}, {transform_indices = #map}, {transform_indices = #map}]} {
    %mul3A = arith.constant 640 : i32
    %mul3A_0 = arith.muli %arg1, %mul3A : i32
    %multiple_of3A = tpu.assume_multiple %mul3A_0, 8 : i32
    %eq3A = arith.constant 0 : i32
    %eq3A_1 = arith.cmpi eq, %arg0, %eq3A : i32
    %convert_element_type3A = arith.extui %eq3A_1 : i1 to i32
    %cond3A = arith.constant 0 : i32
    %cond3A_2 = arith.cmpi ne, %convert_element_type3A, %cond3A : i32
    scf.if %cond3A_2 {
      "tpu.region"() ({
        %run_scoped3A = tpu.sem_alloc : memref<!tpu.dma_semaphore, #tpu.memory_space<semaphore_mem>>
        %dma_start3A = arith.constant 0 : i32
        %dma_start3A_60 = tpu.memref_slice %arg12[%multiple_of3A, %dma_start3A] : memref<10240x64xf32, #tpu.memory_space<vmem_shared>> -> memref<640x64xf32, #tpu.memory_space<vmem_shared>>
        %dma_start3A_61 = arith.constant 0 : i32
        %dma_start3A_62 = tpu.memref_slice %arg2[%multiple_of3A, %dma_start3A_61] : memref<10240x64xf32, #tpu.memory_space<hbm>> -> memref<640x64xf32, #tpu.memory_space<hbm>>
        tpu.enqueue_dma source(%dma_start3A_62 : memref<640x64xf32, #tpu.memory_space<hbm>>) target(%dma_start3A_60 : memref<640x64xf32, #tpu.memory_space<vmem_shared>>) target_semaphore(%run_scoped3A : memref<!tpu.dma_semaphore, #tpu.memory_space<semaphore_mem>>)
        %dma_wait3A_63 = arith.constant 0 : i32
        %dma_wait3A_64 = tpu.memref_slice %arg12[%multiple_of3A, %dma_wait3A_63] : memref<10240x64xf32, #tpu.memory_space<vmem_shared>> -> memref<640x64xf32, #tpu.memory_space<vmem_shared>>
        %dma_wait3A_65 = arith.constant 0 : i32
        %dma_wait3A_66 = tpu.memref_slice %arg2[%multiple_of3A, %dma_wait3A_65] : memref<10240x64xf32, #tpu.memory_space<hbm>> -> memref<640x64xf32, #tpu.memory_space<hbm>>
        tpu.wait_dma2 semaphore(%run_scoped3A : memref<!tpu.dma_semaphore, #tpu.memory_space<semaphore_mem>>) src(%dma_wait3A_66 : memref<640x64xf32, #tpu.memory_space<hbm>>) dst(%dma_wait3A_64 : memref<640x64xf32, #tpu.memory_space<vmem_shared>>)
        tpu.yield
      }) : () -> ()
    } else {
    }
    %eq3A_3 = arith.constant 1 : i32
    %eq3A_4 = arith.cmpi eq, %arg0, %eq3A_3 : i32
    %convert_element_type3A_5 = arith.extui %eq3A_4 : i1 to i32
    %cond3A_6 = arith.constant 0 : i32
    %cond3A_7 = arith.cmpi ne, %convert_element_type3A_5, %cond3A_6 : i32
    scf.if %cond3A_7 {
      "tpu.region"() ({
        %run_scoped3A = tpu.sem_alloc : memref<!tpu.dma_semaphore, #tpu.memory_space<semaphore_mem>>
        %dma_start3A = arith.constant 0 : i32
        %dma_start3A_60 = tpu.memref_slice %arg12[%multiple_of3A, %dma_start3A] : memref<10240x64xf32, #tpu.memory_space<vmem_shared>> -> memref<640x64xf32, #tpu.memory_space<vmem_shared>>
        %dma_start3A_61 = arith.constant 0 : i32
        %dma_start3A_62 = tpu.memref_slice %arg3[%multiple_of3A, %dma_start3A_61] : memref<10240x64xf32, #tpu.memory_space<hbm>> -> memref<640x64xf32, #tpu.memory_space<hbm>>
        tpu.enqueue_dma source(%dma_start3A_62 : memref<640x64xf32, #tpu.memory_space<hbm>>) target(%dma_start3A_60 : memref<640x64xf32, #tpu.memory_space<vmem_shared>>) target_semaphore(%run_scoped3A : memref<!tpu.dma_semaphore, #tpu.memory_space<semaphore_mem>>)
        %dma_wait3A_63 = arith.constant 0 : i32
        %dma_wait3A_64 = tpu.memref_slice %arg12[%multiple_of3A, %dma_wait3A_63] : memref<10240x64xf32, #tpu.memory_space<vmem_shared>> -> memref<640x64xf32, #tpu.memory_space<vmem_shared>>
        %dma_wait3A_65 = arith.constant 0 : i32
        %dma_wait3A_66 = tpu.memref_slice %arg3[%multiple_of3A, %dma_wait3A_65] : memref<10240x64xf32, #tpu.memory_space<hbm>> -> memref<640x64xf32, #tpu.memory_space<hbm>>
        tpu.wait_dma2 semaphore(%run_scoped3A : memref<!tpu.dma_semaphore, #tpu.memory_space<semaphore_mem>>) src(%dma_wait3A_66 : memref<640x64xf32, #tpu.memory_space<hbm>>) dst(%dma_wait3A_64 : memref<640x64xf32, #tpu.memory_space<vmem_shared>>)
        tpu.yield
      }) : () -> ()
    } else {
    }
    %mul3A_8 = arith.constant 20 : i32
    %mul3A_9 = arith.muli %arg1, %mul3A_8 : i32
    %multiple_of3A_10 = tpu.assume_multiple %mul3A_9, 8 : i32
    "tpu.region"() ({
      %run_scoped3A = tpu.sem_alloc : memref<!tpu.dma_semaphore, #tpu.memory_space<semaphore_mem>>
      %dma_start3A = arith.constant 0 : i32
      %dma_start3A_60 = tpu.memref_slice %arg4[%multiple_of3A_10, %dma_start3A] : memref<320x512xi32, #tpu.memory_space<hbm>> -> memref<20x512xi32, #tpu.memory_space<hbm>>
      %dma_start3A_61 = arith.constant 0 : i32
      %dma_start3A_62 = tpu.memref_slice %arg4[%multiple_of3A_10, %dma_start3A_61] : memref<320x512xi32, #tpu.memory_space<hbm>> -> memref<20x512xi32, #tpu.memory_space<hbm>>
      tpu.enqueue_dma source(%dma_start3A_62 : memref<20x512xi32, #tpu.memory_space<hbm>>) target(%arg8 : memref<20x512xi32, #tpu.memory_space<vmem>>) target_semaphore(%run_scoped3A : memref<!tpu.dma_semaphore, #tpu.memory_space<semaphore_mem>>)
      %dma_wait3A_63 = arith.constant 0 : i32
      %dma_wait3A_64 = tpu.memref_slice %arg4[%multiple_of3A_10, %dma_wait3A_63] : memref<320x512xi32, #tpu.memory_space<hbm>> -> memref<20x512xi32, #tpu.memory_space<hbm>>
      %dma_wait3A_65 = arith.constant 0 : i32
      %dma_wait3A_66 = tpu.memref_slice %arg4[%multiple_of3A_10, %dma_wait3A_65] : memref<320x512xi32, #tpu.memory_space<hbm>> -> memref<20x512xi32, #tpu.memory_space<hbm>>
      tpu.wait_dma2 semaphore(%run_scoped3A : memref<!tpu.dma_semaphore, #tpu.memory_space<semaphore_mem>>) src(%dma_wait3A_66 : memref<20x512xi32, #tpu.memory_space<hbm>>) dst(%arg8 : memref<20x512xi32, #tpu.memory_space<vmem>>)
      tpu.yield
    }) : () -> ()
    "tpu.region"() ({
      %run_scoped3A = tpu.sem_alloc : memref<!tpu.dma_semaphore, #tpu.memory_space<semaphore_mem>>
      %dma_start3A = arith.constant 0 : i32
      %dma_start3A_60 = tpu.memref_slice %arg5[%multiple_of3A_10, %dma_start3A] : memref<320x512xi32, #tpu.memory_space<hbm>> -> memref<20x512xi32, #tpu.memory_space<hbm>>
      %dma_start3A_61 = arith.constant 0 : i32
      %dma_start3A_62 = tpu.memref_slice %arg5[%multiple_of3A_10, %dma_start3A_61] : memref<320x512xi32, #tpu.memory_space<hbm>> -> memref<20x512xi32, #tpu.memory_space<hbm>>
      tpu.enqueue_dma source(%dma_start3A_62 : memref<20x512xi32, #tpu.memory_space<hbm>>) target(%arg9 : memref<20x512xi32, #tpu.memory_space<vmem>>) target_semaphore(%run_scoped3A : memref<!tpu.dma_semaphore, #tpu.memory_space<semaphore_mem>>)
      %dma_wait3A_63 = arith.constant 0 : i32
      %dma_wait3A_64 = tpu.memref_slice %arg5[%multiple_of3A_10, %dma_wait3A_63] : memref<320x512xi32, #tpu.memory_space<hbm>> -> memref<20x512xi32, #tpu.memory_space<hbm>>
      %dma_wait3A_65 = arith.constant 0 : i32
      %dma_wait3A_66 = tpu.memref_slice %arg5[%multiple_of3A_10, %dma_wait3A_65] : memref<320x512xi32, #tpu.memory_space<hbm>> -> memref<20x512xi32, #tpu.memory_space<hbm>>
      tpu.wait_dma2 semaphore(%run_scoped3A : memref<!tpu.dma_semaphore, #tpu.memory_space<semaphore_mem>>) src(%dma_wait3A_66 : memref<20x512xi32, #tpu.memory_space<hbm>>) dst(%arg9 : memref<20x512xi32, #tpu.memory_space<vmem>>)
      tpu.yield
    }) : () -> ()
    %barrier3A = arith.constant 0 : index
    tpu.barrier barrier_id(%barrier3A)
    %eq3A_11 = arith.constant 0 : i32
    %eq3A_12 = arith.cmpi eq, %arg0, %eq3A_11 : i32
    %convert_element_type3A_13 = arith.extui %eq3A_12 : i1 to i32
    %cond3A_14 = arith.constant 0 : i32
    %cond3A_15 = arith.cmpi ne, %convert_element_type3A_13, %cond3A_14 : i32
    scf.if %cond3A_15 {
      %dma_start3A = arith.constant 0 : i32
      %dma_start3A_60 = arith.constant 0 : i32
      %dma_start3A_61 = tpu.memref_slice %arg8[%dma_start3A, %dma_start3A_60] : memref<20x512xi32, #tpu.memory_space<vmem>> -> memref<1x512xi32, #tpu.memory_space<vmem>>
      %dma_start3A_62 = tpu.memref_squeeze %dma_start3A_61 : memref<1x512xi32, #tpu.memory_space<vmem>> -> memref<512xi32, #tpu.memory_space<vmem>>
      %dma_start3A_63 = arith.constant 0 : i32
      %dma_start3A_64 = arith.constant 0 : i32
      %dma_start3A_65 = tpu.memref_slice %arg2[%dma_start3A_63, %dma_start3A_64] : memref<10240x64xf32, #tpu.memory_space<hbm>> -> memref<10240x64xf32, #tpu.memory_space<hbm>>
      tpu.enqueue_indirect_dma source(%dma_start3A_65 : memref<10240x64xf32, #tpu.memory_space<hbm>>) target(%arg10 : memref<512x64xf32, #tpu.memory_space<vmem>>) offsets(%dma_start3A_62 : memref<512xi32, #tpu.memory_space<vmem>>) semaphore(%arg13 : memref<!tpu.dma_semaphore, #tpu.memory_space<semaphore_mem>>)
    } else {
    }
    %eq3A_16 = arith.constant 1 : i32
    %eq3A_17 = arith.cmpi eq, %arg0, %eq3A_16 : i32
    %convert_element_type3A_18 = arith.extui %eq3A_17 : i1 to i32
    %cond3A_19 = arith.constant 0 : i32
    %cond3A_20 = arith.cmpi ne, %convert_element_type3A_18, %cond3A_19 : i32
    scf.if %cond3A_20 {
      %dma_start3A = arith.constant 0 : i32
      %dma_start3A_60 = arith.constant 0 : i32
      %dma_start3A_61 = tpu.memref_slice %arg8[%dma_start3A, %dma_start3A_60] : memref<20x512xi32, #tpu.memory_space<vmem>> -> memref<1x512xi32, #tpu.memory_space<vmem>>
      %dma_start3A_62 = tpu.memref_squeeze %dma_start3A_61 : memref<1x512xi32, #tpu.memory_space<vmem>> -> memref<512xi32, #tpu.memory_space<vmem>>
      %dma_start3A_63 = arith.constant 0 : i32
      %dma_start3A_64 = arith.constant 0 : i32
      %dma_start3A_65 = tpu.memref_slice %arg3[%dma_start3A_63, %dma_start3A_64] : memref<10240x64xf32, #tpu.memory_space<hbm>> -> memref<10240x64xf32, #tpu.memory_space<hbm>>
      tpu.enqueue_indirect_dma source(%dma_start3A_65 : memref<10240x64xf32, #tpu.memory_space<hbm>>) target(%arg10 : memref<512x64xf32, #tpu.memory_space<vmem>>) offsets(%dma_start3A_62 : memref<512xi32, #tpu.memory_space<vmem>>) semaphore(%arg13 : memref<!tpu.dma_semaphore, #tpu.memory_space<semaphore_mem>>)
    } else {
    }
    %eq3A_21 = arith.constant 0 : i32
    %eq3A_22 = arith.cmpi eq, %arg0, %eq3A_21 : i32
    %convert_element_type3A_23 = arith.extui %eq3A_22 : i1 to i32
    %cond3A_24 = arith.constant 0 : i32
    %cond3A_25 = arith.cmpi ne, %convert_element_type3A_23, %cond3A_24 : i32
    scf.if %cond3A_25 {
      %dma_start3A = arith.constant 1 : i32
      %dma_start3A_60 = arith.constant 0 : i32
      %dma_start3A_61 = tpu.memref_slice %arg8[%dma_start3A, %dma_start3A_60] : memref<20x512xi32, #tpu.memory_space<vmem>> -> memref<1x512xi32, #tpu.memory_space<vmem>>
      %dma_start3A_62 = tpu.memref_squeeze %dma_start3A_61 : memref<1x512xi32, #tpu.memory_space<vmem>> -> memref<512xi32, #tpu.memory_space<vmem>>
      %dma_start3A_63 = arith.constant 0 : i32
      %dma_start3A_64 = arith.constant 0 : i32
      %dma_start3A_65 = tpu.memref_slice %arg2[%dma_start3A_63, %dma_start3A_64] : memref<10240x64xf32, #tpu.memory_space<hbm>> -> memref<10240x64xf32, #tpu.memory_space<hbm>>
      tpu.enqueue_indirect_dma source(%dma_start3A_65 : memref<10240x64xf32, #tpu.memory_space<hbm>>) target(%arg11 : memref<512x64xf32, #tpu.memory_space<vmem>>) offsets(%dma_start3A_62 : memref<512xi32, #tpu.memory_space<vmem>>) semaphore(%arg14 : memref<!tpu.dma_semaphore, #tpu.memory_space<semaphore_mem>>)
    } else {
    }
    %eq3A_26 = arith.constant 1 : i32
    %eq3A_27 = arith.cmpi eq, %arg0, %eq3A_26 : i32
    %convert_element_type3A_28 = arith.extui %eq3A_27 : i1 to i32
    %cond3A_29 = arith.constant 0 : i32
    %cond3A_30 = arith.cmpi ne, %convert_element_type3A_28, %cond3A_29 : i32
    scf.if %cond3A_30 {
      %dma_start3A = arith.constant 1 : i32
      %dma_start3A_60 = arith.constant 0 : i32
      %dma_start3A_61 = tpu.memref_slice %arg8[%dma_start3A, %dma_start3A_60] : memref<20x512xi32, #tpu.memory_space<vmem>> -> memref<1x512xi32, #tpu.memory_space<vmem>>
      %dma_start3A_62 = tpu.memref_squeeze %dma_start3A_61 : memref<1x512xi32, #tpu.memory_space<vmem>> -> memref<512xi32, #tpu.memory_space<vmem>>
      %dma_start3A_63 = arith.constant 0 : i32
      %dma_start3A_64 = arith.constant 0 : i32
      %dma_start3A_65 = tpu.memref_slice %arg3[%dma_start3A_63, %dma_start3A_64] : memref<10240x64xf32, #tpu.memory_space<hbm>> -> memref<10240x64xf32, #tpu.memory_space<hbm>>
      tpu.enqueue_indirect_dma source(%dma_start3A_65 : memref<10240x64xf32, #tpu.memory_space<hbm>>) target(%arg11 : memref<512x64xf32, #tpu.memory_space<vmem>>) offsets(%dma_start3A_62 : memref<512xi32, #tpu.memory_space<vmem>>) semaphore(%arg14 : memref<!tpu.dma_semaphore, #tpu.memory_space<semaphore_mem>>)
    } else {
    }
    %scan3A = arith.constant 0 : i32
    %scan3A_31 = arith.constant 0 : i32
    %scan3A_32 = arith.constant 10 : i32
    %scan3A_33 = arith.addi %scan3A_31, %scan3A_32 : i32
    %scan3A_34 = arith.constant 1 : i32
    scf.for %scan3A_60 = %scan3A_31 to %scan3A_33 step %scan3A_34  : i32 {
      %mul3A_61 = arith.constant 2 : i32
      %mul3A_62 = arith.muli %mul3A_61, %scan3A_60 : i32
      %add3A = arith.constant 1 : i32
      %add3A_63 = arith.addi %mul3A_62, %add3A : i32
      %dma_wait3A_64 = arith.constant 0 : i32
      %dma_wait3A_65 = tpu.memref_slice %arg8[%mul3A_62, %dma_wait3A_64] : memref<20x512xi32, #tpu.memory_space<vmem>> -> memref<1x512xi32, #tpu.memory_space<vmem>>
      %dma_wait3A_66 = tpu.memref_squeeze %dma_wait3A_65 : memref<1x512xi32, #tpu.memory_space<vmem>> -> memref<512xi32, #tpu.memory_space<vmem>>
      %dma_wait3A_67 = arith.constant 0 : i32
      %dma_wait3A_68 = arith.constant 0 : i32
      %dma_wait3A_69 = tpu.memref_slice %arg2[%dma_wait3A_67, %dma_wait3A_68] : memref<10240x64xf32, #tpu.memory_space<hbm>> -> memref<10240x64xf32, #tpu.memory_space<hbm>>
      tpu.wait_indirect_dma semaphore(%arg13 : memref<!tpu.dma_semaphore, #tpu.memory_space<semaphore_mem>>) src(%dma_wait3A_69 : memref<10240x64xf32, #tpu.memory_space<hbm>>) dst(%arg10 : memref<512x64xf32, #tpu.memory_space<vmem>>)
      %dma_start3A = arith.constant 0 : i32
      %dma_start3A_70 = tpu.memref_slice %arg9[%mul3A_62, %dma_start3A] : memref<20x512xi32, #tpu.memory_space<vmem>> -> memref<1x512xi32, #tpu.memory_space<vmem>>
      %dma_start3A_71 = tpu.memref_squeeze %dma_start3A_70 : memref<1x512xi32, #tpu.memory_space<vmem>> -> memref<512xi32, #tpu.memory_space<vmem>>
      %dma_start3A_72 = arith.constant 0 : i32
      %dma_start3A_73 = arith.constant 0 : i32
      %dma_start3A_74 = tpu.memref_slice %arg12[%dma_start3A_72, %dma_start3A_73] : memref<10240x64xf32, #tpu.memory_space<vmem_shared>> -> memref<10240x64xf32, #tpu.memory_space<vmem_shared>>
      tpu.enqueue_indirect_dma source(%arg10 : memref<512x64xf32, #tpu.memory_space<vmem>>) target(%dma_start3A_74 : memref<10240x64xf32, #tpu.memory_space<vmem_shared>>) offsets(%dma_start3A_71 : memref<512xi32, #tpu.memory_space<vmem>>) semaphore(%arg15 : memref<!tpu.dma_semaphore, #tpu.memory_space<semaphore_mem>>) {add = true}
      %dma_wait3A_75 = arith.constant 0 : i32
      %dma_wait3A_76 = tpu.memref_slice %arg8[%add3A_63, %dma_wait3A_75] : memref<20x512xi32, #tpu.memory_space<vmem>> -> memref<1x512xi32, #tpu.memory_space<vmem>>
      %dma_wait3A_77 = tpu.memref_squeeze %dma_wait3A_76 : memref<1x512xi32, #tpu.memory_space<vmem>> -> memref<512xi32, #tpu.memory_space<vmem>>
      %dma_wait3A_78 = arith.constant 0 : i32
      %dma_wait3A_79 = arith.constant 0 : i32
      %dma_wait3A_80 = tpu.memref_slice %arg2[%dma_wait3A_78, %dma_wait3A_79] : memref<10240x64xf32, #tpu.memory_space<hbm>> -> memref<10240x64xf32, #tpu.memory_space<hbm>>
      tpu.wait_indirect_dma semaphore(%arg14 : memref<!tpu.dma_semaphore, #tpu.memory_space<semaphore_mem>>) src(%dma_wait3A_80 : memref<10240x64xf32, #tpu.memory_space<hbm>>) dst(%arg11 : memref<512x64xf32, #tpu.memory_space<vmem>>)
      %dma_start3A_81 = arith.constant 0 : i32
      %dma_start3A_82 = tpu.memref_slice %arg9[%add3A_63, %dma_start3A_81] : memref<20x512xi32, #tpu.memory_space<vmem>> -> memref<1x512xi32, #tpu.memory_space<vmem>>
      %dma_start3A_83 = tpu.memref_squeeze %dma_start3A_82 : memref<1x512xi32, #tpu.memory_space<vmem>> -> memref<512xi32, #tpu.memory_space<vmem>>
      %dma_start3A_84 = arith.constant 0 : i32
      %dma_start3A_85 = arith.constant 0 : i32
      %dma_start3A_86 = tpu.memref_slice %arg12[%dma_start3A_84, %dma_start3A_85] : memref<10240x64xf32, #tpu.memory_space<vmem_shared>> -> memref<10240x64xf32, #tpu.memory_space<vmem_shared>>
      tpu.enqueue_indirect_dma source(%arg11 : memref<512x64xf32, #tpu.memory_space<vmem>>) target(%dma_start3A_86 : memref<10240x64xf32, #tpu.memory_space<vmem_shared>>) offsets(%dma_start3A_83 : memref<512xi32, #tpu.memory_space<vmem>>) semaphore(%arg16 : memref<!tpu.dma_semaphore, #tpu.memory_space<semaphore_mem>>) {add = true}
      %add3A_87 = arith.constant 2 : i32
      %add3A_88 = arith.addi %mul3A_62, %add3A_87 : i32
      %lt3A = arith.constant 20 : i32
      %lt3A_89 = arith.cmpi slt, %add3A_88, %lt3A : i32
      %convert_element_type3A_90 = arith.extui %lt3A_89 : i1 to i32
      %cond3A_91 = arith.constant 0 : i32
      %cond3A_92 = arith.cmpi ne, %convert_element_type3A_90, %cond3A_91 : i32
      scf.if %cond3A_92 {
        %dma_wait3A_93 = arith.constant 0 : i32
        %dma_wait3A_94 = tpu.memref_slice %arg9[%mul3A_62, %dma_wait3A_93] : memref<20x512xi32, #tpu.memory_space<vmem>> -> memref<1x512xi32, #tpu.memory_space<vmem>>
        %dma_wait3A_95 = tpu.memref_squeeze %dma_wait3A_94 : memref<1x512xi32, #tpu.memory_space<vmem>> -> memref<512xi32, #tpu.memory_space<vmem>>
        %dma_wait3A_96 = arith.constant 0 : i32
        %dma_wait3A_97 = arith.constant 0 : i32
        %dma_wait3A_98 = tpu.memref_slice %arg12[%dma_wait3A_96, %dma_wait3A_97] : memref<10240x64xf32, #tpu.memory_space<vmem_shared>> -> memref<10240x64xf32, #tpu.memory_space<vmem_shared>>
        tpu.wait_indirect_dma semaphore(%arg15 : memref<!tpu.dma_semaphore, #tpu.memory_space<semaphore_mem>>) src(%arg10 : memref<512x64xf32, #tpu.memory_space<vmem>>) dst(%dma_wait3A_98 : memref<10240x64xf32, #tpu.memory_space<vmem_shared>>)
        %add3A_99 = arith.constant 2 : i32
        %add3A_100 = arith.addi %mul3A_62, %add3A_99 : i32
        %eq3A_101 = arith.constant 0 : i32
        %eq3A_102 = arith.cmpi eq, %arg0, %eq3A_101 : i32
        %convert_element_type3A_103 = arith.extui %eq3A_102 : i1 to i32
        %cond3A_104 = arith.constant 0 : i32
        %cond3A_105 = arith.cmpi ne, %convert_element_type3A_103, %cond3A_104 : i32
        scf.if %cond3A_105 {
          %dma_start3A_129 = arith.constant 0 : i32
          %dma_start3A_130 = tpu.memref_slice %arg8[%add3A_100, %dma_start3A_129] : memref<20x512xi32, #tpu.memory_space<vmem>> -> memref<1x512xi32, #tpu.memory_space<vmem>>
          %dma_start3A_131 = tpu.memref_squeeze %dma_start3A_130 : memref<1x512xi32, #tpu.memory_space<vmem>> -> memref<512xi32, #tpu.memory_space<vmem>>
          %dma_start3A_132 = arith.constant 0 : i32
          %dma_start3A_133 = arith.constant 0 : i32
          %dma_start3A_134 = tpu.memref_slice %arg2[%dma_start3A_132, %dma_start3A_133] : memref<10240x64xf32, #tpu.memory_space<hbm>> -> memref<10240x64xf32, #tpu.memory_space<hbm>>
          tpu.enqueue_indirect_dma source(%dma_start3A_134 : memref<10240x64xf32, #tpu.memory_space<hbm>>) target(%arg10 : memref<512x64xf32, #tpu.memory_space<vmem>>) offsets(%dma_start3A_131 : memref<512xi32, #tpu.memory_space<vmem>>) semaphore(%arg13 : memref<!tpu.dma_semaphore, #tpu.memory_space<semaphore_mem>>)
        } else {
        }
        %eq3A_106 = arith.constant 1 : i32
        %eq3A_107 = arith.cmpi eq, %arg0, %eq3A_106 : i32
        %convert_element_type3A_108 = arith.extui %eq3A_107 : i1 to i32
        %cond3A_109 = arith.constant 0 : i32
        %cond3A_110 = arith.cmpi ne, %convert_element_type3A_108, %cond3A_109 : i32
        scf.if %cond3A_110 {
          %dma_start3A_129 = arith.constant 0 : i32
          %dma_start3A_130 = tpu.memref_slice %arg8[%add3A_100, %dma_start3A_129] : memref<20x512xi32, #tpu.memory_space<vmem>> -> memref<1x512xi32, #tpu.memory_space<vmem>>
          %dma_start3A_131 = tpu.memref_squeeze %dma_start3A_130 : memref<1x512xi32, #tpu.memory_space<vmem>> -> memref<512xi32, #tpu.memory_space<vmem>>
          %dma_start3A_132 = arith.constant 0 : i32
          %dma_start3A_133 = arith.constant 0 : i32
          %dma_start3A_134 = tpu.memref_slice %arg3[%dma_start3A_132, %dma_start3A_133] : memref<10240x64xf32, #tpu.memory_space<hbm>> -> memref<10240x64xf32, #tpu.memory_space<hbm>>
          tpu.enqueue_indirect_dma source(%dma_start3A_134 : memref<10240x64xf32, #tpu.memory_space<hbm>>) target(%arg10 : memref<512x64xf32, #tpu.memory_space<vmem>>) offsets(%dma_start3A_131 : memref<512xi32, #tpu.memory_space<vmem>>) semaphore(%arg13 : memref<!tpu.dma_semaphore, #tpu.memory_space<semaphore_mem>>)
        } else {
        }
        %dma_wait3A_111 = arith.constant 0 : i32
        %dma_wait3A_112 = tpu.memref_slice %arg9[%add3A_63, %dma_wait3A_111] : memref<20x512xi32, #tpu.memory_space<vmem>> -> memref<1x512xi32, #tpu.memory_space<vmem>>
        %dma_wait3A_113 = tpu.memref_squeeze %dma_wait3A_112 : memref<1x512xi32, #tpu.memory_space<vmem>> -> memref<512xi32, #tpu.memory_space<vmem>>
        %dma_wait3A_114 = arith.constant 0 : i32
        %dma_wait3A_115 = arith.constant 0 : i32
        %dma_wait3A_116 = tpu.memref_slice %arg12[%dma_wait3A_114, %dma_wait3A_115] : memref<10240x64xf32, #tpu.memory_space<vmem_shared>> -> memref<10240x64xf32, #tpu.memory_space<vmem_shared>>
        tpu.wait_indirect_dma semaphore(%arg16 : memref<!tpu.dma_semaphore, #tpu.memory_space<semaphore_mem>>) src(%arg11 : memref<512x64xf32, #tpu.memory_space<vmem>>) dst(%dma_wait3A_116 : memref<10240x64xf32, #tpu.memory_space<vmem_shared>>)
        %add3A_117 = arith.constant 2 : i32
        %add3A_118 = arith.addi %add3A_63, %add3A_117 : i32
        %eq3A_119 = arith.constant 0 : i32
        %eq3A_120 = arith.cmpi eq, %arg0, %eq3A_119 : i32
        %convert_element_type3A_121 = arith.extui %eq3A_120 : i1 to i32
        %cond3A_122 = arith.constant 0 : i32
        %cond3A_123 = arith.cmpi ne, %convert_element_type3A_121, %cond3A_122 : i32
        scf.if %cond3A_123 {
          %dma_start3A_129 = arith.constant 0 : i32
          %dma_start3A_130 = tpu.memref_slice %arg8[%add3A_118, %dma_start3A_129] : memref<20x512xi32, #tpu.memory_space<vmem>> -> memref<1x512xi32, #tpu.memory_space<vmem>>
          %dma_start3A_131 = tpu.memref_squeeze %dma_start3A_130 : memref<1x512xi32, #tpu.memory_space<vmem>> -> memref<512xi32, #tpu.memory_space<vmem>>
          %dma_start3A_132 = arith.constant 0 : i32
          %dma_start3A_133 = arith.constant 0 : i32
          %dma_start3A_134 = tpu.memref_slice %arg2[%dma_start3A_132, %dma_start3A_133] : memref<10240x64xf32, #tpu.memory_space<hbm>> -> memref<10240x64xf32, #tpu.memory_space<hbm>>
          tpu.enqueue_indirect_dma source(%dma_start3A_134 : memref<10240x64xf32, #tpu.memory_space<hbm>>) target(%arg11 : memref<512x64xf32, #tpu.memory_space<vmem>>) offsets(%dma_start3A_131 : memref<512xi32, #tpu.memory_space<vmem>>) semaphore(%arg14 : memref<!tpu.dma_semaphore, #tpu.memory_space<semaphore_mem>>)
        } else {
        }
        %eq3A_124 = arith.constant 1 : i32
        %eq3A_125 = arith.cmpi eq, %arg0, %eq3A_124 : i32
        %convert_element_type3A_126 = arith.extui %eq3A_125 : i1 to i32
        %cond3A_127 = arith.constant 0 : i32
        %cond3A_128 = arith.cmpi ne, %convert_element_type3A_126, %cond3A_127 : i32
        scf.if %cond3A_128 {
          %dma_start3A_129 = arith.constant 0 : i32
          %dma_start3A_130 = tpu.memref_slice %arg8[%add3A_118, %dma_start3A_129] : memref<20x512xi32, #tpu.memory_space<vmem>> -> memref<1x512xi32, #tpu.memory_space<vmem>>
          %dma_start3A_131 = tpu.memref_squeeze %dma_start3A_130 : memref<1x512xi32, #tpu.memory_space<vmem>> -> memref<512xi32, #tpu.memory_space<vmem>>
          %dma_start3A_132 = arith.constant 0 : i32
          %dma_start3A_133 = arith.constant 0 : i32
          %dma_start3A_134 = tpu.memref_slice %arg3[%dma_start3A_132, %dma_start3A_133] : memref<10240x64xf32, #tpu.memory_space<hbm>> -> memref<10240x64xf32, #tpu.memory_space<hbm>>
          tpu.enqueue_indirect_dma source(%dma_start3A_134 : memref<10240x64xf32, #tpu.memory_space<hbm>>) target(%arg11 : memref<512x64xf32, #tpu.memory_space<vmem>>) offsets(%dma_start3A_131 : memref<512xi32, #tpu.memory_space<vmem>>) semaphore(%arg14 : memref<!tpu.dma_semaphore, #tpu.memory_space<semaphore_mem>>)
        } else {
        }
      } else {
      }
    }
    %scan3A_35 = arith.constant 10 : i32
    %dma_wait3A = arith.constant 18 : i32
    %dma_wait3A_36 = arith.constant 0 : i32
    %dma_wait3A_37 = tpu.memref_slice %arg9[%dma_wait3A, %dma_wait3A_36] : memref<20x512xi32, #tpu.memory_space<vmem>> -> memref<1x512xi32, #tpu.memory_space<vmem>>
    %dma_wait3A_38 = tpu.memref_squeeze %dma_wait3A_37 : memref<1x512xi32, #tpu.memory_space<vmem>> -> memref<512xi32, #tpu.memory_space<vmem>>
    %dma_wait3A_39 = arith.constant 0 : i32
    %dma_wait3A_40 = arith.constant 0 : i32
    %dma_wait3A_41 = tpu.memref_slice %arg12[%dma_wait3A_39, %dma_wait3A_40] : memref<10240x64xf32, #tpu.memory_space<vmem_shared>> -> memref<10240x64xf32, #tpu.memory_space<vmem_shared>>
    tpu.wait_indirect_dma semaphore(%arg15 : memref<!tpu.dma_semaphore, #tpu.memory_space<semaphore_mem>>) src(%arg10 : memref<512x64xf32, #tpu.memory_space<vmem>>) dst(%dma_wait3A_41 : memref<10240x64xf32, #tpu.memory_space<vmem_shared>>)
    %dma_wait3A_42 = arith.constant 19 : i32
    %dma_wait3A_43 = arith.constant 0 : i32
    %dma_wait3A_44 = tpu.memref_slice %arg9[%dma_wait3A_42, %dma_wait3A_43] : memref<20x512xi32, #tpu.memory_space<vmem>> -> memref<1x512xi32, #tpu.memory_space<vmem>>
    %dma_wait3A_45 = tpu.memref_squeeze %dma_wait3A_44 : memref<1x512xi32, #tpu.memory_space<vmem>> -> memref<512xi32, #tpu.memory_space<vmem>>
    %dma_wait3A_46 = arith.constant 0 : i32
    %dma_wait3A_47 = arith.constant 0 : i32
    %dma_wait3A_48 = tpu.memref_slice %arg12[%dma_wait3A_46, %dma_wait3A_47] : memref<10240x64xf32, #tpu.memory_space<vmem_shared>> -> memref<10240x64xf32, #tpu.memory_space<vmem_shared>>
    tpu.wait_indirect_dma semaphore(%arg16 : memref<!tpu.dma_semaphore, #tpu.memory_space<semaphore_mem>>) src(%arg11 : memref<512x64xf32, #tpu.memory_space<vmem>>) dst(%dma_wait3A_48 : memref<10240x64xf32, #tpu.memory_space<vmem_shared>>)
    %barrier3A_49 = arith.constant 0 : index
    tpu.barrier barrier_id(%barrier3A_49)
    %eq3A_50 = arith.constant 0 : i32
    %eq3A_51 = arith.cmpi eq, %arg0, %eq3A_50 : i32
    %convert_element_type3A_52 = arith.extui %eq3A_51 : i1 to i32
    %cond3A_53 = arith.constant 0 : i32
    %cond3A_54 = arith.cmpi ne, %convert_element_type3A_52, %cond3A_53 : i32
    scf.if %cond3A_54 {
      "tpu.region"() ({
        %run_scoped3A = tpu.sem_alloc : memref<!tpu.dma_semaphore, #tpu.memory_space<semaphore_mem>>
        %dma_start3A = arith.constant 0 : i32
        %dma_start3A_60 = tpu.memref_slice %arg6[%multiple_of3A, %dma_start3A] : memref<10240x64xf32, #tpu.memory_space<hbm>> -> memref<640x64xf32, #tpu.memory_space<hbm>>
        %dma_start3A_61 = arith.constant 0 : i32
        %dma_start3A_62 = tpu.memref_slice %arg12[%multiple_of3A, %dma_start3A_61] : memref<10240x64xf32, #tpu.memory_space<vmem_shared>> -> memref<640x64xf32, #tpu.memory_space<vmem_shared>>
        tpu.enqueue_dma source(%dma_start3A_62 : memref<640x64xf32, #tpu.memory_space<vmem_shared>>) target(%dma_start3A_60 : memref<640x64xf32, #tpu.memory_space<hbm>>) target_semaphore(%run_scoped3A : memref<!tpu.dma_semaphore, #tpu.memory_space<semaphore_mem>>)
        %dma_wait3A_63 = arith.constant 0 : i32
        %dma_wait3A_64 = tpu.memref_slice %arg6[%multiple_of3A, %dma_wait3A_63] : memref<10240x64xf32, #tpu.memory_space<hbm>> -> memref<640x64xf32, #tpu.memory_space<hbm>>
        %dma_wait3A_65 = arith.constant 0 : i32
        %dma_wait3A_66 = tpu.memref_slice %arg12[%multiple_of3A, %dma_wait3A_65] : memref<10240x64xf32, #tpu.memory_space<vmem_shared>> -> memref<640x64xf32, #tpu.memory_space<vmem_shared>>
        tpu.wait_dma2 semaphore(%run_scoped3A : memref<!tpu.dma_semaphore, #tpu.memory_space<semaphore_mem>>) src(%dma_wait3A_66 : memref<640x64xf32, #tpu.memory_space<vmem_shared>>) dst(%dma_wait3A_64 : memref<640x64xf32, #tpu.memory_space<hbm>>)
        tpu.yield
      }) : () -> ()
    } else {
    }
    %eq3A_55 = arith.constant 1 : i32
    %eq3A_56 = arith.cmpi eq, %arg0, %eq3A_55 : i32
    %convert_element_type3A_57 = arith.extui %eq3A_56 : i1 to i32
    %cond3A_58 = arith.constant 0 : i32
    %cond3A_59 = arith.cmpi ne, %convert_element_type3A_57, %cond3A_58 : i32
    scf.if %cond3A_59 {
      "tpu.region"() ({
        %run_scoped3A = tpu.sem_alloc : memref<!tpu.dma_semaphore, #tpu.memory_space<semaphore_mem>>
        %dma_start3A = arith.constant 0 : i32
        %dma_start3A_60 = tpu.memref_slice %arg7[%multiple_of3A, %dma_start3A] : memref<10240x64xf32, #tpu.memory_space<hbm>> -> memref<640x64xf32, #tpu.memory_space<hbm>>
        %dma_start3A_61 = arith.constant 0 : i32
        %dma_start3A_62 = tpu.memref_slice %arg12[%multiple_of3A, %dma_start3A_61] : memref<10240x64xf32, #tpu.memory_space<vmem_shared>> -> memref<640x64xf32, #tpu.memory_space<vmem_shared>>
        tpu.enqueue_dma source(%dma_start3A_62 : memref<640x64xf32, #tpu.memory_space<vmem_shared>>) target(%dma_start3A_60 : memref<640x64xf32, #tpu.memory_space<hbm>>) target_semaphore(%run_scoped3A : memref<!tpu.dma_semaphore, #tpu.memory_space<semaphore_mem>>)
        %dma_wait3A_63 = arith.constant 0 : i32
        %dma_wait3A_64 = tpu.memref_slice %arg7[%multiple_of3A, %dma_wait3A_63] : memref<10240x64xf32, #tpu.memory_space<hbm>> -> memref<640x64xf32, #tpu.memory_space<hbm>>
        %dma_wait3A_65 = arith.constant 0 : i32
        %dma_wait3A_66 = tpu.memref_slice %arg12[%multiple_of3A, %dma_wait3A_65] : memref<10240x64xf32, #tpu.memory_space<vmem_shared>> -> memref<640x64xf32, #tpu.memory_space<vmem_shared>>
        tpu.wait_dma2 semaphore(%run_scoped3A : memref<!tpu.dma_semaphore, #tpu.memory_space<semaphore_mem>>) src(%dma_wait3A_66 : memref<640x64xf32, #tpu.memory_space<vmem_shared>>) dst(%dma_wait3A_64 : memref<640x64xf32, #tpu.memory_space<hbm>>)
        tpu.yield
      }) : () -> ()
    } else {
    }
    return
  }
}

module attributes {stable_mosaic.version = 14 : i64} {
  func.func @body(%arg0: i32, %arg1: memref<1x512x16xf32, #tpu.memory_space<vmem>>, %arg2: memref<1x512x16xf32, #tpu.memory_space<vmem>>, %arg3: memref<512x512xf32, #tpu.memory_space<vmem>>, %arg4: memref<512x128xf32, #tpu.memory_space<vmem>>, %arg5: memref<512x512xf32, #tpu.memory_space<vmem>>, %arg6: memref<512x128xf32, #tpu.memory_space<vmem>>, %arg7: memref<512x128xf32, #tpu.memory_space<vmem>>, %arg8: memref<512x128xf32, #tpu.memory_space<vmem>>, %arg9: memref<512x1xf32, #tpu.memory_space<vmem>>) attributes {dimension_semantics = [#tpu.dimension_semantics<arbitrary>], iteration_bounds = array<i64: 20>, scalar_prefetch = 0 : i64, scratch_operands = 0 : i64, tpu.core_type = #tpu.core_type<tc>, window_params = [{transform_indices = @transform_0, window_bounds = array<i64: 1, 512, 16>}, {transform_indices = @transform_1, window_bounds = array<i64: 1, 512, 16>}, {transform_indices = @transform_2, window_bounds = array<i64: 512, 512>}, {pipeline_mode = #tpu.pipeline_mode<synchronous>, transform_indices = @transform_3, window_bounds = array<i64: 512, 128>}, {transform_indices = @transform_4, window_bounds = array<i64: 512, 512>}, {pipeline_mode = #tpu.pipeline_mode<synchronous>, transform_indices = @transform_5, window_bounds = array<i64: 512, 128>}, {transform_indices = @transform_6, window_bounds = array<i64: 512, 128>}, {transform_indices = @transform_7, window_bounds = array<i64: 512, 128>}, {transform_indices = @transform_8, window_bounds = array<i64: 512, 1>}]} {
    %get3A = arith.constant 0 : index
    %get3A_0 = arith.constant 0 : index
    %get3A_1 = arith.constant 0 : index
    %get3A_2 = vector.load %arg1[%get3A, %get3A_0, %get3A_1] : memref<1x512x16xf32, #tpu.memory_space<vmem>>, vector<1x512x1xf32>
    %get3A_3 = vector.shape_cast %get3A_2 : vector<1x512x1xf32> to vector<512x1xf32>
    %get3A_4 = arith.constant 0 : index
    %get3A_5 = arith.constant 0 : index
    %get3A_6 = arith.constant 0 : index
    %get3A_7 = vector.load %arg2[%get3A_4, %get3A_5, %get3A_6] : memref<1x512x16xf32, #tpu.memory_space<vmem>>, vector<1x512x1xf32>
    %get3A_8 = vector.shape_cast %get3A_7 : vector<1x512x1xf32> to vector<512x1xf32>
    %add3A = arith.addf %get3A_3, %get3A_8 : vector<512x1xf32>
    %add3A_9 = arith.constant 1.000000e+00 : f32
    %add3A_10 = vector.broadcast %add3A_9 : f32 to vector<512x1xf32>
    %add3A_11 = arith.addf %add3A, %add3A_10 : vector<512x1xf32>
    %gt3A = arith.constant 0.000000e+00 : f32
    %gt3A_12 = vector.broadcast %gt3A : f32 to vector<512x1xf32>
    %gt3A_13 = arith.cmpf ogt, %add3A_11, %gt3A_12 : vector<512x1xf32>
    %sqrt3A = math.sqrt %add3A_11 : vector<512x1xf32>
    %div3A = arith.constant 1.000000e+00 : f32
    %div3A_14 = vector.broadcast %div3A : f32 to vector<512x1xf32>
    %div3A_15 = arith.divf %div3A_14, %sqrt3A : vector<512x1xf32>
    %jit3A = arith.constant 0.000000e+00 : f32
    %broadcast_in_dim3A = vector.broadcast %jit3A : f32 to vector<512x1xf32>
    %select_n3A = arith.select %gt3A_13, %div3A_15, %broadcast_in_dim3A : vector<512x1xi1>, vector<512x1xf32>
    %swap3A = arith.constant 0 : index
    %swap3A_16 = arith.constant 0 : index
    %swap3A_17 = vector.load %arg9[%swap3A, %swap3A_16] : memref<512x1xf32, #tpu.memory_space<vmem>>, vector<512x1xf32>
    tpu.vector_store %arg9[%swap3A, %swap3A_16], %select_n3A {strides = array<i32>} : memref<512x1xf32, #tpu.memory_space<vmem>>, vector<512x1xf32>,
    %get3A_18 = arith.constant 0 : index
    %get3A_19 = arith.constant 0 : index
    %get3A_20 = vector.load %arg3[%get3A_18, %get3A_19] : memref<512x512xf32, #tpu.memory_space<vmem>>, vector<512x512xf32>
    %get3A_21 = arith.constant 0 : index
    %get3A_22 = arith.constant 0 : index
    %get3A_23 = vector.load %arg4[%get3A_21, %get3A_22] : memref<512x128xf32, #tpu.memory_space<vmem>>, vector<512x128xf32>
    %dot_general3A = arith.constant dense<0.000000e+00> : vector<512x128xf32>
    %dot_general3A_24 = tpu.matmul %get3A_20, %get3A_23, %dot_general3A {dimension_numbers = #tpu.dot_dimension_numbers<[1], [0], [0], [1], [0, 0, 1, 1], [], []>, transpose_lhs_hint = false} : vector<512x512xf32>, vector<512x128xf32>, vector<512x128xf32> -> vector<512x128xf32>
    %mul3A = vector.broadcast %select_n3A : vector<512x1xf32> to vector<512x128xf32>
    %mul3A_25 = arith.mulf %dot_general3A_24, %mul3A : vector<512x128xf32>
    %swap3A_26 = arith.constant 0 : index
    %swap3A_27 = arith.constant 0 : index
    %swap3A_28 = vector.load %arg7[%swap3A_26, %swap3A_27] : memref<512x128xf32, #tpu.memory_space<vmem>>, vector<512x128xf32>
    tpu.vector_store %arg7[%swap3A_26, %swap3A_27], %mul3A_25 {strides = array<i32>} : memref<512x128xf32, #tpu.memory_space<vmem>>, vector<512x128xf32>,
    %get3A_29 = arith.constant 0 : index
    %get3A_30 = arith.constant 0 : index
    %get3A_31 = vector.load %arg5[%get3A_29, %get3A_30] : memref<512x512xf32, #tpu.memory_space<vmem>>, vector<512x512xf32>
    %get3A_32 = arith.constant 0 : index
    %get3A_33 = arith.constant 0 : index
    %get3A_34 = vector.load %arg6[%get3A_32, %get3A_33] : memref<512x128xf32, #tpu.memory_space<vmem>>, vector<512x128xf32>
    %dot_general3A_35 = arith.constant dense<0.000000e+00> : vector<512x128xf32>
    %dot_general3A_36 = tpu.matmul %get3A_31, %get3A_34, %dot_general3A_35 {dimension_numbers = #tpu.dot_dimension_numbers<[1], [0], [0], [1], [0, 0, 1, 1], [], []>, transpose_lhs_hint = false} : vector<512x512xf32>, vector<512x128xf32>, vector<512x128xf32> -> vector<512x128xf32>
    %mul3A_37 = vector.broadcast %select_n3A : vector<512x1xf32> to vector<512x128xf32>
    %mul3A_38 = arith.mulf %dot_general3A_36, %mul3A_37 : vector<512x128xf32>
    %swap3A_39 = arith.constant 0 : index
    %swap3A_40 = arith.constant 0 : index
    %swap3A_41 = vector.load %arg8[%swap3A_39, %swap3A_40] : memref<512x128xf32, #tpu.memory_space<vmem>>, vector<512x128xf32>
    tpu.vector_store %arg8[%swap3A_39, %swap3A_40], %mul3A_38 {strides = array<i32>} : memref<512x128xf32, #tpu.memory_space<vmem>>, vector<512x128xf32>,
    return
  }
  func.func @transform_0(%arg0: i32) -> (i32, i32, i32) {
    %c0_i32 = arith.constant 0 : i32
    %c0_i32_0 = arith.constant 0 : i32
    %c0_i32_1 = arith.constant 0 : i32
    return %c0_i32, %arg0, %c0_i32_0 : i32, i32, i32
  }
  func.func @transform_1(%arg0: i32) -> (i32, i32, i32) {
    %c1_i32 = arith.constant 1 : i32
    %c0_i32 = arith.constant 0 : i32
    %c0_i32_0 = arith.constant 0 : i32
    return %c1_i32, %arg0, %c0_i32 : i32, i32, i32
  }
  func.func @transform_2(%arg0: i32) -> (i32, i32) {
    %c0_i32 = arith.constant 0 : i32
    %c0_i32_0 = arith.constant 0 : i32
    return %arg0, %c0_i32 : i32, i32
  }
  func.func @transform_3(%arg0: i32) -> (i32, i32) {
    %c0_i32 = arith.constant 0 : i32
    %c0_i32_0 = arith.constant 0 : i32
    %c0_i32_1 = arith.constant 0 : i32
    return %c0_i32, %c0_i32_0 : i32, i32
  }
  func.func @transform_4(%arg0: i32) -> (i32, i32) {
    %c0_i32 = arith.constant 0 : i32
    %c0_i32_0 = arith.constant 0 : i32
    return %arg0, %c0_i32 : i32, i32
  }
  func.func @transform_5(%arg0: i32) -> (i32, i32) {
    %c0_i32 = arith.constant 0 : i32
    %c0_i32_0 = arith.constant 0 : i32
    %c0_i32_1 = arith.constant 0 : i32
    return %c0_i32, %c0_i32_0 : i32, i32
  }
  func.func @transform_6(%arg0: i32) -> (i32, i32) {
    %c0_i32 = arith.constant 0 : i32
    %c0_i32_0 = arith.constant 0 : i32
    return %arg0, %c0_i32 : i32, i32
  }
  func.func @transform_7(%arg0: i32) -> (i32, i32) {
    %c0_i32 = arith.constant 0 : i32
    %c0_i32_0 = arith.constant 0 : i32
    return %arg0, %c0_i32 : i32, i32
  }
  func.func @transform_8(%arg0: i32) -> (i32, i32) {
    %c0_i32 = arith.constant 0 : i32
    %c0_i32_0 = arith.constant 0 : i32
    return %arg0, %c0_i32 : i32, i32
  }
}

module attributes {stable_mosaic.version = 14 : i64} {
  func.func @body(%arg0: i32, %arg1: memref<512x128xf32, #tpu.memory_space<vmem>>, %arg2: memref<512x128xf32, #tpu.memory_space<vmem>>, %arg3: memref<512x1xf32, #tpu.memory_space<vmem>>, %arg4: memref<1x128xf32, #tpu.memory_space<vmem>>, %arg5: memref<1x128xf32, #tpu.memory_space<vmem>>, %arg6: memref<128x64xf32, #tpu.memory_space<vmem>>, %arg7: memref<128x64xf32, #tpu.memory_space<vmem>>, %arg8: memref<512x64xf32, #tpu.memory_space<vmem>>, %arg9: memref<512x64xf32, #tpu.memory_space<vmem>>) attributes {dimension_semantics = [#tpu.dimension_semantics<arbitrary>], iteration_bounds = array<i64: 20>, scalar_prefetch = 0 : i64, scratch_operands = 0 : i64, tpu.core_type = #tpu.core_type<tc>, window_params = [{transform_indices = @transform_0, window_bounds = array<i64: 512, 128>}, {transform_indices = @transform_1, window_bounds = array<i64: 512, 128>}, {transform_indices = @transform_2, window_bounds = array<i64: 512, 1>}, {pipeline_mode = #tpu.pipeline_mode<synchronous>, transform_indices = @transform_3, window_bounds = array<i64: 1, 128>}, {pipeline_mode = #tpu.pipeline_mode<synchronous>, transform_indices = @transform_4, window_bounds = array<i64: 1, 128>}, {pipeline_mode = #tpu.pipeline_mode<synchronous>, transform_indices = @transform_5, window_bounds = array<i64: 128, 64>}, {pipeline_mode = #tpu.pipeline_mode<synchronous>, transform_indices = @transform_6, window_bounds = array<i64: 128, 64>}, {transform_indices = @transform_7, window_bounds = array<i64: 512, 64>}, {transform_indices = @transform_8, window_bounds = array<i64: 512, 64>}]} {
    %get3A = arith.constant 0 : index
    %get3A_0 = arith.constant 0 : index
    %get3A_1 = vector.load %arg3[%get3A, %get3A_0] : memref<512x1xf32, #tpu.memory_space<vmem>>, vector<512x1xf32>
    %get3A_2 = arith.constant 0 : index
    %get3A_3 = arith.constant 0 : index
    %get3A_4 = vector.load %arg1[%get3A_2, %get3A_3] : memref<512x128xf32, #tpu.memory_space<vmem>>, vector<512x128xf32>
    %mul3A = vector.broadcast %get3A_1 : vector<512x1xf32> to vector<512x128xf32>
    %mul3A_5 = arith.mulf %get3A_4, %mul3A : vector<512x128xf32>
    %get3A_6 = arith.constant 0 : index
    %get3A_7 = arith.constant 0 : index
    %get3A_8 = vector.load %arg4[%get3A_6, %get3A_7] : memref<1x128xf32, #tpu.memory_space<vmem>>, vector<1x128xf32>
    %add3A = vector.broadcast %get3A_8 : vector<1x128xf32> to vector<512x128xf32>
    %add3A_9 = arith.addf %mul3A_5, %add3A : vector<512x128xf32>
    %max3A = arith.constant 0.000000e+00 : f32
    %max3A_10 = vector.broadcast %max3A : f32 to vector<512x128xf32>
    %max3A_11 = arith.maximumf %add3A_9, %max3A_10 : vector<512x128xf32>
    %get3A_12 = arith.constant 0 : index
    %get3A_13 = arith.constant 0 : index
    %get3A_14 = vector.load %arg2[%get3A_12, %get3A_13] : memref<512x128xf32, #tpu.memory_space<vmem>>, vector<512x128xf32>
    %mul3A_15 = vector.broadcast %get3A_1 : vector<512x1xf32> to vector<512x128xf32>
    %mul3A_16 = arith.mulf %get3A_14, %mul3A_15 : vector<512x128xf32>
    %get3A_17 = arith.constant 0 : index
    %get3A_18 = arith.constant 0 : index
    %get3A_19 = vector.load %arg5[%get3A_17, %get3A_18] : memref<1x128xf32, #tpu.memory_space<vmem>>, vector<1x128xf32>
    %add3A_20 = vector.broadcast %get3A_19 : vector<1x128xf32> to vector<512x128xf32>
    %add3A_21 = arith.addf %mul3A_16, %add3A_20 : vector<512x128xf32>
    %max3A_22 = arith.constant 0.000000e+00 : f32
    %max3A_23 = vector.broadcast %max3A_22 : f32 to vector<512x128xf32>
    %max3A_24 = arith.maximumf %add3A_21, %max3A_23 : vector<512x128xf32>
    %get3A_25 = arith.constant 0 : index
    %get3A_26 = arith.constant 0 : index
    %get3A_27 = vector.load %arg6[%get3A_25, %get3A_26] : memref<128x64xf32, #tpu.memory_space<vmem>>, vector<128x64xf32>
    %dot_general3A = arith.constant dense<0.000000e+00> : vector<512x64xf32>
    %dot_general3A_28 = tpu.matmul %max3A_11, %get3A_27, %dot_general3A {dimension_numbers = #tpu.dot_dimension_numbers<[1], [0], [0], [1], [0, 0, 1, 1], [], []>, transpose_lhs_hint = false} : vector<512x128xf32>, vector<128x64xf32>, vector<512x64xf32> -> vector<512x64xf32>
    %mul3A_29 = vector.broadcast %get3A_1 : vector<512x1xf32> to vector<512x64xf32>
    %mul3A_30 = arith.mulf %dot_general3A_28, %mul3A_29 : vector<512x64xf32>
    %swap3A = arith.constant 0 : index
    %swap3A_31 = arith.constant 0 : index
    %swap3A_32 = vector.load %arg8[%swap3A, %swap3A_31] : memref<512x64xf32, #tpu.memory_space<vmem>>, vector<512x64xf32>
    tpu.vector_store %arg8[%swap3A, %swap3A_31], %mul3A_30 {strides = array<i32>} : memref<512x64xf32, #tpu.memory_space<vmem>>, vector<512x64xf32>,
    %get3A_33 = arith.constant 0 : index
    %get3A_34 = arith.constant 0 : index
    %get3A_35 = vector.load %arg7[%get3A_33, %get3A_34] : memref<128x64xf32, #tpu.memory_space<vmem>>, vector<128x64xf32>
    %dot_general3A_36 = arith.constant dense<0.000000e+00> : vector<512x64xf32>
    %dot_general3A_37 = tpu.matmul %max3A_24, %get3A_35, %dot_general3A_36 {dimension_numbers = #tpu.dot_dimension_numbers<[1], [0], [0], [1], [0, 0, 1, 1], [], []>, transpose_lhs_hint = false} : vector<512x128xf32>, vector<128x64xf32>, vector<512x64xf32> -> vector<512x64xf32>
    %mul3A_38 = vector.broadcast %get3A_1 : vector<512x1xf32> to vector<512x64xf32>
    %mul3A_39 = arith.mulf %dot_general3A_37, %mul3A_38 : vector<512x64xf32>
    %swap3A_40 = arith.constant 0 : index
    %swap3A_41 = arith.constant 0 : index
    %swap3A_42 = vector.load %arg9[%swap3A_40, %swap3A_41] : memref<512x64xf32, #tpu.memory_space<vmem>>, vector<512x64xf32>
    tpu.vector_store %arg9[%swap3A_40, %swap3A_41], %mul3A_39 {strides = array<i32>} : memref<512x64xf32, #tpu.memory_space<vmem>>, vector<512x64xf32>,
    return
  }
  func.func @transform_0(%arg0: i32) -> (i32, i32) {
    %c0_i32 = arith.constant 0 : i32
    %c0_i32_0 = arith.constant 0 : i32
    return %arg0, %c0_i32 : i32, i32
  }
  func.func @transform_1(%arg0: i32) -> (i32, i32) {
    %c0_i32 = arith.constant 0 : i32
    %c0_i32_0 = arith.constant 0 : i32
    return %arg0, %c0_i32 : i32, i32
  }
  func.func @transform_2(%arg0: i32) -> (i32, i32) {
    %c0_i32 = arith.constant 0 : i32
    %c0_i32_0 = arith.constant 0 : i32
    return %arg0, %c0_i32 : i32, i32
  }
  func.func @transform_3(%arg0: i32) -> (i32, i32) {
    %c0_i32 = arith.constant 0 : i32
    %c0_i32_0 = arith.constant 0 : i32
    %c0_i32_1 = arith.constant 0 : i32
    return %c0_i32, %c0_i32_0 : i32, i32
  }
  func.func @transform_4(%arg0: i32) -> (i32, i32) {
    %c0_i32 = arith.constant 0 : i32
    %c0_i32_0 = arith.constant 0 : i32
    %c0_i32_1 = arith.constant 0 : i32
    return %c0_i32, %c0_i32_0 : i32, i32
  }
  func.func @transform_5(%arg0: i32) -> (i32, i32) {
    %c0_i32 = arith.constant 0 : i32
    %c0_i32_0 = arith.constant 0 : i32
    %c0_i32_1 = arith.constant 0 : i32
    return %c0_i32, %c0_i32_0 : i32, i32
  }
  func.func @transform_6(%arg0: i32) -> (i32, i32) {
    %c0_i32 = arith.constant 0 : i32
    %c0_i32_0 = arith.constant 0 : i32
    %c0_i32_1 = arith.constant 0 : i32
    return %c0_i32, %c0_i32_0 : i32, i32
  }
  func.func @transform_7(%arg0: i32) -> (i32, i32) {
    %c0_i32 = arith.constant 0 : i32
    %c0_i32_0 = arith.constant 0 : i32
    return %arg0, %c0_i32 : i32, i32
  }
  func.func @transform_8(%arg0: i32) -> (i32, i32) {
    %c0_i32 = arith.constant 0 : i32
    %c0_i32_0 = arith.constant 0 : i32
    return %arg0, %c0_i32 : i32, i32
  }
}

module attributes {stable_mosaic.version = 14 : i64} {
  func.func @body(%arg0: i32, %arg1: memref<512x64xf32, #tpu.memory_space<vmem>>, %arg2: memref<512x64xf32, #tpu.memory_space<vmem>>, %arg3: memref<512x1xf32, #tpu.memory_space<vmem>>, %arg4: memref<512x32xf32, #tpu.memory_space<vmem>>, %arg5: memref<1x64xf32, #tpu.memory_space<vmem>>, %arg6: memref<1x64xf32, #tpu.memory_space<vmem>>, %arg7: memref<128x128xf32, #tpu.memory_space<vmem>>, %arg8: memref<1x128xf32, #tpu.memory_space<vmem>>, %arg9: memref<128x32xf32, #tpu.memory_space<vmem>>, %arg10: memref<1x32xf32, #tpu.memory_space<vmem>>, %arg11: memref<128x32xf32, #tpu.memory_space<vmem>>, %arg12: memref<1x32xf32, #tpu.memory_space<vmem>>, %arg13: memref<512x32xf32, #tpu.memory_space<vmem>>, %arg14: memref<512x32xf32, #tpu.memory_space<vmem>>, %arg15: memref<512x32xf32, #tpu.memory_space<vmem>>) attributes {dimension_semantics = [#tpu.dimension_semantics<arbitrary>], iteration_bounds = array<i64: 20>, scalar_prefetch = 0 : i64, scratch_operands = 0 : i64, tpu.core_type = #tpu.core_type<tc>, window_params = [{transform_indices = @transform_0, window_bounds = array<i64: 512, 64>}, {transform_indices = @transform_1, window_bounds = array<i64: 512, 64>}, {transform_indices = @transform_2, window_bounds = array<i64: 512, 1>}, {transform_indices = @transform_3, window_bounds = array<i64: 512, 32>}, {pipeline_mode = #tpu.pipeline_mode<synchronous>, transform_indices = @transform_4, window_bounds = array<i64: 1, 64>}, {pipeline_mode = #tpu.pipeline_mode<synchronous>, transform_indices = @transform_5, window_bounds = array<i64: 1, 64>}, {pipeline_mode = #tpu.pipeline_mode<synchronous>, transform_indices = @transform_6, window_bounds = array<i64: 128, 128>}, {pipeline_mode = #tpu.pipeline_mode<synchronous>, transform_indices = @transform_7, window_bounds = array<i64: 1, 128>}, {pipeline_mode = #tpu.pipeline_mode<synchronous>, transform_indices = @transform_8, window_bounds = array<i64: 128, 32>}, {pipeline_mode = #tpu.pipeline_mode<synchronous>, transform_indices = @transform_9, window_bounds = array<i64: 1, 32>}, {pipeline_mode = #tpu.pipeline_mode<synchronous>, transform_indices = @transform_10, window_bounds = array<i64: 128, 32>}, {pipeline_mode = #tpu.pipeline_mode<synchronous>, transform_indices = @transform_11, window_bounds = array<i64: 1, 32>}, {transform_indices = @transform_12, window_bounds = array<i64: 512, 32>}, {transform_indices = @transform_13, window_bounds = array<i64: 512, 32>}, {transform_indices = @transform_14, window_bounds = array<i64: 512, 32>}]} {
    %get3A = arith.constant 0 : index
    %get3A_0 = arith.constant 0 : index
    %get3A_1 = vector.load %arg3[%get3A, %get3A_0] : memref<512x1xf32, #tpu.memory_space<vmem>>, vector<512x1xf32>
    %get3A_2 = arith.constant 0 : index
    %get3A_3 = arith.constant 0 : index
    %get3A_4 = vector.load %arg1[%get3A_2, %get3A_3] : memref<512x64xf32, #tpu.memory_space<vmem>>, vector<512x64xf32>
    %mul3A = vector.broadcast %get3A_1 : vector<512x1xf32> to vector<512x64xf32>
    %mul3A_5 = arith.mulf %get3A_4, %mul3A : vector<512x64xf32>
    %get3A_6 = arith.constant 0 : index
    %get3A_7 = arith.constant 0 : index
    %get3A_8 = vector.load %arg5[%get3A_6, %get3A_7] : memref<1x64xf32, #tpu.memory_space<vmem>>, vector<1x64xf32>
    %add3A = vector.broadcast %get3A_8 : vector<1x64xf32> to vector<512x64xf32>
    %add3A_9 = arith.addf %mul3A_5, %add3A : vector<512x64xf32>
    %max3A = arith.constant 0.000000e+00 : f32
    %max3A_10 = vector.broadcast %max3A : f32 to vector<512x64xf32>
    %max3A_11 = arith.maximumf %add3A_9, %max3A_10 : vector<512x64xf32>
    %get3A_12 = arith.constant 0 : index
    %get3A_13 = arith.constant 0 : index
    %get3A_14 = vector.load %arg2[%get3A_12, %get3A_13] : memref<512x64xf32, #tpu.memory_space<vmem>>, vector<512x64xf32>
    %mul3A_15 = vector.broadcast %get3A_1 : vector<512x1xf32> to vector<512x64xf32>
    %mul3A_16 = arith.mulf %get3A_14, %mul3A_15 : vector<512x64xf32>
    %get3A_17 = arith.constant 0 : index
    %get3A_18 = arith.constant 0 : index
    %get3A_19 = vector.load %arg6[%get3A_17, %get3A_18] : memref<1x64xf32, #tpu.memory_space<vmem>>, vector<1x64xf32>
    %add3A_20 = vector.broadcast %get3A_19 : vector<1x64xf32> to vector<512x64xf32>
    %add3A_21 = arith.addf %mul3A_16, %add3A_20 : vector<512x64xf32>
    %max3A_22 = arith.constant 0.000000e+00 : f32
    %max3A_23 = vector.broadcast %max3A_22 : f32 to vector<512x64xf32>
    %max3A_24 = arith.maximumf %add3A_21, %max3A_23 : vector<512x64xf32>
    %concatenate3A = tpu.concatenate %max3A_11, %max3A_24 in 1 : vector<512x64xf32>, vector<512x64xf32> -> vector<512x128xf32>
    %get3A_25 = arith.constant 0 : index
    %get3A_26 = arith.constant 0 : index
    %get3A_27 = vector.load %arg7[%get3A_25, %get3A_26] : memref<128x128xf32, #tpu.memory_space<vmem>>, vector<128x128xf32>
    %dot_general3A = arith.constant dense<0.000000e+00> : vector<512x128xf32>
    %dot_general3A_28 = tpu.matmul %concatenate3A, %get3A_27, %dot_general3A {dimension_numbers = #tpu.dot_dimension_numbers<[1], [0], [0], [1], [0, 0, 1, 1], [], []>, transpose_lhs_hint = false} : vector<512x128xf32>, vector<128x128xf32>, vector<512x128xf32> -> vector<512x128xf32>
    %get3A_29 = arith.constant 0 : index
    %get3A_30 = arith.constant 0 : index
    %get3A_31 = vector.load %arg8[%get3A_29, %get3A_30] : memref<1x128xf32, #tpu.memory_space<vmem>>, vector<1x128xf32>
    %add3A_32 = vector.broadcast %get3A_31 : vector<1x128xf32> to vector<512x128xf32>
    %add3A_33 = arith.addf %dot_general3A_28, %add3A_32 : vector<512x128xf32>
    %max3A_34 = arith.constant 0.000000e+00 : f32
    %max3A_35 = vector.broadcast %max3A_34 : f32 to vector<512x128xf32>
    %max3A_36 = arith.maximumf %add3A_33, %max3A_35 : vector<512x128xf32>
    %get3A_37 = arith.constant 0 : index
    %get3A_38 = arith.constant 0 : index
    %get3A_39 = vector.load %arg9[%get3A_37, %get3A_38] : memref<128x32xf32, #tpu.memory_space<vmem>>, vector<128x32xf32>
    %dot_general3A_40 = arith.constant dense<0.000000e+00> : vector<512x32xf32>
    %dot_general3A_41 = tpu.matmul %max3A_36, %get3A_39, %dot_general3A_40 {dimension_numbers = #tpu.dot_dimension_numbers<[1], [0], [0], [1], [0, 0, 1, 1], [], []>, transpose_lhs_hint = false} : vector<512x128xf32>, vector<128x32xf32>, vector<512x32xf32> -> vector<512x32xf32>
    %get3A_42 = arith.constant 0 : index
    %get3A_43 = arith.constant 0 : index
    %get3A_44 = vector.load %arg10[%get3A_42, %get3A_43] : memref<1x32xf32, #tpu.memory_space<vmem>>, vector<1x32xf32>
    %add3A_45 = vector.broadcast %get3A_44 : vector<1x32xf32> to vector<512x32xf32>
    %add3A_46 = arith.addf %dot_general3A_41, %add3A_45 : vector<512x32xf32>
    %get3A_47 = arith.constant 0 : index
    %get3A_48 = arith.constant 0 : index
    %get3A_49 = vector.load %arg11[%get3A_47, %get3A_48] : memref<128x32xf32, #tpu.memory_space<vmem>>, vector<128x32xf32>
    %dot_general3A_50 = arith.constant dense<0.000000e+00> : vector<512x32xf32>
    %dot_general3A_51 = tpu.matmul %max3A_36, %get3A_49, %dot_general3A_50 {dimension_numbers = #tpu.dot_dimension_numbers<[1], [0], [0], [1], [0, 0, 1, 1], [], []>, transpose_lhs_hint = false} : vector<512x128xf32>, vector<128x32xf32>, vector<512x32xf32> -> vector<512x32xf32>
    %get3A_52 = arith.constant 0 : index
    %get3A_53 = arith.constant 0 : index
    %get3A_54 = vector.load %arg12[%get3A_52, %get3A_53] : memref<1x32xf32, #tpu.memory_space<vmem>>, vector<1x32xf32>
    %add3A_55 = vector.broadcast %get3A_54 : vector<1x32xf32> to vector<512x32xf32>
    %add3A_56 = arith.addf %dot_general3A_51, %add3A_55 : vector<512x32xf32>
    %get3A_57 = arith.constant 0 : index
    %get3A_58 = arith.constant 0 : index
    %get3A_59 = vector.load %arg4[%get3A_57, %get3A_58] : memref<512x32xf32, #tpu.memory_space<vmem>>, vector<512x32xf32>
    %mul3A_60 = arith.constant 5.000000e-01 : f32
    %mul3A_61 = vector.broadcast %mul3A_60 : f32 to vector<512x32xf32>
    %mul3A_62 = arith.mulf %mul3A_61, %add3A_56 : vector<512x32xf32>
    %exp3A = math.exp %mul3A_62 : vector<512x32xf32>
    %mul3A_63 = arith.mulf %get3A_59, %exp3A : vector<512x32xf32>
    %add3A_64 = arith.addf %add3A_46, %mul3A_63 : vector<512x32xf32>
    %swap3A = arith.constant 0 : index
    %swap3A_65 = arith.constant 0 : index
    %swap3A_66 = vector.load %arg13[%swap3A, %swap3A_65] : memref<512x32xf32, #tpu.memory_space<vmem>>, vector<512x32xf32>
    tpu.vector_store %arg13[%swap3A, %swap3A_65], %add3A_64 {strides = array<i32>} : memref<512x32xf32, #tpu.memory_space<vmem>>, vector<512x32xf32>,
    %swap3A_67 = arith.constant 0 : index
    %swap3A_68 = arith.constant 0 : index
    %swap3A_69 = vector.load %arg14[%swap3A_67, %swap3A_68] : memref<512x32xf32, #tpu.memory_space<vmem>>, vector<512x32xf32>
    tpu.vector_store %arg14[%swap3A_67, %swap3A_68], %add3A_46 {strides = array<i32>} : memref<512x32xf32, #tpu.memory_space<vmem>>, vector<512x32xf32>,
    %swap3A_70 = arith.constant 0 : index
    %swap3A_71 = arith.constant 0 : index
    %swap3A_72 = vector.load %arg15[%swap3A_70, %swap3A_71] : memref<512x32xf32, #tpu.memory_space<vmem>>, vector<512x32xf32>
    tpu.vector_store %arg15[%swap3A_70, %swap3A_71], %add3A_56 {strides = array<i32>} : memref<512x32xf32, #tpu.memory_space<vmem>>, vector<512x32xf32>,
    return
  }
  func.func @transform_0(%arg0: i32) -> (i32, i32) {
    %c0_i32 = arith.constant 0 : i32
    %c0_i32_0 = arith.constant 0 : i32
    return %arg0, %c0_i32 : i32, i32
  }
  func.func @transform_1(%arg0: i32) -> (i32, i32) {
    %c0_i32 = arith.constant 0 : i32
    %c0_i32_0 = arith.constant 0 : i32
    return %arg0, %c0_i32 : i32, i32
  }
  func.func @transform_2(%arg0: i32) -> (i32, i32) {
    %c0_i32 = arith.constant 0 : i32
    %c0_i32_0 = arith.constant 0 : i32
    return %arg0, %c0_i32 : i32, i32
  }
  func.func @transform_3(%arg0: i32) -> (i32, i32) {
    %c0_i32 = arith.constant 0 : i32
    %c0_i32_0 = arith.constant 0 : i32
    return %arg0, %c0_i32 : i32, i32
  }
  func.func @transform_4(%arg0: i32) -> (i32, i32) {
    %c0_i32 = arith.constant 0 : i32
    %c0_i32_0 = arith.constant 0 : i32
    %c0_i32_1 = arith.constant 0 : i32
    return %c0_i32, %c0_i32_0 : i32, i32
  }
  func.func @transform_5(%arg0: i32) -> (i32, i32) {
    %c0_i32 = arith.constant 0 : i32
    %c0_i32_0 = arith.constant 0 : i32
    %c0_i32_1 = arith.constant 0 : i32
    return %c0_i32, %c0_i32_0 : i32, i32
  }
  func.func @transform_6(%arg0: i32) -> (i32, i32) {
    %c0_i32 = arith.constant 0 : i32
    %c0_i32_0 = arith.constant 0 : i32
    %c0_i32_1 = arith.constant 0 : i32
    return %c0_i32, %c0_i32_0 : i32, i32
  }
  func.func @transform_7(%arg0: i32) -> (i32, i32) {
    %c0_i32 = arith.constant 0 : i32
    %c0_i32_0 = arith.constant 0 : i32
    %c0_i32_1 = arith.constant 0 : i32
    return %c0_i32, %c0_i32_0 : i32, i32
  }
  func.func @transform_8(%arg0: i32) -> (i32, i32) {
    %c0_i32 = arith.constant 0 : i32
    %c0_i32_0 = arith.constant 0 : i32
    %c0_i32_1 = arith.constant 0 : i32
    return %c0_i32, %c0_i32_0 : i32, i32
  }
  func.func @transform_9(%arg0: i32) -> (i32, i32) {
    %c0_i32 = arith.constant 0 : i32
    %c0_i32_0 = arith.constant 0 : i32
    %c0_i32_1 = arith.constant 0 : i32
    return %c0_i32, %c0_i32_0 : i32, i32
  }
  func.func @transform_10(%arg0: i32) -> (i32, i32) {
    %c0_i32 = arith.constant 0 : i32
    %c0_i32_0 = arith.constant 0 : i32
    %c0_i32_1 = arith.constant 0 : i32
    return %c0_i32, %c0_i32_0 : i32, i32
  }
  func.func @transform_11(%arg0: i32) -> (i32, i32) {
    %c0_i32 = arith.constant 0 : i32
    %c0_i32_0 = arith.constant 0 : i32
    %c0_i32_1 = arith.constant 0 : i32
    return %c0_i32, %c0_i32_0 : i32, i32
  }
  func.func @transform_12(%arg0: i32) -> (i32, i32) {
    %c0_i32 = arith.constant 0 : i32
    %c0_i32_0 = arith.constant 0 : i32
    return %arg0, %c0_i32 : i32, i32
  }
  func.func @transform_13(%arg0: i32) -> (i32, i32) {
    %c0_i32 = arith.constant 0 : i32
    %c0_i32_0 = arith.constant 0 : i32
    return %arg0, %c0_i32 : i32, i32
  }
  func.func @transform_14(%arg0: i32) -> (i32, i32) {
    %c0_i32 = arith.constant 0 : i32
    %c0_i32_0 = arith.constant 0 : i32
    return %arg0, %c0_i32 : i32, i32
  }
}

module attributes {stable_mosaic.version = 14 : i64} {
  func.func @body(%arg0: i32, %arg1: memref<512x32xf32, #tpu.memory_space<vmem>>, %arg2: memref<32x128xf32, #tpu.memory_space<vmem>>, %arg3: memref<1x128xf32, #tpu.memory_space<vmem>>, %arg4: memref<128x512xf32, #tpu.memory_space<vmem>>, %arg5: memref<1x512xf32, #tpu.memory_space<vmem>>, %arg6: memref<32x128xf32, #tpu.memory_space<vmem>>, %arg7: memref<1x128xf32, #tpu.memory_space<vmem>>, %arg8: memref<128x512xf32, #tpu.memory_space<vmem>>, %arg9: memref<1x512xf32, #tpu.memory_space<vmem>>, %arg10: memref<32x128xf32, #tpu.memory_space<vmem>>, %arg11: memref<1x128xf32, #tpu.memory_space<vmem>>, %arg12: memref<128x2xf32, #tpu.memory_space<vmem>>, %arg13: memref<1x2xf32, #tpu.memory_space<vmem>>, %arg14: memref<512x512xf32, #tpu.memory_space<vmem>>, %arg15: memref<512x512xf32, #tpu.memory_space<vmem>>, %arg16: memref<512x2xf32, #tpu.memory_space<vmem>>) attributes {dimension_semantics = [#tpu.dimension_semantics<arbitrary>], iteration_bounds = array<i64: 20>, scalar_prefetch = 0 : i64, scratch_operands = 0 : i64, tpu.core_type = #tpu.core_type<tc>, window_params = [{transform_indices = @transform_0, window_bounds = array<i64: 512, 32>}, {pipeline_mode = #tpu.pipeline_mode<synchronous>, transform_indices = @transform_1, window_bounds = array<i64: 32, 128>}, {pipeline_mode = #tpu.pipeline_mode<synchronous>, transform_indices = @transform_2, window_bounds = array<i64: 1, 128>}, {pipeline_mode = #tpu.pipeline_mode<synchronous>, transform_indices = @transform_3, window_bounds = array<i64: 128, 512>}, {pipeline_mode = #tpu.pipeline_mode<synchronous>, transform_indices = @transform_4, window_bounds = array<i64: 1, 512>}, {pipeline_mode = #tpu.pipeline_mode<synchronous>, transform_indices = @transform_5, window_bounds = array<i64: 32, 128>}, {pipeline_mode = #tpu.pipeline_mode<synchronous>, transform_indices = @transform_6, window_bounds = array<i64: 1, 128>}, {pipeline_mode = #tpu.pipeline_mode<synchronous>, transform_indices = @transform_7, window_bounds = array<i64: 128, 512>}, {pipeline_mode = #tpu.pipeline_mode<synchronous>, transform_indices = @transform_8, window_bounds = array<i64: 1, 512>}, {pipeline_mode = #tpu.pipeline_mode<synchronous>, transform_indices = @transform_9, window_bounds = array<i64: 32, 128>}, {pipeline_mode = #tpu.pipeline_mode<synchronous>, transform_indices = @transform_10, window_bounds = array<i64: 1, 128>}, {pipeline_mode = #tpu.pipeline_mode<synchronous>, transform_indices = @transform_11, window_bounds = array<i64: 128, 2>}, {pipeline_mode = #tpu.pipeline_mode<synchronous>, transform_indices = @transform_12, window_bounds = array<i64: 1, 2>}, {transform_indices = @transform_13, window_bounds = array<i64: 512, 512>}, {transform_indices = @transform_14, window_bounds = array<i64: 512, 512>}, {transform_indices = @transform_15, window_bounds = array<i64: 512, 2>}]} {
    %get3A = arith.constant 0 : index
    %get3A_0 = arith.constant 0 : index
    %get3A_1 = vector.load %arg1[%get3A, %get3A_0] : memref<512x32xf32, #tpu.memory_space<vmem>>, vector<512x32xf32>
    %get3A_2 = arith.constant 0 : index
    %get3A_3 = arith.constant 0 : index
    %get3A_4 = vector.load %arg2[%get3A_2, %get3A_3] : memref<32x128xf32, #tpu.memory_space<vmem>>, vector<32x128xf32>
    %dot_general3A = arith.constant dense<0.000000e+00> : vector<512x128xf32>
    %dot_general3A_5 = tpu.matmul %get3A_1, %get3A_4, %dot_general3A {dimension_numbers = #tpu.dot_dimension_numbers<[1], [0], [0], [1], [0, 0, 1, 1], [], []>, transpose_lhs_hint = false} : vector<512x32xf32>, vector<32x128xf32>, vector<512x128xf32> -> vector<512x128xf32>
    %get3A_6 = arith.constant 0 : index
    %get3A_7 = arith.constant 0 : index
    %get3A_8 = vector.load %arg3[%get3A_6, %get3A_7] : memref<1x128xf32, #tpu.memory_space<vmem>>, vector<1x128xf32>
    %add3A = vector.broadcast %get3A_8 : vector<1x128xf32> to vector<512x128xf32>
    %add3A_9 = arith.addf %dot_general3A_5, %add3A : vector<512x128xf32>
    %max3A = arith.constant 0.000000e+00 : f32
    %max3A_10 = vector.broadcast %max3A : f32 to vector<512x128xf32>
    %max3A_11 = arith.maximumf %add3A_9, %max3A_10 : vector<512x128xf32>
    %get3A_12 = arith.constant 0 : index
    %get3A_13 = arith.constant 0 : index
    %get3A_14 = vector.load %arg4[%get3A_12, %get3A_13] : memref<128x512xf32, #tpu.memory_space<vmem>>, vector<128x512xf32>
    %dot_general3A_15 = arith.constant dense<0.000000e+00> : vector<512x512xf32>
    %dot_general3A_16 = tpu.matmul %max3A_11, %get3A_14, %dot_general3A_15 {dimension_numbers = #tpu.dot_dimension_numbers<[1], [0], [0], [1], [0, 0, 1, 1], [], []>, transpose_lhs_hint = false} : vector<512x128xf32>, vector<128x512xf32>, vector<512x512xf32> -> vector<512x512xf32>
    %get3A_17 = arith.constant 0 : index
    %get3A_18 = arith.constant 0 : index
    %get3A_19 = vector.load %arg5[%get3A_17, %get3A_18] : memref<1x512xf32, #tpu.memory_space<vmem>>, vector<1x512xf32>
    %add3A_20 = vector.broadcast %get3A_19 : vector<1x512xf32> to vector<512x512xf32>
    %add3A_21 = arith.addf %dot_general3A_16, %add3A_20 : vector<512x512xf32>
    %swap3A = arith.constant 0 : index
    %swap3A_22 = arith.constant 0 : index
    %swap3A_23 = vector.load %arg14[%swap3A, %swap3A_22] : memref<512x512xf32, #tpu.memory_space<vmem>>, vector<512x512xf32>
    tpu.vector_store %arg14[%swap3A, %swap3A_22], %add3A_21 {strides = array<i32>} : memref<512x512xf32, #tpu.memory_space<vmem>>, vector<512x512xf32>,
    %get3A_24 = arith.constant 0 : index
    %get3A_25 = arith.constant 0 : index
    %get3A_26 = vector.load %arg6[%get3A_24, %get3A_25] : memref<32x128xf32, #tpu.memory_space<vmem>>, vector<32x128xf32>
    %dot_general3A_27 = arith.constant dense<0.000000e+00> : vector<512x128xf32>
    %dot_general3A_28 = tpu.matmul %get3A_1, %get3A_26, %dot_general3A_27 {dimension_numbers = #tpu.dot_dimension_numbers<[1], [0], [0], [1], [0, 0, 1, 1], [], []>, transpose_lhs_hint = false} : vector<512x32xf32>, vector<32x128xf32>, vector<512x128xf32> -> vector<512x128xf32>
    %get3A_29 = arith.constant 0 : index
    %get3A_30 = arith.constant 0 : index
    %get3A_31 = vector.load %arg7[%get3A_29, %get3A_30] : memref<1x128xf32, #tpu.memory_space<vmem>>, vector<1x128xf32>
    %add3A_32 = vector.broadcast %get3A_31 : vector<1x128xf32> to vector<512x128xf32>
    %add3A_33 = arith.addf %dot_general3A_28, %add3A_32 : vector<512x128xf32>
    %max3A_34 = arith.constant 0.000000e+00 : f32
    %max3A_35 = vector.broadcast %max3A_34 : f32 to vector<512x128xf32>
    %max3A_36 = arith.maximumf %add3A_33, %max3A_35 : vector<512x128xf32>
    %get3A_37 = arith.constant 0 : index
    %get3A_38 = arith.constant 0 : index
    %get3A_39 = vector.load %arg8[%get3A_37, %get3A_38] : memref<128x512xf32, #tpu.memory_space<vmem>>, vector<128x512xf32>
    %dot_general3A_40 = arith.constant dense<0.000000e+00> : vector<512x512xf32>
    %dot_general3A_41 = tpu.matmul %max3A_36, %get3A_39, %dot_general3A_40 {dimension_numbers = #tpu.dot_dimension_numbers<[1], [0], [0], [1], [0, 0, 1, 1], [], []>, transpose_lhs_hint = false} : vector<512x128xf32>, vector<128x512xf32>, vector<512x512xf32> -> vector<512x512xf32>
    %get3A_42 = arith.constant 0 : index
    %get3A_43 = arith.constant 0 : index
    %get3A_44 = vector.load %arg9[%get3A_42, %get3A_43] : memref<1x512xf32, #tpu.memory_space<vmem>>, vector<1x512xf32>
    %add3A_45 = vector.broadcast %get3A_44 : vector<1x512xf32> to vector<512x512xf32>
    %add3A_46 = arith.addf %dot_general3A_41, %add3A_45 : vector<512x512xf32>
    %swap3A_47 = arith.constant 0 : index
    %swap3A_48 = arith.constant 0 : index
    %swap3A_49 = vector.load %arg15[%swap3A_47, %swap3A_48] : memref<512x512xf32, #tpu.memory_space<vmem>>, vector<512x512xf32>
    tpu.vector_store %arg15[%swap3A_47, %swap3A_48], %add3A_46 {strides = array<i32>} : memref<512x512xf32, #tpu.memory_space<vmem>>, vector<512x512xf32>,
    %get3A_50 = arith.constant 0 : index
    %get3A_51 = arith.constant 0 : index
    %get3A_52 = vector.load %arg10[%get3A_50, %get3A_51] : memref<32x128xf32, #tpu.memory_space<vmem>>, vector<32x128xf32>
    %dot_general3A_53 = arith.constant dense<0.000000e+00> : vector<512x128xf32>
    %dot_general3A_54 = tpu.matmul %get3A_1, %get3A_52, %dot_general3A_53 {dimension_numbers = #tpu.dot_dimension_numbers<[1], [0], [0], [1], [0, 0, 1, 1], [], []>, transpose_lhs_hint = false} : vector<512x32xf32>, vector<32x128xf32>, vector<512x128xf32> -> vector<512x128xf32>
    %get3A_55 = arith.constant 0 : index
    %get3A_56 = arith.constant 0 : index
    %get3A_57 = vector.load %arg11[%get3A_55, %get3A_56] : memref<1x128xf32, #tpu.memory_space<vmem>>, vector<1x128xf32>
    %add3A_58 = vector.broadcast %get3A_57 : vector<1x128xf32> to vector<512x128xf32>
    %add3A_59 = arith.addf %dot_general3A_54, %add3A_58 : vector<512x128xf32>
    %max3A_60 = arith.constant 0.000000e+00 : f32
    %max3A_61 = vector.broadcast %max3A_60 : f32 to vector<512x128xf32>
    %max3A_62 = arith.maximumf %add3A_59, %max3A_61 : vector<512x128xf32>
    %get3A_63 = arith.constant 0 : index
    %get3A_64 = arith.constant 0 : index
    %get3A_65 = vector.load %arg12[%get3A_63, %get3A_64] : memref<128x2xf32, #tpu.memory_space<vmem>>, vector<128x2xf32>
    %dot_general3A_66 = arith.constant dense<0.000000e+00> : vector<512x2xf32>
    %dot_general3A_67 = tpu.matmul %max3A_62, %get3A_65, %dot_general3A_66 {dimension_numbers = #tpu.dot_dimension_numbers<[1], [0], [0], [1], [0, 0, 1, 1], [], []>, transpose_lhs_hint = false} : vector<512x128xf32>, vector<128x2xf32>, vector<512x2xf32> -> vector<512x2xf32>
    %get3A_68 = arith.constant 0 : index
    %get3A_69 = arith.constant 0 : index
    %get3A_70 = vector.load %arg13[%get3A_68, %get3A_69] : memref<1x2xf32, #tpu.memory_space<vmem>>, vector<1x2xf32>
    %add3A_71 = vector.broadcast %get3A_70 : vector<1x2xf32> to vector<512x2xf32>
    %add3A_72 = arith.addf %dot_general3A_67, %add3A_71 : vector<512x2xf32>
    %swap3A_73 = arith.constant 0 : index
    %swap3A_74 = arith.constant 0 : index
    %swap3A_75 = vector.load %arg16[%swap3A_73, %swap3A_74] : memref<512x2xf32, #tpu.memory_space<vmem>>, vector<512x2xf32>
    tpu.vector_store %arg16[%swap3A_73, %swap3A_74], %add3A_72 {strides = array<i32>} : memref<512x2xf32, #tpu.memory_space<vmem>>, vector<512x2xf32>,
    return
  }
  func.func @transform_0(%arg0: i32) -> (i32, i32) {
    %c0_i32 = arith.constant 0 : i32
    %c0_i32_0 = arith.constant 0 : i32
    return %arg0, %c0_i32 : i32, i32
  }
  func.func @transform_1(%arg0: i32) -> (i32, i32) {
    %c0_i32 = arith.constant 0 : i32
    %c0_i32_0 = arith.constant 0 : i32
    %c0_i32_1 = arith.constant 0 : i32
    return %c0_i32, %c0_i32_0 : i32, i32
  }
  func.func @transform_2(%arg0: i32) -> (i32, i32) {
    %c0_i32 = arith.constant 0 : i32
    %c0_i32_0 = arith.constant 0 : i32
    %c0_i32_1 = arith.constant 0 : i32
    return %c0_i32, %c0_i32_0 : i32, i32
  }
  func.func @transform_3(%arg0: i32) -> (i32, i32) {
    %c0_i32 = arith.constant 0 : i32
    %c0_i32_0 = arith.constant 0 : i32
    %c0_i32_1 = arith.constant 0 : i32
    return %c0_i32, %c0_i32_0 : i32, i32
  }
  func.func @transform_4(%arg0: i32) -> (i32, i32) {
    %c0_i32 = arith.constant 0 : i32
    %c0_i32_0 = arith.constant 0 : i32
    %c0_i32_1 = arith.constant 0 : i32
    return %c0_i32, %c0_i32_0 : i32, i32
  }
  func.func @transform_5(%arg0: i32) -> (i32, i32) {
    %c0_i32 = arith.constant 0 : i32
    %c0_i32_0 = arith.constant 0 : i32
    %c0_i32_1 = arith.constant 0 : i32
    return %c0_i32, %c0_i32_0 : i32, i32
  }
  func.func @transform_6(%arg0: i32) -> (i32, i32) {
    %c0_i32 = arith.constant 0 : i32
    %c0_i32_0 = arith.constant 0 : i32
    %c0_i32_1 = arith.constant 0 : i32
    return %c0_i32, %c0_i32_0 : i32, i32
  }
  func.func @transform_7(%arg0: i32) -> (i32, i32) {
    %c0_i32 = arith.constant 0 : i32
    %c0_i32_0 = arith.constant 0 : i32
    %c0_i32_1 = arith.constant 0 : i32
    return %c0_i32, %c0_i32_0 : i32, i32
  }
  func.func @transform_8(%arg0: i32) -> (i32, i32) {
    %c0_i32 = arith.constant 0 : i32
    %c0_i32_0 = arith.constant 0 : i32
    %c0_i32_1 = arith.constant 0 : i32
    return %c0_i32, %c0_i32_0 : i32, i32
  }
  func.func @transform_9(%arg0: i32) -> (i32, i32) {
    %c0_i32 = arith.constant 0 : i32
    %c0_i32_0 = arith.constant 0 : i32
    %c0_i32_1 = arith.constant 0 : i32
    return %c0_i32, %c0_i32_0 : i32, i32
  }
  func.func @transform_10(%arg0: i32) -> (i32, i32) {
    %c0_i32 = arith.constant 0 : i32
    %c0_i32_0 = arith.constant 0 : i32
    %c0_i32_1 = arith.constant 0 : i32
    return %c0_i32, %c0_i32_0 : i32, i32
  }
  func.func @transform_11(%arg0: i32) -> (i32, i32) {
    %c0_i32 = arith.constant 0 : i32
    %c0_i32_0 = arith.constant 0 : i32
    %c0_i32_1 = arith.constant 0 : i32
    return %c0_i32, %c0_i32_0 : i32, i32
  }
  func.func @transform_12(%arg0: i32) -> (i32, i32) {
    %c0_i32 = arith.constant 0 : i32
    %c0_i32_0 = arith.constant 0 : i32
    %c0_i32_1 = arith.constant 0 : i32
    return %c0_i32, %c0_i32_0 : i32, i32
  }
  func.func @transform_13(%arg0: i32) -> (i32, i32) {
    %c0_i32 = arith.constant 0 : i32
    %c0_i32_0 = arith.constant 0 : i32
    return %arg0, %c0_i32 : i32, i32
  }
  func.func @transform_14(%arg0: i32) -> (i32, i32) {
    %c0_i32 = arith.constant 0 : i32
    %c0_i32_0 = arith.constant 0 : i32
    return %arg0, %c0_i32 : i32, i32
  }
  func.func @transform_15(%arg0: i32) -> (i32, i32) {
    %c0_i32 = arith.constant 0 : i32
    %c0_i32_0 = arith.constant 0 : i32
    return %arg0, %c0_i32 : i32, i32
  }
}

module attributes {stable_mosaic.version = 14 : i64} {
  func.func @body(%arg0: i32, %arg1: memref<16x128x32xf32, #tpu.memory_space<vmem>>, %arg2: memref<16x128x32xf32, #tpu.memory_space<vmem>>, %arg3: memref<16x128xf32, #tpu.memory_space<vmem>>) attributes {dimension_semantics = [#tpu.dimension_semantics<arbitrary>], iteration_bounds = array<i64: 80>, scalar_prefetch = 0 : i64, scratch_operands = 0 : i64, tpu.core_type = #tpu.core_type<tc>, window_params = [{transform_indices = @transform_0, window_bounds = array<i64: 16, 128, 32>}, {transform_indices = @transform_1, window_bounds = array<i64: 16, 128, 32>}, {transform_indices = @transform_2, window_bounds = array<i64: 16, 128>}]} {
    %get3A = arith.constant 0 : index
    %get3A_0 = arith.constant 0 : index
    %get3A_1 = arith.constant 0 : index
    %get3A_2 = vector.load %arg1[%get3A, %get3A_0, %get3A_1] : memref<16x128x32xf32, #tpu.memory_space<vmem>>, vector<16x128x32xf32>
    %get3A_3 = arith.constant 0 : index
    %get3A_4 = arith.constant 0 : index
    %get3A_5 = arith.constant 0 : index
    %get3A_6 = vector.load %arg2[%get3A_3, %get3A_4, %get3A_5] : memref<16x128x32xf32, #tpu.memory_space<vmem>>, vector<16x128x32xf32>
    %mul3A = arith.mulf %get3A_2, %get3A_6 : vector<16x128x32xf32>
    %reduce_sum3A = arith.constant dense<0.000000e+00> : vector<16x128xf32>
    %reduce_sum3A_7 = vector.multi_reduction <add>, %mul3A, %reduce_sum3A [2] : vector<16x128x32xf32> to vector<16x128xf32>
    %logistic3A = arith.negf %reduce_sum3A_7 : vector<16x128xf32>
    %logistic3A_8 = math.exp %logistic3A : vector<16x128xf32>
    %logistic3A_9 = arith.constant 1.000000e+00 : f32
    %logistic3A_10 = vector.broadcast %logistic3A_9 : f32 to vector<16x128xf32>
    %logistic3A_11 = arith.addf %logistic3A_10, %logistic3A_8 : vector<16x128xf32>
    %logistic3A_12 = arith.divf %logistic3A_10, %logistic3A_11 : vector<16x128xf32>
    %swap3A = arith.constant 0 : index
    %swap3A_13 = arith.constant 0 : index
    %swap3A_14 = vector.load %arg3[%swap3A, %swap3A_13] : memref<16x128xf32, #tpu.memory_space<vmem>>, vector<16x128xf32>
    tpu.vector_store %arg3[%swap3A, %swap3A_13], %logistic3A_12 {strides = array<i32>} : memref<16x128xf32, #tpu.memory_space<vmem>>, vector<16x128xf32>,
    return
  }
  func.func @transform_0(%arg0: i32) -> (i32, i32, i32) {
    %c0_i32 = arith.constant 0 : i32
    %c0_i32_0 = arith.constant 0 : i32
    %c0_i32_1 = arith.constant 0 : i32
    return %arg0, %c0_i32, %c0_i32_0 : i32, i32, i32
  }
  func.func @transform_1(%arg0: i32) -> (i32, i32, i32) {
    %c0_i32 = arith.constant 0 : i32
    %c0_i32_0 = arith.constant 0 : i32
    %c0_i32_1 = arith.constant 0 : i32
    return %arg0, %c0_i32, %c0_i32_0 : i32, i32, i32
  }
  func.func @transform_2(%arg0: i32) -> (i32, i32) {
    %c0_i32 = arith.constant 0 : i32
    %c0_i32_0 = arith.constant 0 : i32
    return %arg0, %c0_i32 : i32, i32
  }
}

</mosaic_0001>

<sc_bundles>
// kernel: kernel.11.cloned.1.call-start
scs
__scs_entry_jumppad:
0x0: {  	(pc) =	sbr.rel $0x88, $3  }
0x1: {  	(tag) =	ssettag $0x0;
	lr =	simm.s32 $0x1  }
0x2: {  	[smem:$0x3F84] =	sst lr;
	_ =	strace $0xD0000000  }
0x3: {  	_ = 	snop  }
0x4: {  	_ = 	snop  }
0x5: {  	_ = 	snop  }
0x6: {  	_ = 	snop  }
0x7: {  	_ = 	snop  }
__scs_overlays_trampoline_lowered:
0x8: {  	[smem:$0x3F93] =	sst s0  }
0x9: {  	[smem:$0x3F94] =	sst s1  }
0xa: {  	[smem:$0x3F95] =	sst s2  }
0xb: {  	[smem:$0x3F96] =	sst s3  }
0xc: {  	[smem:$0x3F97] =	sst s4  }
0xd: {  	[smem:$0x3F98] =	sst s5  }
0xe: {  	[smem:$0x3F99] =	sst s6  }
0xf: {  	[smem:$0x3F9A] =	sst s7  }
0x10: {  	[smem:$0x3F9B] =	sst s8  }
0x11: {  	[smem:$0x3F9C] =	sst s9;
	s0 =	simm.s32 @!p0 $0x0  }
0x12: {  	s1 =	sld [smem:$0x3F82];
	s0 =	simm.s32 @p0 $0x1  }
0x13: {  	[smem:$0x3F9D] =	sst s0;
	s0 =	simm.s32 @!p1 $0x0  }
0x14: {  	s2 =	sld [smem:$0x3F81];
	s0 =	simm.s32 @p1 $0x1  }
0x15: {  	[smem:$0x3F9E] =	sst s0;
	s0 =	simm.s32 @!p2 $0x0  }
0x16: {  	s3 =	sld [smem:$0x3FDB];
	s0 =	simm.s32 @p2 $0x1  }
0x17: {  	s4 =	simm.s32 $0x1BF5;
	[smem:$0x3FA0] =	sst s0  }
0x18: {  	s0 =	sld [smem:$0x3F83];
	_ =	swait.ge [sflag:s4], $0x0  }
0x19: {  	s7 =	sld [smem:$0x3F84]  }
0x1a: {  	s8 =	sadd.s32 $0xFFFFE003, lr  }
0x1b: {  	s9 =	sadd.s32 $0xFFFFFEF7, lr;
	s5 =	simm.s32 $0xFFFFFFFF;
	p2 =	slt.u32 s8, $0xFFFFF086  }
0x1c: {  	p1 =	slt.u32 s9, $0xF7A;
	s5 =	simm.s32 @!p2 $0x0  }
0x1d: {  	s5 =	simm.s32 @p1 $0x1;
	p0 =	seq.s32 s7, s2  }
0x1e: {  	s7 =	smul.u32 @!p0 $0xF7A, s2;
	p2 =	seq.s32 @!p0 s5, $0x0  }
0x1f: {  	s9 =	smul.u32 $0xF7A, s1;
	s8 =	simm.s32 @!p0 $0x1BF5;
	p2 =	por !p2, p0  }
0x20: {  	[sflag:s8] =	ssyncset.s32 @!p0 $0xFFFFF086;
	s6 =	sadd.s32 @!p0 s3, s7;
	s7 =	simm.s32 @!p0 $0x108  }
0x21: {  	s3 =	sadd.s32 s3, s9;
	s6 =	sadd.s32 @!p0 $0x88, s6;
	s7 =	simm.s32 @p2 $0x1082  }
0x22: {  	[simem:s7], [sflag:s8] =	dma.local @!p0 [hbm:s6], $0xF7A  }
0x23: {  	s9 =	sor.u32 $0xD0000000, s2;
	s6 =	simm.s32 $0x108;
	_ =	swait.ge @!p0 [sflag:s8], $0x0  }
0x24: {  	s3 =	sadd.s32 $0x88, s3;
	s6 =	simm.s32 @!p1 $0x1082;
	[sflag:s4] =	ssyncset.s32 $0xFFFFF086  }
0x25: {  	[simem:s6], [sflag:s4] =	dma.local [hbm:s3], $0xF7A  }
0x26: {  	[smem:$0x3F84] =	sst s1;
	(tag) =	ssettag s2;
	_ =	strace s9  }
0x27: {  	s1 =	sld [smem:$0x3F94]  }
0x28: {  	s2 =	sld [smem:$0x3F95]  }
0x29: {  	s4 =	sld [smem:$0x3F97]  }
0x2a: {  	p0 =	seq.s32 s5, $0x0;
	s5 =	sld [smem:$0x3F98]  }
0x2b: {  	s6 =	sld [smem:$0x3F99]  }
0x2c: {  	s7 =	sld [smem:$0x3F9A]  }
0x2d: {  	s3 =	simm.s32 $0x108;
	s8 =	sld [smem:$0x3F9B]  }
0x2e: {  	s3 =	simm.s32 @!p0 $0x1082;
	s9 =	sld [smem:$0x3F9C]  }
0x2f: {  	lr =	sadd.s32 s0, s3;
	s0 =	sld [smem:$0x3F93]  }
0x30: {  	s3 =	sld [smem:$0x3F96]  }
0x31: {  	[smem:$0x3F9F] =	sst s10  }
0x32: {  	s10 =	sld [smem:$0x3F9D];
	_ =	sdelay $0x3  }
0x33: {  	p0 =	seq.s32 s10, $0x1;
	s10 =	sld [smem:$0x3F9F];
	_ =	sdelay $0x3  }
0x34: {  	[smem:$0x3F9F] =	sst s10  }
0x35: {  	s10 =	sld [smem:$0x3F9E];
	_ =	sdelay $0x3  }
0x36: {  	p1 =	seq.s32 s10, $0x1;
	s10 =	sld [smem:$0x3F9F];
	_ =	sdelay $0x3  }
0x37: {  	[smem:$0x3F9F] =	sst s10  }
0x38: {  	s10 =	sld [smem:$0x3FA0]  }
0x39: {  	_ = 	snop;
	(pc) =	sbr.ind lr, $3  }
0x3a: {  	_ = 	snop  }
0x3b: {  	_ = 	snop  }
0x3c: {  	p2 =	seq.s32 s10, $0x1;
	s10 =	sld [smem:$0x3F9F]  }
0x3d: {  	_ =	shalt  }
0x3e: {  	_ =	shalt  }
0x3f: {  	_ =	shalt  }
0x40: {  	_ =	shalt  }
0x41: {  	_ =	shalt  }
0x42: {  	_ =	shalt  }
0x43: {  	_ =	shalt  }
0x44: {  	_ =	shalt  }
0x45: {  	_ =	shalt  }
0x46: {  	_ =	shalt  }
0x47: {  	_ =	shalt  }
0x48: {  	_ =	shalt  }
0x49: {  	_ =	shalt  }
0x4a: {  	_ =	shalt  }
0x4b: {  	_ =	shalt  }
0x4c: {  	_ =	shalt  }
0x4d: {  	_ =	shalt  }
0x4e: {  	_ =	shalt  }
0x4f: {  	_ =	shalt  }
0x50: {  	_ =	shalt  }
0x51: {  	_ =	shalt  }
0x52: {  	_ =	shalt  }
0x53: {  	_ =	shalt  }
0x54: {  	_ =	shalt  }
0x55: {  	_ =	shalt  }
0x56: {  	_ =	shalt  }
0x57: {  	_ =	shalt  }
0x58: {  	_ =	shalt  }
0x59: {  	_ =	shalt  }
0x5a: {  	_ =	shalt  }
0x5b: {  	_ =	shalt  }
0x5c: {  	_ =	shalt  }
0x5d: {  	_ =	shalt  }
0x5e: {  	_ =	shalt  }
0x5f: {  	_ =	shalt  }
0x60: {  	_ =	shalt  }
0x61: {  	_ =	shalt  }
0x62: {  	_ =	shalt  }
0x63: {  	_ =	shalt  }
0x64: {  	_ =	shalt  }
0x65: {  	_ =	shalt  }
0x66: {  	_ =	shalt  }
0x67: {  	_ =	shalt  }
0x68: {  	_ =	shalt  }
0x69: {  	_ =	shalt  }
0x6a: {  	_ =	shalt  }
0x6b: {  	_ =	shalt  }
0x6c: {  	_ =	shalt  }
0x6d: {  	_ =	shalt  }
0x6e: {  	_ =	shalt  }
0x6f: {  	_ =	shalt  }
0x70: {  	_ =	shalt  }
0x71: {  	_ =	shalt  }
0x72: {  	_ =	shalt  }
0x73: {  	_ =	shalt  }
0x74: {  	_ =	shalt  }
0x75: {  	_ =	shalt  }
0x76: {  	_ =	shalt  }
0x77: {  	_ =	shalt  }
0x78: {  	_ =	shalt  }
0x79: {  	_ =	shalt  }
0x7a: {  	_ =	shalt  }
0x7b: {  	_ =	shalt  }
0x7c: {  	_ =	shalt  }
0x7d: {  	_ =	shalt  }
0x7e: {  	_ =	shalt  }
0x7f: {  	_ =	shalt  }
0x80: {  	_ =	shalt  }
0x81: {  	_ =	shalt  }
0x82: {  	_ =	shalt  }
0x83: {  	_ =	shalt  }
0x84: {  	_ =	shalt  }
0x85: {  	_ =	shalt  }
0x86: {  	_ =	shalt  }
0x87: {  	_ =	shalt  }
.Lfunc_end0:
.L_simem_size_0:
called_computation_lowered:
.L_overlay_start_0:
0x88: {  	s2 =	sld [smem:$0x3FD9]  }
0x89: {  	s3 =	sld [smem:$0x3FFE];
	_ =	sdelay $0x1  }
0x8a: {  	s1 =	srdreg.scid  }
0x8b: {  	s0 =	sand.u32 $0x1, s1  }
0x8c: {  	s14 =	sshll.u32 s0, $0xA;
	s2 =	sadd.s32 s3, s2  }
0x8d: {  	s2 =	sadd.s32 s2, s14  }
0x8e: {  	[smem:$0x3FAB] =	sst s2  }
0x8f: {  	_ = 	snop  }
0x90: {  	s2 =	sld [smem:$0x3FD0];
	_ =	sdelay $0x2  }
0x91: {  	s15 =	simm.s32 $0xA;
	s4 =	simm.s32 $0x10  }
0x92: {  	[smem:s4], [sflag:s15] =	dma.local [hbm:s2], $0x1  }
0x93: {  	_ =	swait.eq [sflag:s15], $0x1  }
0x94: {  	s16 =	sld [smem:$0x13];
	[sflag:s15] =	ssyncset.done $0x0  }
0x95: {  	s17 =	sld [smem:$0x15];
	[sflag:s15] =	ssyncadd.s32 $0xFFFFFFFF  }
0x96: {  	s18 =	sld [smem:$0x16];
	(tm) =	ssettm $0x1  }
0x97: {  	s5 =	sld [smem:$0x3FFB];
	_ =	sdelay $0x3  }
0x98: {  	_ =	strace s5  }
0x99: {  	s5 =	sld [smem:$0x3FFC];
	_ =	sdelay $0x3  }
0x9a: {  	_ =	strace s5  }
0x9b: {  	s5 =	sld [smem:$0x3FFD];
	_ =	sdelay $0x3  }
0x9c: {  	_ =	strace s5  }
0x9d: {  	_ =	strace $0x8FFFFFFF  }
0x9e: {  	s19 =	sld [smem:$0x3FDB];
	_ =	sdelay $0x1  }
0x9f: {  	s6 =	simm.s32 $_scs_section_size  }
0xa0: {  	s7 =	simm.s32 $_size__tile_overlayer_lowered;
	s8 =	simm.s32 $_tile_overlayer_lowered  }
0xa1: {  	s22 =	simm.s32 $0x1BFF;
	s21 =	sshll.u32 s8, $0x1;
	s5 =	sadd.s32 s6, s19  }
0xa2: {  	s9 =	simm.s32 $0x0;
	s20 =	sshll.u32 s7, $0x1;
	s7 =	sadd.s32 s21, s5  }
0xa3: {  	[timem:s9], [sflag:s22] =	dma.local [hbm:s7], s20  }
0xa4: {  	_ =	swait.ge [sflag:s22], s20  }
0xa5: {  	s6 =	ssub.s32 $0x0, s20;
	[sflag:s22] =	ssyncset.done $0x0  }
0xa6: {  	[sflag:s22] =	ssyncadd.s32 s6;
	_ =	sdelay $0x1  }
0xa7: {  	s23 =	simm.s32 $0x1B8B  }
0xa8: {  	_ =	swait.ge [sflag:s23], $0x1  }
0xa9: {  	[sflag:s23] =	ssyncset.done $0x0  }
0xaa: {  	s25 =	simm.s32 $0x1B8E;
	s24 =	sld [smem:$0x3FFE];
	[sflag:s23] =	ssyncadd.s32 $0xFFFFFFFF  }
0xab: {  	s26 =	simm.s32 $execute0_lowered;
	[smem:$0x3FD2] =	sst s25  }
0xac: {  	s7 =	sshll.u32 s26, $0x1;
	_ =	strace $0x80000046;
	[dreg:$0x1] =	wrdreg $0xFFFFFFFF  }
0xad: {  	s28 =	simm.s32 $_size_execute0_lowered;
	s5 =	sadd.s32 s5, s7;
	[dreg:$0x0] =	wrdreg $0x0  }
0xae: {  	s7 =	sshll.u32 s28, $0x1;
	[dreg:$0x2] =	wrdreg s5  }
0xaf: {  	[dreg:$0x3] =	wrdreg s7  }
0xb0: {  	[dreg:$0x4] =	wrdreg $0xC0  }
0xb1: {  	_ =	task [dreg:s9], $0x5FFFF  }
0xb2: {  	[dreg:$0x1] =	wrdreg $0xFFFFFFFF  }
0xb3: {  	[dreg:$0x0] =	wrdreg $0x60  }
0xb4: {  	[dreg:$0x2] =	wrdreg s24  }
0xb5: {  	[dreg:$0x3] =	wrdreg s18  }
0xb6: {  	[dreg:$0x4] =	wrdreg s17  }
0xb7: {  	[dreg:$0x5] =	wrdreg s16  }
0xb8: {  	[dreg:$0x6] =	wrdreg $0x1C000  }
0xb9: {  	[dreg:$0x7] =	wrdreg $0x9  }
0xba: {  	_ =	task.clear_ibuf [dreg:s9], $0x8FFFF;
	_ =	strace $0x90000046  }
0xbb: {  	s29 =	simm.s32 $0x9;
	_ =	strace $0x80000048  }
0xbc: {  	_ =	swait.ge [sflag:s29], $0x1  }
0xbd: {  	[sflag:s29] =	ssyncadd.s32 $0xFFFFFFFF  }
0xbe: {  	_ =	strace $0x90000048  }
0xbf: {  	_ =	sfence  }
0xc0: {  	s30 =	sld [smem:$0x0];
	_ =	sdelay $0x2  }
0xc1: {  	s31 =	sshll.u32 s1, $0xD;
	s1 =	sshrl.u32 s1, $0x2  }
0xc2: {  	s3 =	sand.u32 $0x4000, s31;
	s1 =	sadd.s32 s1, s30  }
0xc3: {  	s0 =	sor.u32 s3, s0;
	s1 =	sshll.u32 s1, $0x11  }
0xc4: {  	s0 =	sor.u32 s1, s0  }
0xc5: {  	s0 =	sadd.s32 $0x8F2B, s0  }
0xc6: {  	[sflag:s0] =	ssyncadd.remote.s32 $0x1  }
0xc7: {  	_ =	sfence.sel $0xFFFF  }
0xc8: {  	[dreg:$0x0] =	wrdreg $0xFFFFFFFF;
	(pc) =	sbr.abs _section_cstart, $3  }
0xc9: {  	[dreg:$0x1] =	wrdreg $0xFFFFFFFF  }
0xca: {  	_ =	task.clear_ibuf [dreg:s9], $0x2FFFF;
	_ =	strace $0x9FFFFFFF  }
0xcb: {  	(tm) =	ssettm $0x7FFFFFFF  }
tec
execute0_lowered:
.L_overlay_start_1:
0x0: {  	(tag) =	ssettag $0x1  }
0x1: {  	s6 =	rddreg [dreg:$0x0]  }
0x2: {  	s1 =	rddreg [dreg:$0x1]  }
0x3: {  	s2 =	rddreg [dreg:$0x2]  }
0x4: {  	s3 =	srdreg.scid;
	s8 =	rddreg [dreg:$0x3]  }
0x5: {  	s0 =	stileid.u32;
	s4 =	rddreg [dreg:$0x4];
	s5 =	simm.s32 $0x0  }
0x6: {  	s14 =	simm.s32 $0x0;
	s7 =	sand.u32 $0x1, s3;
	s10 =	smul.u32 $0x500, s0  }
0x7: {  	s28 =	sshll.u32 s0, $0x1;
	[smem:$0x7FF] =	sst s5;
	s12 =	smul.u32 $0xA000, s0  }
0x8: {  	s3 =	sor.u32 s7, s28;
	s11 =	ssub.s32 $0x2, s7;
	s7 =	smul.u32 $0x5000, s7  }
0x9: {  	s31 =	sshll.u32 s0, $0x6;
	s9 =	smul.u32 $0x280, s3;
	s3 =	rddreg [dreg:$0x5]  }
0xa: {  	_ =	strace $0x80000047;
	s13 =	sshrl.u32 s11, $0x1;
	s30 =	sshrl.u32 s12, $0x2  }
0xb: {  	s29 =	ssub.s32 s11, s13;
	s12 =	sadd.s32 s30, s4;
	s7 =	sadd.s32 s10, s7  }
0xc: {  	s10 =	simm.s32 $0x1;
	s11 =	sor.u32 $0x1C01, s31;
	s13 =	simm.s32 $0x80  }
0xd: {  	s6 =	sadd.s32 s9, s6;
	s7 =	sadd.s32 s8, s7;
	s8 =	smax.u32 s29, $0x1  }
0xe: {  	s9 =	simm.s32 $0x1400;
	s12 =	sshrl.u32 s12, $0x3;
	s6 =	sadd.s32 $0x6400, s6  }
.LBB2_1:
0xf: {  	[tilespmem:s9], [sflag:$0x1] =	stream.linear.gather [hbm4b:s1+s5], $0x800, $0x38;
	[tilespmem:$0x4400] =	vst v63  }
0x10: {  	_ =	swait.ge [sflag:s10], $0x800  }
0x11: {  	[sflag:s10] =	ssyncset.done $0x0  }
0x12: {  	[sflag:s10] =	ssyncadd.s32 $0xFFFFF800  }
0x13: {  	[tilespmem:s5], [sflag:$0x1] =	stream.linear.gather [hbm4b:s6+s5], $0x1400, $0x38;
	[tilespmem:$0x4400] =	vst v63  }
0x14: {  	_ =	swait.ge [sflag:s10], $0x1400  }
0x15: {  	[sflag:s10] =	ssyncset.done $0x0  }
0x16: {  	[sflag:s10] =	ssyncadd.s32 $0xFFFFEC00  }
0x17: {  	[spmem:s12], [sflag:s11] =	dma.local [hbm:s2], $0x500  }
0x18: {  	_ =	swait.ge [sflag:s10], $0x500  }
0x19: {  	[sflag:s10] =	ssyncset.done $0x0  }
0x1a: {  	[sflag:s10] =	ssyncadd.s32 $0xFFFFFB00  }
0x1b: {  	s15 =	simm.s32 $0x0;
	[bflag:$0x0] =	sbarrier.arrive $0xFFFF  }
0x1c: {  	[spmem:s4] =	stream.indirect.scatter.add.f32 [tilespmem:s9], [sflag:$0x1], $0x10, s15, s13, $0xb8;
	[tilespmem:$0x4400] =	vst v63  }
0x1d: {  	_ =	swait.ge [sflag:s10], $0x800  }
0x1e: {  	s15 =	simm.s32 $0x200;
	[sflag:s10] =	ssyncset.done $0x0  }
.LBB2_2:
0x1f: {  	s16 =	sshra.s32 s15, $0x2;
	[sflag:s10] =	ssyncadd.s32 $0xFFFFF800;
	p0 =	sne.s32 s15, $0x4E00  }
0x20: {  	[spmem:s4] =	stream.indirect.scatter.add.f32 [tilespmem:s9], [sflag:$0x1], $0x10, s16, s13, $0xb8;
	[tilespmem:$0x4400] =	vst v63  }
.Ltmp0:
0x21: {  	_ = 	snop;
	(pc) =	sbr.rel @p0 .LBB2_2-.Ltmp0, $4  }
0x22: {  	_ = 	snop  }
0x23: {  	s15 =	sadd.s32 $0x200, s15  }
0x24: {  	_ =	swait.ge [sflag:s10], $0x800  }
0x25: {  	[sflag:s10] =	ssyncset.done $0x0  }
0x26: {  	s14 =	sadd.s32 $0x1, s14  }
0x27: {  	[sflag:s10] =	ssyncadd.s32 $0xFFFFF800;
	p0 =	sne.s32 s14, s8  }
.Ltmp1:
0x28: {  	[bflag:$0x0] =	sbarrier.arrive $0xFFFF;
	(pc) =	sbr.rel @p0 .LBB2_1-.Ltmp1, $4  }
0x29: {  	[hbm:s7], [sflag:s11] =	dma.local [spmem:s12], $0x500  }
0x2a: {  	_ =	swait.ge [sflag:s10], $0x500  }
0x2b: {  	[sflag:s10] =	ssyncset.done $0x0  }
0x2c: {  	[sflag:s10] =	ssyncadd.s32 $0xFFFFFB00  }
0x2d: {  	_ =	sfence.sel $0x180000  }
0x2e: {  	[bflag:$0x0] =	sbarrier.arrive $0xFFFF  }
0x2f: {  	p0 =	sne.s32 s0, $0x0;
	_ =	strace $0x90000047  }
0x30: {  	s0 =	sadd.s32 @!p0 $0x100000, s3;
	[bflag:$0x2] =	sbarrier.arrive $0xFFFF  }
0x31: {  	[sflag:s0] =	ssyncadd.tile.s32 @!p0 $0x1;
	_ =	shalt  }
.Lfunc_end2:
_tile_overlayer_lowered:
.L_overlay_start_2:
0x32: {  	(tag) =	ssettag $0x2  }
0x33: {  	s0 =	rddreg [dreg:$0x0];
	s2 =	stileid.u32  }
0x34: {  	s1 =	rddreg [dreg:$0x1];
	p0 =	sne.s32 s2, $0x0  }
0x35: {  	s3 =	rddreg [dreg:$0x2];
	[bflag:$0x3] =	sbarrier.arrive $0xFFFF;
	s2 =	simm.s32 @!p0 $0x1C01  }
0x36: {  	[timem:s3], [sflag:s2] =	dma.local @!p0 [hbm:s0], s1  }
0x37: {  	s0 =	simm.s32 @!p0 $0x1  }
0x38: {  	_ =	swait.ge @!p0 [sflag:s0], s1  }
0x39: {  	s1 =	ssub.s32 @!p0 $0x0, s1;
	[sflag:s0] =	ssyncset.done @!p0 $0x0  }
0x3a: {  	[sflag:s0] =	ssyncadd.s32 @!p0 s1  }
0x3b: {  	[bflag:$0x3] =	sbarrier.arrive $0xFFFF  }
0x3c: {  	_ =	shalt  }

// kernel: kernel.14.cloned.1.call-start
scs
__scs_entry_jumppad:
0x0: {  	(pc) =	sbr.rel $0x88, $3  }
0x1: {  	(tag) =	ssettag $0x0;
	lr =	simm.s32 $0x1  }
0x2: {  	[smem:$0x3F84] =	sst lr;
	_ =	strace $0xD0000000  }
0x3: {  	_ = 	snop  }
0x4: {  	_ = 	snop  }
0x5: {  	_ = 	snop  }
0x6: {  	_ = 	snop  }
0x7: {  	_ = 	snop  }
__scs_overlays_trampoline_lowered:
0x8: {  	[smem:$0x3F93] =	sst s0  }
0x9: {  	[smem:$0x3F94] =	sst s1  }
0xa: {  	[smem:$0x3F95] =	sst s2  }
0xb: {  	[smem:$0x3F96] =	sst s3  }
0xc: {  	[smem:$0x3F97] =	sst s4  }
0xd: {  	[smem:$0x3F98] =	sst s5  }
0xe: {  	[smem:$0x3F99] =	sst s6  }
0xf: {  	[smem:$0x3F9A] =	sst s7  }
0x10: {  	[smem:$0x3F9B] =	sst s8  }
0x11: {  	[smem:$0x3F9C] =	sst s9;
	s0 =	simm.s32 @!p0 $0x0  }
0x12: {  	s1 =	sld [smem:$0x3F82];
	s0 =	simm.s32 @p0 $0x1  }
0x13: {  	[smem:$0x3F9D] =	sst s0;
	s0 =	simm.s32 @!p1 $0x0  }
0x14: {  	s2 =	sld [smem:$0x3F81];
	s0 =	simm.s32 @p1 $0x1  }
0x15: {  	[smem:$0x3F9E] =	sst s0;
	s0 =	simm.s32 @!p2 $0x0  }
0x16: {  	s3 =	sld [smem:$0x3FDB];
	s0 =	simm.s32 @p2 $0x1  }
0x17: {  	s4 =	simm.s32 $0x1BF5;
	[smem:$0x3FA0] =	sst s0  }
0x18: {  	s0 =	sld [smem:$0x3F83];
	_ =	swait.ge [sflag:s4], $0x0  }
0x19: {  	s7 =	sld [smem:$0x3F84]  }
0x1a: {  	s8 =	sadd.s32 $0xFFFFE003, lr  }
0x1b: {  	s9 =	sadd.s32 $0xFFFFFEF7, lr;
	s5 =	simm.s32 $0xFFFFFFFF;
	p2 =	slt.u32 s8, $0xFFFFF086  }
0x1c: {  	p1 =	slt.u32 s9, $0xF7A;
	s5 =	simm.s32 @!p2 $0x0  }
0x1d: {  	s5 =	simm.s32 @p1 $0x1;
	p0 =	seq.s32 s7, s2  }
0x1e: {  	s7 =	smul.u32 @!p0 $0xF7A, s2;
	p2 =	seq.s32 @!p0 s5, $0x0  }
0x1f: {  	s9 =	smul.u32 $0xF7A, s1;
	s8 =	simm.s32 @!p0 $0x1BF5;
	p2 =	por !p2, p0  }
0x20: {  	[sflag:s8] =	ssyncset.s32 @!p0 $0xFFFFF086;
	s6 =	sadd.s32 @!p0 s3, s7;
	s7 =	simm.s32 @!p0 $0x108  }
0x21: {  	s3 =	sadd.s32 s3, s9;
	s6 =	sadd.s32 @!p0 $0x88, s6;
	s7 =	simm.s32 @p2 $0x1082  }
0x22: {  	[simem:s7], [sflag:s8] =	dma.local @!p0 [hbm:s6], $0xF7A  }
0x23: {  	s9 =	sor.u32 $0xD0000000, s2;
	s6 =	simm.s32 $0x108;
	_ =	swait.ge @!p0 [sflag:s8], $0x0  }
0x24: {  	s3 =	sadd.s32 $0x88, s3;
	s6 =	simm.s32 @!p1 $0x1082;
	[sflag:s4] =	ssyncset.s32 $0xFFFFF086  }
0x25: {  	[simem:s6], [sflag:s4] =	dma.local [hbm:s3], $0xF7A  }
0x26: {  	[smem:$0x3F84] =	sst s1;
	(tag) =	ssettag s2;
	_ =	strace s9  }
0x27: {  	s1 =	sld [smem:$0x3F94]  }
0x28: {  	s2 =	sld [smem:$0x3F95]  }
0x29: {  	s4 =	sld [smem:$0x3F97]  }
0x2a: {  	p0 =	seq.s32 s5, $0x0;
	s5 =	sld [smem:$0x3F98]  }
0x2b: {  	s6 =	sld [smem:$0x3F99]  }
0x2c: {  	s7 =	sld [smem:$0x3F9A]  }
0x2d: {  	s3 =	simm.s32 $0x108;
	s8 =	sld [smem:$0x3F9B]  }
0x2e: {  	s3 =	simm.s32 @!p0 $0x1082;
	s9 =	sld [smem:$0x3F9C]  }
0x2f: {  	lr =	sadd.s32 s0, s3;
	s0 =	sld [smem:$0x3F93]  }
0x30: {  	s3 =	sld [smem:$0x3F96]  }
0x31: {  	[smem:$0x3F9F] =	sst s10  }
0x32: {  	s10 =	sld [smem:$0x3F9D];
	_ =	sdelay $0x3  }
0x33: {  	p0 =	seq.s32 s10, $0x1;
	s10 =	sld [smem:$0x3F9F];
	_ =	sdelay $0x3  }
0x34: {  	[smem:$0x3F9F] =	sst s10  }
0x35: {  	s10 =	sld [smem:$0x3F9E];
	_ =	sdelay $0x3  }
0x36: {  	p1 =	seq.s32 s10, $0x1;
	s10 =	sld [smem:$0x3F9F];
	_ =	sdelay $0x3  }
0x37: {  	[smem:$0x3F9F] =	sst s10  }
0x38: {  	s10 =	sld [smem:$0x3FA0]  }
0x39: {  	_ = 	snop;
	(pc) =	sbr.ind lr, $3  }
0x3a: {  	_ = 	snop  }
0x3b: {  	_ = 	snop  }
0x3c: {  	p2 =	seq.s32 s10, $0x1;
	s10 =	sld [smem:$0x3F9F]  }
0x3d: {  	_ =	shalt  }
0x3e: {  	_ =	shalt  }
0x3f: {  	_ =	shalt  }
0x40: {  	_ =	shalt  }
0x41: {  	_ =	shalt  }
0x42: {  	_ =	shalt  }
0x43: {  	_ =	shalt  }
0x44: {  	_ =	shalt  }
0x45: {  	_ =	shalt  }
0x46: {  	_ =	shalt  }
0x47: {  	_ =	shalt  }
0x48: {  	_ =	shalt  }
0x49: {  	_ =	shalt  }
0x4a: {  	_ =	shalt  }
0x4b: {  	_ =	shalt  }
0x4c: {  	_ =	shalt  }
0x4d: {  	_ =	shalt  }
0x4e: {  	_ =	shalt  }
0x4f: {  	_ =	shalt  }
0x50: {  	_ =	shalt  }
0x51: {  	_ =	shalt  }
0x52: {  	_ =	shalt  }
0x53: {  	_ =	shalt  }
0x54: {  	_ =	shalt  }
0x55: {  	_ =	shalt  }
0x56: {  	_ =	shalt  }
0x57: {  	_ =	shalt  }
0x58: {  	_ =	shalt  }
0x59: {  	_ =	shalt  }
0x5a: {  	_ =	shalt  }
0x5b: {  	_ =	shalt  }
0x5c: {  	_ =	shalt  }
0x5d: {  	_ =	shalt  }
0x5e: {  	_ =	shalt  }
0x5f: {  	_ =	shalt  }
0x60: {  	_ =	shalt  }
0x61: {  	_ =	shalt  }
0x62: {  	_ =	shalt  }
0x63: {  	_ =	shalt  }
0x64: {  	_ =	shalt  }
0x65: {  	_ =	shalt  }
0x66: {  	_ =	shalt  }
0x67: {  	_ =	shalt  }
0x68: {  	_ =	shalt  }
0x69: {  	_ =	shalt  }
0x6a: {  	_ =	shalt  }
0x6b: {  	_ =	shalt  }
0x6c: {  	_ =	shalt  }
0x6d: {  	_ =	shalt  }
0x6e: {  	_ =	shalt  }
0x6f: {  	_ =	shalt  }
0x70: {  	_ =	shalt  }
0x71: {  	_ =	shalt  }
0x72: {  	_ =	shalt  }
0x73: {  	_ =	shalt  }
0x74: {  	_ =	shalt  }
0x75: {  	_ =	shalt  }
0x76: {  	_ =	shalt  }
0x77: {  	_ =	shalt  }
0x78: {  	_ =	shalt  }
0x79: {  	_ =	shalt  }
0x7a: {  	_ =	shalt  }
0x7b: {  	_ =	shalt  }
0x7c: {  	_ =	shalt  }
0x7d: {  	_ =	shalt  }
0x7e: {  	_ =	shalt  }
0x7f: {  	_ =	shalt  }
0x80: {  	_ =	shalt  }
0x81: {  	_ =	shalt  }
0x82: {  	_ =	shalt  }
0x83: {  	_ =	shalt  }
0x84: {  	_ =	shalt  }
0x85: {  	_ =	shalt  }
0x86: {  	_ =	shalt  }
0x87: {  	_ =	shalt  }
.Lfunc_end0:
.L_simem_size_0:
called_computation.1_lowered:
.L_overlay_start_0:
0x88: {  	s2 =	sld [smem:$0x3FD9]  }
0x89: {  	s3 =	sld [smem:$0x3FFE];
	_ =	sdelay $0x1  }
0x8a: {  	s1 =	srdreg.scid  }
0x8b: {  	s0 =	sand.u32 $0x1, s1  }
0x8c: {  	s14 =	sshll.u32 s0, $0xA;
	s2 =	sadd.s32 s3, s2  }
0x8d: {  	s2 =	sadd.s32 s2, s14  }
0x8e: {  	[smem:$0x3FAB] =	sst s2  }
0x8f: {  	_ = 	snop  }
0x90: {  	s2 =	sld [smem:$0x3FD0];
	_ =	sdelay $0x2  }
0x91: {  	s15 =	simm.s32 $0xA;
	s4 =	simm.s32 $0x10  }
0x92: {  	[smem:s4], [sflag:s15] =	dma.local [hbm:s2], $0x1  }
0x93: {  	_ =	swait.eq [sflag:s15], $0x1  }
0x94: {  	[sflag:s15] =	ssyncset.done $0x0  }
0x95: {  	s16 =	sld [smem:$0x13];
	[sflag:s15] =	ssyncadd.s32 $0xFFFFFFFF  }
0x96: {  	s17 =	sld [smem:$0x14];
	(tm) =	ssettm $0x1  }
0x97: {  	s18 =	sld [smem:$0x3FFB];
	_ =	sdelay $0x3  }
0x98: {  	_ =	strace s18  }
0x99: {  	s4 =	sld [smem:$0x3FFC];
	_ =	sdelay $0x3  }
0x9a: {  	_ =	strace s4  }
0x9b: {  	s4 =	sld [smem:$0x3FFD];
	_ =	sdelay $0x3  }
0x9c: {  	_ =	strace s4  }
0x9d: {  	_ =	strace $0x8FFFFFFF  }
0x9e: {  	s19 =	sld [smem:$0x3FDB];
	_ =	sdelay $0x1  }
0x9f: {  	s5 =	simm.s32 $_scs_section_size  }
0xa0: {  	s6 =	simm.s32 $_size__tile_overlayer_lowered;
	s7 =	simm.s32 $_tile_overlayer_lowered  }
0xa1: {  	s22 =	simm.s32 $0x1BFF;
	s21 =	sshll.u32 s7, $0x1;
	s4 =	sadd.s32 s5, s19  }
0xa2: {  	s8 =	simm.s32 $0x0;
	s20 =	sshll.u32 s6, $0x1;
	s6 =	sadd.s32 s21, s4  }
0xa3: {  	[timem:s8], [sflag:s22] =	dma.local [hbm:s6], s20  }
0xa4: {  	_ =	swait.ge [sflag:s22], s20  }
0xa5: {  	s5 =	ssub.s32 $0x0, s20;
	[sflag:s22] =	ssyncset.done $0x0  }
0xa6: {  	[sflag:s22] =	ssyncadd.s32 s5;
	_ =	sdelay $0x1  }
0xa7: {  	s23 =	simm.s32 $0x1B8B  }
0xa8: {  	_ =	swait.ge [sflag:s23], $0x1  }
0xa9: {  	[sflag:s23] =	ssyncset.done $0x0  }
0xaa: {  	s25 =	simm.s32 $0x1B8E;
	s24 =	sld [smem:$0x3FFE];
	[sflag:s23] =	ssyncadd.s32 $0xFFFFFFFF  }
0xab: {  	s26 =	simm.s32 $execute0_lowered;
	[smem:$0x3FD2] =	sst s25  }
0xac: {  	s6 =	sshll.u32 s26, $0x1;
	_ =	strace $0x80000049;
	[dreg:$0x1] =	wrdreg $0xFFFFFFFF  }
0xad: {  	s28 =	simm.s32 $_size_execute0_lowered;
	s4 =	sadd.s32 s4, s6;
	[dreg:$0x0] =	wrdreg $0x0  }
0xae: {  	s6 =	sshll.u32 s28, $0x1;
	[dreg:$0x2] =	wrdreg s4  }
0xaf: {  	[dreg:$0x3] =	wrdreg s6  }
0xb0: {  	[dreg:$0x4] =	wrdreg $0xC0  }
0xb1: {  	_ =	task [dreg:s8], $0x5FFFF  }
0xb2: {  	[dreg:$0x1] =	wrdreg $0xFFFFFFFF  }
0xb3: {  	[dreg:$0x0] =	wrdreg $0x60  }
0xb4: {  	[dreg:$0x2] =	wrdreg s17  }
0xb5: {  	[dreg:$0x3] =	wrdreg s16  }
0xb6: {  	[dreg:$0x4] =	wrdreg s24  }
0xb7: {  	[dreg:$0x5] =	wrdreg $0x88000  }
0xb8: {  	[dreg:$0x6] =	wrdreg $0x9  }
0xb9: {  	_ =	task.clear_ibuf [dreg:s8], $0x7FFFF;
	_ =	strace $0x90000049  }
0xba: {  	s29 =	simm.s32 $0x9;
	_ =	strace $0x8000004B  }
0xbb: {  	_ =	swait.ge [sflag:s29], $0x1  }
0xbc: {  	[sflag:s29] =	ssyncadd.s32 $0xFFFFFFFF  }
0xbd: {  	_ =	strace $0x9000004B  }
0xbe: {  	_ =	sfence  }
0xbf: {  	s30 =	sld [smem:$0x0];
	_ =	sdelay $0x2  }
0xc0: {  	s31 =	sshll.u32 s1, $0xD;
	s1 =	sshrl.u32 s1, $0x2  }
0xc1: {  	s3 =	sand.u32 $0x4000, s31;
	s1 =	sadd.s32 s1, s30  }
0xc2: {  	s0 =	sor.u32 s3, s0;
	s1 =	sshll.u32 s1, $0x11  }
0xc3: {  	s0 =	sor.u32 s1, s0  }
0xc4: {  	s0 =	sadd.s32 $0x8F2B, s0  }
0xc5: {  	[sflag:s0] =	ssyncadd.remote.s32 $0x1  }
0xc6: {  	_ =	sfence.sel $0xFFFF  }
0xc7: {  	[dreg:$0x0] =	wrdreg $0xFFFFFFFF;
	(pc) =	sbr.abs _section_cstart, $3  }
0xc8: {  	[dreg:$0x1] =	wrdreg $0xFFFFFFFF  }
0xc9: {  	_ =	task.clear_ibuf [dreg:s8], $0x2FFFF;
	_ =	strace $0x9FFFFFFF  }
0xca: {  	(tm) =	ssettm $0x7FFFFFFF  }
0xcb: {  	_ =	shalt  }
tec
execute0_lowered:
.L_overlay_start_1:
0x0: {  	(tag) =	ssettag $0x1  }
0x1: {  	s1 =	rddreg [dreg:$0x0]  }
0x2: {  	s2 =	rddreg [dreg:$0x1]  }
0x3: {  	s0 =	rddreg [dreg:$0x2]  }
0x4: {  	s4 =	rddreg [dreg:$0x3];
	s3 =	simm.s32 $0x0  }
0x5: {  	s11 =	stileid.u32;
	s5 =	srdreg.scid;
	s24 =	simm.s32 $0x180  }
0x6: {  	s25 =	simm.s32 $0x280;
	s26 =	simm.s32 $0x380;
	s12 =	simm.s32 $0x1  }
0x7: {  	s28 =	simm.s32 $0x480;
	s13 =	simm.s32 $0x80;
	[smem:$0x7FF] =	sst s3  }
0x8: {  	s29 =	simm.s32 $0x580;
	_ =	strace $0x8000004A;
	[dreg:$0x6] =	wrdreg s24  }
0x9: {  	s14 =	simm.s32 $0x800;
	s30 =	simm.s32 $0x680;
	[dreg:$0x7] =	wrdreg s25  }
0xa: {  	s15 =	simm.s32 $0x2;
	s31 =	simm.s32 $0x780;
	[dreg:$0x8] =	wrdreg s26  }
0xb: {  	s16 =	simm.s32 $0x4800;
	s19 =	smul.u32 $0xA00, s11;
	[dreg:$0x9] =	wrdreg s28  }
0xc: {  	s5 =	sand.u32 $0x1, s5;
	s7 =	smul.u32 $0x14000, s11;
	[dreg:$0xa] =	wrdreg s29  }
0xd: {  	s8 =	sadd.s32 $0x42400, s0;
	s10 =	smov.u32 s2;
	[dreg:$0xb] =	wrdreg s30  }
0xe: {  	s6 =	ssub.s32 $0x2, s5;
	p0 =	seq.s32 s5, $0x0;
	[dreg:$0xc] =	wrdreg s31  }
0xf: {  	s20 =	sadd.s32 s7, s4;
	s7 =	sshrl.u32 s7, $0x3;
	s10 =	smov.u32 @p0 s1  }
0x10: {  	s3 =	sadd.s32 s19, s0;
	s0 =	sadd.s32 $0x6A400, s0;
	s21 =	sadd.s32 s10, s7  }
0x11: {  	s9 =	sshrl.u32 s6, $0x1;
	s23 =	sadd.s32 $0x10400, s3;
	[dreg:$0xe] =	wrdreg s21  }
0x12: {  	s6 =	ssub.s32 s6, s9;
	s3 =	sshrl.u32 s20, $0x3;
	[dreg:$0x5] =	wrdreg s23  }
0x13: {  	s0 =	smov.u32 @p0 s8;
	s6 =	smax.u32 s6, $0x1;
	[dreg:$0x11] =	wrdreg s3  }
0x14: {  	s22 =	sshll.u32 s11, $0x6;
	s0 =	sadd.s32 s0, s7;
	[dreg:$0xd] =	wrdreg s6  }
0x15: {  	s11 =	simm.s32 $0x3;
	s6 =	sor.u32 $0x1C03, s22;
	[dreg:$0x10] =	wrdreg s0  }
0x16: {  	p1 =	sne.s32 s5, $0x0;
	s5 =	simm.s32 $0x0;
	[dreg:$0xf] =	wrdreg s6  }
.LBB2_1:
0x17: {  	[dreg:$0x12] =	wrdreg s5  }
0x18: {  	s0 =	rddreg [dreg:$0xe]  }
0x19: {  	[spmem:s3], [sflag:s6] =	dma.local [hbm:s0], $0x2800  }
0x1a: {  	_ =	swait.ge [sflag:s11], $0x2800  }
0x1b: {  	[sflag:s11] =	ssyncset.done $0x0  }
0x1c: {  	[sflag:s11] =	ssyncadd.s32 $0xFFFFD800  }
0x1d: {  	[bflag:$0x0] =	sbarrier.arrive $0xFFFF  }
0x1e: {  	s18 =	rddreg [dreg:$0x5]  }
0x1f: {  	s19 =	simm.s32 $0x0;
	s0 =	sadd.s32 $0x0, s18  }
0x20: {  	[tilespmem:s19], [sflag:$0x3] =	stream.linear.gather [hbm4b:s0+s19], $0x800, $0x38;
	[tilespmem:$0x1C800] =	vst v63  }
0x21: {  	_ =	swait.ge [sflag:s11], $0x800  }
0x22: {  	s18 =	simm.s32 @p1 $0x800;
	[sflag:s11] =	ssyncset.done $0x0  }
0x23: {  	s19 =	simm.s32 @p1 $0x80;
	s0 =	simm.s32 @p1 $0x0;
	[sflag:s11] =	ssyncadd.s32 $0xFFFFF800  }
0x24: {  	[tilespmem:s18], [sflag:$0x1] =	stream.indirect.gather @p1 [hbm4b:s2+s19], $0x80, s0, s19, $0xb8;
	[tilespmem:$0x1C800] =	vst v63  }
0x25: {  	s3 =	simm.s32 @p1 $0x4800;
	s0 =	simm.s32 @p1 $0x100  }
0x26: {  	[tilespmem:s3], [sflag:$0x2] =	stream.indirect.gather @p1 [hbm4b:s2+s19], $0x80, s0, s19, $0xb8;
	[tilespmem:$0x1C800] =	vst v63  }
0x27: {  	s23 =	simm.s32 @!p1 $0x80;
	s25 =	simm.s32 @!p1 $0x800;
	s0 =	simm.s32 @!p1 $0x0  }
0x28: {  	[tilespmem:s25], [sflag:$0x1] =	stream.indirect.gather @!p1 [hbm4b:s1+s23], $0x80, s0, s23, $0xb8;
	[tilespmem:$0x1C800] =	vst v63  }
0x29: {  	s3 =	simm.s32 @!p1 $0x4800;
	s0 =	simm.s32 @!p1 $0x100  }
0x2a: {  	[tilespmem:s3], [sflag:$0x2] =	stream.indirect.gather @!p1 [hbm4b:s1+s23], $0x80, s0, s23, $0xb8;
	[tilespmem:$0x1C800] =	vst v63  }
0x2b: {  	_ =	swait.ge [sflag:s12], $0x4000  }
0x2c: {  	[sflag:s12] =	ssyncset.done $0x0  }
0x2d: {  	[sflag:s12] =	ssyncadd.s32 $0xFFFFC000  }
0x2e: {  	[spmem:s4] =	stream.indirect.scatter.add.f32 [tilespmem:s14], [sflag:$0x3], $0x80, s13, s13, $0xb8;
	[tilespmem:$0x1C800] =	vst v63  }
0x2f: {  	_ =	swait.ge [sflag:s11], $0x4000  }
0x30: {  	[sflag:s11] =	ssyncset.done $0x0  }
0x31: {  	s0 =	simm.s32 @p1 $0x200;
	[sflag:s11] =	ssyncadd.s32 $0xFFFFC000  }
0x32: {  	[tilespmem:s18], [sflag:$0x1] =	stream.indirect.gather @p1 [hbm4b:s2+s19], $0x80, s0, s19, $0xb8;
	[tilespmem:$0x1C800] =	vst v63  }
0x33: {  	s0 =	simm.s32 @!p1 $0x200  }
0x34: {  	[tilespmem:s25], [sflag:$0x1] =	stream.indirect.gather @!p1 [hbm4b:s1+s23], $0x80, s0, s23, $0xb8;
	[tilespmem:$0x1C800] =	vst v63  }
0x35: {  	_ =	swait.ge [sflag:s15], $0x4000  }
0x36: {  	[sflag:s15] =	ssyncset.done $0x0  }
0x37: {  	s20 =	rddreg [dreg:$0x6];
	[sflag:s15] =	ssyncadd.s32 $0xFFFFC000  }
0x38: {  	[spmem:s4] =	stream.indirect.scatter.add.f32 [tilespmem:s16], [sflag:$0x3], $0x80, s20, s13, $0xb8;
	[tilespmem:$0x1C800] =	vst v63  }
0x39: {  	_ =	swait.ge [sflag:s11], $0x4000  }
0x3a: {  	s31 =	simm.s32 @p0 $0x4800;
	[sflag:s11] =	ssyncset.done $0x0  }
0x3b: {  	s3 =	simm.s32 @p0 $0x300;
	s0 =	simm.s32 @p0 $0x80;
	[sflag:s11] =	ssyncadd.s32 $0xFFFFC000  }
0x3c: {  	[tilespmem:s31], [sflag:$0x2] =	stream.indirect.gather @p0 [hbm4b:s1+s0], $0x80, s3, s0, $0xb8;
	[tilespmem:$0x1C800] =	vst v63  }
0x3d: {  	s9 =	simm.s32 @!p0 $0x4800;
	s6 =	simm.s32 @!p0 $0x80;
	s3 =	simm.s32 @!p0 $0x300  }
0x3e: {  	[tilespmem:s9], [sflag:$0x2] =	stream.indirect.gather @!p0 [hbm4b:s2+s6], $0x80, s3, s6, $0xb8;
	[tilespmem:$0x1C800] =	vst v63  }
0x3f: {  	_ =	swait.ge [sflag:s12], $0x4000  }
0x40: {  	[sflag:s12] =	ssyncset.done $0x0  }
0x41: {  	s21 =	rddreg [dreg:$0x7];
	[sflag:s12] =	ssyncadd.s32 $0xFFFFC000  }
0x42: {  	[spmem:s4] =	stream.indirect.scatter.add.f32 [tilespmem:s14], [sflag:$0x3], $0x80, s21, s13, $0xb8;
	[tilespmem:$0x1C800] =	vst v63  }
0x43: {  	_ =	swait.ge [sflag:s11], $0x4000  }
0x44: {  	[sflag:s11] =	ssyncset.done $0x0  }
0x45: {  	s8 =	simm.s32 @p0 $0x400;
	s10 =	simm.s32 @p0 $0x800;
	[sflag:s11] =	ssyncadd.s32 $0xFFFFC000  }
0x46: {  	[tilespmem:s10], [sflag:$0x1] =	stream.indirect.gather @p0 [hbm4b:s1+s0], $0x80, s8, s0, $0xb8;
	[tilespmem:$0x1C800] =	vst v63  }
0x47: {  	s17 =	simm.s32 @!p0 $0x400;
	s5 =	simm.s32 @!p0 $0x800  }
0x48: {  	[tilespmem:s5], [sflag:$0x1] =	stream.indirect.gather @!p0 [hbm4b:s2+s6], $0x80, s17, s6, $0xb8;
	[tilespmem:$0x1C800] =	vst v63  }
0x49: {  	_ =	swait.ge [sflag:s15], $0x4000  }
0x4a: {  	[sflag:s15] =	ssyncset.done $0x0  }
0x4b: {  	s22 =	rddreg [dreg:$0x8];
	[sflag:s15] =	ssyncadd.s32 $0xFFFFC000  }
0x4c: {  	[spmem:s4] =	stream.indirect.scatter.add.f32 [tilespmem:s16], [sflag:$0x3], $0x80, s22, s13, $0xb8;
	[tilespmem:$0x1C800] =	vst v63  }
0x4d: {  	_ =	swait.ge [sflag:s11], $0x4000  }
0x4e: {  	[sflag:s11] =	ssyncset.done $0x0  }
0x4f: {  	s20 =	simm.s32 @p0 $0x500;
	[sflag:s11] =	ssyncadd.s32 $0xFFFFC000  }
0x50: {  	[tilespmem:s31], [sflag:$0x2] =	stream.indirect.gather @p0 [hbm4b:s1+s0], $0x80, s20, s0, $0xb8;
	[tilespmem:$0x1C800] =	vst v63  }
0x51: {  	s21 =	simm.s32 @!p0 $0x500  }
0x52: {  	[tilespmem:s9], [sflag:$0x2] =	stream.indirect.gather @!p0 [hbm4b:s2+s6], $0x80, s21, s6, $0xb8;
	[tilespmem:$0x1C800] =	vst v63  }
0x53: {  	_ =	swait.ge [sflag:s12], $0x4000  }
0x54: {  	[sflag:s12] =	ssyncset.done $0x0  }
0x55: {  	s24 =	rddreg [dreg:$0x9];
	[sflag:s12] =	ssyncadd.s32 $0xFFFFC000  }
0x56: {  	[spmem:s4] =	stream.indirect.scatter.add.f32 [tilespmem:s14], [sflag:$0x3], $0x80, s24, s13, $0xb8;
	[tilespmem:$0x1C800] =	vst v63  }
0x57: {  	_ =	swait.ge [sflag:s11], $0x4000  }
0x58: {  	[sflag:s11] =	ssyncset.done $0x0  }
0x59: {  	s22 =	simm.s32 @p0 $0x600;
	[sflag:s11] =	ssyncadd.s32 $0xFFFFC000  }
0x5a: {  	[tilespmem:s10], [sflag:$0x1] =	stream.indirect.gather @p0 [hbm4b:s1+s0], $0x80, s22, s0, $0xb8;
	[tilespmem:$0x1C800] =	vst v63  }
0x5b: {  	s24 =	simm.s32 @!p0 $0x600  }
0x5c: {  	[tilespmem:s5], [sflag:$0x1] =	stream.indirect.gather @!p0 [hbm4b:s2+s6], $0x80, s24, s6, $0xb8;
	[tilespmem:$0x1C800] =	vst v63  }
0x5d: {  	_ =	swait.ge [sflag:s15], $0x4000  }
0x5e: {  	[sflag:s15] =	ssyncset.done $0x0  }
0x5f: {  	s26 =	rddreg [dreg:$0xa];
	[sflag:s15] =	ssyncadd.s32 $0xFFFFC000  }
0x60: {  	[spmem:s4] =	stream.indirect.scatter.add.f32 [tilespmem:s16], [sflag:$0x3], $0x80, s26, s13, $0xb8;
	[tilespmem:$0x1C800] =	vst v63  }
0x61: {  	_ =	swait.ge [sflag:s11], $0x4000  }
0x62: {  	[sflag:s11] =	ssyncset.done $0x0  }
0x63: {  	s26 =	simm.s32 @p0 $0x700;
	[sflag:s11] =	ssyncadd.s32 $0xFFFFC000  }
0x64: {  	[tilespmem:s31], [sflag:$0x2] =	stream.indirect.gather @p0 [hbm4b:s1+s0], $0x80, s26, s0, $0xb8;
	[tilespmem:$0x1C800] =	vst v63  }
0x65: {  	s28 =	simm.s32 @!p0 $0x700  }
0x66: {  	[tilespmem:s9], [sflag:$0x2] =	stream.indirect.gather @!p0 [hbm4b:s2+s6], $0x80, s28, s6, $0xb8;
	[tilespmem:$0x1C800] =	vst v63  }
0x67: {  	_ =	swait.ge [sflag:s12], $0x4000  }
0x68: {  	[sflag:s12] =	ssyncset.done $0x0  }
0x69: {  	s7 =	rddreg [dreg:$0xb];
	[sflag:s12] =	ssyncadd.s32 $0xFFFFC000  }
0x6a: {  	[spmem:s4] =	stream.indirect.scatter.add.f32 [tilespmem:s14], [sflag:$0x3], $0x80, s7, s13, $0xb8;
	[tilespmem:$0x1C800] =	vst v63  }
0x6b: {  	_ =	swait.ge [sflag:s11], $0x4000  }
0x6c: {  	[sflag:s11] =	ssyncset.done $0x0  }
0x6d: {  	[sflag:s11] =	ssyncadd.s32 $0xFFFFC000  }
0x6e: {  	_ =	swait.ge [sflag:s15], $0x4000  }
0x6f: {  	[sflag:s15] =	ssyncset.done $0x0  }
0x70: {  	s7 =	rddreg [dreg:$0xc];
	[sflag:s15] =	ssyncadd.s32 $0xFFFFC000  }
0x71: {  	[spmem:s4] =	stream.indirect.scatter.add.f32 [tilespmem:s16], [sflag:$0x3], $0x80, s7, s13, $0xb8;
	[tilespmem:$0x1C800] =	vst v63  }
0x72: {  	s29 =	simm.s32 $0x100;
	_ =	swait.ge [sflag:s11], $0x4000  }
0x73: {  	s30 =	simm.s32 $0x200;
	[sflag:s11] =	ssyncset.done $0x0;
	s3 =	rddreg [dreg:$0x5]  }
.LBB2_2:
0x74: {  	[sflag:s11] =	ssyncadd.s32 $0xFFFFC000;
	s7 =	smov.u32 s30  }
0x75: {  	s3 =	sadd.s32 s29, s3;
	s29 =	smov.u32 s7;
	s7 =	simm.s32 $0x0  }
0x76: {  	[tilespmem:s7], [sflag:$0x3] =	stream.linear.gather [hbm4b:s3+s7], $0x800, $0x38;
	[tilespmem:$0x1C800] =	vst v63  }
0x77: {  	_ =	swait.ge [sflag:s11], $0x800  }
0x78: {  	[sflag:s11] =	ssyncset.done $0x0  }
0x79: {  	s3 =	simm.s32 @p1 $0x0;
	[sflag:s11] =	ssyncadd.s32 $0xFFFFF800  }
0x7a: {  	[tilespmem:s18], [sflag:$0x1] =	stream.indirect.gather @p1 [hbm4b:s2+s19], $0x80, s3, s19, $0xb8;
	[tilespmem:$0x1C800] =	vst v63  }
0x7b: {  	s7 =	simm.s32 @p1 $0x4800;
	s3 =	simm.s32 @p1 $0x100  }
0x7c: {  	[tilespmem:s7], [sflag:$0x2] =	stream.indirect.gather @p1 [hbm4b:s2+s19], $0x80, s3, s19, $0xb8;
	[tilespmem:$0x1C800] =	vst v63  }
0x7d: {  	s3 =	simm.s32 @!p1 $0x0  }
0x7e: {  	[tilespmem:s25], [sflag:$0x1] =	stream.indirect.gather @!p1 [hbm4b:s1+s23], $0x80, s3, s23, $0xb8;
	[tilespmem:$0x1C800] =	vst v63  }
0x7f: {  	s7 =	simm.s32 @!p1 $0x4800;
	s3 =	simm.s32 @!p1 $0x100  }
0x80: {  	[tilespmem:s7], [sflag:$0x2] =	stream.indirect.gather @!p1 [hbm4b:s1+s23], $0x80, s3, s23, $0xb8;
	[tilespmem:$0x1C800] =	vst v63  }
0x81: {  	_ =	swait.ge [sflag:s12], $0x4000  }
0x82: {  	[sflag:s12] =	ssyncset.done $0x0  }
0x83: {  	[sflag:s12] =	ssyncadd.s32 $0xFFFFC000  }
0x84: {  	[spmem:s4] =	stream.indirect.scatter.add.f32 [tilespmem:s14], [sflag:$0x3], $0x80, s13, s13, $0xb8;
	[tilespmem:$0x1C800] =	vst v63  }
0x85: {  	_ =	swait.ge [sflag:s11], $0x4000  }
0x86: {  	[sflag:s11] =	ssyncset.done $0x0  }
0x87: {  	s3 =	simm.s32 @p1 $0x200;
	[sflag:s11] =	ssyncadd.s32 $0xFFFFC000  }
0x88: {  	[tilespmem:s18], [sflag:$0x1] =	stream.indirect.gather @p1 [hbm4b:s2+s19], $0x80, s3, s19, $0xb8;
	[tilespmem:$0x1C800] =	vst v63  }
0x89: {  	s3 =	simm.s32 @!p1 $0x200  }
0x8a: {  	[tilespmem:s25], [sflag:$0x1] =	stream.indirect.gather @!p1 [hbm4b:s1+s23], $0x80, s3, s23, $0xb8;
	[tilespmem:$0x1C800] =	vst v63  }
0x8b: {  	_ =	swait.ge [sflag:s15], $0x4000  }
0x8c: {  	[sflag:s15] =	ssyncset.done $0x0  }
0x8d: {  	s7 =	rddreg [dreg:$0x6];
	[sflag:s15] =	ssyncadd.s32 $0xFFFFC000  }
0x8e: {  	[spmem:s4] =	stream.indirect.scatter.add.f32 [tilespmem:s16], [sflag:$0x3], $0x80, s7, s13, $0xb8;
	[tilespmem:$0x1C800] =	vst v63  }
0x8f: {  	_ =	swait.ge [sflag:s11], $0x4000  }
0x90: {  	[sflag:s11] =	ssyncset.done $0x0  }
0x91: {  	s3 =	simm.s32 @p0 $0x300;
	[sflag:s11] =	ssyncadd.s32 $0xFFFFC000  }
0x92: {  	[tilespmem:s31], [sflag:$0x2] =	stream.indirect.gather @p0 [hbm4b:s1+s0], $0x80, s3, s0, $0xb8;
	[tilespmem:$0x1C800] =	vst v63  }
0x93: {  	s3 =	simm.s32 @!p0 $0x300  }
0x94: {  	[tilespmem:s9], [sflag:$0x2] =	stream.indirect.gather @!p0 [hbm4b:s2+s6], $0x80, s3, s6, $0xb8;
	[tilespmem:$0x1C800] =	vst v63  }
0x95: {  	_ =	swait.ge [sflag:s12], $0x4000  }
0x96: {  	[sflag:s12] =	ssyncset.done $0x0  }
0x97: {  	s7 =	rddreg [dreg:$0x7];
	[sflag:s12] =	ssyncadd.s32 $0xFFFFC000  }
0x98: {  	[spmem:s4] =	stream.indirect.scatter.add.f32 [tilespmem:s14], [sflag:$0x3], $0x80, s7, s13, $0xb8;
	[tilespmem:$0x1C800] =	vst v63  }
0x99: {  	_ =	swait.ge [sflag:s11], $0x4000  }
0x9a: {  	[sflag:s11] =	ssyncset.done $0x0  }
0x9b: {  	[sflag:s11] =	ssyncadd.s32 $0xFFFFC000  }
0x9c: {  	[tilespmem:s10], [sflag:$0x1] =	stream.indirect.gather @p0 [hbm4b:s1+s0], $0x80, s8, s0, $0xb8;
	[tilespmem:$0x1C800] =	vst v63  }
0x9d: {  	_ = 	snop  }
0x9e: {  	[tilespmem:s5], [sflag:$0x1] =	stream.indirect.gather @!p0 [hbm4b:s2+s6], $0x80, s17, s6, $0xb8;
	[tilespmem:$0x1C800] =	vst v63  }
0x9f: {  	_ =	swait.ge [sflag:s15], $0x4000  }
0xa0: {  	[sflag:s15] =	ssyncset.done $0x0  }
0xa1: {  	s7 =	rddreg [dreg:$0x8];
	[sflag:s15] =	ssyncadd.s32 $0xFFFFC000  }
0xa2: {  	[spmem:s4] =	stream.indirect.scatter.add.f32 [tilespmem:s16], [sflag:$0x3], $0x80, s7, s13, $0xb8;
	[tilespmem:$0x1C800] =	vst v63  }
0xa3: {  	_ =	swait.ge [sflag:s11], $0x4000  }
0xa4: {  	[sflag:s11] =	ssyncset.done $0x0  }
0xa5: {  	[sflag:s11] =	ssyncadd.s32 $0xFFFFC000  }
0xa6: {  	[tilespmem:s31], [sflag:$0x2] =	stream.indirect.gather @p0 [hbm4b:s1+s0], $0x80, s20, s0, $0xb8;
	[tilespmem:$0x1C800] =	vst v63  }
0xa7: {  	_ = 	snop  }
0xa8: {  	[tilespmem:s9], [sflag:$0x2] =	stream.indirect.gather @!p0 [hbm4b:s2+s6], $0x80, s21, s6, $0xb8;
	[tilespmem:$0x1C800] =	vst v63  }
0xa9: {  	_ =	swait.ge [sflag:s12], $0x4000  }
0xaa: {  	[sflag:s12] =	ssyncset.done $0x0  }
0xab: {  	s7 =	rddreg [dreg:$0x9];
	[sflag:s12] =	ssyncadd.s32 $0xFFFFC000  }
0xac: {  	[spmem:s4] =	stream.indirect.scatter.add.f32 [tilespmem:s14], [sflag:$0x3], $0x80, s7, s13, $0xb8;
	[tilespmem:$0x1C800] =	vst v63  }
0xad: {  	_ =	swait.ge [sflag:s11], $0x4000  }
0xae: {  	[sflag:s11] =	ssyncset.done $0x0  }
0xaf: {  	[sflag:s11] =	ssyncadd.s32 $0xFFFFC000  }
0xb0: {  	[tilespmem:s10], [sflag:$0x1] =	stream.indirect.gather @p0 [hbm4b:s1+s0], $0x80, s22, s0, $0xb8;
	[tilespmem:$0x1C800] =	vst v63  }
0xb1: {  	_ = 	snop  }
0xb2: {  	[tilespmem:s5], [sflag:$0x1] =	stream.indirect.gather @!p0 [hbm4b:s2+s6], $0x80, s24, s6, $0xb8;
	[tilespmem:$0x1C800] =	vst v63  }
0xb3: {  	_ =	swait.ge [sflag:s15], $0x4000  }
0xb4: {  	[sflag:s15] =	ssyncset.done $0x0  }
0xb5: {  	s7 =	rddreg [dreg:$0xa];
	[sflag:s15] =	ssyncadd.s32 $0xFFFFC000  }
0xb6: {  	[spmem:s4] =	stream.indirect.scatter.add.f32 [tilespmem:s16], [sflag:$0x3], $0x80, s7, s13, $0xb8;
	[tilespmem:$0x1C800] =	vst v63  }
0xb7: {  	_ =	swait.ge [sflag:s11], $0x4000  }
0xb8: {  	[sflag:s11] =	ssyncset.done $0x0  }
0xb9: {  	[sflag:s11] =	ssyncadd.s32 $0xFFFFC000  }
0xba: {  	[tilespmem:s31], [sflag:$0x2] =	stream.indirect.gather @p0 [hbm4b:s1+s0], $0x80, s26, s0, $0xb8;
	[tilespmem:$0x1C800] =	vst v63  }
0xbb: {  	_ = 	snop  }
0xbc: {  	[tilespmem:s9], [sflag:$0x2] =	stream.indirect.gather @!p0 [hbm4b:s2+s6], $0x80, s28, s6, $0xb8;
	[tilespmem:$0x1C800] =	vst v63  }
0xbd: {  	_ =	swait.ge [sflag:s12], $0x4000  }
0xbe: {  	[sflag:s12] =	ssyncset.done $0x0  }
0xbf: {  	s7 =	rddreg [dreg:$0xb];
	[sflag:s12] =	ssyncadd.s32 $0xFFFFC000  }
0xc0: {  	[spmem:s4] =	stream.indirect.scatter.add.f32 [tilespmem:s14], [sflag:$0x3], $0x80, s7, s13, $0xb8;
	[tilespmem:$0x1C800] =	vst v63  }
0xc1: {  	_ =	swait.ge [sflag:s11], $0x4000  }
0xc2: {  	[sflag:s11] =	ssyncset.done $0x0  }
0xc3: {  	s30 =	sadd.s32 $0x100, s30;
	[sflag:s11] =	ssyncadd.s32 $0xFFFFC000  }
0xc4: {  	p2 =	sne.s32 s30, $0xA00;
	_ =	swait.ge [sflag:s15], $0x4000  }
.Ltmp0:
0xc5: {  	[sflag:s15] =	ssyncset.done $0x0;
	(pc) =	sbr.rel @p2 .LBB2_2-.Ltmp0, $4  }
0xc6: {  	s7 =	rddreg [dreg:$0xc];
	[sflag:s15] =	ssyncadd.s32 $0xFFFFC000  }
0xc7: {  	[spmem:s4] =	stream.indirect.scatter.add.f32 [tilespmem:s16], [sflag:$0x3], $0x80, s7, s13, $0xb8;
	[tilespmem:$0x1C800] =	vst v63  }
0xc8: {  	_ =	swait.ge [sflag:s11], $0x4000  }
0xc9: {  	s3 =	rddreg [dreg:$0x5];
	[sflag:s11] =	ssyncset.done $0x0  }
0xca: {  	[sflag:s11] =	ssyncadd.s32 $0xFFFFC000;
	s0 =	sadd.s32 s29, s3;
	s20 =	simm.s32 $0x0  }
0xcb: {  	[tilespmem:s20], [sflag:$0x3] =	stream.linear.gather [hbm4b:s0+s20], $0x800, $0x38;
	[tilespmem:$0x1C800] =	vst v63  }
0xcc: {  	_ =	swait.ge [sflag:s11], $0x800  }
0xcd: {  	s3 =	simm.s32 @p1 $0x80;
	[sflag:s11] =	ssyncset.done $0x0  }
0xce: {  	s5 =	simm.s32 @p1 $0x0;
	s0 =	simm.s32 @p1 $0x800;
	[sflag:s11] =	ssyncadd.s32 $0xFFFFF800  }
0xcf: {  	[tilespmem:s0], [sflag:$0x1] =	stream.indirect.gather @p1 [hbm4b:s2+s3], $0x80, s5, s3, $0xb8;
	[tilespmem:$0x1C800] =	vst v63  }
0xd0: {  	s6 =	simm.s32 @p1 $0x4800;
	s5 =	simm.s32 @p1 $0x100  }
0xd1: {  	[tilespmem:s6], [sflag:$0x2] =	stream.indirect.gather @p1 [hbm4b:s2+s3], $0x80, s5, s3, $0xb8;
	[tilespmem:$0x1C800] =	vst v63  }
0xd2: {  	s7 =	simm.s32 @!p1 $0x800;
	s5 =	simm.s32 @!p1 $0x80;
	s6 =	simm.s32 @!p1 $0x0  }
0xd3: {  	[tilespmem:s7], [sflag:$0x1] =	stream.indirect.gather @!p1 [hbm4b:s1+s5], $0x80, s6, s5, $0xb8;
	[tilespmem:$0x1C800] =	vst v63  }
0xd4: {  	s8 =	simm.s32 @!p1 $0x4800;
	s6 =	simm.s32 @!p1 $0x100  }
0xd5: {  	[tilespmem:s8], [sflag:$0x2] =	stream.indirect.gather @!p1 [hbm4b:s1+s5], $0x80, s6, s5, $0xb8;
	[tilespmem:$0x1C800] =	vst v63  }
0xd6: {  	_ =	swait.ge [sflag:s12], $0x4000  }
0xd7: {  	[sflag:s12] =	ssyncset.done $0x0  }
0xd8: {  	[sflag:s12] =	ssyncadd.s32 $0xFFFFC000  }
0xd9: {  	[spmem:s4] =	stream.indirect.scatter.add.f32 [tilespmem:s14], [sflag:$0x3], $0x80, s13, s13, $0xb8;
	[tilespmem:$0x1C800] =	vst v63  }
0xda: {  	_ =	swait.ge [sflag:s11], $0x4000  }
0xdb: {  	[sflag:s11] =	ssyncset.done $0x0  }
0xdc: {  	s6 =	simm.s32 @p1 $0x200;
	[sflag:s11] =	ssyncadd.s32 $0xFFFFC000  }
0xdd: {  	[tilespmem:s0], [sflag:$0x1] =	stream.indirect.gather @p1 [hbm4b:s2+s3], $0x80, s6, s3, $0xb8;
	[tilespmem:$0x1C800] =	vst v63  }
0xde: {  	s0 =	simm.s32 @!p1 $0x200  }
0xdf: {  	[tilespmem:s7], [sflag:$0x1] =	stream.indirect.gather @!p1 [hbm4b:s1+s5], $0x80, s0, s5, $0xb8;
	[tilespmem:$0x1C800] =	vst v63  }
0xe0: {  	_ =	swait.ge [sflag:s15], $0x4000  }
0xe1: {  	[sflag:s15] =	ssyncset.done $0x0  }
0xe2: {  	s21 =	rddreg [dreg:$0x6];
	[sflag:s15] =	ssyncadd.s32 $0xFFFFC000  }
0xe3: {  	[spmem:s4] =	stream.indirect.scatter.add.f32 [tilespmem:s16], [sflag:$0x3], $0x80, s21, s13, $0xb8;
	[tilespmem:$0x1C800] =	vst v63  }
0xe4: {  	_ =	swait.ge [sflag:s11], $0x4000  }
0xe5: {  	s3 =	simm.s32 @p0 $0x80;
	[sflag:s11] =	ssyncset.done $0x0  }
0xe6: {  	s0 =	simm.s32 @p0 $0x4800;
	s5 =	simm.s32 @p0 $0x300;
	[sflag:s11] =	ssyncadd.s32 $0xFFFFC000  }
0xe7: {  	[tilespmem:s0], [sflag:$0x2] =	stream.indirect.gather @p0 [hbm4b:s1+s3], $0x80, s5, s3, $0xb8;
	[tilespmem:$0x1C800] =	vst v63  }
0xe8: {  	s6 =	simm.s32 @!p0 $0x300;
	s7 =	simm.s32 @!p0 $0x4800;
	s5 =	simm.s32 @!p0 $0x80  }
0xe9: {  	[tilespmem:s7], [sflag:$0x2] =	stream.indirect.gather @!p0 [hbm4b:s2+s5], $0x80, s6, s5, $0xb8;
	[tilespmem:$0x1C800] =	vst v63  }
0xea: {  	_ =	swait.ge [sflag:s12], $0x4000  }
0xeb: {  	[sflag:s12] =	ssyncset.done $0x0  }
0xec: {  	s22 =	rddreg [dreg:$0x7];
	[sflag:s12] =	ssyncadd.s32 $0xFFFFC000  }
0xed: {  	[spmem:s4] =	stream.indirect.scatter.add.f32 [tilespmem:s14], [sflag:$0x3], $0x80, s22, s13, $0xb8;
	[tilespmem:$0x1C800] =	vst v63  }
0xee: {  	_ =	swait.ge [sflag:s11], $0x4000  }
0xef: {  	[sflag:s11] =	ssyncset.done $0x0  }
0xf0: {  	s8 =	simm.s32 @p0 $0x800;
	s6 =	simm.s32 @p0 $0x400;
	[sflag:s11] =	ssyncadd.s32 $0xFFFFC000  }
0xf1: {  	[tilespmem:s8], [sflag:$0x1] =	stream.indirect.gather @p0 [hbm4b:s1+s3], $0x80, s6, s3, $0xb8;
	[tilespmem:$0x1C800] =	vst v63  }
0xf2: {  	s9 =	simm.s32 @!p0 $0x800;
	s6 =	simm.s32 @!p0 $0x400  }
0xf3: {  	[tilespmem:s9], [sflag:$0x1] =	stream.indirect.gather @!p0 [hbm4b:s2+s5], $0x80, s6, s5, $0xb8;
	[tilespmem:$0x1C800] =	vst v63  }
0xf4: {  	_ =	swait.ge [sflag:s15], $0x4000  }
0xf5: {  	[sflag:s15] =	ssyncset.done $0x0  }
0xf6: {  	s23 =	rddreg [dreg:$0x8];
	[sflag:s15] =	ssyncadd.s32 $0xFFFFC000  }
0xf7: {  	[spmem:s4] =	stream.indirect.scatter.add.f32 [tilespmem:s16], [sflag:$0x3], $0x80, s23, s13, $0xb8;
	[tilespmem:$0x1C800] =	vst v63  }
0xf8: {  	_ =	swait.ge [sflag:s11], $0x4000  }
0xf9: {  	[sflag:s11] =	ssyncset.done $0x0  }
0xfa: {  	s6 =	simm.s32 @p0 $0x500;
	[sflag:s11] =	ssyncadd.s32 $0xFFFFC000  }
0xfb: {  	[tilespmem:s0], [sflag:$0x2] =	stream.indirect.gather @p0 [hbm4b:s1+s3], $0x80, s6, s3, $0xb8;
	[tilespmem:$0x1C800] =	vst v63  }
0xfc: {  	s6 =	simm.s32 @!p0 $0x500  }
0xfd: {  	[tilespmem:s7], [sflag:$0x2] =	stream.indirect.gather @!p0 [hbm4b:s2+s5], $0x80, s6, s5, $0xb8;
	[tilespmem:$0x1C800] =	vst v63  }
0xfe: {  	_ =	swait.ge [sflag:s12], $0x4000  }
0xff: {  	[sflag:s12] =	ssyncset.done $0x0  }
0x100: {  	s24 =	rddreg [dreg:$0x9];
	[sflag:s12] =	ssyncadd.s32 $0xFFFFC000  }
0x101: {  	[spmem:s4] =	stream.indirect.scatter.add.f32 [tilespmem:s14], [sflag:$0x3], $0x80, s24, s13, $0xb8;
	[tilespmem:$0x1C800] =	vst v63  }
0x102: {  	_ =	swait.ge [sflag:s11], $0x4000  }
0x103: {  	[sflag:s11] =	ssyncset.done $0x0  }
0x104: {  	s6 =	simm.s32 @p0 $0x600;
	[sflag:s11] =	ssyncadd.s32 $0xFFFFC000  }
0x105: {  	[tilespmem:s8], [sflag:$0x1] =	stream.indirect.gather @p0 [hbm4b:s1+s3], $0x80, s6, s3, $0xb8;
	[tilespmem:$0x1C800] =	vst v63  }
0x106: {  	s6 =	simm.s32 @!p0 $0x600  }
0x107: {  	[tilespmem:s9], [sflag:$0x1] =	stream.indirect.gather @!p0 [hbm4b:s2+s5], $0x80, s6, s5, $0xb8;
	[tilespmem:$0x1C800] =	vst v63  }
0x108: {  	_ =	swait.ge [sflag:s15], $0x4000  }
0x109: {  	[sflag:s15] =	ssyncset.done $0x0  }
0x10a: {  	s25 =	rddreg [dreg:$0xa];
	[sflag:s15] =	ssyncadd.s32 $0xFFFFC000  }
0x10b: {  	[spmem:s4] =	stream.indirect.scatter.add.f32 [tilespmem:s16], [sflag:$0x3], $0x80, s25, s13, $0xb8;
	[tilespmem:$0x1C800] =	vst v63  }
0x10c: {  	_ =	swait.ge [sflag:s11], $0x4000  }
0x10d: {  	[sflag:s11] =	ssyncset.done $0x0  }
0x10e: {  	s6 =	simm.s32 @p0 $0x700;
	[sflag:s11] =	ssyncadd.s32 $0xFFFFC000  }
0x10f: {  	[tilespmem:s0], [sflag:$0x2] =	stream.indirect.gather @p0 [hbm4b:s1+s3], $0x80, s6, s3, $0xb8;
	[tilespmem:$0x1C800] =	vst v63  }
0x110: {  	s0 =	simm.s32 @!p0 $0x700  }
0x111: {  	[tilespmem:s7], [sflag:$0x2] =	stream.indirect.gather @!p0 [hbm4b:s2+s5], $0x80, s0, s5, $0xb8;
	[tilespmem:$0x1C800] =	vst v63  }
0x112: {  	_ =	swait.ge [sflag:s12], $0x4000  }
0x113: {  	[sflag:s12] =	ssyncset.done $0x0  }
0x114: {  	s26 =	rddreg [dreg:$0xb];
	[sflag:s12] =	ssyncadd.s32 $0xFFFFC000  }
0x115: {  	[spmem:s4] =	stream.indirect.scatter.add.f32 [tilespmem:s14], [sflag:$0x3], $0x80, s26, s13, $0xb8;
	[tilespmem:$0x1C800] =	vst v63  }
0x116: {  	_ =	swait.ge [sflag:s11], $0x4000  }
0x117: {  	[sflag:s11] =	ssyncset.done $0x0  }
0x118: {  	[sflag:s11] =	ssyncadd.s32 $0xFFFFC000  }
0x119: {  	_ =	swait.ge [sflag:s15], $0x4000  }
0x11a: {  	[sflag:s15] =	ssyncset.done $0x0  }
0x11b: {  	s28 =	rddreg [dreg:$0xc];
	[sflag:s15] =	ssyncadd.s32 $0xFFFFC000  }
0x11c: {  	[spmem:s4] =	stream.indirect.scatter.add.f32 [tilespmem:s16], [sflag:$0x3], $0x80, s28, s13, $0xb8;
	[tilespmem:$0x1C800] =	vst v63  }
0x11d: {  	_ =	swait.ge [sflag:s11], $0x4000  }
0x11e: {  	[sflag:s11] =	ssyncset.done $0x0  }
0x11f: {  	[sflag:s11] =	ssyncadd.s32 $0xFFFFC000  }
0x120: {  	[bflag:$0x0] =	sbarrier.arrive $0xFFFF  }
0x121: {  	s6 =	rddreg [dreg:$0xf]  }
0x122: {  	s29 =	rddreg [dreg:$0x10]  }
0x123: {  	s3 =	rddreg [dreg:$0x11]  }
0x124: {  	[hbm:s29], [sflag:s6] =	dma.local [spmem:s3], $0x2800  }
0x125: {  	_ =	swait.ge [sflag:s11], $0x2800  }
0x126: {  	s30 =	rddreg [dreg:$0x12]  }
0x127: {  	s31 =	rddreg [dreg:$0xd];
	s5 =	sadd.s32 $0x1, s30  }
0x128: {  	p2 =	sne.s32 s5, s31  }
.Ltmp1:
0x129: {  	_ = 	snop;
	(pc) =	sbr.rel @p2 .LBB2_1-.Ltmp1, $3  }
0x12a: {  	_ =	sdelay $0x1  }
0x12b: {  	[sflag:s11] =	ssyncset.done $0x0  }
0x12c: {  	[sflag:s11] =	ssyncadd.s32 $0xFFFFD800  }
0x12d: {  	_ =	sfence.sel $0x180000  }
0x12e: {  	[bflag:$0x0] =	sbarrier.arrive $0xFFFF  }
0x12f: {  	_ =	strace $0x9000004A  }
0x130: {  	s0 =	stileid.u32;
	[bflag:$0x2] =	sbarrier.arrive $0xFFFF  }
0x131: {  	p0 =	sne.s32 s0, $0x0;
	s0 =	rddreg [dreg:$0x4]  }
0x132: {  	s0 =	sadd.s32 @!p0 $0x100000, s0  }
0x133: {  	[sflag:s0] =	ssyncadd.tile.s32 @!p0 $0x1;
	_ =	shalt  }
.Lfunc_end2:
_tile_overlayer_lowered:
.L_overlay_start_2:
0x134: {  	(tag) =	ssettag $0x2  }
0x135: {  	s0 =	rddreg [dreg:$0x0];
	s2 =	stileid.u32  }
0x136: {  	s1 =	rddreg [dreg:$0x1];
	p0 =	sne.s32 s2, $0x0  }
0x137: {  	s3 =	rddreg [dreg:$0x2];
	[bflag:$0x3] =	sbarrier.arrive $0xFFFF;
	s2 =	simm.s32 @!p0 $0x1C03  }
0x138: {  	[timem:s3], [sflag:s2] =	dma.local @!p0 [hbm:s0], s1  }
0x139: {  	s0 =	simm.s32 @!p0 $0x3  }
0x13a: {  	_ =	swait.ge @!p0 [sflag:s0], s1  }
0x13b: {  	s1 =	ssub.s32 @!p0 $0x0, s1;
	[sflag:s0] =	ssyncset.done @!p0 $0x0  }
0x13c: {  	[sflag:s0] =	ssyncadd.s32 @!p0 s1  }
0x13d: {  	[bflag:$0x3] =	sbarrier.arrive $0xFFFF  }
0x13e: {  	_ =	shalt  }

// kernel: kernel.17.cloned.1.call-start
scs
__scs_entry_jumppad:
0x0: {  	(pc) =	sbr.rel $0x88, $3  }
0x1: {  	(tag) =	ssettag $0x0;
	lr =	simm.s32 $0x1  }
0x2: {  	[smem:$0x3F84] =	sst lr;
	_ =	strace $0xD0000000  }
0x3: {  	_ = 	snop  }
0x4: {  	_ = 	snop  }
0x5: {  	_ = 	snop  }
0x6: {  	_ = 	snop  }
0x7: {  	_ = 	snop  }
__scs_overlays_trampoline_lowered:
0x8: {  	[smem:$0x3F93] =	sst s0  }
0x9: {  	[smem:$0x3F94] =	sst s1  }
0xa: {  	[smem:$0x3F95] =	sst s2  }
0xb: {  	[smem:$0x3F96] =	sst s3  }
0xc: {  	[smem:$0x3F97] =	sst s4  }
0xd: {  	[smem:$0x3F98] =	sst s5  }
0xe: {  	[smem:$0x3F99] =	sst s6  }
0xf: {  	[smem:$0x3F9A] =	sst s7  }
0x10: {  	[smem:$0x3F9B] =	sst s8  }
0x11: {  	[smem:$0x3F9C] =	sst s9;
	s0 =	simm.s32 @!p0 $0x0  }
0x12: {  	s1 =	sld [smem:$0x3F82];
	s0 =	simm.s32 @p0 $0x1  }
0x13: {  	[smem:$0x3F9D] =	sst s0;
	s0 =	simm.s32 @!p1 $0x0  }
0x14: {  	s2 =	sld [smem:$0x3F81];
	s0 =	simm.s32 @p1 $0x1  }
0x15: {  	[smem:$0x3F9E] =	sst s0;
	s0 =	simm.s32 @!p2 $0x0  }
0x16: {  	s3 =	sld [smem:$0x3FDB];
	s0 =	simm.s32 @p2 $0x1  }
0x17: {  	s4 =	simm.s32 $0x1BF5;
	[smem:$0x3FA0] =	sst s0  }
0x18: {  	s0 =	sld [smem:$0x3F83];
	_ =	swait.ge [sflag:s4], $0x0  }
0x19: {  	s7 =	sld [smem:$0x3F84]  }
0x1a: {  	s8 =	sadd.s32 $0xFFFFE003, lr  }
0x1b: {  	s9 =	sadd.s32 $0xFFFFFEF7, lr;
	s5 =	simm.s32 $0xFFFFFFFF;
	p2 =	slt.u32 s8, $0xFFFFF086  }
0x1c: {  	p1 =	slt.u32 s9, $0xF7A;
	s5 =	simm.s32 @!p2 $0x0  }
0x1d: {  	s5 =	simm.s32 @p1 $0x1;
	p0 =	seq.s32 s7, s2  }
0x1e: {  	s7 =	smul.u32 @!p0 $0xF7A, s2;
	p2 =	seq.s32 @!p0 s5, $0x0  }
0x1f: {  	s9 =	smul.u32 $0xF7A, s1;
	s8 =	simm.s32 @!p0 $0x1BF5;
	p2 =	por !p2, p0  }
0x20: {  	[sflag:s8] =	ssyncset.s32 @!p0 $0xFFFFF086;
	s6 =	sadd.s32 @!p0 s3, s7;
	s7 =	simm.s32 @!p0 $0x108  }
0x21: {  	s3 =	sadd.s32 s3, s9;
	s6 =	sadd.s32 @!p0 $0x88, s6;
	s7 =	simm.s32 @p2 $0x1082  }
0x22: {  	[simem:s7], [sflag:s8] =	dma.local @!p0 [hbm:s6], $0xF7A  }
0x23: {  	s9 =	sor.u32 $0xD0000000, s2;
	s6 =	simm.s32 $0x108;
	_ =	swait.ge @!p0 [sflag:s8], $0x0  }
0x24: {  	s3 =	sadd.s32 $0x88, s3;
	s6 =	simm.s32 @!p1 $0x1082;
	[sflag:s4] =	ssyncset.s32 $0xFFFFF086  }
0x25: {  	[simem:s6], [sflag:s4] =	dma.local [hbm:s3], $0xF7A  }
0x26: {  	[smem:$0x3F84] =	sst s1;
	(tag) =	ssettag s2;
	_ =	strace s9  }
0x27: {  	s1 =	sld [smem:$0x3F94]  }
0x28: {  	s2 =	sld [smem:$0x3F95]  }
0x29: {  	s4 =	sld [smem:$0x3F97]  }
0x2a: {  	p0 =	seq.s32 s5, $0x0;
	s5 =	sld [smem:$0x3F98]  }
0x2b: {  	s6 =	sld [smem:$0x3F99]  }
0x2c: {  	s7 =	sld [smem:$0x3F9A]  }
0x2d: {  	s3 =	simm.s32 $0x108;
	s8 =	sld [smem:$0x3F9B]  }
0x2e: {  	s3 =	simm.s32 @!p0 $0x1082;
	s9 =	sld [smem:$0x3F9C]  }
0x2f: {  	lr =	sadd.s32 s0, s3;
	s0 =	sld [smem:$0x3F93]  }
0x30: {  	s3 =	sld [smem:$0x3F96]  }
0x31: {  	[smem:$0x3F9F] =	sst s10  }
0x32: {  	s10 =	sld [smem:$0x3F9D];
	_ =	sdelay $0x3  }
0x33: {  	p0 =	seq.s32 s10, $0x1;
	s10 =	sld [smem:$0x3F9F];
	_ =	sdelay $0x3  }
0x34: {  	[smem:$0x3F9F] =	sst s10  }
0x35: {  	s10 =	sld [smem:$0x3F9E];
	_ =	sdelay $0x3  }
0x36: {  	p1 =	seq.s32 s10, $0x1;
	s10 =	sld [smem:$0x3F9F];
	_ =	sdelay $0x3  }
0x37: {  	[smem:$0x3F9F] =	sst s10  }
0x38: {  	s10 =	sld [smem:$0x3FA0]  }
0x39: {  	_ = 	snop;
	(pc) =	sbr.ind lr, $3  }
0x3a: {  	_ = 	snop  }
0x3b: {  	_ = 	snop  }
0x3c: {  	p2 =	seq.s32 s10, $0x1;
	s10 =	sld [smem:$0x3F9F]  }
0x3d: {  	_ =	shalt  }
0x3e: {  	_ =	shalt  }
0x3f: {  	_ =	shalt  }
0x40: {  	_ =	shalt  }
0x41: {  	_ =	shalt  }
0x42: {  	_ =	shalt  }
0x43: {  	_ =	shalt  }
0x44: {  	_ =	shalt  }
0x45: {  	_ =	shalt  }
0x46: {  	_ =	shalt  }
0x47: {  	_ =	shalt  }
0x48: {  	_ =	shalt  }
0x49: {  	_ =	shalt  }
0x4a: {  	_ =	shalt  }
0x4b: {  	_ =	shalt  }
0x4c: {  	_ =	shalt  }
0x4d: {  	_ =	shalt  }
0x4e: {  	_ =	shalt  }
0x4f: {  	_ =	shalt  }
0x50: {  	_ =	shalt  }
0x51: {  	_ =	shalt  }
0x52: {  	_ =	shalt  }
0x53: {  	_ =	shalt  }
0x54: {  	_ =	shalt  }
0x55: {  	_ =	shalt  }
0x56: {  	_ =	shalt  }
0x57: {  	_ =	shalt  }
0x58: {  	_ =	shalt  }
0x59: {  	_ =	shalt  }
0x5a: {  	_ =	shalt  }
0x5b: {  	_ =	shalt  }
0x5c: {  	_ =	shalt  }
0x5d: {  	_ =	shalt  }
0x5e: {  	_ =	shalt  }
0x5f: {  	_ =	shalt  }
0x60: {  	_ =	shalt  }
0x61: {  	_ =	shalt  }
0x62: {  	_ =	shalt  }
0x63: {  	_ =	shalt  }
0x64: {  	_ =	shalt  }
0x65: {  	_ =	shalt  }
0x66: {  	_ =	shalt  }
0x67: {  	_ =	shalt  }
0x68: {  	_ =	shalt  }
0x69: {  	_ =	shalt  }
0x6a: {  	_ =	shalt  }
0x6b: {  	_ =	shalt  }
0x6c: {  	_ =	shalt  }
0x6d: {  	_ =	shalt  }
0x6e: {  	_ =	shalt  }
0x6f: {  	_ =	shalt  }
0x70: {  	_ =	shalt  }
0x71: {  	_ =	shalt  }
0x72: {  	_ =	shalt  }
0x73: {  	_ =	shalt  }
0x74: {  	_ =	shalt  }
0x75: {  	_ =	shalt  }
0x76: {  	_ =	shalt  }
0x77: {  	_ =	shalt  }
0x78: {  	_ =	shalt  }
0x79: {  	_ =	shalt  }
0x7a: {  	_ =	shalt  }
0x7b: {  	_ =	shalt  }
0x7c: {  	_ =	shalt  }
0x7d: {  	_ =	shalt  }
0x7e: {  	_ =	shalt  }
0x7f: {  	_ =	shalt  }
0x80: {  	_ =	shalt  }
0x81: {  	_ =	shalt  }
0x82: {  	_ =	shalt  }
0x83: {  	_ =	shalt  }
0x84: {  	_ =	shalt  }
0x85: {  	_ =	shalt  }
0x86: {  	_ =	shalt  }
0x87: {  	_ =	shalt  }
.Lfunc_end0:
.L_simem_size_0:
called_computation.2_lowered:
.L_overlay_start_0:
0x88: {  	s2 =	sld [smem:$0x3FD9]  }
0x89: {  	s3 =	sld [smem:$0x3FFE];
	_ =	sdelay $0x1  }
0x8a: {  	s1 =	srdreg.scid  }
0x8b: {  	s0 =	sand.u32 $0x1, s1  }
0x8c: {  	s14 =	sshll.u32 s0, $0xA;
	s2 =	sadd.s32 s3, s2  }
0x8d: {  	s2 =	sadd.s32 s2, s14  }
0x8e: {  	[smem:$0x3FAB] =	sst s2  }
0x8f: {  	_ = 	snop  }
0x90: {  	s2 =	sld [smem:$0x3FD0];
	_ =	sdelay $0x2  }
0x91: {  	s15 =	simm.s32 $0xA;
	s4 =	simm.s32 $0x10  }
0x92: {  	[smem:s4], [sflag:s15] =	dma.local [hbm:s2], $0x1  }
0x93: {  	_ =	swait.eq [sflag:s15], $0x1  }
0x94: {  	[sflag:s15] =	ssyncset.done $0x0  }
0x95: {  	s16 =	sld [smem:$0x13];
	[sflag:s15] =	ssyncadd.s32 $0xFFFFFFFF  }
0x96: {  	s17 =	sld [smem:$0x14];
	(tm) =	ssettm $0x1  }
0x97: {  	s18 =	sld [smem:$0x3FFB];
	_ =	sdelay $0x3  }
0x98: {  	_ =	strace s18  }
0x99: {  	s4 =	sld [smem:$0x3FFC];
	_ =	sdelay $0x3  }
0x9a: {  	_ =	strace s4  }
0x9b: {  	s4 =	sld [smem:$0x3FFD];
	_ =	sdelay $0x3  }
0x9c: {  	_ =	strace s4  }
0x9d: {  	_ =	strace $0x8FFFFFFF  }
0x9e: {  	s19 =	sld [smem:$0x3FDB];
	_ =	sdelay $0x1  }
0x9f: {  	s5 =	simm.s32 $_scs_section_size  }
0xa0: {  	s6 =	simm.s32 $_size__tile_overlayer_lowered;
	s7 =	simm.s32 $_tile_overlayer_lowered  }
0xa1: {  	s22 =	simm.s32 $0x1BFF;
	s21 =	sshll.u32 s7, $0x1;
	s4 =	sadd.s32 s5, s19  }
0xa2: {  	s8 =	simm.s32 $0x0;
	s20 =	sshll.u32 s6, $0x1;
	s6 =	sadd.s32 s21, s4  }
0xa3: {  	[timem:s8], [sflag:s22] =	dma.local [hbm:s6], s20  }
0xa4: {  	_ =	swait.ge [sflag:s22], s20  }
0xa5: {  	s5 =	ssub.s32 $0x0, s20;
	[sflag:s22] =	ssyncset.done $0x0  }
0xa6: {  	[sflag:s22] =	ssyncadd.s32 s5;
	_ =	sdelay $0x1  }
0xa7: {  	s23 =	simm.s32 $0x1B8B  }
0xa8: {  	_ =	swait.ge [sflag:s23], $0x1  }
0xa9: {  	[sflag:s23] =	ssyncset.done $0x0  }
0xaa: {  	s25 =	simm.s32 $0x1B8E;
	s24 =	sld [smem:$0x3FFE];
	[sflag:s23] =	ssyncadd.s32 $0xFFFFFFFF  }
0xab: {  	s26 =	simm.s32 $execute0_lowered;
	[smem:$0x3FD2] =	sst s25  }
0xac: {  	s6 =	sshll.u32 s26, $0x1;
	_ =	strace $0x8000004C;
	[dreg:$0x1] =	wrdreg $0xFFFFFFFF  }
0xad: {  	s28 =	simm.s32 $_size_execute0_lowered;
	s4 =	sadd.s32 s4, s6;
	[dreg:$0x0] =	wrdreg $0x0  }
0xae: {  	s6 =	sshll.u32 s28, $0x1;
	[dreg:$0x2] =	wrdreg s4  }
0xaf: {  	[dreg:$0x3] =	wrdreg s6  }
0xb0: {  	[dreg:$0x4] =	wrdreg $0xC0  }
0xb1: {  	_ =	task [dreg:s8], $0x5FFFF  }
0xb2: {  	[dreg:$0x1] =	wrdreg $0xFFFFFFFF  }
0xb3: {  	[dreg:$0x0] =	wrdreg $0x60  }
0xb4: {  	[dreg:$0x2] =	wrdreg s17  }
0xb5: {  	[dreg:$0x3] =	wrdreg s16  }
0xb6: {  	[dreg:$0x4] =	wrdreg s24  }
0xb7: {  	[dreg:$0x5] =	wrdreg $0x150000  }
0xb8: {  	[dreg:$0x6] =	wrdreg $0x9  }
0xb9: {  	_ =	task.clear_ibuf [dreg:s8], $0x7FFFF;
	_ =	strace $0x9000004C  }
0xba: {  	s29 =	simm.s32 $0x9;
	_ =	strace $0x8000004E  }
0xbb: {  	_ =	swait.ge [sflag:s29], $0x1  }
0xbc: {  	[sflag:s29] =	ssyncadd.s32 $0xFFFFFFFF  }
0xbd: {  	_ =	strace $0x9000004E  }
0xbe: {  	_ =	sfence  }
0xbf: {  	s30 =	sld [smem:$0x0];
	_ =	sdelay $0x2  }
0xc0: {  	s31 =	sshll.u32 s1, $0xD;
	s1 =	sshrl.u32 s1, $0x2  }
0xc1: {  	s3 =	sand.u32 $0x4000, s31;
	s1 =	sadd.s32 s1, s30  }
0xc2: {  	s0 =	sor.u32 s3, s0;
	s1 =	sshll.u32 s1, $0x11  }
0xc3: {  	s0 =	sor.u32 s1, s0  }
0xc4: {  	s0 =	sadd.s32 $0x8F2B, s0  }
0xc5: {  	[sflag:s0] =	ssyncadd.remote.s32 $0x1  }
0xc6: {  	_ =	sfence.sel $0xFFFF  }
0xc7: {  	[dreg:$0x0] =	wrdreg $0xFFFFFFFF;
	(pc) =	sbr.abs _section_cstart, $3  }
0xc8: {  	[dreg:$0x1] =	wrdreg $0xFFFFFFFF  }
0xc9: {  	_ =	task.clear_ibuf [dreg:s8], $0x2FFFF;
	_ =	strace $0x9FFFFFFF  }
0xca: {  	(tm) =	ssettm $0x7FFFFFFF  }
0xcb: {  	_ =	shalt  }
tec
execute0_lowered:
.L_overlay_start_1:
0x0: {  	(tag) =	ssettag $0x1  }
0x1: {  	s4 =	rddreg [dreg:$0x0]  }
0x2: {  	s3 =	rddreg [dreg:$0x1]  }
0x3: {  	s1 =	rddreg [dreg:$0x2]  }
0x4: {  	s2 =	rddreg [dreg:$0x3]  }
0x5: {  	s22 =	rddreg [dreg:$0x4];
	s15 =	simm.s32 $0x0  }
0x6: {  	s23 =	stileid.u32;
	s5 =	srdreg.scid;
	s24 =	simm.s32 $0x2A00  }
0x7: {  	s25 =	simm.s32 $0x2C00;
	s29 =	simm.s32 $0x2E00;
	s31 =	simm.s32 $0x3000  }
0x8: {  	s10 =	simm.s32 $0x3400;
	s11 =	simm.s32 $0x3600;
	[smem:$0x7FF] =	sst s15  }
0x9: {  	s17 =	simm.s32 $0x3800;
	_ =	strace $0x8000004D;
	[dreg:$0x8] =	wrdreg s24  }
0xa: {  	s18 =	simm.s32 $0x3A00;
	s0 =	smul.u32 $0x500, s23;
	[dreg:$0x9] =	wrdreg s25  }
0xb: {  	p2 =	por $0x0, $0x0;
	s6 =	smul.u32 $0xA000, s23;
	[dreg:$0xa] =	wrdreg s29  }
0xc: {  	s8 =	sand.u32 $0x1, s5;
	s16 =	smov.u32 s3;
	[dreg:$0xb] =	wrdreg s31  }
0xd: {  	s13 =	sadd.s32 $0x56400, s1;
	s12 =	sshll.u32 s23, $0x6;
	[dreg:$0xd] =	wrdreg s10  }
0xe: {  	p0 =	seq.s32 s8, $0x0;
	s26 =	ssub.s32 $0x2, s8;
	[dreg:$0xe] =	wrdreg s11  }
0xf: {  	s5 =	sor.u32 $0x1C05, s12;
	[dreg:$0xf] =	wrdreg s17;
	p1 =	sne.s32 s8, $0x0  }
0x10: {  	[dreg:$0x10] =	wrdreg s18;
	s17 =	simm.s32 $0x2800;
	s24 =	simm.s32 $0x4200  }
0x11: {  	s8 =	simm.s32 $0x200;
	s25 =	simm.s32 $0x4400;
	s10 =	simm.s32 $0x5000  }
0x12: {  	s11 =	simm.s32 $0x4600;
	s12 =	simm.s32 $0x1;
	[dreg:$0x14] =	wrdreg s24  }
0x13: {  	s18 =	simm.s32 $0x4A00;
	s29 =	simm.s32 $0x4C00;
	[dreg:$0x15] =	wrdreg s25  }
0x14: {  	s31 =	simm.s32 $0x4E00;
	s7 =	sadd.s32 s0, s1;
	[dreg:$0x16] =	wrdreg s11  }
0x15: {  	s0 =	sshrl.u32 s6, $0x3;
	s16 =	smov.u32 @p0 s4;
	[dreg:$0x18] =	wrdreg s18  }
0x16: {  	s1 =	sadd.s32 $0x42400, s1;
	s9 =	sshrl.u32 s26, $0x1;
	[dreg:$0x19] =	wrdreg s29  }
0x17: {  	s6 =	sadd.s32 s6, s2;
	[dreg:$0x1a] =	wrdreg s31;
	s19 =	sadd.s32 $0xB400, s7  }
0x18: {  	s11 =	simm.s32 $0x2;
	s20 =	sadd.s32 $0x6400, s7;
	[dreg:$0x5] =	wrdreg s19  }
0x19: {  	s21 =	sadd.s32 s16, s0;
	s7 =	ssub.s32 s26, s9;
	[dreg:$0x6] =	wrdreg s20  }
0x1a: {  	s9 =	simm.s32 $0x3200;
	[dreg:$0x7] =	wrdreg s21;
	s14 =	smax.u32 s7, $0x1  }
0x1b: {  	s26 =	simm.s32 $0x4800;
	[dreg:$0xc] =	wrdreg s9;
	s28 =	sadd.s32 $0xFFFFFFFF, s14  }
0x1c: {  	s19 =	simm.s32 $0x3C00;
	[dreg:$0x17] =	wrdreg s26;
	p3 =	sne.s32 s28, $0x0  }
.Ltmp0:
0x1d: {  	s20 =	simm.s32 $0x3E00;
	[dreg:$0x11] =	wrdreg s19;
	(pc) =	sbr.rel @!p3 .LBB2_5-.Ltmp0, $4  }
0x1e: {  	s1 =	smov.u32 @p0 s13;
	s21 =	simm.s32 $0x4000;
	[dreg:$0x12] =	wrdreg s20  }
0x1f: {  	s6 =	sshrl.u32 s6, $0x3;
	s0 =	sadd.s32 s1, s0;
	[dreg:$0x13] =	wrdreg s21  }
0x20: {  	s13 =	simm.s32 $0x3;
	s7 =	simm.s32 $0x5;
	[dreg:$0x1b] =	wrdreg s0  }
0x21: {  	s9 =	simm.s32 $0xD000;
	s14 =	simm.s32 $0x4;
	s30 =	rddreg [dreg:$0x7]  }
0x22: {  	[spmem:s6], [sflag:s5] =	dma.local [hbm:s30], $0x1400  }
0x23: {  	_ =	swait.ge [sflag:s7], $0x1400  }
0x24: {  	[sflag:s7] =	ssyncset.done $0x0  }
0x25: {  	s0 =	rddreg [dreg:$0x5];
	[sflag:s7] =	ssyncadd.s32 $0xFFFFEC00  }
0x26: {  	[tilespmem:s15], [sflag:$0x5] =	stream.linear.gather [hbm4b:s0+s15], $0x2800, $0x38;
	[tilespmem:$0x1F000] =	vst v63  }
0x27: {  	_ =	swait.ge [sflag:s7], $0x2800  }
0x28: {  	[sflag:s7] =	ssyncset.done $0x0  }
0x29: {  	s22 =	rddreg [dreg:$0x6];
	[sflag:s7] =	ssyncadd.s32 $0xFFFFD800  }
0x2a: {  	[tilespmem:s17], [sflag:$0x5] =	stream.linear.gather [hbm4b:s22+s15], $0x2800, $0x38;
	[tilespmem:$0x1F000] =	vst v63  }
0x2b: {  	_ =	swait.ge [sflag:s7], $0x2800  }
0x2c: {  	[sflag:s7] =	ssyncset.done $0x0  }
0x2d: {  	[sflag:s7] =	ssyncadd.s32 $0xFFFFD800  }
0x2e: {  	[bflag:$0x0] =	sbarrier.arrive $0xFFFF  }
0x2f: {  	[tilespmem:s10], [sflag:$0x1] =	stream.indirect.gather [hbm4b:s16+s8], $0x40, s15, s8, $0xb8;
	[tilespmem:$0x1F000] =	vst v63  }
0x30: {  	_ = 	snop  }
0x31: {  	[tilespmem:s9], [sflag:$0x2] =	stream.indirect.gather [hbm4b:s16+s8], $0x40, s8, s8, $0xb8;
	[tilespmem:$0x1F000] =	vst v63  }
0x32: {  	_ =	swait.ge [sflag:s12], $0x8000  }
0x33: {  	[sflag:s12] =	ssyncset.done $0x0  }
0x34: {  	[sflag:s12] =	ssyncadd.s32 $0xFFFF8000  }
0x35: {  	[spmem:s2] =	stream.indirect.scatter.add.f32 [tilespmem:s10], [sflag:$0x3], $0x40, s17, s8, $0xb8;
	[tilespmem:$0x1F000] =	vst v63  }
0x36: {  	_ =	swait.ge [sflag:s11], $0x8000  }
0x37: {  	[sflag:s11] =	ssyncset.done $0x0  }
0x38: {  	s23 =	rddreg [dreg:$0x8];
	[sflag:s11] =	ssyncadd.s32 $0xFFFF8000  }
0x39: {  	[spmem:s2] =	stream.indirect.scatter.add.f32 [tilespmem:s9], [sflag:$0x4], $0x40, s23, s8, $0xb8;
	[tilespmem:$0x1F000] =	vst v63  }
0x3a: {  	_ =	swait.ge [sflag:s13], $0x8000  }
0x3b: {  	s19 =	simm.s32 @p1 $0x4;
	s20 =	simm.s32 @p1 $0x200;
	[sflag:s13] =	ssyncset.done $0x0  }
0x3c: {  	s1 =	simm.s32 @p1 $0x400;
	s0 =	simm.s32 @p1 $0x5000;
	[sflag:s13] =	ssyncadd.s32 $0xFFFF8000  }
0x3d: {  	[tilespmem:s0], [sflag:$0x1] =	stream.indirect.gather @p1 [hbm4b:s3+s20], $0x40, s1, s20, $0xb8;
	[tilespmem:$0x1F000] =	vst v63  }
0x3e: {  	_ =	swait.ge @p1 [sflag:s19], $0x8000  }
0x3f: {  	s25 =	simm.s32 @!p1 $0x200;
	[sflag:s19] =	ssyncset.done @p1 $0x0  }
0x40: {  	s0 =	simm.s32 @p1 $0x600;
	s1 =	simm.s32 @p1 $0xD000;
	[sflag:s19] =	ssyncadd.s32 @p1 $0xFFFF8000  }
0x41: {  	[tilespmem:s1], [sflag:$0x2] =	stream.indirect.gather @p1 [hbm4b:s3+s20], $0x40, s0, s20, $0xb8;
	[tilespmem:$0x1F000] =	vst v63  }
0x42: {  	s22 =	simm.s32 @!p1 $0x4;
	s0 =	simm.s32 @!p1 $0x400;
	s1 =	simm.s32 @!p1 $0x5000  }
0x43: {  	[tilespmem:s1], [sflag:$0x1] =	stream.indirect.gather @!p1 [hbm4b:s4+s25], $0x40, s0, s25, $0xb8;
	[tilespmem:$0x1F000] =	vst v63  }
0x44: {  	_ =	swait.ge @!p1 [sflag:s22], $0x8000  }
0x45: {  	[sflag:s22] =	ssyncset.done @!p1 $0x0  }
0x46: {  	s0 =	simm.s32 @!p1 $0x600;
	s1 =	simm.s32 @!p1 $0xD000;
	[sflag:s22] =	ssyncadd.s32 @!p1 $0xFFFF8000  }
0x47: {  	[tilespmem:s1], [sflag:$0x2] =	stream.indirect.gather @!p1 [hbm4b:s4+s25], $0x40, s0, s25, $0xb8;
	[tilespmem:$0x1F000] =	vst v63  }
0x48: {  	_ =	swait.ge [sflag:s12], $0x8000  }
0x49: {  	[sflag:s12] =	ssyncset.done $0x0  }
0x4a: {  	s24 =	rddreg [dreg:$0x9];
	[sflag:s12] =	ssyncadd.s32 $0xFFFF8000  }
0x4b: {  	[spmem:s2] =	stream.indirect.scatter.add.f32 [tilespmem:s10], [sflag:$0x3], $0x40, s24, s8, $0xb8;
	[tilespmem:$0x1F000] =	vst v63  }
0x4c: {  	_ =	swait.ge [sflag:s11], $0x8000  }
0x4d: {  	[sflag:s11] =	ssyncset.done $0x0  }
0x4e: {  	s26 =	rddreg [dreg:$0xa];
	[sflag:s11] =	ssyncadd.s32 $0xFFFF8000  }
0x4f: {  	[spmem:s2] =	stream.indirect.scatter.add.f32 [tilespmem:s9], [sflag:$0x4], $0x40, s26, s8, $0xb8;
	[tilespmem:$0x1F000] =	vst v63  }
0x50: {  	_ =	swait.ge [sflag:s13], $0x8000  }
0x51: {  	s31 =	simm.s32 @p0 $0x5000;
	s18 =	simm.s32 @p0 $0x800;
	[sflag:s13] =	ssyncset.done $0x0  }
0x52: {  	s0 =	simm.s32 @p0 $0x4;
	s1 =	simm.s32 @p0 $0x200;
	[sflag:s13] =	ssyncadd.s32 $0xFFFF8000  }
0x53: {  	[tilespmem:s31], [sflag:$0x1] =	stream.indirect.gather @p0 [hbm4b:s4+s1], $0x40, s18, s1, $0xb8;
	[tilespmem:$0x1F000] =	vst v63  }
0x54: {  	_ =	swait.ge @p0 [sflag:s0], $0x8000  }
0x55: {  	s21 =	simm.s32 @!p0 $0x4;
	[sflag:s0] =	ssyncset.done @p0 $0x0  }
0x56: {  	s24 =	simm.s32 @p0 $0xD000;
	s18 =	simm.s32 @p0 $0xA00;
	[sflag:s0] =	ssyncadd.s32 @p0 $0xFFFF8000  }
0x57: {  	[tilespmem:s24], [sflag:$0x2] =	stream.indirect.gather @p0 [hbm4b:s4+s1], $0x40, s18, s1, $0xb8;
	[tilespmem:$0x1F000] =	vst v63  }
0x58: {  	s29 =	simm.s32 @!p0 $0x5000;
	s26 =	simm.s32 @!p0 $0x200;
	s18 =	simm.s32 @!p0 $0x800  }
0x59: {  	[tilespmem:s29], [sflag:$0x1] =	stream.indirect.gather @!p0 [hbm4b:s3+s26], $0x40, s18, s26, $0xb8;
	[tilespmem:$0x1F000] =	vst v63  }
0x5a: {  	_ =	swait.ge @!p0 [sflag:s21], $0x8000  }
0x5b: {  	[sflag:s21] =	ssyncset.done @!p0 $0x0  }
0x5c: {  	s23 =	simm.s32 @!p0 $0xA00;
	s18 =	simm.s32 @!p0 $0xD000;
	[sflag:s21] =	ssyncadd.s32 @!p0 $0xFFFF8000  }
0x5d: {  	[tilespmem:s18], [sflag:$0x2] =	stream.indirect.gather @!p0 [hbm4b:s3+s26], $0x40, s23, s26, $0xb8;
	[tilespmem:$0x1F000] =	vst v63  }
0x5e: {  	_ =	swait.ge [sflag:s12], $0x8000  }
0x5f: {  	[sflag:s12] =	ssyncset.done $0x0  }
0x60: {  	s23 =	rddreg [dreg:$0xb];
	[sflag:s12] =	ssyncadd.s32 $0xFFFF8000  }
0x61: {  	[spmem:s2] =	stream.indirect.scatter.add.f32 [tilespmem:s10], [sflag:$0x3], $0x40, s23, s8, $0xb8;
	[tilespmem:$0x1F000] =	vst v63  }
0x62: {  	_ =	swait.ge [sflag:s11], $0x8000  }
0x63: {  	[sflag:s11] =	ssyncset.done $0x0  }
0x64: {  	s23 =	rddreg [dreg:$0xc];
	[sflag:s11] =	ssyncadd.s32 $0xFFFF8000  }
0x65: {  	[spmem:s2] =	stream.indirect.scatter.add.f32 [tilespmem:s9], [sflag:$0x4], $0x40, s23, s8, $0xb8;
	[tilespmem:$0x1F000] =	vst v63  }
0x66: {  	_ =	swait.ge [sflag:s13], $0x8000  }
0x67: {  	[sflag:s13] =	ssyncset.done $0x0  }
0x68: {  	s23 =	simm.s32 @p0 $0xC00;
	[sflag:s13] =	ssyncadd.s32 $0xFFFF8000  }
0x69: {  	[tilespmem:s31], [sflag:$0x1] =	stream.indirect.gather @p0 [hbm4b:s4+s1], $0x40, s23, s1, $0xb8;
	[tilespmem:$0x1F000] =	vst v63  }
0x6a: {  	_ =	swait.ge @p0 [sflag:s0], $0x8000  }
0x6b: {  	[sflag:s0] =	ssyncset.done @p0 $0x0  }
0x6c: {  	s23 =	simm.s32 @p0 $0xE00;
	[sflag:s0] =	ssyncadd.s32 @p0 $0xFFFF8000  }
0x6d: {  	[tilespmem:s24], [sflag:$0x2] =	stream.indirect.gather @p0 [hbm4b:s4+s1], $0x40, s23, s1, $0xb8;
	[tilespmem:$0x1F000] =	vst v63  }
0x6e: {  	s23 =	simm.s32 @!p0 $0xC00  }
0x6f: {  	[tilespmem:s29], [sflag:$0x1] =	stream.indirect.gather @!p0 [hbm4b:s3+s26], $0x40, s23, s26, $0xb8;
	[tilespmem:$0x1F000] =	vst v63  }
0x70: {  	_ =	swait.ge @!p0 [sflag:s21], $0x8000  }
0x71: {  	[sflag:s21] =	ssyncset.done @!p0 $0x0  }
0x72: {  	s23 =	simm.s32 @!p0 $0xE00;
	[sflag:s21] =	ssyncadd.s32 @!p0 $0xFFFF8000  }
0x73: {  	[tilespmem:s18], [sflag:$0x2] =	stream.indirect.gather @!p0 [hbm4b:s3+s26], $0x40, s23, s26, $0xb8;
	[tilespmem:$0x1F000] =	vst v63  }
0x74: {  	_ =	swait.ge [sflag:s12], $0x8000  }
0x75: {  	[sflag:s12] =	ssyncset.done $0x0  }
0x76: {  	s23 =	rddreg [dreg:$0xd];
	[sflag:s12] =	ssyncadd.s32 $0xFFFF8000  }
0x77: {  	[spmem:s2] =	stream.indirect.scatter.add.f32 [tilespmem:s10], [sflag:$0x3], $0x40, s23, s8, $0xb8;
	[tilespmem:$0x1F000] =	vst v63  }
0x78: {  	_ =	swait.ge [sflag:s11], $0x8000  }
0x79: {  	[sflag:s11] =	ssyncset.done $0x0  }
0x7a: {  	s23 =	rddreg [dreg:$0xe];
	[sflag:s11] =	ssyncadd.s32 $0xFFFF8000  }
0x7b: {  	[spmem:s2] =	stream.indirect.scatter.add.f32 [tilespmem:s9], [sflag:$0x4], $0x40, s23, s8, $0xb8;
	[tilespmem:$0x1F000] =	vst v63  }
0x7c: {  	_ =	swait.ge [sflag:s13], $0x8000  }
0x7d: {  	[sflag:s13] =	ssyncset.done $0x0  }
0x7e: {  	s23 =	simm.s32 @p0 $0x1000;
	[sflag:s13] =	ssyncadd.s32 $0xFFFF8000  }
0x7f: {  	[tilespmem:s31], [sflag:$0x1] =	stream.indirect.gather @p0 [hbm4b:s4+s1], $0x40, s23, s1, $0xb8;
	[tilespmem:$0x1F000] =	vst v63  }
0x80: {  	_ =	swait.ge @p0 [sflag:s0], $0x8000  }
0x81: {  	[sflag:s0] =	ssyncset.done @p0 $0x0  }
0x82: {  	s23 =	simm.s32 @p0 $0x1200;
	[sflag:s0] =	ssyncadd.s32 @p0 $0xFFFF8000  }
0x83: {  	[tilespmem:s24], [sflag:$0x2] =	stream.indirect.gather @p0 [hbm4b:s4+s1], $0x40, s23, s1, $0xb8;
	[tilespmem:$0x1F000] =	vst v63  }
0x84: {  	s23 =	simm.s32 @!p0 $0x1000  }
0x85: {  	[tilespmem:s29], [sflag:$0x1] =	stream.indirect.gather @!p0 [hbm4b:s3+s26], $0x40, s23, s26, $0xb8;
	[tilespmem:$0x1F000] =	vst v63  }
0x86: {  	_ =	swait.ge @!p0 [sflag:s21], $0x8000  }
0x87: {  	[sflag:s21] =	ssyncset.done @!p0 $0x0  }
0x88: {  	s23 =	simm.s32 @!p0 $0x1200;
	[sflag:s21] =	ssyncadd.s32 @!p0 $0xFFFF8000  }
0x89: {  	[tilespmem:s18], [sflag:$0x2] =	stream.indirect.gather @!p0 [hbm4b:s3+s26], $0x40, s23, s26, $0xb8;
	[tilespmem:$0x1F000] =	vst v63  }
0x8a: {  	_ =	swait.ge [sflag:s12], $0x8000  }
0x8b: {  	[sflag:s12] =	ssyncset.done $0x0  }
0x8c: {  	s23 =	rddreg [dreg:$0xf];
	[sflag:s12] =	ssyncadd.s32 $0xFFFF8000  }
0x8d: {  	[spmem:s2] =	stream.indirect.scatter.add.f32 [tilespmem:s10], [sflag:$0x3], $0x40, s23, s8, $0xb8;
	[tilespmem:$0x1F000] =	vst v63  }
0x8e: {  	_ =	swait.ge [sflag:s11], $0x8000  }
0x8f: {  	[sflag:s11] =	ssyncset.done $0x0  }
0x90: {  	s23 =	rddreg [dreg:$0x10];
	[sflag:s11] =	ssyncadd.s32 $0xFFFF8000  }
0x91: {  	[spmem:s2] =	stream.indirect.scatter.add.f32 [tilespmem:s9], [sflag:$0x4], $0x40, s23, s8, $0xb8;
	[tilespmem:$0x1F000] =	vst v63  }
0x92: {  	_ =	swait.ge [sflag:s13], $0x8000  }
0x93: {  	[sflag:s13] =	ssyncset.done $0x0  }
0x94: {  	s23 =	simm.s32 @p0 $0x1400;
	[sflag:s13] =	ssyncadd.s32 $0xFFFF8000  }
0x95: {  	[tilespmem:s31], [sflag:$0x1] =	stream.indirect.gather @p0 [hbm4b:s4+s1], $0x40, s23, s1, $0xb8;
	[tilespmem:$0x1F000] =	vst v63  }
0x96: {  	_ =	swait.ge @p0 [sflag:s0], $0x8000  }
0x97: {  	[sflag:s0] =	ssyncset.done @p0 $0x0  }
0x98: {  	s23 =	simm.s32 @p0 $0x1600;
	[sflag:s0] =	ssyncadd.s32 @p0 $0xFFFF8000  }
0x99: {  	[tilespmem:s24], [sflag:$0x2] =	stream.indirect.gather @p0 [hbm4b:s4+s1], $0x40, s23, s1, $0xb8;
	[tilespmem:$0x1F000] =	vst v63  }
0x9a: {  	s23 =	simm.s32 @!p0 $0x1400  }
0x9b: {  	[tilespmem:s29], [sflag:$0x1] =	stream.indirect.gather @!p0 [hbm4b:s3+s26], $0x40, s23, s26, $0xb8;
	[tilespmem:$0x1F000] =	vst v63  }
0x9c: {  	_ =	swait.ge @!p0 [sflag:s21], $0x8000  }
0x9d: {  	[sflag:s21] =	ssyncset.done @!p0 $0x0  }
0x9e: {  	s23 =	simm.s32 @!p0 $0x1600;
	[sflag:s21] =	ssyncadd.s32 @!p0 $0xFFFF8000  }
0x9f: {  	[tilespmem:s18], [sflag:$0x2] =	stream.indirect.gather @!p0 [hbm4b:s3+s26], $0x40, s23, s26, $0xb8;
	[tilespmem:$0x1F000] =	vst v63  }
0xa0: {  	_ =	swait.ge [sflag:s12], $0x8000  }
0xa1: {  	[sflag:s12] =	ssyncset.done $0x0  }
0xa2: {  	s23 =	rddreg [dreg:$0x11];
	[sflag:s12] =	ssyncadd.s32 $0xFFFF8000  }
0xa3: {  	[spmem:s2] =	stream.indirect.scatter.add.f32 [tilespmem:s10], [sflag:$0x3], $0x40, s23, s8, $0xb8;
	[tilespmem:$0x1F000] =	vst v63  }
0xa4: {  	_ =	swait.ge [sflag:s11], $0x8000  }
0xa5: {  	[sflag:s11] =	ssyncset.done $0x0  }
0xa6: {  	s23 =	rddreg [dreg:$0x12];
	[sflag:s11] =	ssyncadd.s32 $0xFFFF8000  }
0xa7: {  	[spmem:s2] =	stream.indirect.scatter.add.f32 [tilespmem:s9], [sflag:$0x4], $0x40, s23, s8, $0xb8;
	[tilespmem:$0x1F000] =	vst v63  }
0xa8: {  	_ =	swait.ge [sflag:s13], $0x8000  }
0xa9: {  	[sflag:s13] =	ssyncset.done $0x0  }
0xaa: {  	s23 =	simm.s32 @p0 $0x1800;
	[sflag:s13] =	ssyncadd.s32 $0xFFFF8000  }
0xab: {  	[tilespmem:s31], [sflag:$0x1] =	stream.indirect.gather @p0 [hbm4b:s4+s1], $0x40, s23, s1, $0xb8;
	[tilespmem:$0x1F000] =	vst v63  }
0xac: {  	_ =	swait.ge @p0 [sflag:s0], $0x8000  }
0xad: {  	[sflag:s0] =	ssyncset.done @p0 $0x0  }
0xae: {  	s23 =	simm.s32 @p0 $0x1A00;
	[sflag:s0] =	ssyncadd.s32 @p0 $0xFFFF8000  }
0xaf: {  	[tilespmem:s24], [sflag:$0x2] =	stream.indirect.gather @p0 [hbm4b:s4+s1], $0x40, s23, s1, $0xb8;
	[tilespmem:$0x1F000] =	vst v63  }
0xb0: {  	s23 =	simm.s32 @!p0 $0x1800  }
0xb1: {  	[tilespmem:s29], [sflag:$0x1] =	stream.indirect.gather @!p0 [hbm4b:s3+s26], $0x40, s23, s26, $0xb8;
	[tilespmem:$0x1F000] =	vst v63  }
0xb2: {  	_ =	swait.ge @!p0 [sflag:s21], $0x8000  }
0xb3: {  	[sflag:s21] =	ssyncset.done @!p0 $0x0  }
0xb4: {  	s23 =	simm.s32 @!p0 $0x1A00;
	[sflag:s21] =	ssyncadd.s32 @!p0 $0xFFFF8000  }
0xb5: {  	[tilespmem:s18], [sflag:$0x2] =	stream.indirect.gather @!p0 [hbm4b:s3+s26], $0x40, s23, s26, $0xb8;
	[tilespmem:$0x1F000] =	vst v63  }
0xb6: {  	_ =	swait.ge [sflag:s12], $0x8000  }
0xb7: {  	[sflag:s12] =	ssyncset.done $0x0  }
0xb8: {  	s23 =	rddreg [dreg:$0x13];
	[sflag:s12] =	ssyncadd.s32 $0xFFFF8000  }
0xb9: {  	[spmem:s2] =	stream.indirect.scatter.add.f32 [tilespmem:s10], [sflag:$0x3], $0x40, s23, s8, $0xb8;
	[tilespmem:$0x1F000] =	vst v63  }
0xba: {  	_ =	swait.ge [sflag:s11], $0x8000  }
0xbb: {  	[sflag:s11] =	ssyncset.done $0x0  }
0xbc: {  	s23 =	rddreg [dreg:$0x14];
	[sflag:s11] =	ssyncadd.s32 $0xFFFF8000  }
0xbd: {  	[spmem:s2] =	stream.indirect.scatter.add.f32 [tilespmem:s9], [sflag:$0x4], $0x40, s23, s8, $0xb8;
	[tilespmem:$0x1F000] =	vst v63  }
0xbe: {  	_ =	swait.ge [sflag:s13], $0x8000  }
0xbf: {  	[sflag:s13] =	ssyncset.done $0x0  }
0xc0: {  	s23 =	simm.s32 @p0 $0x1C00;
	[sflag:s13] =	ssyncadd.s32 $0xFFFF8000  }
0xc1: {  	[tilespmem:s31], [sflag:$0x1] =	stream.indirect.gather @p0 [hbm4b:s4+s1], $0x40, s23, s1, $0xb8;
	[tilespmem:$0x1F000] =	vst v63  }
0xc2: {  	_ =	swait.ge @p0 [sflag:s0], $0x8000  }
0xc3: {  	[sflag:s0] =	ssyncset.done @p0 $0x0  }
0xc4: {  	s23 =	simm.s32 @p0 $0x1E00;
	[sflag:s0] =	ssyncadd.s32 @p0 $0xFFFF8000  }
0xc5: {  	[tilespmem:s24], [sflag:$0x2] =	stream.indirect.gather @p0 [hbm4b:s4+s1], $0x40, s23, s1, $0xb8;
	[tilespmem:$0x1F000] =	vst v63  }
0xc6: {  	s23 =	simm.s32 @!p0 $0x1C00  }
0xc7: {  	[tilespmem:s29], [sflag:$0x1] =	stream.indirect.gather @!p0 [hbm4b:s3+s26], $0x40, s23, s26, $0xb8;
	[tilespmem:$0x1F000] =	vst v63  }
0xc8: {  	_ =	swait.ge @!p0 [sflag:s21], $0x8000  }
0xc9: {  	[sflag:s21] =	ssyncset.done @!p0 $0x0  }
0xca: {  	s23 =	simm.s32 @!p0 $0x1E00;
	[sflag:s21] =	ssyncadd.s32 @!p0 $0xFFFF8000  }
0xcb: {  	[tilespmem:s18], [sflag:$0x2] =	stream.indirect.gather @!p0 [hbm4b:s3+s26], $0x40, s23, s26, $0xb8;
	[tilespmem:$0x1F000] =	vst v63  }
0xcc: {  	_ =	swait.ge [sflag:s12], $0x8000  }
0xcd: {  	[sflag:s12] =	ssyncset.done $0x0  }
0xce: {  	s23 =	rddreg [dreg:$0x15];
	[sflag:s12] =	ssyncadd.s32 $0xFFFF8000  }
0xcf: {  	[spmem:s2] =	stream.indirect.scatter.add.f32 [tilespmem:s10], [sflag:$0x3], $0x40, s23, s8, $0xb8;
	[tilespmem:$0x1F000] =	vst v63  }
0xd0: {  	_ =	swait.ge [sflag:s11], $0x8000  }
0xd1: {  	[sflag:s11] =	ssyncset.done $0x0  }
0xd2: {  	s23 =	rddreg [dreg:$0x16];
	[sflag:s11] =	ssyncadd.s32 $0xFFFF8000  }
0xd3: {  	[spmem:s2] =	stream.indirect.scatter.add.f32 [tilespmem:s9], [sflag:$0x4], $0x40, s23, s8, $0xb8;
	[tilespmem:$0x1F000] =	vst v63  }
0xd4: {  	_ =	swait.ge [sflag:s13], $0x8000  }
0xd5: {  	[sflag:s13] =	ssyncset.done $0x0  }
0xd6: {  	s23 =	simm.s32 @p0 $0x2000;
	[sflag:s13] =	ssyncadd.s32 $0xFFFF8000  }
0xd7: {  	[tilespmem:s31], [sflag:$0x1] =	stream.indirect.gather @p0 [hbm4b:s4+s1], $0x40, s23, s1, $0xb8;
	[tilespmem:$0x1F000] =	vst v63  }
0xd8: {  	_ =	swait.ge @p0 [sflag:s0], $0x8000  }
0xd9: {  	[sflag:s0] =	ssyncset.done @p0 $0x0  }
0xda: {  	s23 =	simm.s32 @p0 $0x2200;
	[sflag:s0] =	ssyncadd.s32 @p0 $0xFFFF8000  }
0xdb: {  	[tilespmem:s24], [sflag:$0x2] =	stream.indirect.gather @p0 [hbm4b:s4+s1], $0x40, s23, s1, $0xb8;
	[tilespmem:$0x1F000] =	vst v63  }
0xdc: {  	s23 =	simm.s32 @!p0 $0x2000  }
0xdd: {  	[tilespmem:s29], [sflag:$0x1] =	stream.indirect.gather @!p0 [hbm4b:s3+s26], $0x40, s23, s26, $0xb8;
	[tilespmem:$0x1F000] =	vst v63  }
0xde: {  	_ =	swait.ge @!p0 [sflag:s21], $0x8000  }
0xdf: {  	[sflag:s21] =	ssyncset.done @!p0 $0x0  }
0xe0: {  	s23 =	simm.s32 @!p0 $0x2200;
	[sflag:s21] =	ssyncadd.s32 @!p0 $0xFFFF8000  }
0xe1: {  	[tilespmem:s18], [sflag:$0x2] =	stream.indirect.gather @!p0 [hbm4b:s3+s26], $0x40, s23, s26, $0xb8;
	[tilespmem:$0x1F000] =	vst v63  }
0xe2: {  	_ =	swait.ge [sflag:s12], $0x8000  }
0xe3: {  	[sflag:s12] =	ssyncset.done $0x0  }
0xe4: {  	s23 =	rddreg [dreg:$0x17];
	[sflag:s12] =	ssyncadd.s32 $0xFFFF8000  }
0xe5: {  	[spmem:s2] =	stream.indirect.scatter.add.f32 [tilespmem:s10], [sflag:$0x3], $0x40, s23, s8, $0xb8;
	[tilespmem:$0x1F000] =	vst v63  }
0xe6: {  	_ =	swait.ge [sflag:s11], $0x8000  }
0xe7: {  	[sflag:s11] =	ssyncset.done $0x0  }
0xe8: {  	s23 =	rddreg [dreg:$0x18];
	[sflag:s11] =	ssyncadd.s32 $0xFFFF8000  }
0xe9: {  	[spmem:s2] =	stream.indirect.scatter.add.f32 [tilespmem:s9], [sflag:$0x4], $0x40, s23, s8, $0xb8;
	[tilespmem:$0x1F000] =	vst v63  }
0xea: {  	_ =	swait.ge [sflag:s13], $0x8000  }
0xeb: {  	[sflag:s13] =	ssyncset.done $0x0  }
0xec: {  	s23 =	simm.s32 @p0 $0x2400;
	[sflag:s13] =	ssyncadd.s32 $0xFFFF8000  }
0xed: {  	[tilespmem:s31], [sflag:$0x1] =	stream.indirect.gather @p0 [hbm4b:s4+s1], $0x40, s23, s1, $0xb8;
	[tilespmem:$0x1F000] =	vst v63  }
0xee: {  	_ =	swait.ge @p0 [sflag:s0], $0x8000  }
0xef: {  	[sflag:s0] =	ssyncset.done @p0 $0x0  }
0xf0: {  	s23 =	simm.s32 @p0 $0x2600;
	[sflag:s0] =	ssyncadd.s32 @p0 $0xFFFF8000  }
0xf1: {  	[tilespmem:s24], [sflag:$0x2] =	stream.indirect.gather @p0 [hbm4b:s4+s1], $0x40, s23, s1, $0xb8;
	[tilespmem:$0x1F000] =	vst v63  }
0xf2: {  	s23 =	simm.s32 @!p0 $0x2400  }
0xf3: {  	[tilespmem:s29], [sflag:$0x1] =	stream.indirect.gather @!p0 [hbm4b:s3+s26], $0x40, s23, s26, $0xb8;
	[tilespmem:$0x1F000] =	vst v63  }
0xf4: {  	_ =	swait.ge @!p0 [sflag:s21], $0x8000  }
0xf5: {  	[sflag:s21] =	ssyncset.done @!p0 $0x0  }
0xf6: {  	s23 =	simm.s32 @!p0 $0x2600;
	[sflag:s21] =	ssyncadd.s32 @!p0 $0xFFFF8000  }
0xf7: {  	[tilespmem:s18], [sflag:$0x2] =	stream.indirect.gather @!p0 [hbm4b:s3+s26], $0x40, s23, s26, $0xb8;
	[tilespmem:$0x1F000] =	vst v63  }
0xf8: {  	_ =	swait.ge [sflag:s12], $0x8000  }
0xf9: {  	[sflag:s12] =	ssyncset.done $0x0  }
0xfa: {  	s30 =	rddreg [dreg:$0x19];
	[sflag:s12] =	ssyncadd.s32 $0xFFFF8000  }
0xfb: {  	[spmem:s2] =	stream.indirect.scatter.add.f32 [tilespmem:s10], [sflag:$0x3], $0x40, s30, s8, $0xb8;
	[tilespmem:$0x1F000] =	vst v63  }
0xfc: {  	_ =	swait.ge [sflag:s11], $0x8000  }
0xfd: {  	[sflag:s11] =	ssyncset.done $0x0  }
0xfe: {  	s30 =	rddreg [dreg:$0x1a];
	[sflag:s11] =	ssyncadd.s32 $0xFFFF8000  }
0xff: {  	[spmem:s2] =	stream.indirect.scatter.add.f32 [tilespmem:s9], [sflag:$0x4], $0x40, s30, s8, $0xb8;
	[tilespmem:$0x1F000] =	vst v63  }
0x100: {  	_ =	swait.ge [sflag:s13], $0x8000  }
0x101: {  	[sflag:s13] =	ssyncset.done $0x0  }
0x102: {  	[sflag:s13] =	ssyncadd.s32 $0xFFFF8000  }
0x103: {  	_ =	swait.ge [sflag:s14], $0x8000  }
0x104: {  	s28 =	sadd.s32 $0xFFFFFFFF, s28;
	[sflag:s14] =	ssyncset.done $0x0  }
0x105: {  	p3 =	sne.s32 s28, $0x0;
	[sflag:s14] =	ssyncadd.s32 $0xFFFF8000  }
.Ltmp1:
0x106: {  	[bflag:$0x0] =	sbarrier.arrive $0xFFFF;
	(pc) =	sbr.rel @!p3 .LBB2_2-.Ltmp1, $4  }
0x107: {  	s30 =	rddreg [dreg:$0x1b]  }
0x108: {  	[hbm:s30], [sflag:s5] =	dma.local [spmem:s6], $0x1400  }
0x109: {  	_ =	swait.ge [sflag:s7], $0x1400  }
0x10a: {  	p2 =	por $0x1, $0x1;
	[sflag:s7] =	ssyncset.done $0x0;
	s30 =	rddreg [dreg:$0x7]  }
.LBB2_3:
0x10b: {  	[sflag:s7] =	ssyncadd.s32 $0xFFFFEC00  }
0x10c: {  	[spmem:s6], [sflag:s5] =	dma.local [hbm:s30], $0x1400  }
0x10d: {  	_ =	swait.ge [sflag:s7], $0x1400  }
0x10e: {  	[sflag:s7] =	ssyncset.done $0x0  }
0x10f: {  	s30 =	rddreg [dreg:$0x5];
	[sflag:s7] =	ssyncadd.s32 $0xFFFFEC00  }
0x110: {  	[tilespmem:s15], [sflag:$0x5] =	stream.linear.gather [hbm4b:s30+s15], $0x2800, $0x38;
	[tilespmem:$0x1F000] =	vst v63  }
0x111: {  	_ =	swait.ge [sflag:s7], $0x2800  }
0x112: {  	[sflag:s7] =	ssyncset.done $0x0  }
0x113: {  	s30 =	rddreg [dreg:$0x6];
	[sflag:s7] =	ssyncadd.s32 $0xFFFFD800  }
0x114: {  	[tilespmem:s17], [sflag:$0x5] =	stream.linear.gather [hbm4b:s30+s15], $0x2800, $0x38;
	[tilespmem:$0x1F000] =	vst v63  }
0x115: {  	_ =	swait.ge [sflag:s7], $0x2800  }
0x116: {  	[sflag:s7] =	ssyncset.done $0x0  }
0x117: {  	[sflag:s7] =	ssyncadd.s32 $0xFFFFD800  }
0x118: {  	[bflag:$0x0] =	sbarrier.arrive $0xFFFF  }
0x119: {  	[tilespmem:s10], [sflag:$0x1] =	stream.indirect.gather [hbm4b:s16+s8], $0x40, s15, s8, $0xb8;
	[tilespmem:$0x1F000] =	vst v63  }
0x11a: {  	_ = 	snop  }
0x11b: {  	[tilespmem:s9], [sflag:$0x2] =	stream.indirect.gather [hbm4b:s16+s8], $0x40, s8, s8, $0xb8;
	[tilespmem:$0x1F000] =	vst v63  }
0x11c: {  	_ =	swait.ge [sflag:s12], $0x8000  }
0x11d: {  	[sflag:s12] =	ssyncset.done $0x0  }
0x11e: {  	[sflag:s12] =	ssyncadd.s32 $0xFFFF8000  }
0x11f: {  	[spmem:s2] =	stream.indirect.scatter.add.f32 [tilespmem:s10], [sflag:$0x3], $0x40, s17, s8, $0xb8;
	[tilespmem:$0x1F000] =	vst v63  }
0x120: {  	_ =	swait.ge [sflag:s11], $0x8000  }
0x121: {  	[sflag:s11] =	ssyncset.done $0x0  }
0x122: {  	s30 =	rddreg [dreg:$0x8];
	[sflag:s11] =	ssyncadd.s32 $0xFFFF8000  }
0x123: {  	[spmem:s2] =	stream.indirect.scatter.add.f32 [tilespmem:s9], [sflag:$0x4], $0x40, s30, s8, $0xb8;
	[tilespmem:$0x1F000] =	vst v63  }
0x124: {  	_ =	swait.ge [sflag:s13], $0x8000  }
0x125: {  	[sflag:s13] =	ssyncset.done $0x0  }
0x126: {  	s23 =	simm.s32 @p1 $0x400;
	s30 =	simm.s32 @p1 $0x5000;
	[sflag:s13] =	ssyncadd.s32 $0xFFFF8000  }
0x127: {  	[tilespmem:s30], [sflag:$0x1] =	stream.indirect.gather @p1 [hbm4b:s3+s20], $0x40, s23, s20, $0xb8;
	[tilespmem:$0x1F000] =	vst v63  }
0x128: {  	_ =	swait.ge @p1 [sflag:s19], $0x8000  }
0x129: {  	[sflag:s19] =	ssyncset.done @p1 $0x0  }
0x12a: {  	s23 =	simm.s32 @p1 $0x600;
	s30 =	simm.s32 @p1 $0xD000;
	[sflag:s19] =	ssyncadd.s32 @p1 $0xFFFF8000  }
0x12b: {  	[tilespmem:s30], [sflag:$0x2] =	stream.indirect.gather @p1 [hbm4b:s3+s20], $0x40, s23, s20, $0xb8;
	[tilespmem:$0x1F000] =	vst v63  }
0x12c: {  	s23 =	simm.s32 @!p1 $0x400;
	s30 =	simm.s32 @!p1 $0x5000  }
0x12d: {  	[tilespmem:s30], [sflag:$0x1] =	stream.indirect.gather @!p1 [hbm4b:s4+s25], $0x40, s23, s25, $0xb8;
	[tilespmem:$0x1F000] =	vst v63  }
0x12e: {  	_ =	swait.ge @!p1 [sflag:s22], $0x8000  }
0x12f: {  	[sflag:s22] =	ssyncset.done @!p1 $0x0  }
0x130: {  	s23 =	simm.s32 @!p1 $0x600;
	s30 =	simm.s32 @!p1 $0xD000;
	[sflag:s22] =	ssyncadd.s32 @!p1 $0xFFFF8000  }
0x131: {  	[tilespmem:s30], [sflag:$0x2] =	stream.indirect.gather @!p1 [hbm4b:s4+s25], $0x40, s23, s25, $0xb8;
	[tilespmem:$0x1F000] =	vst v63  }
0x132: {  	_ =	swait.ge [sflag:s12], $0x8000  }
0x133: {  	[sflag:s12] =	ssyncset.done $0x0  }
0x134: {  	s30 =	rddreg [dreg:$0x9];
	[sflag:s12] =	ssyncadd.s32 $0xFFFF8000  }
0x135: {  	[spmem:s2] =	stream.indirect.scatter.add.f32 [tilespmem:s10], [sflag:$0x3], $0x40, s30, s8, $0xb8;
	[tilespmem:$0x1F000] =	vst v63  }
0x136: {  	_ =	swait.ge [sflag:s11], $0x8000  }
0x137: {  	[sflag:s11] =	ssyncset.done $0x0  }
0x138: {  	s30 =	rddreg [dreg:$0xa];
	[sflag:s11] =	ssyncadd.s32 $0xFFFF8000  }
0x139: {  	[spmem:s2] =	stream.indirect.scatter.add.f32 [tilespmem:s9], [sflag:$0x4], $0x40, s30, s8, $0xb8;
	[tilespmem:$0x1F000] =	vst v63  }
0x13a: {  	_ =	swait.ge [sflag:s13], $0x8000  }
0x13b: {  	[sflag:s13] =	ssyncset.done $0x0  }
0x13c: {  	s23 =	simm.s32 @p0 $0x800;
	[sflag:s13] =	ssyncadd.s32 $0xFFFF8000  }
0x13d: {  	[tilespmem:s31], [sflag:$0x1] =	stream.indirect.gather @p0 [hbm4b:s4+s1], $0x40, s23, s1, $0xb8;
	[tilespmem:$0x1F000] =	vst v63  }
0x13e: {  	_ =	swait.ge @p0 [sflag:s0], $0x8000  }
0x13f: {  	[sflag:s0] =	ssyncset.done @p0 $0x0  }
0x140: {  	s23 =	simm.s32 @p0 $0xA00;
	[sflag:s0] =	ssyncadd.s32 @p0 $0xFFFF8000  }
0x141: {  	[tilespmem:s24], [sflag:$0x2] =	stream.indirect.gather @p0 [hbm4b:s4+s1], $0x40, s23, s1, $0xb8;
	[tilespmem:$0x1F000] =	vst v63  }
0x142: {  	s23 =	simm.s32 @!p0 $0x800  }
0x143: {  	[tilespmem:s29], [sflag:$0x1] =	stream.indirect.gather @!p0 [hbm4b:s3+s26], $0x40, s23, s26, $0xb8;
	[tilespmem:$0x1F000] =	vst v63  }
0x144: {  	_ =	swait.ge @!p0 [sflag:s21], $0x8000  }
0x145: {  	[sflag:s21] =	ssyncset.done @!p0 $0x0  }
0x146: {  	s23 =	simm.s32 @!p0 $0xA00;
	[sflag:s21] =	ssyncadd.s32 @!p0 $0xFFFF8000  }
0x147: {  	[tilespmem:s18], [sflag:$0x2] =	stream.indirect.gather @!p0 [hbm4b:s3+s26], $0x40, s23, s26, $0xb8;
	[tilespmem:$0x1F000] =	vst v63  }
0x148: {  	_ =	swait.ge [sflag:s12], $0x8000  }
0x149: {  	[sflag:s12] =	ssyncset.done $0x0  }
0x14a: {  	s30 =	rddreg [dreg:$0xb];
	[sflag:s12] =	ssyncadd.s32 $0xFFFF8000  }
0x14b: {  	[spmem:s2] =	stream.indirect.scatter.add.f32 [tilespmem:s10], [sflag:$0x3], $0x40, s30, s8, $0xb8;
	[tilespmem:$0x1F000] =	vst v63  }
0x14c: {  	_ =	swait.ge [sflag:s11], $0x8000  }
0x14d: {  	[sflag:s11] =	ssyncset.done $0x0  }
0x14e: {  	s30 =	rddreg [dreg:$0xc];
	[sflag:s11] =	ssyncadd.s32 $0xFFFF8000  }
0x14f: {  	[spmem:s2] =	stream.indirect.scatter.add.f32 [tilespmem:s9], [sflag:$0x4], $0x40, s30, s8, $0xb8;
	[tilespmem:$0x1F000] =	vst v63  }
0x150: {  	_ =	swait.ge [sflag:s13], $0x8000  }
0x151: {  	[sflag:s13] =	ssyncset.done $0x0  }
0x152: {  	s23 =	simm.s32 @p0 $0xC00;
	[sflag:s13] =	ssyncadd.s32 $0xFFFF8000  }
0x153: {  	[tilespmem:s31], [sflag:$0x1] =	stream.indirect.gather @p0 [hbm4b:s4+s1], $0x40, s23, s1, $0xb8;
	[tilespmem:$0x1F000] =	vst v63  }
0x154: {  	_ =	swait.ge @p0 [sflag:s0], $0x8000  }
0x155: {  	[sflag:s0] =	ssyncset.done @p0 $0x0  }
0x156: {  	s23 =	simm.s32 @p0 $0xE00;
	[sflag:s0] =	ssyncadd.s32 @p0 $0xFFFF8000  }
0x157: {  	[tilespmem:s24], [sflag:$0x2] =	stream.indirect.gather @p0 [hbm4b:s4+s1], $0x40, s23, s1, $0xb8;
	[tilespmem:$0x1F000] =	vst v63  }
0x158: {  	s23 =	simm.s32 @!p0 $0xC00  }
0x159: {  	[tilespmem:s29], [sflag:$0x1] =	stream.indirect.gather @!p0 [hbm4b:s3+s26], $0x40, s23, s26, $0xb8;
	[tilespmem:$0x1F000] =	vst v63  }
0x15a: {  	_ =	swait.ge @!p0 [sflag:s21], $0x8000  }
0x15b: {  	[sflag:s21] =	ssyncset.done @!p0 $0x0  }
0x15c: {  	s23 =	simm.s32 @!p0 $0xE00;
	[sflag:s21] =	ssyncadd.s32 @!p0 $0xFFFF8000  }
0x15d: {  	[tilespmem:s18], [sflag:$0x2] =	stream.indirect.gather @!p0 [hbm4b:s3+s26], $0x40, s23, s26, $0xb8;
	[tilespmem:$0x1F000] =	vst v63  }
0x15e: {  	_ =	swait.ge [sflag:s12], $0x8000  }
0x15f: {  	[sflag:s12] =	ssyncset.done $0x0  }
0x160: {  	s30 =	rddreg [dreg:$0xd];
	[sflag:s12] =	ssyncadd.s32 $0xFFFF8000  }
0x161: {  	[spmem:s2] =	stream.indirect.scatter.add.f32 [tilespmem:s10], [sflag:$0x3], $0x40, s30, s8, $0xb8;
	[tilespmem:$0x1F000] =	vst v63  }
0x162: {  	_ =	swait.ge [sflag:s11], $0x8000  }
0x163: {  	[sflag:s11] =	ssyncset.done $0x0  }
0x164: {  	s30 =	rddreg [dreg:$0xe];
	[sflag:s11] =	ssyncadd.s32 $0xFFFF8000  }
0x165: {  	[spmem:s2] =	stream.indirect.scatter.add.f32 [tilespmem:s9], [sflag:$0x4], $0x40, s30, s8, $0xb8;
	[tilespmem:$0x1F000] =	vst v63  }
0x166: {  	_ =	swait.ge [sflag:s13], $0x8000  }
0x167: {  	[sflag:s13] =	ssyncset.done $0x0  }
0x168: {  	s23 =	simm.s32 @p0 $0x1000;
	[sflag:s13] =	ssyncadd.s32 $0xFFFF8000  }
0x169: {  	[tilespmem:s31], [sflag:$0x1] =	stream.indirect.gather @p0 [hbm4b:s4+s1], $0x40, s23, s1, $0xb8;
	[tilespmem:$0x1F000] =	vst v63  }
0x16a: {  	_ =	swait.ge @p0 [sflag:s0], $0x8000  }
0x16b: {  	[sflag:s0] =	ssyncset.done @p0 $0x0  }
0x16c: {  	s23 =	simm.s32 @p0 $0x1200;
	[sflag:s0] =	ssyncadd.s32 @p0 $0xFFFF8000  }
0x16d: {  	[tilespmem:s24], [sflag:$0x2] =	stream.indirect.gather @p0 [hbm4b:s4+s1], $0x40, s23, s1, $0xb8;
	[tilespmem:$0x1F000] =	vst v63  }
0x16e: {  	s23 =	simm.s32 @!p0 $0x1000  }
0x16f: {  	[tilespmem:s29], [sflag:$0x1] =	stream.indirect.gather @!p0 [hbm4b:s3+s26], $0x40, s23, s26, $0xb8;
	[tilespmem:$0x1F000] =	vst v63  }
0x170: {  	_ =	swait.ge @!p0 [sflag:s21], $0x8000  }
0x171: {  	[sflag:s21] =	ssyncset.done @!p0 $0x0  }
0x172: {  	s23 =	simm.s32 @!p0 $0x1200;
	[sflag:s21] =	ssyncadd.s32 @!p0 $0xFFFF8000  }
0x173: {  	[tilespmem:s18], [sflag:$0x2] =	stream.indirect.gather @!p0 [hbm4b:s3+s26], $0x40, s23, s26, $0xb8;
	[tilespmem:$0x1F000] =	vst v63  }
0x174: {  	_ =	swait.ge [sflag:s12], $0x8000  }
0x175: {  	[sflag:s12] =	ssyncset.done $0x0  }
0x176: {  	s30 =	rddreg [dreg:$0xf];
	[sflag:s12] =	ssyncadd.s32 $0xFFFF8000  }
0x177: {  	[spmem:s2] =	stream.indirect.scatter.add.f32 [tilespmem:s10], [sflag:$0x3], $0x40, s30, s8, $0xb8;
	[tilespmem:$0x1F000] =	vst v63  }
0x178: {  	_ =	swait.ge [sflag:s11], $0x8000  }
0x179: {  	[sflag:s11] =	ssyncset.done $0x0  }
0x17a: {  	s30 =	rddreg [dreg:$0x10];
	[sflag:s11] =	ssyncadd.s32 $0xFFFF8000  }
0x17b: {  	[spmem:s2] =	stream.indirect.scatter.add.f32 [tilespmem:s9], [sflag:$0x4], $0x40, s30, s8, $0xb8;
	[tilespmem:$0x1F000] =	vst v63  }
0x17c: {  	_ =	swait.ge [sflag:s13], $0x8000  }
0x17d: {  	[sflag:s13] =	ssyncset.done $0x0  }
0x17e: {  	s23 =	simm.s32 @p0 $0x1400;
	[sflag:s13] =	ssyncadd.s32 $0xFFFF8000  }
0x17f: {  	[tilespmem:s31], [sflag:$0x1] =	stream.indirect.gather @p0 [hbm4b:s4+s1], $0x40, s23, s1, $0xb8;
	[tilespmem:$0x1F000] =	vst v63  }
0x180: {  	_ =	swait.ge @p0 [sflag:s0], $0x8000  }
0x181: {  	[sflag:s0] =	ssyncset.done @p0 $0x0  }
0x182: {  	s23 =	simm.s32 @p0 $0x1600;
	[sflag:s0] =	ssyncadd.s32 @p0 $0xFFFF8000  }
0x183: {  	[tilespmem:s24], [sflag:$0x2] =	stream.indirect.gather @p0 [hbm4b:s4+s1], $0x40, s23, s1, $0xb8;
	[tilespmem:$0x1F000] =	vst v63  }
0x184: {  	s23 =	simm.s32 @!p0 $0x1400  }
0x185: {  	[tilespmem:s29], [sflag:$0x1] =	stream.indirect.gather @!p0 [hbm4b:s3+s26], $0x40, s23, s26, $0xb8;
	[tilespmem:$0x1F000] =	vst v63  }
0x186: {  	_ =	swait.ge @!p0 [sflag:s21], $0x8000  }
0x187: {  	[sflag:s21] =	ssyncset.done @!p0 $0x0  }
0x188: {  	s23 =	simm.s32 @!p0 $0x1600;
	[sflag:s21] =	ssyncadd.s32 @!p0 $0xFFFF8000  }
0x189: {  	[tilespmem:s18], [sflag:$0x2] =	stream.indirect.gather @!p0 [hbm4b:s3+s26], $0x40, s23, s26, $0xb8;
	[tilespmem:$0x1F000] =	vst v63  }
0x18a: {  	_ =	swait.ge [sflag:s12], $0x8000  }
0x18b: {  	[sflag:s12] =	ssyncset.done $0x0  }
0x18c: {  	s30 =	rddreg [dreg:$0x11];
	[sflag:s12] =	ssyncadd.s32 $0xFFFF8000  }
0x18d: {  	[spmem:s2] =	stream.indirect.scatter.add.f32 [tilespmem:s10], [sflag:$0x3], $0x40, s30, s8, $0xb8;
	[tilespmem:$0x1F000] =	vst v63  }
0x18e: {  	_ =	swait.ge [sflag:s11], $0x8000  }
0x18f: {  	[sflag:s11] =	ssyncset.done $0x0  }
0x190: {  	s30 =	rddreg [dreg:$0x12];
	[sflag:s11] =	ssyncadd.s32 $0xFFFF8000  }
0x191: {  	[spmem:s2] =	stream.indirect.scatter.add.f32 [tilespmem:s9], [sflag:$0x4], $0x40, s30, s8, $0xb8;
	[tilespmem:$0x1F000] =	vst v63  }
0x192: {  	_ =	swait.ge [sflag:s13], $0x8000  }
0x193: {  	[sflag:s13] =	ssyncset.done $0x0  }
0x194: {  	s23 =	simm.s32 @p0 $0x1800;
	[sflag:s13] =	ssyncadd.s32 $0xFFFF8000  }
0x195: {  	[tilespmem:s31], [sflag:$0x1] =	stream.indirect.gather @p0 [hbm4b:s4+s1], $0x40, s23, s1, $0xb8;
	[tilespmem:$0x1F000] =	vst v63  }
0x196: {  	_ =	swait.ge @p0 [sflag:s0], $0x8000  }
0x197: {  	[sflag:s0] =	ssyncset.done @p0 $0x0  }
0x198: {  	s23 =	simm.s32 @p0 $0x1A00;
	[sflag:s0] =	ssyncadd.s32 @p0 $0xFFFF8000  }
0x199: {  	[tilespmem:s24], [sflag:$0x2] =	stream.indirect.gather @p0 [hbm4b:s4+s1], $0x40, s23, s1, $0xb8;
	[tilespmem:$0x1F000] =	vst v63  }
0x19a: {  	s23 =	simm.s32 @!p0 $0x1800  }
0x19b: {  	[tilespmem:s29], [sflag:$0x1] =	stream.indirect.gather @!p0 [hbm4b:s3+s26], $0x40, s23, s26, $0xb8;
	[tilespmem:$0x1F000] =	vst v63  }
0x19c: {  	_ =	swait.ge @!p0 [sflag:s21], $0x8000  }
0x19d: {  	[sflag:s21] =	ssyncset.done @!p0 $0x0  }
0x19e: {  	s23 =	simm.s32 @!p0 $0x1A00;
	[sflag:s21] =	ssyncadd.s32 @!p0 $0xFFFF8000  }
0x19f: {  	[tilespmem:s18], [sflag:$0x2] =	stream.indirect.gather @!p0 [hbm4b:s3+s26], $0x40, s23, s26, $0xb8;
	[tilespmem:$0x1F000] =	vst v63  }
0x1a0: {  	_ =	swait.ge [sflag:s12], $0x8000  }
0x1a1: {  	[sflag:s12] =	ssyncset.done $0x0  }
0x1a2: {  	s30 =	rddreg [dreg:$0x13];
	[sflag:s12] =	ssyncadd.s32 $0xFFFF8000  }
0x1a3: {  	[spmem:s2] =	stream.indirect.scatter.add.f32 [tilespmem:s10], [sflag:$0x3], $0x40, s30, s8, $0xb8;
	[tilespmem:$0x1F000] =	vst v63  }
0x1a4: {  	_ =	swait.ge [sflag:s11], $0x8000  }
0x1a5: {  	[sflag:s11] =	ssyncset.done $0x0  }
0x1a6: {  	s30 =	rddreg [dreg:$0x14];
	[sflag:s11] =	ssyncadd.s32 $0xFFFF8000  }
0x1a7: {  	[spmem:s2] =	stream.indirect.scatter.add.f32 [tilespmem:s9], [sflag:$0x4], $0x40, s30, s8, $0xb8;
	[tilespmem:$0x1F000] =	vst v63  }
0x1a8: {  	_ =	swait.ge [sflag:s13], $0x8000  }
0x1a9: {  	[sflag:s13] =	ssyncset.done $0x0  }
0x1aa: {  	s23 =	simm.s32 @p0 $0x1C00;
	[sflag:s13] =	ssyncadd.s32 $0xFFFF8000  }
0x1ab: {  	[tilespmem:s31], [sflag:$0x1] =	stream.indirect.gather @p0 [hbm4b:s4+s1], $0x40, s23, s1, $0xb8;
	[tilespmem:$0x1F000] =	vst v63  }
0x1ac: {  	_ =	swait.ge @p0 [sflag:s0], $0x8000  }
0x1ad: {  	[sflag:s0] =	ssyncset.done @p0 $0x0  }
0x1ae: {  	s23 =	simm.s32 @p0 $0x1E00;
	[sflag:s0] =	ssyncadd.s32 @p0 $0xFFFF8000  }
0x1af: {  	[tilespmem:s24], [sflag:$0x2] =	stream.indirect.gather @p0 [hbm4b:s4+s1], $0x40, s23, s1, $0xb8;
	[tilespmem:$0x1F000] =	vst v63  }
0x1b0: {  	s23 =	simm.s32 @!p0 $0x1C00  }
0x1b1: {  	[tilespmem:s29], [sflag:$0x1] =	stream.indirect.gather @!p0 [hbm4b:s3+s26], $0x40, s23, s26, $0xb8;
	[tilespmem:$0x1F000] =	vst v63  }
0x1b2: {  	_ =	swait.ge @!p0 [sflag:s21], $0x8000  }
0x1b3: {  	[sflag:s21] =	ssyncset.done @!p0 $0x0  }
0x1b4: {  	s23 =	simm.s32 @!p0 $0x1E00;
	[sflag:s21] =	ssyncadd.s32 @!p0 $0xFFFF8000  }
0x1b5: {  	[tilespmem:s18], [sflag:$0x2] =	stream.indirect.gather @!p0 [hbm4b:s3+s26], $0x40, s23, s26, $0xb8;
	[tilespmem:$0x1F000] =	vst v63  }
0x1b6: {  	_ =	swait.ge [sflag:s12], $0x8000  }
0x1b7: {  	[sflag:s12] =	ssyncset.done $0x0  }
0x1b8: {  	s30 =	rddreg [dreg:$0x15];
	[sflag:s12] =	ssyncadd.s32 $0xFFFF8000  }
0x1b9: {  	[spmem:s2] =	stream.indirect.scatter.add.f32 [tilespmem:s10], [sflag:$0x3], $0x40, s30, s8, $0xb8;
	[tilespmem:$0x1F000] =	vst v63  }
0x1ba: {  	_ =	swait.ge [sflag:s11], $0x8000  }
0x1bb: {  	[sflag:s11] =	ssyncset.done $0x0  }
0x1bc: {  	s30 =	rddreg [dreg:$0x16];
	[sflag:s11] =	ssyncadd.s32 $0xFFFF8000  }
0x1bd: {  	[spmem:s2] =	stream.indirect.scatter.add.f32 [tilespmem:s9], [sflag:$0x4], $0x40, s30, s8, $0xb8;
	[tilespmem:$0x1F000] =	vst v63  }
0x1be: {  	_ =	swait.ge [sflag:s13], $0x8000  }
0x1bf: {  	[sflag:s13] =	ssyncset.done $0x0  }
0x1c0: {  	s23 =	simm.s32 @p0 $0x2000;
	[sflag:s13] =	ssyncadd.s32 $0xFFFF8000  }
0x1c1: {  	[tilespmem:s31], [sflag:$0x1] =	stream.indirect.gather @p0 [hbm4b:s4+s1], $0x40, s23, s1, $0xb8;
	[tilespmem:$0x1F000] =	vst v63  }
0x1c2: {  	_ =	swait.ge @p0 [sflag:s0], $0x8000  }
0x1c3: {  	[sflag:s0] =	ssyncset.done @p0 $0x0  }
0x1c4: {  	s23 =	simm.s32 @p0 $0x2200;
	[sflag:s0] =	ssyncadd.s32 @p0 $0xFFFF8000  }
0x1c5: {  	[tilespmem:s24], [sflag:$0x2] =	stream.indirect.gather @p0 [hbm4b:s4+s1], $0x40, s23, s1, $0xb8;
	[tilespmem:$0x1F000] =	vst v63  }
0x1c6: {  	s23 =	simm.s32 @!p0 $0x2000  }
0x1c7: {  	[tilespmem:s29], [sflag:$0x1] =	stream.indirect.gather @!p0 [hbm4b:s3+s26], $0x40, s23, s26, $0xb8;
	[tilespmem:$0x1F000] =	vst v63  }
0x1c8: {  	_ =	swait.ge @!p0 [sflag:s21], $0x8000  }
0x1c9: {  	[sflag:s21] =	ssyncset.done @!p0 $0x0  }
0x1ca: {  	s23 =	simm.s32 @!p0 $0x2200;
	[sflag:s21] =	ssyncadd.s32 @!p0 $0xFFFF8000  }
0x1cb: {  	[tilespmem:s18], [sflag:$0x2] =	stream.indirect.gather @!p0 [hbm4b:s3+s26], $0x40, s23, s26, $0xb8;
	[tilespmem:$0x1F000] =	vst v63  }
0x1cc: {  	_ =	swait.ge [sflag:s12], $0x8000  }
0x1cd: {  	[sflag:s12] =	ssyncset.done $0x0  }
0x1ce: {  	s30 =	rddreg [dreg:$0x17];
	[sflag:s12] =	ssyncadd.s32 $0xFFFF8000  }
0x1cf: {  	[spmem:s2] =	stream.indirect.scatter.add.f32 [tilespmem:s10], [sflag:$0x3], $0x40, s30, s8, $0xb8;
	[tilespmem:$0x1F000] =	vst v63  }
0x1d0: {  	_ =	swait.ge [sflag:s11], $0x8000  }
0x1d1: {  	[sflag:s11] =	ssyncset.done $0x0  }
0x1d2: {  	s30 =	rddreg [dreg:$0x18];
	[sflag:s11] =	ssyncadd.s32 $0xFFFF8000  }
0x1d3: {  	[spmem:s2] =	stream.indirect.scatter.add.f32 [tilespmem:s9], [sflag:$0x4], $0x40, s30, s8, $0xb8;
	[tilespmem:$0x1F000] =	vst v63  }
0x1d4: {  	_ =	swait.ge [sflag:s13], $0x8000  }
0x1d5: {  	[sflag:s13] =	ssyncset.done $0x0  }
0x1d6: {  	s23 =	simm.s32 @p0 $0x2400;
	[sflag:s13] =	ssyncadd.s32 $0xFFFF8000  }
0x1d7: {  	[tilespmem:s31], [sflag:$0x1] =	stream.indirect.gather @p0 [hbm4b:s4+s1], $0x40, s23, s1, $0xb8;
	[tilespmem:$0x1F000] =	vst v63  }
0x1d8: {  	_ =	swait.ge @p0 [sflag:s0], $0x8000  }
0x1d9: {  	[sflag:s0] =	ssyncset.done @p0 $0x0  }
0x1da: {  	s23 =	simm.s32 @p0 $0x2600;
	[sflag:s0] =	ssyncadd.s32 @p0 $0xFFFF8000  }
0x1db: {  	[tilespmem:s24], [sflag:$0x2] =	stream.indirect.gather @p0 [hbm4b:s4+s1], $0x40, s23, s1, $0xb8;
	[tilespmem:$0x1F000] =	vst v63  }
0x1dc: {  	s23 =	simm.s32 @!p0 $0x2400  }
0x1dd: {  	[tilespmem:s29], [sflag:$0x1] =	stream.indirect.gather @!p0 [hbm4b:s3+s26], $0x40, s23, s26, $0xb8;
	[tilespmem:$0x1F000] =	vst v63  }
0x1de: {  	_ =	swait.ge @!p0 [sflag:s21], $0x8000  }
0x1df: {  	[sflag:s21] =	ssyncset.done @!p0 $0x0  }
0x1e0: {  	s23 =	simm.s32 @!p0 $0x2600;
	[sflag:s21] =	ssyncadd.s32 @!p0 $0xFFFF8000  }
0x1e1: {  	[tilespmem:s18], [sflag:$0x2] =	stream.indirect.gather @!p0 [hbm4b:s3+s26], $0x40, s23, s26, $0xb8;
	[tilespmem:$0x1F000] =	vst v63  }
0x1e2: {  	_ =	swait.ge [sflag:s12], $0x8000  }
0x1e3: {  	[sflag:s12] =	ssyncset.done $0x0  }
0x1e4: {  	s30 =	rddreg [dreg:$0x19];
	[sflag:s12] =	ssyncadd.s32 $0xFFFF8000  }
0x1e5: {  	[spmem:s2] =	stream.indirect.scatter.add.f32 [tilespmem:s10], [sflag:$0x3], $0x40, s30, s8, $0xb8;
	[tilespmem:$0x1F000] =	vst v63  }
0x1e6: {  	_ =	swait.ge [sflag:s11], $0x8000  }
0x1e7: {  	[sflag:s11] =	ssyncset.done $0x0  }
0x1e8: {  	s30 =	rddreg [dreg:$0x1a];
	[sflag:s11] =	ssyncadd.s32 $0xFFFF8000  }
0x1e9: {  	[spmem:s2] =	stream.indirect.scatter.add.f32 [tilespmem:s9], [sflag:$0x4], $0x40, s30, s8, $0xb8;
	[tilespmem:$0x1F000] =	vst v63  }
0x1ea: {  	_ =	swait.ge [sflag:s13], $0x8000  }
0x1eb: {  	[sflag:s13] =	ssyncset.done $0x0  }
0x1ec: {  	[sflag:s13] =	ssyncadd.s32 $0xFFFF8000  }
0x1ed: {  	_ =	swait.ge [sflag:s14], $0x8000  }
0x1ee: {  	s28 =	sadd.s32 $0xFFFFFFFF, s28;
	[sflag:s14] =	ssyncset.done $0x0  }
0x1ef: {  	p3 =	sne.s32 s28, $0x0;
	[sflag:s14] =	ssyncadd.s32 $0xFFFF8000  }
.Ltmp2:
0x1f0: {  	[bflag:$0x0] =	sbarrier.arrive $0xFFFF;
	(pc) =	sbr.rel @p3 .LBB2_3-.Ltmp2, $4  }
0x1f1: {  	s30 =	rddreg [dreg:$0x1b]  }
0x1f2: {  	[hbm:s30], [sflag:s5] =	dma.local [spmem:s6], $0x1400  }
0x1f3: {  	_ =	swait.ge [sflag:s7], $0x1400  }
0x1f4: {  	s30 =	rddreg [dreg:$0x7];
	[sflag:s7] =	ssyncset.done $0x0  }
0x1f5: {  	s22 =	rddreg [dreg:$0x4];
	s23 =	stileid.u32  }
.LBB2_5:
0x1f6: {  	[sflag:s7] =	ssyncadd.s32 @p2 $0xFFFFEC00  }
0x1f7: {  	[spmem:s6], [sflag:s5] =	dma.local [hbm:s30], $0x1400  }
0x1f8: {  	_ =	swait.ge [sflag:s7], $0x1400  }
0x1f9: {  	[sflag:s7] =	ssyncset.done $0x0  }
0x1fa: {  	s0 =	rddreg [dreg:$0x5];
	[sflag:s7] =	ssyncadd.s32 $0xFFFFEC00  }
0x1fb: {  	[tilespmem:s15], [sflag:$0x5] =	stream.linear.gather [hbm4b:s0+s15], $0x2800, $0x38;
	[tilespmem:$0x1F000] =	vst v63  }
0x1fc: {  	_ =	swait.ge [sflag:s7], $0x2800  }
0x1fd: {  	[sflag:s7] =	ssyncset.done $0x0  }
0x1fe: {  	s24 =	rddreg [dreg:$0x6];
	[sflag:s7] =	ssyncadd.s32 $0xFFFFD800  }
0x1ff: {  	[tilespmem:s17], [sflag:$0x5] =	stream.linear.gather [hbm4b:s24+s15], $0x2800, $0x38;
	[tilespmem:$0x1F000] =	vst v63  }
0x200: {  	_ =	swait.ge [sflag:s7], $0x2800  }
0x201: {  	[sflag:s7] =	ssyncset.done $0x0  }
0x202: {  	[sflag:s7] =	ssyncadd.s32 $0xFFFFD800  }
0x203: {  	[bflag:$0x0] =	sbarrier.arrive $0xFFFF  }
0x204: {  	[tilespmem:s10], [sflag:$0x1] =	stream.indirect.gather [hbm4b:s16+s8], $0x40, s15, s8, $0xb8;
	[tilespmem:$0x1F000] =	vst v63  }
0x205: {  	_ = 	snop  }
0x206: {  	[tilespmem:s9], [sflag:$0x2] =	stream.indirect.gather [hbm4b:s16+s8], $0x40, s8, s8, $0xb8;
	[tilespmem:$0x1F000] =	vst v63  }
0x207: {  	_ =	swait.ge [sflag:s12], $0x8000  }
0x208: {  	[sflag:s12] =	ssyncset.done $0x0  }
0x209: {  	[sflag:s12] =	ssyncadd.s32 $0xFFFF8000  }
0x20a: {  	[spmem:s2] =	stream.indirect.scatter.add.f32 [tilespmem:s10], [sflag:$0x3], $0x40, s17, s8, $0xb8;
	[tilespmem:$0x1F000] =	vst v63  }
0x20b: {  	_ =	swait.ge [sflag:s11], $0x8000  }
0x20c: {  	[sflag:s11] =	ssyncset.done $0x0  }
0x20d: {  	s25 =	rddreg [dreg:$0x8];
	[sflag:s11] =	ssyncadd.s32 $0xFFFF8000  }
0x20e: {  	[spmem:s2] =	stream.indirect.scatter.add.f32 [tilespmem:s9], [sflag:$0x4], $0x40, s25, s8, $0xb8;
	[tilespmem:$0x1F000] =	vst v63  }
0x20f: {  	_ =	swait.ge [sflag:s13], $0x8000  }
0x210: {  	s1 =	simm.s32 @p1 $0x4;
	s0 =	simm.s32 @p1 $0x5000;
	[sflag:s13] =	ssyncset.done $0x0  }
0x211: {  	s15 =	simm.s32 @p1 $0x200;
	s16 =	simm.s32 @p1 $0x400;
	[sflag:s13] =	ssyncadd.s32 $0xFFFF8000  }
0x212: {  	[tilespmem:s0], [sflag:$0x1] =	stream.indirect.gather @p1 [hbm4b:s3+s15], $0x40, s16, s15, $0xb8;
	[tilespmem:$0x1F000] =	vst v63  }
0x213: {  	_ =	swait.ge @p1 [sflag:s1], $0x8000  }
0x214: {  	s0 =	simm.s32 @!p1 $0x4;
	[sflag:s1] =	ssyncset.done @p1 $0x0  }
0x215: {  	s16 =	simm.s32 @p1 $0xD000;
	[sflag:s1] =	ssyncadd.s32 @p1 $0xFFFF8000;
	s1 =	simm.s32 @p1 $0x600  }
0x216: {  	[tilespmem:s16], [sflag:$0x2] =	stream.indirect.gather @p1 [hbm4b:s3+s15], $0x40, s1, s15, $0xb8;
	[tilespmem:$0x1F000] =	vst v63  }
0x217: {  	s1 =	simm.s32 @!p1 $0x200;
	s15 =	simm.s32 @!p1 $0x400;
	s16 =	simm.s32 @!p1 $0x5000  }
0x218: {  	[tilespmem:s16], [sflag:$0x1] =	stream.indirect.gather @!p1 [hbm4b:s4+s1], $0x40, s15, s1, $0xb8;
	[tilespmem:$0x1F000] =	vst v63  }
0x219: {  	_ =	swait.ge @!p1 [sflag:s0], $0x8000  }
0x21a: {  	[sflag:s0] =	ssyncset.done @!p1 $0x0  }
0x21b: {  	s15 =	simm.s32 @!p1 $0xD000;
	[sflag:s0] =	ssyncadd.s32 @!p1 $0xFFFF8000;
	s0 =	simm.s32 @!p1 $0x600  }
0x21c: {  	[tilespmem:s15], [sflag:$0x2] =	stream.indirect.gather @!p1 [hbm4b:s4+s1], $0x40, s0, s1, $0xb8;
	[tilespmem:$0x1F000] =	vst v63  }
0x21d: {  	_ =	swait.ge [sflag:s12], $0x8000  }
0x21e: {  	[sflag:s12] =	ssyncset.done $0x0  }
0x21f: {  	s26 =	rddreg [dreg:$0x9];
	[sflag:s12] =	ssyncadd.s32 $0xFFFF8000  }
0x220: {  	[spmem:s2] =	stream.indirect.scatter.add.f32 [tilespmem:s10], [sflag:$0x3], $0x40, s26, s8, $0xb8;
	[tilespmem:$0x1F000] =	vst v63  }
0x221: {  	_ =	swait.ge [sflag:s11], $0x8000  }
0x222: {  	[sflag:s11] =	ssyncset.done $0x0  }
0x223: {  	s28 =	rddreg [dreg:$0xa];
	[sflag:s11] =	ssyncadd.s32 $0xFFFF8000  }
0x224: {  	[spmem:s2] =	stream.indirect.scatter.add.f32 [tilespmem:s9], [sflag:$0x4], $0x40, s28, s8, $0xb8;
	[tilespmem:$0x1F000] =	vst v63  }
0x225: {  	_ =	swait.ge [sflag:s13], $0x8000  }
0x226: {  	s16 =	simm.s32 @p0 $0x5000;
	s0 =	simm.s32 @p0 $0x4;
	[sflag:s13] =	ssyncset.done $0x0  }
0x227: {  	s1 =	simm.s32 @p0 $0x200;
	s15 =	simm.s32 @p0 $0x800;
	[sflag:s13] =	ssyncadd.s32 $0xFFFF8000  }
0x228: {  	[tilespmem:s16], [sflag:$0x1] =	stream.indirect.gather @p0 [hbm4b:s4+s1], $0x40, s15, s1, $0xb8;
	[tilespmem:$0x1F000] =	vst v63  }
0x229: {  	_ =	swait.ge @p0 [sflag:s0], $0x8000  }
0x22a: {  	s18 =	simm.s32 @p0 $0xD000;
	[sflag:s0] =	ssyncset.done @p0 $0x0  }
0x22b: {  	s20 =	simm.s32 @!p0 $0x800;
	s17 =	simm.s32 @p0 $0xA00;
	[sflag:s0] =	ssyncadd.s32 @p0 $0xFFFF8000  }
0x22c: {  	[tilespmem:s18], [sflag:$0x2] =	stream.indirect.gather @p0 [hbm4b:s4+s1], $0x40, s17, s1, $0xb8;
	[tilespmem:$0x1F000] =	vst v63  }
0x22d: {  	s19 =	simm.s32 @!p0 $0x5000;
	s15 =	simm.s32 @!p0 $0x4;
	s17 =	simm.s32 @!p0 $0x200  }
0x22e: {  	[tilespmem:s19], [sflag:$0x1] =	stream.indirect.gather @!p0 [hbm4b:s3+s17], $0x40, s20, s17, $0xb8;
	[tilespmem:$0x1F000] =	vst v63  }
0x22f: {  	_ =	swait.ge @!p0 [sflag:s15], $0x8000  }
0x230: {  	[sflag:s15] =	ssyncset.done @!p0 $0x0  }
0x231: {  	s21 =	simm.s32 @!p0 $0xA00;
	s20 =	simm.s32 @!p0 $0xD000;
	[sflag:s15] =	ssyncadd.s32 @!p0 $0xFFFF8000  }
0x232: {  	[tilespmem:s20], [sflag:$0x2] =	stream.indirect.gather @!p0 [hbm4b:s3+s17], $0x40, s21, s17, $0xb8;
	[tilespmem:$0x1F000] =	vst v63  }
0x233: {  	_ =	swait.ge [sflag:s12], $0x8000  }
0x234: {  	[sflag:s12] =	ssyncset.done $0x0  }
0x235: {  	s29 =	rddreg [dreg:$0xb];
	[sflag:s12] =	ssyncadd.s32 $0xFFFF8000  }
0x236: {  	[spmem:s2] =	stream.indirect.scatter.add.f32 [tilespmem:s10], [sflag:$0x3], $0x40, s29, s8, $0xb8;
	[tilespmem:$0x1F000] =	vst v63  }
0x237: {  	_ =	swait.ge [sflag:s11], $0x8000  }
0x238: {  	[sflag:s11] =	ssyncset.done $0x0  }
0x239: {  	s30 =	rddreg [dreg:$0xc];
	[sflag:s11] =	ssyncadd.s32 $0xFFFF8000  }
0x23a: {  	[spmem:s2] =	stream.indirect.scatter.add.f32 [tilespmem:s9], [sflag:$0x4], $0x40, s30, s8, $0xb8;
	[tilespmem:$0x1F000] =	vst v63  }
0x23b: {  	_ =	swait.ge [sflag:s13], $0x8000  }
0x23c: {  	[sflag:s13] =	ssyncset.done $0x0  }
0x23d: {  	s21 =	simm.s32 @p0 $0xC00;
	[sflag:s13] =	ssyncadd.s32 $0xFFFF8000  }
0x23e: {  	[tilespmem:s16], [sflag:$0x1] =	stream.indirect.gather @p0 [hbm4b:s4+s1], $0x40, s21, s1, $0xb8;
	[tilespmem:$0x1F000] =	vst v63  }
0x23f: {  	_ =	swait.ge @p0 [sflag:s0], $0x8000  }
0x240: {  	[sflag:s0] =	ssyncset.done @p0 $0x0  }
0x241: {  	s21 =	simm.s32 @p0 $0xE00;
	[sflag:s0] =	ssyncadd.s32 @p0 $0xFFFF8000  }
0x242: {  	[tilespmem:s18], [sflag:$0x2] =	stream.indirect.gather @p0 [hbm4b:s4+s1], $0x40, s21, s1, $0xb8;
	[tilespmem:$0x1F000] =	vst v63  }
0x243: {  	s21 =	simm.s32 @!p0 $0xC00  }
0x244: {  	[tilespmem:s19], [sflag:$0x1] =	stream.indirect.gather @!p0 [hbm4b:s3+s17], $0x40, s21, s17, $0xb8;
	[tilespmem:$0x1F000] =	vst v63  }
0x245: {  	_ =	swait.ge @!p0 [sflag:s15], $0x8000  }
0x246: {  	[sflag:s15] =	ssyncset.done @!p0 $0x0  }
0x247: {  	s21 =	simm.s32 @!p0 $0xE00;
	[sflag:s15] =	ssyncadd.s32 @!p0 $0xFFFF8000  }
0x248: {  	[tilespmem:s20], [sflag:$0x2] =	stream.indirect.gather @!p0 [hbm4b:s3+s17], $0x40, s21, s17, $0xb8;
	[tilespmem:$0x1F000] =	vst v63  }
0x249: {  	_ =	swait.ge [sflag:s12], $0x8000  }
0x24a: {  	[sflag:s12] =	ssyncset.done $0x0  }
0x24b: {  	s31 =	rddreg [dreg:$0xd];
	[sflag:s12] =	ssyncadd.s32 $0xFFFF8000  }
0x24c: {  	[spmem:s2] =	stream.indirect.scatter.add.f32 [tilespmem:s10], [sflag:$0x3], $0x40, s31, s8, $0xb8;
	[tilespmem:$0x1F000] =	vst v63  }
0x24d: {  	_ =	swait.ge [sflag:s11], $0x8000  }
0x24e: {  	[sflag:s11] =	ssyncset.done $0x0  }
0x24f: {  	s24 =	rddreg [dreg:$0xe];
	[sflag:s11] =	ssyncadd.s32 $0xFFFF8000  }
0x250: {  	[spmem:s2] =	stream.indirect.scatter.add.f32 [tilespmem:s9], [sflag:$0x4], $0x40, s24, s8, $0xb8;
	[tilespmem:$0x1F000] =	vst v63  }
0x251: {  	_ =	swait.ge [sflag:s13], $0x8000  }
0x252: {  	[sflag:s13] =	ssyncset.done $0x0  }
0x253: {  	s21 =	simm.s32 @p0 $0x1000;
	[sflag:s13] =	ssyncadd.s32 $0xFFFF8000  }
0x254: {  	[tilespmem:s16], [sflag:$0x1] =	stream.indirect.gather @p0 [hbm4b:s4+s1], $0x40, s21, s1, $0xb8;
	[tilespmem:$0x1F000] =	vst v63  }
0x255: {  	_ =	swait.ge @p0 [sflag:s0], $0x8000  }
0x256: {  	[sflag:s0] =	ssyncset.done @p0 $0x0  }
0x257: {  	s21 =	simm.s32 @p0 $0x1200;
	[sflag:s0] =	ssyncadd.s32 @p0 $0xFFFF8000  }
0x258: {  	[tilespmem:s18], [sflag:$0x2] =	stream.indirect.gather @p0 [hbm4b:s4+s1], $0x40, s21, s1, $0xb8;
	[tilespmem:$0x1F000] =	vst v63  }
0x259: {  	s21 =	simm.s32 @!p0 $0x1000  }
0x25a: {  	[tilespmem:s19], [sflag:$0x1] =	stream.indirect.gather @!p0 [hbm4b:s3+s17], $0x40, s21, s17, $0xb8;
	[tilespmem:$0x1F000] =	vst v63  }
0x25b: {  	_ =	swait.ge @!p0 [sflag:s15], $0x8000  }
0x25c: {  	[sflag:s15] =	ssyncset.done @!p0 $0x0  }
0x25d: {  	s21 =	simm.s32 @!p0 $0x1200;
	[sflag:s15] =	ssyncadd.s32 @!p0 $0xFFFF8000  }
0x25e: {  	[tilespmem:s20], [sflag:$0x2] =	stream.indirect.gather @!p0 [hbm4b:s3+s17], $0x40, s21, s17, $0xb8;
	[tilespmem:$0x1F000] =	vst v63  }
0x25f: {  	_ =	swait.ge [sflag:s12], $0x8000  }
0x260: {  	[sflag:s12] =	ssyncset.done $0x0  }
0x261: {  	s25 =	rddreg [dreg:$0xf];
	[sflag:s12] =	ssyncadd.s32 $0xFFFF8000  }
0x262: {  	[spmem:s2] =	stream.indirect.scatter.add.f32 [tilespmem:s10], [sflag:$0x3], $0x40, s25, s8, $0xb8;
	[tilespmem:$0x1F000] =	vst v63  }
0x263: {  	_ =	swait.ge [sflag:s11], $0x8000  }
0x264: {  	[sflag:s11] =	ssyncset.done $0x0  }
0x265: {  	s26 =	rddreg [dreg:$0x10];
	[sflag:s11] =	ssyncadd.s32 $0xFFFF8000  }
0x266: {  	[spmem:s2] =	stream.indirect.scatter.add.f32 [tilespmem:s9], [sflag:$0x4], $0x40, s26, s8, $0xb8;
	[tilespmem:$0x1F000] =	vst v63  }
0x267: {  	_ =	swait.ge [sflag:s13], $0x8000  }
0x268: {  	[sflag:s13] =	ssyncset.done $0x0  }
0x269: {  	s21 =	simm.s32 @p0 $0x1400;
	[sflag:s13] =	ssyncadd.s32 $0xFFFF8000  }
0x26a: {  	[tilespmem:s16], [sflag:$0x1] =	stream.indirect.gather @p0 [hbm4b:s4+s1], $0x40, s21, s1, $0xb8;
	[tilespmem:$0x1F000] =	vst v63  }
0x26b: {  	_ =	swait.ge @p0 [sflag:s0], $0x8000  }
0x26c: {  	[sflag:s0] =	ssyncset.done @p0 $0x0  }
0x26d: {  	s21 =	simm.s32 @p0 $0x1600;
	[sflag:s0] =	ssyncadd.s32 @p0 $0xFFFF8000  }
0x26e: {  	[tilespmem:s18], [sflag:$0x2] =	stream.indirect.gather @p0 [hbm4b:s4+s1], $0x40, s21, s1, $0xb8;
	[tilespmem:$0x1F000] =	vst v63  }
0x26f: {  	s21 =	simm.s32 @!p0 $0x1400  }
0x270: {  	[tilespmem:s19], [sflag:$0x1] =	stream.indirect.gather @!p0 [hbm4b:s3+s17], $0x40, s21, s17, $0xb8;
	[tilespmem:$0x1F000] =	vst v63  }
0x271: {  	_ =	swait.ge @!p0 [sflag:s15], $0x8000  }
0x272: {  	[sflag:s15] =	ssyncset.done @!p0 $0x0  }
0x273: {  	s21 =	simm.s32 @!p0 $0x1600;
	[sflag:s15] =	ssyncadd.s32 @!p0 $0xFFFF8000  }
0x274: {  	[tilespmem:s20], [sflag:$0x2] =	stream.indirect.gather @!p0 [hbm4b:s3+s17], $0x40, s21, s17, $0xb8;
	[tilespmem:$0x1F000] =	vst v63  }
0x275: {  	_ =	swait.ge [sflag:s12], $0x8000  }
0x276: {  	[sflag:s12] =	ssyncset.done $0x0  }
0x277: {  	s28 =	rddreg [dreg:$0x11];
	[sflag:s12] =	ssyncadd.s32 $0xFFFF8000  }
0x278: {  	[spmem:s2] =	stream.indirect.scatter.add.f32 [tilespmem:s10], [sflag:$0x3], $0x40, s28, s8, $0xb8;
	[tilespmem:$0x1F000] =	vst v63  }
0x279: {  	_ =	swait.ge [sflag:s11], $0x8000  }
0x27a: {  	[sflag:s11] =	ssyncset.done $0x0  }
0x27b: {  	s29 =	rddreg [dreg:$0x12];
	[sflag:s11] =	ssyncadd.s32 $0xFFFF8000  }
0x27c: {  	[spmem:s2] =	stream.indirect.scatter.add.f32 [tilespmem:s9], [sflag:$0x4], $0x40, s29, s8, $0xb8;
	[tilespmem:$0x1F000] =	vst v63  }
0x27d: {  	_ =	swait.ge [sflag:s13], $0x8000  }
0x27e: {  	[sflag:s13] =	ssyncset.done $0x0  }
0x27f: {  	s21 =	simm.s32 @p0 $0x1800;
	[sflag:s13] =	ssyncadd.s32 $0xFFFF8000  }
0x280: {  	[tilespmem:s16], [sflag:$0x1] =	stream.indirect.gather @p0 [hbm4b:s4+s1], $0x40, s21, s1, $0xb8;
	[tilespmem:$0x1F000] =	vst v63  }
0x281: {  	_ =	swait.ge @p0 [sflag:s0], $0x8000  }
0x282: {  	[sflag:s0] =	ssyncset.done @p0 $0x0  }
0x283: {  	s21 =	simm.s32 @p0 $0x1A00;
	[sflag:s0] =	ssyncadd.s32 @p0 $0xFFFF8000  }
0x284: {  	[tilespmem:s18], [sflag:$0x2] =	stream.indirect.gather @p0 [hbm4b:s4+s1], $0x40, s21, s1, $0xb8;
	[tilespmem:$0x1F000] =	vst v63  }
0x285: {  	s21 =	simm.s32 @!p0 $0x1800  }
0x286: {  	[tilespmem:s19], [sflag:$0x1] =	stream.indirect.gather @!p0 [hbm4b:s3+s17], $0x40, s21, s17, $0xb8;
	[tilespmem:$0x1F000] =	vst v63  }
0x287: {  	_ =	swait.ge @!p0 [sflag:s15], $0x8000  }
0x288: {  	[sflag:s15] =	ssyncset.done @!p0 $0x0  }
0x289: {  	s21 =	simm.s32 @!p0 $0x1A00;
	[sflag:s15] =	ssyncadd.s32 @!p0 $0xFFFF8000  }
0x28a: {  	[tilespmem:s20], [sflag:$0x2] =	stream.indirect.gather @!p0 [hbm4b:s3+s17], $0x40, s21, s17, $0xb8;
	[tilespmem:$0x1F000] =	vst v63  }
0x28b: {  	_ =	swait.ge [sflag:s12], $0x8000  }
0x28c: {  	[sflag:s12] =	ssyncset.done $0x0  }
0x28d: {  	s30 =	rddreg [dreg:$0x13];
	[sflag:s12] =	ssyncadd.s32 $0xFFFF8000  }
0x28e: {  	[spmem:s2] =	stream.indirect.scatter.add.f32 [tilespmem:s10], [sflag:$0x3], $0x40, s30, s8, $0xb8;
	[tilespmem:$0x1F000] =	vst v63  }
0x28f: {  	_ =	swait.ge [sflag:s11], $0x8000  }
0x290: {  	[sflag:s11] =	ssyncset.done $0x0  }
0x291: {  	s31 =	rddreg [dreg:$0x14];
	[sflag:s11] =	ssyncadd.s32 $0xFFFF8000  }
0x292: {  	[spmem:s2] =	stream.indirect.scatter.add.f32 [tilespmem:s9], [sflag:$0x4], $0x40, s31, s8, $0xb8;
	[tilespmem:$0x1F000] =	vst v63  }
0x293: {  	_ =	swait.ge [sflag:s13], $0x8000  }
0x294: {  	[sflag:s13] =	ssyncset.done $0x0  }
0x295: {  	s21 =	simm.s32 @p0 $0x1C00;
	[sflag:s13] =	ssyncadd.s32 $0xFFFF8000  }
0x296: {  	[tilespmem:s16], [sflag:$0x1] =	stream.indirect.gather @p0 [hbm4b:s4+s1], $0x40, s21, s1, $0xb8;
	[tilespmem:$0x1F000] =	vst v63  }
0x297: {  	_ =	swait.ge @p0 [sflag:s0], $0x8000  }
0x298: {  	[sflag:s0] =	ssyncset.done @p0 $0x0  }
0x299: {  	s21 =	simm.s32 @p0 $0x1E00;
	[sflag:s0] =	ssyncadd.s32 @p0 $0xFFFF8000  }
0x29a: {  	[tilespmem:s18], [sflag:$0x2] =	stream.indirect.gather @p0 [hbm4b:s4+s1], $0x40, s21, s1, $0xb8;
	[tilespmem:$0x1F000] =	vst v63  }
0x29b: {  	s21 =	simm.s32 @!p0 $0x1C00  }
0x29c: {  	[tilespmem:s19], [sflag:$0x1] =	stream.indirect.gather @!p0 [hbm4b:s3+s17], $0x40, s21, s17, $0xb8;
	[tilespmem:$0x1F000] =	vst v63  }
0x29d: {  	_ =	swait.ge @!p0 [sflag:s15], $0x8000  }
0x29e: {  	[sflag:s15] =	ssyncset.done @!p0 $0x0  }
0x29f: {  	s21 =	simm.s32 @!p0 $0x1E00;
	[sflag:s15] =	ssyncadd.s32 @!p0 $0xFFFF8000  }
0x2a0: {  	[tilespmem:s20], [sflag:$0x2] =	stream.indirect.gather @!p0 [hbm4b:s3+s17], $0x40, s21, s17, $0xb8;
	[tilespmem:$0x1F000] =	vst v63  }
0x2a1: {  	_ =	swait.ge [sflag:s12], $0x8000  }
0x2a2: {  	[sflag:s12] =	ssyncset.done $0x0  }
0x2a3: {  	s24 =	rddreg [dreg:$0x15];
	[sflag:s12] =	ssyncadd.s32 $0xFFFF8000  }
0x2a4: {  	[spmem:s2] =	stream.indirect.scatter.add.f32 [tilespmem:s10], [sflag:$0x3], $0x40, s24, s8, $0xb8;
	[tilespmem:$0x1F000] =	vst v63  }
0x2a5: {  	_ =	swait.ge [sflag:s11], $0x8000  }
0x2a6: {  	[sflag:s11] =	ssyncset.done $0x0  }
0x2a7: {  	s25 =	rddreg [dreg:$0x16];
	[sflag:s11] =	ssyncadd.s32 $0xFFFF8000  }
0x2a8: {  	[spmem:s2] =	stream.indirect.scatter.add.f32 [tilespmem:s9], [sflag:$0x4], $0x40, s25, s8, $0xb8;
	[tilespmem:$0x1F000] =	vst v63  }
0x2a9: {  	_ =	swait.ge [sflag:s13], $0x8000  }
0x2aa: {  	[sflag:s13] =	ssyncset.done $0x0  }
0x2ab: {  	s21 =	simm.s32 @p0 $0x2000;
	[sflag:s13] =	ssyncadd.s32 $0xFFFF8000  }
0x2ac: {  	[tilespmem:s16], [sflag:$0x1] =	stream.indirect.gather @p0 [hbm4b:s4+s1], $0x40, s21, s1, $0xb8;
	[tilespmem:$0x1F000] =	vst v63  }
0x2ad: {  	_ =	swait.ge @p0 [sflag:s0], $0x8000  }
0x2ae: {  	[sflag:s0] =	ssyncset.done @p0 $0x0  }
0x2af: {  	s21 =	simm.s32 @p0 $0x2200;
	[sflag:s0] =	ssyncadd.s32 @p0 $0xFFFF8000  }
0x2b0: {  	[tilespmem:s18], [sflag:$0x2] =	stream.indirect.gather @p0 [hbm4b:s4+s1], $0x40, s21, s1, $0xb8;
	[tilespmem:$0x1F000] =	vst v63  }
0x2b1: {  	s21 =	simm.s32 @!p0 $0x2000  }
0x2b2: {  	[tilespmem:s19], [sflag:$0x1] =	stream.indirect.gather @!p0 [hbm4b:s3+s17], $0x40, s21, s17, $0xb8;
	[tilespmem:$0x1F000] =	vst v63  }
0x2b3: {  	_ =	swait.ge @!p0 [sflag:s15], $0x8000  }
0x2b4: {  	[sflag:s15] =	ssyncset.done @!p0 $0x0  }
0x2b5: {  	s21 =	simm.s32 @!p0 $0x2200;
	[sflag:s15] =	ssyncadd.s32 @!p0 $0xFFFF8000  }
0x2b6: {  	[tilespmem:s20], [sflag:$0x2] =	stream.indirect.gather @!p0 [hbm4b:s3+s17], $0x40, s21, s17, $0xb8;
	[tilespmem:$0x1F000] =	vst v63  }
0x2b7: {  	_ =	swait.ge [sflag:s12], $0x8000  }
0x2b8: {  	[sflag:s12] =	ssyncset.done $0x0  }
0x2b9: {  	s26 =	rddreg [dreg:$0x17];
	[sflag:s12] =	ssyncadd.s32 $0xFFFF8000  }
0x2ba: {  	[spmem:s2] =	stream.indirect.scatter.add.f32 [tilespmem:s10], [sflag:$0x3], $0x40, s26, s8, $0xb8;
	[tilespmem:$0x1F000] =	vst v63  }
0x2bb: {  	_ =	swait.ge [sflag:s11], $0x8000  }
0x2bc: {  	[sflag:s11] =	ssyncset.done $0x0  }
0x2bd: {  	s28 =	rddreg [dreg:$0x18];
	[sflag:s11] =	ssyncadd.s32 $0xFFFF8000  }
0x2be: {  	[spmem:s2] =	stream.indirect.scatter.add.f32 [tilespmem:s9], [sflag:$0x4], $0x40, s28, s8, $0xb8;
	[tilespmem:$0x1F000] =	vst v63  }
0x2bf: {  	_ =	swait.ge [sflag:s13], $0x8000  }
0x2c0: {  	[sflag:s13] =	ssyncset.done $0x0  }
0x2c1: {  	s21 =	simm.s32 @p0 $0x2400;
	[sflag:s13] =	ssyncadd.s32 $0xFFFF8000  }
0x2c2: {  	[tilespmem:s16], [sflag:$0x1] =	stream.indirect.gather @p0 [hbm4b:s4+s1], $0x40, s21, s1, $0xb8;
	[tilespmem:$0x1F000] =	vst v63  }
0x2c3: {  	_ =	swait.ge @p0 [sflag:s0], $0x8000  }
0x2c4: {  	[sflag:s0] =	ssyncset.done @p0 $0x0  }
0x2c5: {  	[sflag:s0] =	ssyncadd.s32 @p0 $0xFFFF8000;
	s0 =	simm.s32 @p0 $0x2600  }
0x2c6: {  	[tilespmem:s18], [sflag:$0x2] =	stream.indirect.gather @p0 [hbm4b:s4+s1], $0x40, s0, s1, $0xb8;
	[tilespmem:$0x1F000] =	vst v63  }
0x2c7: {  	s0 =	simm.s32 @!p0 $0x2400  }
0x2c8: {  	[tilespmem:s19], [sflag:$0x1] =	stream.indirect.gather @!p0 [hbm4b:s3+s17], $0x40, s0, s17, $0xb8;
	[tilespmem:$0x1F000] =	vst v63  }
0x2c9: {  	_ =	swait.ge @!p0 [sflag:s15], $0x8000  }
0x2ca: {  	[sflag:s15] =	ssyncset.done @!p0 $0x0  }
0x2cb: {  	s0 =	simm.s32 @!p0 $0x2600;
	[sflag:s15] =	ssyncadd.s32 @!p0 $0xFFFF8000  }
0x2cc: {  	[tilespmem:s20], [sflag:$0x2] =	stream.indirect.gather @!p0 [hbm4b:s3+s17], $0x40, s0, s17, $0xb8;
	[tilespmem:$0x1F000] =	vst v63  }
0x2cd: {  	_ =	swait.ge [sflag:s12], $0x8000  }
0x2ce: {  	[sflag:s12] =	ssyncset.done $0x0  }
0x2cf: {  	s29 =	rddreg [dreg:$0x19];
	[sflag:s12] =	ssyncadd.s32 $0xFFFF8000  }
0x2d0: {  	[spmem:s2] =	stream.indirect.scatter.add.f32 [tilespmem:s10], [sflag:$0x3], $0x40, s29, s8, $0xb8;
	[tilespmem:$0x1F000] =	vst v63  }
0x2d1: {  	_ =	swait.ge [sflag:s11], $0x8000  }
0x2d2: {  	[sflag:s11] =	ssyncset.done $0x0  }
0x2d3: {  	s30 =	rddreg [dreg:$0x1a];
	[sflag:s11] =	ssyncadd.s32 $0xFFFF8000  }
0x2d4: {  	[spmem:s2] =	stream.indirect.scatter.add.f32 [tilespmem:s9], [sflag:$0x4], $0x40, s30, s8, $0xb8;
	[tilespmem:$0x1F000] =	vst v63  }
0x2d5: {  	_ =	swait.ge [sflag:s13], $0x8000  }
0x2d6: {  	[sflag:s13] =	ssyncset.done $0x0  }
0x2d7: {  	[sflag:s13] =	ssyncadd.s32 $0xFFFF8000  }
0x2d8: {  	_ =	swait.ge [sflag:s14], $0x8000  }
0x2d9: {  	[sflag:s14] =	ssyncset.done $0x0  }
0x2da: {  	[sflag:s14] =	ssyncadd.s32 $0xFFFF8000  }
0x2db: {  	[bflag:$0x0] =	sbarrier.arrive $0xFFFF  }
0x2dc: {  	s31 =	rddreg [dreg:$0x1b]  }
0x2dd: {  	[hbm:s31], [sflag:s5] =	dma.local [spmem:s6], $0x1400  }
0x2de: {  	_ =	swait.ge [sflag:s7], $0x1400  }
0x2df: {  	[sflag:s7] =	ssyncset.done $0x0  }
0x2e0: {  	[sflag:s7] =	ssyncadd.s32 $0xFFFFEC00  }
0x2e1: {  	_ =	sfence.sel $0x180000  }
0x2e2: {  	[bflag:$0x0] =	sbarrier.arrive $0xFFFF  }
0x2e3: {  	p0 =	sne.s32 s23, $0x0;
	_ =	strace $0x9000004D  }
0x2e4: {  	s0 =	sadd.s32 @!p0 $0x100000, s22;
	[bflag:$0x2] =	sbarrier.arrive $0xFFFF  }
0x2e5: {  	[sflag:s0] =	ssyncadd.tile.s32 @!p0 $0x1;
	_ =	shalt  }
.LBB2_2:
.Ltmp3:
0x2e6: {  	(pc) =	sbr.rel .LBB2_5-.Ltmp3, $2  }
0x2e7: {  	_ =	sdelay $0x2  }
0x2e8: {  	s22 =	rddreg [dreg:$0x4];
	s23 =	stileid.u32  }
.Lfunc_end2:
_tile_overlayer_lowered:
.L_overlay_start_2:
0x2e9: {  	(tag) =	ssettag $0x2  }
0x2ea: {  	s0 =	rddreg [dreg:$0x0];
	s2 =	stileid.u32  }
0x2eb: {  	s1 =	rddreg [dreg:$0x1];
	p0 =	sne.s32 s2, $0x0  }
0x2ec: {  	s3 =	rddreg [dreg:$0x2];
	[bflag:$0x3] =	sbarrier.arrive $0xFFFF;
	s2 =	simm.s32 @!p0 $0x1C05  }
0x2ed: {  	[timem:s3], [sflag:s2] =	dma.local @!p0 [hbm:s0], s1  }
0x2ee: {  	s0 =	simm.s32 @!p0 $0x5  }
0x2ef: {  	_ =	swait.ge @!p0 [sflag:s0], s1  }
0x2f0: {  	s1 =	ssub.s32 @!p0 $0x0, s1;
	[sflag:s0] =	ssyncset.done @!p0 $0x0  }
0x2f1: {  	[sflag:s0] =	ssyncadd.s32 @!p0 s1  }
0x2f2: {  	[bflag:$0x3] =	sbarrier.arrive $0xFFFF  }
0x2f3: {  	_ =	shalt  }

// kernel: kernel.20.cloned.1.call-start
scs
__scs_entry_jumppad:
0x0: {  	(pc) =	sbr.rel $0x88, $3  }
0x1: {  	(tag) =	ssettag $0x0;
	lr =	simm.s32 $0x1  }
0x2: {  	[smem:$0x3F84] =	sst lr;
	_ =	strace $0xD0000000  }
0x3: {  	_ = 	snop  }
0x4: {  	_ = 	snop  }
0x5: {  	_ = 	snop  }
0x6: {  	_ = 	snop  }
0x7: {  	_ = 	snop  }
__scs_overlays_trampoline_lowered:
0x8: {  	[smem:$0x3F93] =	sst s0  }
0x9: {  	[smem:$0x3F94] =	sst s1  }
0xa: {  	[smem:$0x3F95] =	sst s2  }
0xb: {  	[smem:$0x3F96] =	sst s3  }
0xc: {  	[smem:$0x3F97] =	sst s4  }
0xd: {  	[smem:$0x3F98] =	sst s5  }
0xe: {  	[smem:$0x3F99] =	sst s6  }
0xf: {  	[smem:$0x3F9A] =	sst s7  }
0x10: {  	[smem:$0x3F9B] =	sst s8  }
0x11: {  	[smem:$0x3F9C] =	sst s9;
	s0 =	simm.s32 @!p0 $0x0  }
0x12: {  	s1 =	sld [smem:$0x3F82];
	s0 =	simm.s32 @p0 $0x1  }
0x13: {  	[smem:$0x3F9D] =	sst s0;
	s0 =	simm.s32 @!p1 $0x0  }
0x14: {  	s2 =	sld [smem:$0x3F81];
	s0 =	simm.s32 @p1 $0x1  }
0x15: {  	[smem:$0x3F9E] =	sst s0;
	s0 =	simm.s32 @!p2 $0x0  }
0x16: {  	s3 =	sld [smem:$0x3FDB];
	s0 =	simm.s32 @p2 $0x1  }
0x17: {  	s4 =	simm.s32 $0x1BF5;
	[smem:$0x3FA0] =	sst s0  }
0x18: {  	s0 =	sld [smem:$0x3F83];
	_ =	swait.ge [sflag:s4], $0x0  }
0x19: {  	s7 =	sld [smem:$0x3F84]  }
0x1a: {  	s8 =	sadd.s32 $0xFFFFE003, lr  }
0x1b: {  	s9 =	sadd.s32 $0xFFFFFEF7, lr;
	s5 =	simm.s32 $0xFFFFFFFF;
	p2 =	slt.u32 s8, $0xFFFFF086  }
0x1c: {  	p1 =	slt.u32 s9, $0xF7A;
	s5 =	simm.s32 @!p2 $0x0  }
0x1d: {  	s5 =	simm.s32 @p1 $0x1;
	p0 =	seq.s32 s7, s2  }
0x1e: {  	s7 =	smul.u32 @!p0 $0xF7A, s2;
	p2 =	seq.s32 @!p0 s5, $0x0  }
0x1f: {  	s9 =	smul.u32 $0xF7A, s1;
	s8 =	simm.s32 @!p0 $0x1BF5;
	p2 =	por !p2, p0  }
0x20: {  	[sflag:s8] =	ssyncset.s32 @!p0 $0xFFFFF086;
	s6 =	sadd.s32 @!p0 s3, s7;
	s7 =	simm.s32 @!p0 $0x108  }
0x21: {  	s3 =	sadd.s32 s3, s9;
	s6 =	sadd.s32 @!p0 $0x88, s6;
	s7 =	simm.s32 @p2 $0x1082  }
0x22: {  	[simem:s7], [sflag:s8] =	dma.local @!p0 [hbm:s6], $0xF7A  }
0x23: {  	s9 =	sor.u32 $0xD0000000, s2;
	s6 =	simm.s32 $0x108;
	_ =	swait.ge @!p0 [sflag:s8], $0x0  }
0x24: {  	s3 =	sadd.s32 $0x88, s3;
	s6 =	simm.s32 @!p1 $0x1082;
	[sflag:s4] =	ssyncset.s32 $0xFFFFF086  }
0x25: {  	[simem:s6], [sflag:s4] =	dma.local [hbm:s3], $0xF7A  }
0x26: {  	[smem:$0x3F84] =	sst s1;
	(tag) =	ssettag s2;
	_ =	strace s9  }
0x27: {  	s1 =	sld [smem:$0x3F94]  }
0x28: {  	s2 =	sld [smem:$0x3F95]  }
0x29: {  	s4 =	sld [smem:$0x3F97]  }
0x2a: {  	p0 =	seq.s32 s5, $0x0;
	s5 =	sld [smem:$0x3F98]  }
0x2b: {  	s6 =	sld [smem:$0x3F99]  }
0x2c: {  	s7 =	sld [smem:$0x3F9A]  }
0x2d: {  	s3 =	simm.s32 $0x108;
	s8 =	sld [smem:$0x3F9B]  }
0x2e: {  	s3 =	simm.s32 @!p0 $0x1082;
	s9 =	sld [smem:$0x3F9C]  }
0x2f: {  	lr =	sadd.s32 s0, s3;
	s0 =	sld [smem:$0x3F93]  }
0x30: {  	s3 =	sld [smem:$0x3F96]  }
0x31: {  	[smem:$0x3F9F] =	sst s10  }
0x32: {  	s10 =	sld [smem:$0x3F9D];
	_ =	sdelay $0x3  }
0x33: {  	p0 =	seq.s32 s10, $0x1;
	s10 =	sld [smem:$0x3F9F];
	_ =	sdelay $0x3  }
0x34: {  	[smem:$0x3F9F] =	sst s10  }
0x35: {  	s10 =	sld [smem:$0x3F9E];
	_ =	sdelay $0x3  }
0x36: {  	p1 =	seq.s32 s10, $0x1;
	s10 =	sld [smem:$0x3F9F];
	_ =	sdelay $0x3  }
0x37: {  	[smem:$0x3F9F] =	sst s10  }
0x38: {  	s10 =	sld [smem:$0x3FA0]  }
0x39: {  	_ = 	snop;
	(pc) =	sbr.ind lr, $3  }
0x3a: {  	_ = 	snop  }
0x3b: {  	_ = 	snop  }
0x3c: {  	p2 =	seq.s32 s10, $0x1;
	s10 =	sld [smem:$0x3F9F]  }
0x3d: {  	_ =	shalt  }
0x3e: {  	_ =	shalt  }
0x3f: {  	_ =	shalt  }
0x40: {  	_ =	shalt  }
0x41: {  	_ =	shalt  }
0x42: {  	_ =	shalt  }
0x43: {  	_ =	shalt  }
0x44: {  	_ =	shalt  }
0x45: {  	_ =	shalt  }
0x46: {  	_ =	shalt  }
0x47: {  	_ =	shalt  }
0x48: {  	_ =	shalt  }
0x49: {  	_ =	shalt  }
0x4a: {  	_ =	shalt  }
0x4b: {  	_ =	shalt  }
0x4c: {  	_ =	shalt  }
0x4d: {  	_ =	shalt  }
0x4e: {  	_ =	shalt  }
0x4f: {  	_ =	shalt  }
0x50: {  	_ =	shalt  }
0x51: {  	_ =	shalt  }
0x52: {  	_ =	shalt  }
0x53: {  	_ =	shalt  }
0x54: {  	_ =	shalt  }
0x55: {  	_ =	shalt  }
0x56: {  	_ =	shalt  }
0x57: {  	_ =	shalt  }
0x58: {  	_ =	shalt  }
0x59: {  	_ =	shalt  }
0x5a: {  	_ =	shalt  }
0x5b: {  	_ =	shalt  }
0x5c: {  	_ =	shalt  }
0x5d: {  	_ =	shalt  }
0x5e: {  	_ =	shalt  }
0x5f: {  	_ =	shalt  }
0x60: {  	_ =	shalt  }
0x61: {  	_ =	shalt  }
0x62: {  	_ =	shalt  }
0x63: {  	_ =	shalt  }
0x64: {  	_ =	shalt  }
0x65: {  	_ =	shalt  }
0x66: {  	_ =	shalt  }
0x67: {  	_ =	shalt  }
0x68: {  	_ =	shalt  }
0x69: {  	_ =	shalt  }
0x6a: {  	_ =	shalt  }
0x6b: {  	_ =	shalt  }
0x6c: {  	_ =	shalt  }
0x6d: {  	_ =	shalt  }
0x6e: {  	_ =	shalt  }
0x6f: {  	_ =	shalt  }
0x70: {  	_ =	shalt  }
0x71: {  	_ =	shalt  }
0x72: {  	_ =	shalt  }
0x73: {  	_ =	shalt  }
0x74: {  	_ =	shalt  }
0x75: {  	_ =	shalt  }
0x76: {  	_ =	shalt  }
0x77: {  	_ =	shalt  }
0x78: {  	_ =	shalt  }
0x79: {  	_ =	shalt  }
0x7a: {  	_ =	shalt  }
0x7b: {  	_ =	shalt  }
0x7c: {  	_ =	shalt  }
0x7d: {  	_ =	shalt  }
0x7e: {  	_ =	shalt  }
0x7f: {  	_ =	shalt  }
0x80: {  	_ =	shalt  }
0x81: {  	_ =	shalt  }
0x82: {  	_ =	shalt  }
0x83: {  	_ =	shalt  }
0x84: {  	_ =	shalt  }
0x85: {  	_ =	shalt  }
0x86: {  	_ =	shalt  }
0x87: {  	_ =	shalt  }
.Lfunc_end0:
.L_simem_size_0:
called_computation.3_lowered:
.L_overlay_start_0:
0x88: {  	s2 =	sld [smem:$0x3FD9]  }
0x89: {  	s3 =	sld [smem:$0x3FFE];
	_ =	sdelay $0x1  }
0x8a: {  	s1 =	srdreg.scid  }
0x8b: {  	s0 =	sand.u32 $0x1, s1  }
0x8c: {  	s16 =	sshll.u32 s0, $0xA;
	s2 =	sadd.s32 s3, s2  }
0x8d: {  	s2 =	sadd.s32 s2, s16  }
0x8e: {  	[smem:$0x3FAB] =	sst s2  }
0x8f: {  	_ = 	snop  }
0x90: {  	(tm) =	ssettm $0x1  }
0x91: {  	s17 =	sld [smem:$0x3FFB];
	_ =	sdelay $0x3  }
0x92: {  	_ =	strace s17  }
0x93: {  	s2 =	sld [smem:$0x3FFC];
	_ =	sdelay $0x3  }
0x94: {  	_ =	strace s2  }
0x95: {  	s2 =	sld [smem:$0x3FFD];
	_ =	sdelay $0x3  }
0x96: {  	_ =	strace s2  }
0x97: {  	_ =	strace $0x8FFFFFFF  }
0x98: {  	s18 =	sld [smem:$0x3FDB];
	_ =	sdelay $0x1  }
0x99: {  	s19 =	simm.s32 $_scs_section_size  }
0x9a: {  	s4 =	simm.s32 $_size__tile_overlayer_lowered;
	s5 =	simm.s32 $_tile_overlayer_lowered  }
0x9b: {  	s22 =	simm.s32 $0x1BFF;
	s21 =	sshll.u32 s5, $0x1;
	s2 =	sadd.s32 s19, s18  }
0x9c: {  	s6 =	simm.s32 $0x0;
	s20 =	sshll.u32 s4, $0x1;
	s4 =	sadd.s32 s21, s2  }
0x9d: {  	[timem:s6], [sflag:s22] =	dma.local [hbm:s4], s20  }
0x9e: {  	_ =	swait.ge [sflag:s22], s20  }
0x9f: {  	s3 =	ssub.s32 $0x0, s20;
	[sflag:s22] =	ssyncset.done $0x0  }
0xa0: {  	[sflag:s22] =	ssyncadd.s32 s3;
	_ =	sdelay $0x1  }
0xa1: {  	s23 =	simm.s32 $0x1B8B  }
0xa2: {  	_ =	swait.ge [sflag:s23], $0x1  }
0xa3: {  	[sflag:s23] =	ssyncset.done $0x0  }
0xa4: {  	s25 =	simm.s32 $0x1B8E;
	s24 =	sld [smem:$0x3FFE];
	[sflag:s23] =	ssyncadd.s32 $0xFFFFFFFF  }
0xa5: {  	s26 =	simm.s32 $execute0_lowered;
	[smem:$0x3FD2] =	sst s25  }
0xa6: {  	s4 =	sshll.u32 s26, $0x1;
	_ =	strace $0x8000004F;
	[dreg:$0x1] =	wrdreg $0xFFFFFFFF  }
0xa7: {  	s28 =	simm.s32 $_size_execute0_lowered;
	s2 =	sadd.s32 s2, s4;
	[dreg:$0x0] =	wrdreg $0x0  }
0xa8: {  	s4 =	sshll.u32 s28, $0x1;
	[dreg:$0x2] =	wrdreg s2  }
0xa9: {  	[dreg:$0x3] =	wrdreg s4  }
0xaa: {  	[dreg:$0x4] =	wrdreg $0xC0  }
0xab: {  	_ =	task [dreg:s6], $0x5FFFF  }
0xac: {  	[dreg:$0x1] =	wrdreg $0xFFFFFFFF  }
0xad: {  	[dreg:$0x0] =	wrdreg $0x60  }
0xae: {  	[dreg:$0x2] =	wrdreg s24  }
0xaf: {  	[dreg:$0x3] =	wrdreg $0x9  }
0xb0: {  	_ =	task.clear_ibuf [dreg:s6], $0x4FFFF;
	_ =	strace $0x9000004F  }
0xb1: {  	s29 =	simm.s32 $0x9;
	_ =	strace $0x80000051  }
0xb2: {  	_ =	swait.ge [sflag:s29], $0x1  }
0xb3: {  	[sflag:s29] =	ssyncadd.s32 $0xFFFFFFFF  }
0xb4: {  	_ =	strace $0x90000051  }
0xb5: {  	_ =	sfence  }
0xb6: {  	s30 =	sld [smem:$0x0];
	_ =	sdelay $0x2  }
0xb7: {  	s31 =	sshll.u32 s1, $0xD;
	s1 =	sshrl.u32 s1, $0x2  }
0xb8: {  	s3 =	sand.u32 $0x4000, s31;
	s1 =	sadd.s32 s1, s30  }
0xb9: {  	s0 =	sor.u32 s3, s0;
	s1 =	sshll.u32 s1, $0x11  }
0xba: {  	s0 =	sor.u32 s1, s0  }
0xbb: {  	s0 =	sadd.s32 $0x8F2B, s0  }
0xbc: {  	[sflag:s0] =	ssyncadd.remote.s32 $0x1  }
0xbd: {  	_ =	sfence.sel $0xFFFF  }
0xbe: {  	[dreg:$0x0] =	wrdreg $0xFFFFFFFF;
	(pc) =	sbr.abs _section_cstart, $3  }
0xbf: {  	[dreg:$0x1] =	wrdreg $0xFFFFFFFF  }
0xc0: {  	_ =	task.clear_ibuf [dreg:s6], $0x2FFFF;
	_ =	strace $0x9FFFFFFF  }
0xc1: {  	(tm) =	ssettm $0x7FFFFFFF  }
tec
execute0_lowered:
.L_overlay_start_1:
0x0: {  	(tag) =	ssettag $0x1  }
0x1: {  	s0 =	srdreg.scid;
	s15 =	stileid.u32  }
0x2: {  	s1 =	rddreg [dreg:$0x0];
	s2 =	simm.s32 $0x0;
	s16 =	simm.s32 $0x1400  }
0x3: {  	s17 =	simm.s32 $0x200;
	s18 =	simm.s32 $0x2800;
	s19 =	simm.s32 $0x6800  }
0x4: {  	s20 =	simm.s32 $0xA800;
	s21 =	simm.s32 $0xE800;
	s22 =	simm.s32 $0x1  }
0x5: {  	s23 =	simm.s32 $0x2;
	s24 =	simm.s32 $0x3;
	s25 =	simm.s32 $0x4  }
0x6: {  	s29 =	simm.s32 $0x0;
	s0 =	sand.u32 $0x1, s0;
	s10 =	smul.u32 $0x14, s15  }
0x7: {  	s3 =	sshll.u32 s15, $0x1;
	[smem:$0x7FF] =	sst s2;
	s15 =	smul.u32 $0xA000, s15  }
0x8: {  	s14 =	sadd.s32 $0x1A400, s1;
	s4 =	sor.u32 s0, s3;
	s11 =	smul.u32 $0xA, s0  }
0x9: {  	_ =	strace $0x80000050;
	s6 =	ssub.s32 $0x2, s0;
	s0 =	smul.u32 $0x5000, s0  }
0xa: {  	s3 =	sadd.s32 $0x10400, s1;
	s5 =	smul.u32 $0x280, s4;
	s7 =	sshrl.u32 s6, $0x1  }
0xb: {  	s9 =	smul.u32 $0x5000, s4;
	s31 =	sadd.s32 s15, s14;
	s6 =	ssub.s32 s6, s7  }
0xc: {  	s10 =	sadd.s32 s11, s10;
	s5 =	sadd.s32 s5, s1;
	s1 =	sadd.s32 $0xBA400, s1  }
0xd: {  	s8 =	sadd.s32 $0x4000, s9;
	s6 =	smax.u32 s6, $0x1;
	s12 =	sadd.s32 $0x4800, s9  }
0xe: {  	s13 =	sshll.u32 s10, $0xB;
	s4 =	sadd.s32 $0xB400, s5;
	s5 =	sadd.s32 $0x6400, s5  }
0xf: {  	s7 =	sadd.s32 s14, s8;
	s8 =	sadd.s32 s1, s8;
	s9 =	sadd.s32 s14, s12  }
0x10: {  	s10 =	sadd.s32 s1, s12;
	s28 =	sadd.s32 s13, s14;
	s30 =	sadd.s32 s13, s1  }
0x11: {  	s1 =	sadd.s32 s15, s1;
	s14 =	sadd.s32 s0, s31;
	s15 =	simm.s32 $0x5  }
0x12: {  	s11 =	sadd.s32 $0x800, s28;
	s12 =	sadd.s32 $0x800, s30;
	s13 =	sadd.s32 s0, s1  }
.LBB2_1:
0x13: {  	[tilespmem:s2], [sflag:$0x5] =	stream.linear.gather [hbm4b:s4+s2], $0x1400, $0x38;
	[tilespmem:$0x12800] =	vst v63  }
0x14: {  	_ =	swait.ge [sflag:s15], $0x1400  }
0x15: {  	[sflag:s15] =	ssyncset.done $0x0  }
0x16: {  	[sflag:s15] =	ssyncadd.s32 $0xFFFFEC00  }
0x17: {  	[tilespmem:s16], [sflag:$0x5] =	stream.linear.gather [hbm4b:s5+s2], $0x1400, $0x38;
	[tilespmem:$0x12800] =	vst v63  }
0x18: {  	_ =	swait.ge [sflag:s15], $0x1400  }
0x19: {  	[sflag:s15] =	ssyncset.done $0x0  }
0x1a: {  	[sflag:s15] =	ssyncadd.s32 $0xFFFFEC00  }
0x1b: {  	[tilespmem:s18], [sflag:$0x1] =	stream.indirect.gather [hbm4b:s3+s17], $0x20, s2, s17, $0xb8;
	[tilespmem:$0x12800] =	vst v63  }
0x1c: {  	_ = 	snop  }
0x1d: {  	[tilespmem:s19], [sflag:$0x2] =	stream.indirect.gather [hbm4b:s3+s17], $0x20, s16, s17, $0xb8;
	[tilespmem:$0x12800] =	vst v63  }
0x1e: {  	s0 =	simm.s32 $0x200  }
0x1f: {  	[tilespmem:s20], [sflag:$0x3] =	stream.indirect.gather [hbm4b:s3+s17], $0x20, s0, s17, $0xb8;
	[tilespmem:$0x12800] =	vst v63  }
0x20: {  	s28 =	simm.s32 $0x1600  }
0x21: {  	[tilespmem:s21], [sflag:$0x4] =	stream.indirect.gather [hbm4b:s3+s17], $0x20, s28, s17, $0xb8;
	[tilespmem:$0x12800] =	vst v63  }
0x22: {  	_ =	swait.ge [sflag:s22], $0x4000  }
0x23: {  	[sflag:s22] =	ssyncset.done $0x0  }
0x24: {  	[sflag:s22] =	ssyncadd.s32 $0xFFFFC000  }
0x25: {  	_ =	swait.ge [sflag:s23], $0x4000  }
0x26: {  	[sflag:s23] =	ssyncset.done $0x0  }
0x27: {  	s1 =	sadd.s32 $0x0, s14;
	[sflag:s23] =	ssyncadd.s32 $0xFFFFC000  }
0x28: {  	[hbm4b:s1+s2] =	stream.linear.scatter [tilespmem:s18], [sflag:$0x5], $0x4000, $0x38;
	[tilespmem:$0x12800] =	vst v63  }
0x29: {  	_ =	swait.ge [sflag:s15], $0x4000  }
0x2a: {  	[sflag:s15] =	ssyncset.done $0x0  }
0x2b: {  	s26 =	sadd.s32 $0x0, s13;
	[sflag:s15] =	ssyncadd.s32 $0xFFFFC000  }
0x2c: {  	[hbm4b:s26+s2] =	stream.linear.scatter [tilespmem:s19], [sflag:$0x5], $0x4000, $0x38;
	[tilespmem:$0x12800] =	vst v63  }
0x2d: {  	_ =	swait.ge [sflag:s15], $0x4000  }
0x2e: {  	[sflag:s15] =	ssyncset.done $0x0  }
0x2f: {  	s28 =	simm.s32 $0x400;
	[sflag:s15] =	ssyncadd.s32 $0xFFFFC000  }
0x30: {  	[tilespmem:s18], [sflag:$0x1] =	stream.indirect.gather [hbm4b:s3+s17], $0x20, s28, s17, $0xb8;
	[tilespmem:$0x12800] =	vst v63  }
0x31: {  	s1 =	simm.s32 $0x1800  }
0x32: {  	[tilespmem:s19], [sflag:$0x2] =	stream.indirect.gather [hbm4b:s3+s17], $0x20, s1, s17, $0xb8;
	[tilespmem:$0x12800] =	vst v63  }
0x33: {  	_ =	swait.ge [sflag:s24], $0x4000  }
0x34: {  	[sflag:s24] =	ssyncset.done $0x0  }
0x35: {  	[sflag:s24] =	ssyncadd.s32 $0xFFFFC000  }
0x36: {  	_ =	swait.ge [sflag:s25], $0x4000  }
0x37: {  	[sflag:s25] =	ssyncset.done $0x0  }
0x38: {  	s26 =	sadd.s32 $0x0, s11;
	[sflag:s25] =	ssyncadd.s32 $0xFFFFC000  }
0x39: {  	[hbm4b:s26+s2] =	stream.linear.scatter [tilespmem:s20], [sflag:$0x5], $0x4000, $0x38;
	[tilespmem:$0x12800] =	vst v63  }
0x3a: {  	_ =	swait.ge [sflag:s15], $0x4000  }
0x3b: {  	[sflag:s15] =	ssyncset.done $0x0  }
0x3c: {  	s28 =	sadd.s32 $0x0, s12;
	[sflag:s15] =	ssyncadd.s32 $0xFFFFC000  }
0x3d: {  	[hbm4b:s28+s2] =	stream.linear.scatter [tilespmem:s21], [sflag:$0x5], $0x4000, $0x38;
	[tilespmem:$0x12800] =	vst v63  }
0x3e: {  	s30 =	simm.s32 $0x1000;
	_ =	swait.ge [sflag:s15], $0x4000  }
0x3f: {  	s31 =	simm.s32 $0x400;
	s1 =	simm.s32 $0x2000;
	[sflag:s15] =	ssyncset.done $0x0  }
.LBB2_2:
0x40: {  	s28 =	sadd.s32 $0x200, s31  }
0x41: {  	[sflag:s15] =	ssyncadd.s32 $0xFFFFC000;
	s0 =	smov.u32 s1;
	s26 =	sadd.s32 $0x1000, s1  }
0x42: {  	[tilespmem:s20], [sflag:$0x3] =	stream.indirect.gather [hbm4b:s3+s17], $0x20, s28, s17, $0xb8;
	[tilespmem:$0x12800] =	vst v63  }
0x43: {  	p0 =	sne.s32 s1, $0x3000;
	s1 =	sadd.s32 $0x1600, s31  }
0x44: {  	[tilespmem:s21], [sflag:$0x4] =	stream.indirect.gather [hbm4b:s3+s17], $0x20, s1, s17, $0xb8;
	[tilespmem:$0x12800] =	vst v63  }
0x45: {  	_ =	swait.ge [sflag:s22], $0x4000  }
0x46: {  	[sflag:s22] =	ssyncset.done $0x0  }
0x47: {  	[sflag:s22] =	ssyncadd.s32 $0xFFFFC000  }
0x48: {  	_ =	swait.ge [sflag:s23], $0x4000  }
0x49: {  	[sflag:s23] =	ssyncset.done $0x0  }
0x4a: {  	s1 =	sadd.s32 s30, s14;
	[sflag:s23] =	ssyncadd.s32 $0xFFFFC000  }
0x4b: {  	[hbm4b:s1+s2] =	stream.linear.scatter [tilespmem:s18], [sflag:$0x5], $0x4000, $0x38;
	[tilespmem:$0x12800] =	vst v63  }
0x4c: {  	_ =	swait.ge [sflag:s15], $0x4000  }
0x4d: {  	[sflag:s15] =	ssyncset.done $0x0  }
0x4e: {  	s1 =	sadd.s32 s30, s13;
	[sflag:s15] =	ssyncadd.s32 $0xFFFFC000  }
0x4f: {  	[hbm4b:s1+s2] =	stream.linear.scatter [tilespmem:s19], [sflag:$0x5], $0x4000, $0x38;
	[tilespmem:$0x12800] =	vst v63  }
0x50: {  	_ =	swait.ge [sflag:s15], $0x4000  }
0x51: {  	[sflag:s15] =	ssyncset.done $0x0  }
0x52: {  	s1 =	sadd.s32 $0x400, s31;
	[sflag:s15] =	ssyncadd.s32 $0xFFFFC000  }
0x53: {  	[tilespmem:s18], [sflag:$0x1] =	stream.indirect.gather [hbm4b:s3+s17], $0x20, s1, s17, $0xb8;
	[tilespmem:$0x12800] =	vst v63  }
0x54: {  	s1 =	sadd.s32 $0x1800, s31  }
0x55: {  	[tilespmem:s19], [sflag:$0x2] =	stream.indirect.gather [hbm4b:s3+s17], $0x20, s1, s17, $0xb8;
	[tilespmem:$0x12800] =	vst v63  }
0x56: {  	_ =	swait.ge [sflag:s24], $0x4000  }
0x57: {  	[sflag:s24] =	ssyncset.done $0x0  }
0x58: {  	[sflag:s24] =	ssyncadd.s32 $0xFFFFC000  }
0x59: {  	_ =	swait.ge [sflag:s25], $0x4000  }
0x5a: {  	[sflag:s25] =	ssyncset.done $0x0  }
0x5b: {  	s1 =	sadd.s32 s30, s11;
	[sflag:s25] =	ssyncadd.s32 $0xFFFFC000  }
0x5c: {  	[hbm4b:s1+s2] =	stream.linear.scatter [tilespmem:s20], [sflag:$0x5], $0x4000, $0x38;
	[tilespmem:$0x12800] =	vst v63  }
0x5d: {  	_ =	swait.ge [sflag:s15], $0x4000  }
.Ltmp0:
0x5e: {  	[sflag:s15] =	ssyncset.done $0x0;
	(pc) =	sbr.rel @p0 .LBB2_2-.Ltmp0, $4  }
0x5f: {  	s1 =	sadd.s32 s30, s12;
	s30 =	smov.u32 s0;
	[sflag:s15] =	ssyncadd.s32 $0xFFFFC000  }
0x60: {  	[hbm4b:s1+s2] =	stream.linear.scatter [tilespmem:s21], [sflag:$0x5], $0x4000, $0x38;
	[tilespmem:$0x12800] =	vst v63  }
0x61: {  	_ =	swait.ge [sflag:s15], $0x4000  }
0x62: {  	s31 =	sshra.s32 s30, $0x2;
	s1 =	smov.u32 s26;
	[sflag:s15] =	ssyncset.done $0x0  }
0x63: {  	s0 =	sadd.s32 $0x200, s31;
	[sflag:s15] =	ssyncadd.s32 $0xFFFFC000  }
0x64: {  	[tilespmem:s20], [sflag:$0x3] =	stream.indirect.gather [hbm4b:s3+s17], $0x20, s0, s17, $0xb8;
	[tilespmem:$0x12800] =	vst v63  }
0x65: {  	s28 =	sadd.s32 $0x1600, s31  }
0x66: {  	[tilespmem:s21], [sflag:$0x4] =	stream.indirect.gather [hbm4b:s3+s17], $0x20, s28, s17, $0xb8;
	[tilespmem:$0x12800] =	vst v63  }
0x67: {  	_ =	swait.ge [sflag:s22], $0x4000  }
0x68: {  	[sflag:s22] =	ssyncset.done $0x0  }
0x69: {  	[sflag:s22] =	ssyncadd.s32 $0xFFFFC000  }
0x6a: {  	_ =	swait.ge [sflag:s23], $0x4000  }
0x6b: {  	[sflag:s23] =	ssyncset.done $0x0  }
0x6c: {  	s1 =	sadd.s32 s30, s14;
	[sflag:s23] =	ssyncadd.s32 $0xFFFFC000  }
0x6d: {  	[hbm4b:s1+s2] =	stream.linear.scatter [tilespmem:s18], [sflag:$0x5], $0x4000, $0x38;
	[tilespmem:$0x12800] =	vst v63  }
0x6e: {  	_ =	swait.ge [sflag:s15], $0x4000  }
0x6f: {  	[sflag:s15] =	ssyncset.done $0x0  }
0x70: {  	s26 =	sadd.s32 s30, s13;
	[sflag:s15] =	ssyncadd.s32 $0xFFFFC000  }
0x71: {  	[hbm4b:s26+s2] =	stream.linear.scatter [tilespmem:s19], [sflag:$0x5], $0x4000, $0x38;
	[tilespmem:$0x12800] =	vst v63  }
0x72: {  	_ =	swait.ge [sflag:s15], $0x4000  }
0x73: {  	[sflag:s15] =	ssyncset.done $0x0  }
0x74: {  	s28 =	sadd.s32 $0x400, s31;
	[sflag:s15] =	ssyncadd.s32 $0xFFFFC000  }
0x75: {  	[tilespmem:s18], [sflag:$0x1] =	stream.indirect.gather [hbm4b:s3+s17], $0x20, s28, s17, $0xb8;
	[tilespmem:$0x12800] =	vst v63  }
0x76: {  	s1 =	sadd.s32 $0x1800, s31  }
0x77: {  	[tilespmem:s19], [sflag:$0x2] =	stream.indirect.gather [hbm4b:s3+s17], $0x20, s1, s17, $0xb8;
	[tilespmem:$0x12800] =	vst v63  }
0x78: {  	_ =	swait.ge [sflag:s24], $0x4000  }
0x79: {  	[sflag:s24] =	ssyncset.done $0x0  }
0x7a: {  	[sflag:s24] =	ssyncadd.s32 $0xFFFFC000  }
0x7b: {  	_ =	swait.ge [sflag:s25], $0x4000  }
0x7c: {  	[sflag:s25] =	ssyncset.done $0x0  }
0x7d: {  	s26 =	sadd.s32 s30, s11;
	[sflag:s25] =	ssyncadd.s32 $0xFFFFC000  }
0x7e: {  	[hbm4b:s26+s2] =	stream.linear.scatter [tilespmem:s20], [sflag:$0x5], $0x4000, $0x38;
	[tilespmem:$0x12800] =	vst v63  }
0x7f: {  	_ =	swait.ge [sflag:s15], $0x4000  }
0x80: {  	[sflag:s15] =	ssyncset.done $0x0  }
0x81: {  	s28 =	sadd.s32 s30, s12;
	[sflag:s15] =	ssyncadd.s32 $0xFFFFC000  }
0x82: {  	[hbm4b:s28+s2] =	stream.linear.scatter [tilespmem:s21], [sflag:$0x5], $0x4000, $0x38;
	[tilespmem:$0x12800] =	vst v63  }
0x83: {  	_ =	swait.ge [sflag:s15], $0x4000  }
0x84: {  	[sflag:s15] =	ssyncset.done $0x0  }
0x85: {  	s30 =	simm.s32 $0x1200;
	[sflag:s15] =	ssyncadd.s32 $0xFFFFC000  }
0x86: {  	[tilespmem:s20], [sflag:$0x3] =	stream.indirect.gather [hbm4b:s3+s17], $0x20, s30, s17, $0xb8;
	[tilespmem:$0x12800] =	vst v63  }
0x87: {  	s31 =	simm.s32 $0x2600  }
0x88: {  	[tilespmem:s21], [sflag:$0x4] =	stream.indirect.gather [hbm4b:s3+s17], $0x20, s31, s17, $0xb8;
	[tilespmem:$0x12800] =	vst v63  }
0x89: {  	_ =	swait.ge [sflag:s22], $0x4000  }
0x8a: {  	[sflag:s22] =	ssyncset.done $0x0  }
0x8b: {  	[sflag:s22] =	ssyncadd.s32 $0xFFFFC000  }
0x8c: {  	_ =	swait.ge [sflag:s23], $0x4000  }
0x8d: {  	[sflag:s23] =	ssyncset.done $0x0  }
0x8e: {  	[sflag:s23] =	ssyncadd.s32 $0xFFFFC000  }
0x8f: {  	[hbm4b:s7+s2] =	stream.linear.scatter [tilespmem:s18], [sflag:$0x5], $0x4000, $0x38;
	[tilespmem:$0x12800] =	vst v63  }
0x90: {  	_ =	swait.ge [sflag:s15], $0x4000  }
0x91: {  	[sflag:s15] =	ssyncset.done $0x0  }
0x92: {  	[sflag:s15] =	ssyncadd.s32 $0xFFFFC000  }
0x93: {  	[hbm4b:s8+s2] =	stream.linear.scatter [tilespmem:s19], [sflag:$0x5], $0x4000, $0x38;
	[tilespmem:$0x12800] =	vst v63  }
0x94: {  	_ =	swait.ge [sflag:s15], $0x4000  }
0x95: {  	[sflag:s15] =	ssyncset.done $0x0  }
0x96: {  	[sflag:s15] =	ssyncadd.s32 $0xFFFFC000  }
0x97: {  	_ =	swait.ge [sflag:s24], $0x4000  }
0x98: {  	[sflag:s24] =	ssyncset.done $0x0  }
0x99: {  	[sflag:s24] =	ssyncadd.s32 $0xFFFFC000  }
0x9a: {  	_ =	swait.ge [sflag:s25], $0x4000  }
0x9b: {  	[sflag:s25] =	ssyncset.done $0x0  }
0x9c: {  	[sflag:s25] =	ssyncadd.s32 $0xFFFFC000  }
0x9d: {  	[hbm4b:s9+s2] =	stream.linear.scatter [tilespmem:s20], [sflag:$0x5], $0x4000, $0x38;
	[tilespmem:$0x12800] =	vst v63  }
0x9e: {  	s29 =	sadd.s32 $0x1, s29;
	_ =	swait.ge [sflag:s15], $0x4000  }
0x9f: {  	p0 =	sne.s32 s29, s6;
	[sflag:s15] =	ssyncset.done $0x0  }
.Ltmp1:
0xa0: {  	[sflag:s15] =	ssyncadd.s32 $0xFFFFC000;
	(pc) =	sbr.rel @p0 .LBB2_1-.Ltmp1, $4  }
0xa1: {  	[hbm4b:s10+s2] =	stream.linear.scatter [tilespmem:s21], [sflag:$0x5], $0x4000, $0x38;
	[tilespmem:$0x12800] =	vst v63  }
0xa2: {  	_ =	swait.ge [sflag:s15], $0x4000  }
0xa3: {  	[sflag:s15] =	ssyncset.done $0x0  }
0xa4: {  	[sflag:s15] =	ssyncadd.s32 $0xFFFFC000  }
0xa5: {  	_ =	sfence.sel $0x180000  }
0xa6: {  	[bflag:$0x0] =	sbarrier.arrive $0xFFFF  }
0xa7: {  	_ =	strace $0x90000050  }
0xa8: {  	s0 =	stileid.u32;
	[bflag:$0x2] =	sbarrier.arrive $0xFFFF  }
0xa9: {  	p0 =	sne.s32 s0, $0x0;
	s0 =	rddreg [dreg:$0x1]  }
0xaa: {  	s0 =	sadd.s32 @!p0 $0x100000, s0  }
0xab: {  	[sflag:s0] =	ssyncadd.tile.s32 @!p0 $0x1;
	_ =	shalt  }
.Lfunc_end2:
_tile_overlayer_lowered:
.L_overlay_start_2:
0xac: {  	(tag) =	ssettag $0x2  }
0xad: {  	s0 =	rddreg [dreg:$0x0];
	s2 =	stileid.u32  }
0xae: {  	s1 =	rddreg [dreg:$0x1];
	p0 =	sne.s32 s2, $0x0  }
0xaf: {  	s3 =	rddreg [dreg:$0x2];
	[bflag:$0x3] =	sbarrier.arrive $0xFFFF;
	s2 =	simm.s32 @!p0 $0x1C05  }
0xb0: {  	[timem:s3], [sflag:s2] =	dma.local @!p0 [hbm:s0], s1  }
0xb1: {  	s0 =	simm.s32 @!p0 $0x5  }
0xb2: {  	_ =	swait.ge @!p0 [sflag:s0], s1  }
0xb3: {  	s1 =	ssub.s32 @!p0 $0x0, s1;
	[sflag:s0] =	ssyncset.done @!p0 $0x0  }
0xb4: {  	[sflag:s0] =	ssyncadd.s32 @!p0 s1  }
0xb5: {  	[bflag:$0x3] =	sbarrier.arrive $0xFFFF  }
0xb6: {  	_ =	shalt  }

</sc_bundles>
